<compile_context>
chip_gen: v7x
topology: tpu7x:2x2x1
jax: 0.10.2.dev20260603
libtpu: 0.0.44.dev20260713+nightly
codegen_flags: <defaults>
</compile_context>

<pallas_src>
import functools

import jax
import jax.numpy as jnp
from jax import lax
from jax.experimental import pallas as pl
from jax.experimental.pallas import tpu as pltpu
from jax.experimental.pallas import tpu_sc as plsc

H = 16
K = 16
WROW = K * H + H
SW = 2 * H
NW = 32
CHUNK = 128


def _mm_body(x_ref, w_ref, o_ref):
    o_ref[...] = jnp.dot(x_ref[...], w_ref[...],
                         preferred_element_type=jnp.float32)


def _node_table(x, w_ext, npad):
    n = x.shape[0]
    xp = jnp.pad(x, ((0, npad - n), (0, 0)))
    return pl.pallas_call(
        _mm_body,
        out_shape=jax.ShapeDtypeStruct((npad, WROW), jnp.float32),
    )(xp, w_ext)


def _ext_weight(w_flat, b_flat, in_f):
    g = w_flat.reshape(in_f, H, K).transpose(0, 2, 1).reshape(in_f, K * H)
    b = b_flat.reshape(in_f, H)
    return jnp.concatenate([g, b], axis=1)


def _sc_conv(table, efp, srcp, dstp, npad):
    epad = srcp.shape[0]
    pair_chunks = epad // CHUNK // 16
    c1_chunks = max(2, round(pair_chunks * 0.05))
    c0_chunks = pair_chunks - c1_chunks
    n_chunks_max = c0_chunks
    rpt = npad // 16
    efrows = CHUNK * K // 128

    mesh = plsc.VectorSubcoreMesh(core_axis_name="c", subcore_axis_name="s",
                                  num_cores=2, num_subcores=16)

    @functools.partial(
        pl.kernel,
        out_type=jax.ShapeDtypeStruct((2, npad, SW), jnp.float32),
        mesh=mesh,
        compiler_params=pltpu.CompilerParams(use_tc_tiling_on_sc=False),
        scratch_types=[
            pltpu.VMEM((2, CHUNK, WROW), jnp.float32),
            pltpu.VMEM((2, efrows, 128), jnp.float32),
            pltpu.VMEM((2, CHUNK), jnp.int32),
            pltpu.VMEM((3, CHUNK), jnp.int32),
            pltpu.VMEM((2, CHUNK, SW), jnp.float32),
            pltpu.VMEM((npad // 16, SW), jnp.float32),
            pltpu.VMEM_SHARED((npad, SW), jnp.float32),
            pltpu.SemaphoreType.DMA((2,)),
            pltpu.SemaphoreType.DMA((2,)),
            pltpu.SemaphoreType.DMA((2,)),
            pltpu.SemaphoreType.DMA((2,)),
        ],
    )
    def conv_kernel(table_h, ef_h, src_h, dst_h, out_h,
                    rows_v, ef_v, src_v, dst_v, m_v, z_v, acc_s,
                    semg, sema, seme, sems):
        cid = lax.axis_index("c")
        tid = lax.axis_index("s")
        nch = jnp.where(cid == 0, c0_chunks, c1_chunks)
        wchunk0 = jnp.where(cid == 0, tid * c0_chunks,
                            16 * c0_chunks + tid * c1_chunks)
        wbase = wchunk0 * CHUNK
        efbase = wchunk0 * efrows
        zv = jnp.zeros((16,), jnp.float32)

        def zrow(j, carry):
            z_v[j, pl.ds(0, 16)] = zv
            z_v[j, pl.ds(16, 16)] = zv
            return carry

        lax.fori_loop(0, rpt, zrow, 0)
        pltpu.sync_copy(z_v, acc_s.at[pl.ds(tid * rpt, rpt)])
        plsc.subcore_barrier()

        onehot = jnp.maximum(
            1.0 - lax.iota(jnp.int32, 16).astype(jnp.float32), 0.0)

        def issue_src(i, slot):
            pltpu.async_copy(src_h.at[pl.ds(wbase + i * CHUNK, CHUNK)],
                             src_v.at[slot], sema.at[slot])

        def issue_efdst(i, slot, dslot):
            pltpu.async_copy(ef_h.at[pl.ds(efbase + i * efrows, efrows)],
                             ef_v.at[slot], seme.at[slot])
            pltpu.async_copy(dst_h.at[pl.ds(wbase + i * CHUNK, CHUNK)],
                             dst_v.at[dslot], seme.at[slot])

        def issue_gather(slot):
            pltpu.async_copy(table_h.at[src_v.at[slot]], rows_v.at[slot],
                             semg.at[slot])

        def wait_src(slot):
            pltpu.make_async_copy(src_h.at[pl.ds(0, CHUNK)],
                                  src_v.at[slot], sema.at[slot]).wait()

        def wait_efdst(slot):
            pltpu.make_async_copy(ef_h.at[pl.ds(0, efrows)],
                                  ef_v.at[slot], seme.at[slot]).wait()
            pltpu.make_async_copy(dst_h.at[pl.ds(0, CHUNK)],
                                  dst_v.at[0], seme.at[slot]).wait()

        def issue_scatter(slot, dslot):
            pltpu.async_copy(m_v.at[slot], acc_s.at[dst_v.at[dslot]],
                             sems.at[slot], add=True)

        def wait_scatter(slot):
            pltpu.make_async_copy(m_v.at[slot], acc_s.at[dst_v.at[0]],
                                  sems.at[slot]).wait()

        def wait_gather(slot):
            pltpu.make_async_copy(table_h.at[src_v.at[slot]],
                                  rows_v.at[slot], semg.at[slot]).wait()

        pltpu.sync_copy(src_h.at[pl.ds(wbase, CHUNK)], src_v.at[0])
        issue_gather(0)
        issue_efdst(0, 0, 0)
        if c1_chunks > 1:
            issue_src(1, 1)

        def chunk(i, carry):
            slot = lax.rem(i, 2)
            oslot = 1 - slot
            dslot = lax.rem(i, 3)
            ndslot = lax.rem(i + 1, 3)
            wait_gather(slot)

            @pl.when(i >= 2)
            def _():
                wait_scatter(slot)

            @pl.when(i + 2 < nch)
            def _():
                issue_src(i + 2, slot)

            @pl.when(i + 1 < nch)
            def _():
                wait_src(oslot)
                issue_gather(oslot)
                issue_efdst(i + 1, oslot, ndslot)

            wait_efdst(slot)

            @plsc.parallel_loop(0, CHUNK, unroll=4)
            def edge(j):
                efr = ef_v[slot, j // 8, pl.ds((j % 8) * K, K)]
                m0 = rows_v[slot, j, pl.ds(K * H, H)]
                m1 = efr[1] * rows_v[slot, j, pl.ds(1 * H, H)]
                m2 = efr[2] * rows_v[slot, j, pl.ds(2 * H, H)]
                m3 = efr[3] * rows_v[slot, j, pl.ds(3 * H, H)]
                m0 = m0 + efr[0] * rows_v[slot, j, pl.ds(0, H)]
                for kk in range(4, K, 4):
                    m0 = m0 + efr[kk] * rows_v[slot, j, pl.ds(kk * H, H)]
                    m1 = m1 + efr[kk + 1] * rows_v[slot, j,
                                                   pl.ds((kk + 1) * H, H)]
                    m2 = m2 + efr[kk + 2] * rows_v[slot, j,
                                                   pl.ds((kk + 2) * H, H)]
                    m3 = m3 + efr[kk + 3] * rows_v[slot, j,
                                                   pl.ds((kk + 3) * H, H)]
                m_v[slot, j, pl.ds(0, H)] = (m0 + m1) + (m2 + m3)
                m_v[slot, j, pl.ds(H, 16)] = onehot
            issue_scatter(slot, dslot)
            return carry

        lax.fori_loop(0, nch, chunk, 0)
        wait_scatter(lax.rem(nch - 1, 2))
        if c1_chunks > 1:
            wait_scatter(lax.rem(nch - 2, 2))
        plsc.subcore_barrier()
        pltpu.sync_copy(acc_s.at[pl.ds(tid * rpt, rpt)],
                        out_h.at[cid, pl.ds(tid * rpt, rpt)])

    return conv_kernel(table, efp, srcp, dstp)


def _fin1_body(p_ref, g2_ref, b_ref, o_ref):
    p = p_ref[0] + p_ref[1]
    s = p[:, :H]
    deg = p[:, H:H + 1]
    h = jnp.maximum(s / jnp.maximum(deg, 1.0) + b_ref[...], 0.0)
    o_ref[...] = jnp.dot(h, g2_ref[...], preferred_element_type=jnp.float32)


def _fin2_body(p_ref, b_ref, w_ref, ob_ref, o_ref):
    p = p_ref[0] + p_ref[1]
    s = p[:, :H]
    deg = p[:, H:H + 1]
    h = jnp.maximum(s / jnp.maximum(deg, 1.0) + b_ref[...], 0.0)
    o_ref[...] = (jnp.dot(h, w_ref[...], preferred_element_type=jnp.float32)
                  + ob_ref[...])


def kernel(nfeat, efeat, edge_index, elin1_W, elin1_b, elin2_W, elin2_b,
           conv1_b, conv2_b, out_W, out_b):
    n = nfeat.shape[0]
    e = efeat.shape[0]
    in_f = nfeat.shape[1]

    npad = ((n + 1 + 127) // 128) * 128
    epad = ((e + NW * CHUNK - 1) // (NW * CHUNK)) * (NW * CHUNK)

    src = jnp.concatenate(
        [edge_index[0], jnp.zeros((epad - e,), jnp.int32)])
    dst = jnp.concatenate(
        [edge_index[1], jnp.full((epad - e,), n, jnp.int32)])
    efp = jnp.concatenate(
        [efeat, jnp.zeros((epad - e, K), jnp.float32)])
    efp = efp.reshape(epad * K // 128, 128)

    w1_ext = _ext_weight(elin1_W, elin1_b, in_f)
    p1 = _node_table(nfeat, w1_ext, npad)
    part1 = _sc_conv(p1, efp, src, dst, npad)

    w2_ext = _ext_weight(elin2_W, elin2_b, H)
    p2 = pl.pallas_call(
        _fin1_body,
        out_shape=jax.ShapeDtypeStruct((npad, WROW), jnp.float32),
    )(part1, w2_ext, conv1_b)

    part2 = _sc_conv(p2, efp, src, dst, npad)

    out = pl.pallas_call(
        _fin2_body,
        out_shape=jax.ShapeDtypeStruct((npad, 1), jnp.float32),
    )(part2, conv2_b, out_W.T, out_b)
    return out[:n]

# --- scband reference (transcript-rebuilt; emitter-appended) ---
"""Pipeline reference for scband-vanilla-model-90391881711731 (READ-ONLY COPY).

The authoritative reference and input builder live on the scoring server;
editing this copy changes nothing except your own understanding.
"""

import jax, jax.numpy as jnp
import numpy as np

N_NODES = 10000
N_EDGES = 160000
N_FEATS = 128
E_FEATS = 16
H_FEATS = 16


def setup_inputs(seed: int = 0) -> dict:
    key = jax.random.key(seed)
    ks = jax.random.split(key, 8)
    scale = 0.05
    inp = {}
    inp["nfeat"] = jax.random.normal(ks[0], (N_NODES, N_FEATS), dtype=jnp.float32)
    inp["efeat"] = jax.random.normal(ks[1], (N_EDGES, E_FEATS), dtype=jnp.float32)
    inp["edge_index"] = jax.random.randint(ks[2], (2, N_EDGES), 0, N_NODES, dtype=jnp.int32)
    # edge-network linear layers (torch nn.Linear: weight shape (out, in))
    inp["elin1_W"] = jax.random.normal(ks[3], (N_FEATS * H_FEATS, E_FEATS), dtype=jnp.float32) * scale
    inp["elin1_b"] = jnp.zeros((N_FEATS * H_FEATS,), dtype=jnp.float32)
    inp["elin2_W"] = jax.random.normal(ks[4], (H_FEATS * H_FEATS, E_FEATS), dtype=jnp.float32) * scale
    inp["elin2_b"] = jnp.zeros((H_FEATS * H_FEATS,), dtype=jnp.float32)
    # NNConv bias terms (DGL NNConv bias=True default)
    inp["conv1_b"] = jnp.zeros((H_FEATS,), dtype=jnp.float32)
    inp["conv2_b"] = jnp.zeros((H_FEATS,), dtype=jnp.float32)
    # final readout linear h_feats -> 1
    inp["out_W"] = jax.random.normal(ks[5], (1, H_FEATS), dtype=jnp.float32) * scale
    inp["out_b"] = jnp.zeros((1,), dtype=jnp.float32)
    return inp


def _nnconv(x, src, dst, w_flat, bias, in_f, out_f, n_nodes):
    # DGL NNConv with aggregator_type='mean':
    # message m_e = (h_src.unsqueeze(-1) * W_e) summed over in-dim == W_e^T h_src
    # (sum over in-dim commutes with the mean over edges)
    W = w_flat.reshape(-1, in_f, out_f)
    m = jnp.einsum('ei,eio->eo', x[src], W)
    s = jax.ops.segment_sum(m, dst, num_segments=n_nodes)
    deg = jax.ops.segment_sum(jnp.ones((dst.shape[0],), dtype=x.dtype), dst, num_segments=n_nodes)
    mean = s / jnp.maximum(deg, 1.0)[:, None]
    return mean + bias


def reference(nfeat, efeat, edge_index, elin1_W, elin1_b, elin2_W, elin2_b, conv1_b, conv2_b, out_W, out_b):
    src = edge_index[0]
    dst = edge_index[1]
    n = nfeat.shape[0]
    # conv1: edge network produces per-edge (n_feats x h_feats) weights
    w1 = efeat @ elin1_W.T + elin1_b
    h = _nnconv(nfeat, src, dst, w1, conv1_b, N_FEATS, H_FEATS, n)
    h = jax.nn.relu(h)
    # conv2: edge network produces per-edge (h_feats x h_feats) weights
    w2 = efeat @ elin2_W.T + elin2_b
    h = _nnconv(h, src, dst, w2, conv2_b, H_FEATS, H_FEATS, n)
    h = jax.nn.relu(h)
    out = h @ out_W.T + out_b
    return out

if __name__ == "__main__":
    import jax
    _d = setup_inputs()
    print(jax.jit(kernel)(*tuple(_d.values())))

</pallas_src>

<mosaic_0001>
#map = affine_map<(d0, d1) -> (0, 0)>
#map1 = affine_map<(d0, d1) -> (0)>
#map2 = affine_map<(d0, d1) -> (0, 0, 0)>
module attributes {stable_mosaic.version = 14 : i64} {
  func.func @conv_kernel(%arg0: i32, %arg1: i32, %arg2: memref<10112x272xf32, #tpu.memory_space<hbm>>, %arg3: memref<20480x128xf32, #tpu.memory_space<hbm>>, %arg4: memref<163840xi32, #tpu.memory_space<hbm>>, %arg5: memref<163840xi32, #tpu.memory_space<hbm>>, %arg6: memref<2x10112x32xf32, #tpu.memory_space<hbm>>, %arg7: memref<2x128x272xf32, #tpu.memory_space<vmem>>, %arg8: memref<2x16x128xf32, #tpu.memory_space<vmem>>, %arg9: memref<2x128xi32, #tpu.memory_space<vmem>>, %arg10: memref<3x128xi32, #tpu.memory_space<vmem>>, %arg11: memref<2x128x32xf32, #tpu.memory_space<vmem>>, %arg12: memref<632x32xf32, #tpu.memory_space<vmem>>, %arg13: memref<10112x32xf32, #tpu.memory_space<vmem_shared>>, %arg14: memref<2x!tpu.dma_semaphore, #tpu.memory_space<semaphore_mem>>, %arg15: memref<2x!tpu.dma_semaphore, #tpu.memory_space<semaphore_mem>>, %arg16: memref<2x!tpu.dma_semaphore, #tpu.memory_space<semaphore_mem>>, %arg17: memref<2x!tpu.dma_semaphore, #tpu.memory_space<semaphore_mem>>) attributes {dimension_semantics = [#tpu.dimension_semantics<core_parallel>, #tpu.dimension_semantics<subcore_parallel>], iteration_bounds = array<i64: 2, 16>, scalar_prefetch = 0 : i64, scratch_operands = 11 : i64, tpu.core_type = #tpu.core_type<sc_vector_subcore>, window_params = [{transform_indices = #map}, {transform_indices = #map}, {transform_indices = #map1}, {transform_indices = #map1}, {transform_indices = #map2}]} {
    %eq3A = arith.constant 0 : i32
    %eq3A_0 = arith.cmpi eq, %arg0, %eq3A : i32
    %jit3A = arith.constant 76 : i32
    %jit3A_1 = arith.constant 4 : i32
    %select_n3A = arith.select %eq3A_0, %jit3A, %jit3A_1 : i32
    %eq3A_2 = arith.constant 0 : i32
    %eq3A_3 = arith.cmpi eq, %arg0, %eq3A_2 : i32
    %mul3A = arith.constant 76 : i32
    %mul3A_4 = arith.muli %arg1, %mul3A : i32
    %mul3A_5 = arith.constant 4 : i32
    %mul3A_6 = arith.muli %arg1, %mul3A_5 : i32
    %add3A = arith.constant 1216 : i32
    %add3A_7 = arith.addi %add3A, %mul3A_6 : i32
    %select_n3A_8 = arith.select %eq3A_3, %mul3A_4, %add3A_7 : i32
    %mul3A_9 = arith.constant 128 : i32
    %mul3A_10 = arith.muli %select_n3A_8, %mul3A_9 : i32
    %mul3A_11 = arith.constant 16 : i32
    %mul3A_12 = arith.muli %select_n3A_8, %mul3A_11 : i32
    %broadcast_in_dim3A = arith.constant 0.000000e+00 : f32
    %broadcast_in_dim3A_13 = vector.broadcast %broadcast_in_dim3A : f32 to vector<16xf32>
    %scan3A = arith.constant 0 : i32
    %scan3A_14 = arith.constant 0 : i32
    %scan3A_15 = arith.constant 632 : i32
    %scan3A_16 = arith.addi %scan3A_14, %scan3A_15 : i32
    %scan3A_17 = arith.constant 1 : i32
    scf.for %scan3A_131 = %scan3A_14 to %scan3A_16 step %scan3A_17  : i32 {
      %swap3A = arith.index_cast %scan3A_131 : i32 to index
      %swap3A_132 = arith.constant 0 : index
      %swap3A_133 = tpu.vector_load %arg12[%swap3A, %swap3A_132] {strides = array<i32>} : memref<632x32xf32, #tpu.memory_space<vmem>>, vector<1x16xf32>,
      %swap3A_134 = vector.shape_cast %swap3A_133 : vector<1x16xf32> to vector<16xf32>
      %swap3A_135 = vector.shape_cast %broadcast_in_dim3A_13 : vector<16xf32> to vector<1x16xf32>
      tpu.vector_store %arg12[%swap3A, %swap3A_132], %swap3A_135 {strides = array<i32>} : memref<632x32xf32, #tpu.memory_space<vmem>>, vector<1x16xf32>,
      %swap3A_136 = arith.index_cast %scan3A_131 : i32 to index
      %swap3A_137 = arith.constant 16 : index
      %swap3A_138 = tpu.vector_load %arg12[%swap3A_136, %swap3A_137] {strides = array<i32>} : memref<632x32xf32, #tpu.memory_space<vmem>>, vector<1x16xf32>,
      %swap3A_139 = vector.shape_cast %swap3A_138 : vector<1x16xf32> to vector<16xf32>
      %swap3A_140 = vector.shape_cast %broadcast_in_dim3A_13 : vector<16xf32> to vector<1x16xf32>
      tpu.vector_store %arg12[%swap3A_136, %swap3A_137], %swap3A_140 {strides = array<i32>} : memref<632x32xf32, #tpu.memory_space<vmem>>, vector<1x16xf32>,
    }
    %scan3A_18 = arith.constant 632 : i32
    %mul3A_19 = arith.constant 632 : i32
    %mul3A_20 = arith.muli %arg1, %mul3A_19 : i32
    "tpu.region"() ({
      %run_scoped3A_131 = tpu.sem_alloc : memref<!tpu.dma_semaphore, #tpu.memory_space<semaphore_mem>>
      %dma_start3A_132 = arith.constant 0 : i32
      %dma_start3A_133 = tpu.memref_slice %arg13[%mul3A_20, %dma_start3A_132] : memref<10112x32xf32, #tpu.memory_space<vmem_shared>> -> memref<632x32xf32, #tpu.memory_space<vmem_shared>>
      %dma_start3A_134 = arith.constant 0 : i32
      %dma_start3A_135 = tpu.memref_slice %arg13[%mul3A_20, %dma_start3A_134] : memref<10112x32xf32, #tpu.memory_space<vmem_shared>> -> memref<632x32xf32, #tpu.memory_space<vmem_shared>>
      tpu.enqueue_dma source(%arg12 : memref<632x32xf32, #tpu.memory_space<vmem>>) target(%dma_start3A_135 : memref<632x32xf32, #tpu.memory_space<vmem_shared>>) target_semaphore(%run_scoped3A_131 : memref<!tpu.dma_semaphore, #tpu.memory_space<semaphore_mem>>)
      %dma_wait3A_136 = arith.constant 0 : i32
      %dma_wait3A_137 = tpu.memref_slice %arg13[%mul3A_20, %dma_wait3A_136] : memref<10112x32xf32, #tpu.memory_space<vmem_shared>> -> memref<632x32xf32, #tpu.memory_space<vmem_shared>>
      %dma_wait3A_138 = arith.constant 0 : i32
      %dma_wait3A_139 = tpu.memref_slice %arg13[%mul3A_20, %dma_wait3A_138] : memref<10112x32xf32, #tpu.memory_space<vmem_shared>> -> memref<632x32xf32, #tpu.memory_space<vmem_shared>>
      tpu.wait_dma2 semaphore(%run_scoped3A_131 : memref<!tpu.dma_semaphore, #tpu.memory_space<semaphore_mem>>) src(%arg12 : memref<632x32xf32, #tpu.memory_space<vmem>>) dst(%dma_wait3A_139 : memref<632x32xf32, #tpu.memory_space<vmem_shared>>)
      tpu.yield
    }) : () -> ()
    %barrier3A = arith.constant 0 : index
    tpu.barrier barrier_id(%barrier3A)
    %iota3A = tpu.iota {dimensions = array<i32: 0>} : vector<16xi32>
    %convert_element_type3A = arith.sitofp %iota3A : vector<16xi32> to vector<16xf32>
    %sub3A = arith.constant 1.000000e+00 : f32
    %sub3A_21 = vector.broadcast %sub3A : f32 to vector<16xf32>
    %sub3A_22 = arith.subf %sub3A_21, %convert_element_type3A : vector<16xf32>
    %max3A = arith.constant 0.000000e+00 : f32
    %max3A_23 = vector.broadcast %max3A : f32 to vector<16xf32>
    %max3A_24 = arith.maximumf %sub3A_22, %max3A_23 : vector<16xf32>
    %run_scoped3A = arith.constant 0 : i32
    "tpu.region"() ({
      %run_scoped3A_131 = tpu.sem_alloc : memref<!tpu.dma_semaphore, #tpu.memory_space<semaphore_mem>>
      %dma_start3A_132 = arith.constant 0 : i32
      %dma_start3A_133 = tpu.memref_slice %arg9[%run_scoped3A, %dma_start3A_132] : memref<2x128xi32, #tpu.memory_space<vmem>> -> memref<1x128xi32, #tpu.memory_space<vmem>>
      %dma_start3A_134 = tpu.memref_squeeze %dma_start3A_133 : memref<1x128xi32, #tpu.memory_space<vmem>> -> memref<128xi32, #tpu.memory_space<vmem>>
      %dma_start3A_135 = tpu.memref_slice %arg4[%mul3A_10] : memref<163840xi32, #tpu.memory_space<hbm>> -> memref<128xi32, #tpu.memory_space<hbm>>
      %dma_start3A_136 = arith.constant 0 : i32
      %dma_start3A_137 = tpu.memref_slice %arg9[%run_scoped3A, %dma_start3A_136] : memref<2x128xi32, #tpu.memory_space<vmem>> -> memref<1x128xi32, #tpu.memory_space<vmem>>
      %dma_start3A_138 = tpu.memref_squeeze %dma_start3A_137 : memref<1x128xi32, #tpu.memory_space<vmem>> -> memref<128xi32, #tpu.memory_space<vmem>>
      %dma_start3A_139 = tpu.memref_slice %arg4[%mul3A_10] : memref<163840xi32, #tpu.memory_space<hbm>> -> memref<128xi32, #tpu.memory_space<hbm>>
      tpu.enqueue_dma source(%dma_start3A_139 : memref<128xi32, #tpu.memory_space<hbm>>) target(%dma_start3A_138 : memref<128xi32, #tpu.memory_space<vmem>>) target_semaphore(%run_scoped3A_131 : memref<!tpu.dma_semaphore, #tpu.memory_space<semaphore_mem>>)
      %dma_wait3A_140 = arith.constant 0 : i32
      %dma_wait3A_141 = tpu.memref_slice %arg9[%run_scoped3A, %dma_wait3A_140] : memref<2x128xi32, #tpu.memory_space<vmem>> -> memref<1x128xi32, #tpu.memory_space<vmem>>
      %dma_wait3A_142 = tpu.memref_squeeze %dma_wait3A_141 : memref<1x128xi32, #tpu.memory_space<vmem>> -> memref<128xi32, #tpu.memory_space<vmem>>
      %dma_wait3A_143 = tpu.memref_slice %arg4[%mul3A_10] : memref<163840xi32, #tpu.memory_space<hbm>> -> memref<128xi32, #tpu.memory_space<hbm>>
      %dma_wait3A_144 = arith.constant 0 : i32
      %dma_wait3A_145 = tpu.memref_slice %arg9[%run_scoped3A, %dma_wait3A_144] : memref<2x128xi32, #tpu.memory_space<vmem>> -> memref<1x128xi32, #tpu.memory_space<vmem>>
      %dma_wait3A_146 = tpu.memref_squeeze %dma_wait3A_145 : memref<1x128xi32, #tpu.memory_space<vmem>> -> memref<128xi32, #tpu.memory_space<vmem>>
      %dma_wait3A_147 = tpu.memref_slice %arg4[%mul3A_10] : memref<163840xi32, #tpu.memory_space<hbm>> -> memref<128xi32, #tpu.memory_space<hbm>>
      tpu.wait_dma2 semaphore(%run_scoped3A_131 : memref<!tpu.dma_semaphore, #tpu.memory_space<semaphore_mem>>) src(%dma_wait3A_147 : memref<128xi32, #tpu.memory_space<hbm>>) dst(%dma_wait3A_146 : memref<128xi32, #tpu.memory_space<vmem>>)
      tpu.yield
    }) : () -> ()
    %dma_start3A = arith.constant 0 : i32
    %dma_start3A_25 = arith.constant 0 : i32
    %dma_start3A_26 = arith.constant 0 : i32
    %dma_start3A_27 = arith.constant 0 : i32
    %dma_start3A_28 = arith.constant 0 : i32
    %dma_start3A_29 = tpu.memref_slice %arg7[%dma_start3A_25, %dma_start3A_27, %dma_start3A_28] : memref<2x128x272xf32, #tpu.memory_space<vmem>> -> memref<1x128x272xf32, #tpu.memory_space<vmem>>
    %dma_start3A_30 = tpu.memref_squeeze %dma_start3A_29 : memref<1x128x272xf32, #tpu.memory_space<vmem>> -> memref<128x272xf32, #tpu.memory_space<vmem>>
    %dma_start3A_31 = arith.constant 0 : i32
    %dma_start3A_32 = tpu.memref_slice %arg9[%dma_start3A, %dma_start3A_31] : memref<2x128xi32, #tpu.memory_space<vmem>> -> memref<1x128xi32, #tpu.memory_space<vmem>>
    %dma_start3A_33 = tpu.memref_squeeze %dma_start3A_32 : memref<1x128xi32, #tpu.memory_space<vmem>> -> memref<128xi32, #tpu.memory_space<vmem>>
    %dma_start3A_34 = arith.constant 0 : i32
    %dma_start3A_35 = arith.constant 0 : i32
    %dma_start3A_36 = tpu.memref_slice %arg2[%dma_start3A_34, %dma_start3A_35] : memref<10112x272xf32, #tpu.memory_space<hbm>> -> memref<10112x272xf32, #tpu.memory_space<hbm>>
    %dma_start3A_37 = tpu.memref_slice %arg14[%dma_start3A_26] : memref<2x!tpu.dma_semaphore, #tpu.memory_space<semaphore_mem>> -> memref<1x!tpu.dma_semaphore, #tpu.memory_space<semaphore_mem>>
    %dma_start3A_38 = tpu.memref_squeeze %dma_start3A_37 : memref<1x!tpu.dma_semaphore, #tpu.memory_space<semaphore_mem>> -> memref<!tpu.dma_semaphore, #tpu.memory_space<semaphore_mem>>
    tpu.enqueue_indirect_dma source(%dma_start3A_36 : memref<10112x272xf32, #tpu.memory_space<hbm>>) target(%dma_start3A_30 : memref<128x272xf32, #tpu.memory_space<vmem>>) offsets(%dma_start3A_33 : memref<128xi32, #tpu.memory_space<vmem>>) semaphore(%dma_start3A_38 : memref<!tpu.dma_semaphore, #tpu.memory_space<semaphore_mem>>)
    %add3A_39 = arith.constant 0 : i32
    %add3A_40 = arith.addi %mul3A_12, %add3A_39 : i32
    %dma_start3A_41 = arith.constant 0 : i32
    %dma_start3A_42 = arith.constant 0 : i32
    %dma_start3A_43 = arith.constant 0 : i32
    %dma_start3A_44 = arith.constant 0 : i32
    %dma_start3A_45 = tpu.memref_slice %arg8[%dma_start3A_41, %dma_start3A_43, %dma_start3A_44] : memref<2x16x128xf32, #tpu.memory_space<vmem>> -> memref<1x16x128xf32, #tpu.memory_space<vmem>>
    %dma_start3A_46 = tpu.memref_squeeze %dma_start3A_45 : memref<1x16x128xf32, #tpu.memory_space<vmem>> -> memref<16x128xf32, #tpu.memory_space<vmem>>
    %dma_start3A_47 = arith.constant 0 : i32
    %dma_start3A_48 = tpu.memref_slice %arg3[%add3A_40, %dma_start3A_47] : memref<20480x128xf32, #tpu.memory_space<hbm>> -> memref<16x128xf32, #tpu.memory_space<hbm>>
    %dma_start3A_49 = tpu.memref_slice %arg16[%dma_start3A_42] : memref<2x!tpu.dma_semaphore, #tpu.memory_space<semaphore_mem>> -> memref<1x!tpu.dma_semaphore, #tpu.memory_space<semaphore_mem>>
    %dma_start3A_50 = tpu.memref_squeeze %dma_start3A_49 : memref<1x!tpu.dma_semaphore, #tpu.memory_space<semaphore_mem>> -> memref<!tpu.dma_semaphore, #tpu.memory_space<semaphore_mem>>
    %dma_start3A_51 = arith.constant 0 : i32
    %dma_start3A_52 = arith.constant 0 : i32
    %dma_start3A_53 = tpu.memref_slice %arg8[%dma_start3A_41, %dma_start3A_51, %dma_start3A_52] : memref<2x16x128xf32, #tpu.memory_space<vmem>> -> memref<1x16x128xf32, #tpu.memory_space<vmem>>
    %dma_start3A_54 = tpu.memref_squeeze %dma_start3A_53 : memref<1x16x128xf32, #tpu.memory_space<vmem>> -> memref<16x128xf32, #tpu.memory_space<vmem>>
    %dma_start3A_55 = arith.constant 0 : i32
    %dma_start3A_56 = tpu.memref_slice %arg3[%add3A_40, %dma_start3A_55] : memref<20480x128xf32, #tpu.memory_space<hbm>> -> memref<16x128xf32, #tpu.memory_space<hbm>>
    tpu.enqueue_dma source(%dma_start3A_56 : memref<16x128xf32, #tpu.memory_space<hbm>>) target(%dma_start3A_54 : memref<16x128xf32, #tpu.memory_space<vmem>>) target_semaphore(%dma_start3A_50 : memref<!tpu.dma_semaphore, #tpu.memory_space<semaphore_mem>>)
    %add3A_57 = arith.constant 0 : i32
    %add3A_58 = arith.addi %mul3A_10, %add3A_57 : i32
    %dma_start3A_59 = arith.constant 0 : i32
    %dma_start3A_60 = arith.constant 0 : i32
    %dma_start3A_61 = arith.constant 0 : i32
    %dma_start3A_62 = tpu.memref_slice %arg10[%dma_start3A_59, %dma_start3A_61] : memref<3x128xi32, #tpu.memory_space<vmem>> -> memref<1x128xi32, #tpu.memory_space<vmem>>
    %dma_start3A_63 = tpu.memref_squeeze %dma_start3A_62 : memref<1x128xi32, #tpu.memory_space<vmem>> -> memref<128xi32, #tpu.memory_space<vmem>>
    %dma_start3A_64 = tpu.memref_slice %arg5[%add3A_58] : memref<163840xi32, #tpu.memory_space<hbm>> -> memref<128xi32, #tpu.memory_space<hbm>>
    %dma_start3A_65 = tpu.memref_slice %arg16[%dma_start3A_60] : memref<2x!tpu.dma_semaphore, #tpu.memory_space<semaphore_mem>> -> memref<1x!tpu.dma_semaphore, #tpu.memory_space<semaphore_mem>>
    %dma_start3A_66 = tpu.memref_squeeze %dma_start3A_65 : memref<1x!tpu.dma_semaphore, #tpu.memory_space<semaphore_mem>> -> memref<!tpu.dma_semaphore, #tpu.memory_space<semaphore_mem>>
    %dma_start3A_67 = arith.constant 0 : i32
    %dma_start3A_68 = tpu.memref_slice %arg10[%dma_start3A_59, %dma_start3A_67] : memref<3x128xi32, #tpu.memory_space<vmem>> -> memref<1x128xi32, #tpu.memory_space<vmem>>
    %dma_start3A_69 = tpu.memref_squeeze %dma_start3A_68 : memref<1x128xi32, #tpu.memory_space<vmem>> -> memref<128xi32, #tpu.memory_space<vmem>>
    %dma_start3A_70 = tpu.memref_slice %arg5[%add3A_58] : memref<163840xi32, #tpu.memory_space<hbm>> -> memref<128xi32, #tpu.memory_space<hbm>>
    tpu.enqueue_dma source(%dma_start3A_70 : memref<128xi32, #tpu.memory_space<hbm>>) target(%dma_start3A_69 : memref<128xi32, #tpu.memory_space<vmem>>) target_semaphore(%dma_start3A_66 : memref<!tpu.dma_semaphore, #tpu.memory_space<semaphore_mem>>)
    %add3A_71 = arith.constant 128 : i32
    %add3A_72 = arith.addi %mul3A_10, %add3A_71 : i32
    %dma_start3A_73 = arith.constant 1 : i32
    %dma_start3A_74 = arith.constant 1 : i32
    %dma_start3A_75 = arith.constant 0 : i32
    %dma_start3A_76 = tpu.memref_slice %arg9[%dma_start3A_73, %dma_start3A_75] : memref<2x128xi32, #tpu.memory_space<vmem>> -> memref<1x128xi32, #tpu.memory_space<vmem>>
    %dma_start3A_77 = tpu.memref_squeeze %dma_start3A_76 : memref<1x128xi32, #tpu.memory_space<vmem>> -> memref<128xi32, #tpu.memory_space<vmem>>
    %dma_start3A_78 = tpu.memref_slice %arg4[%add3A_72] : memref<163840xi32, #tpu.memory_space<hbm>> -> memref<128xi32, #tpu.memory_space<hbm>>
    %dma_start3A_79 = tpu.memref_slice %arg15[%dma_start3A_74] : memref<2x!tpu.dma_semaphore, #tpu.memory_space<semaphore_mem>> -> memref<1x!tpu.dma_semaphore, #tpu.memory_space<semaphore_mem>>
    %dma_start3A_80 = tpu.memref_squeeze %dma_start3A_79 : memref<1x!tpu.dma_semaphore, #tpu.memory_space<semaphore_mem>> -> memref<!tpu.dma_semaphore, #tpu.memory_space<semaphore_mem>>
    %dma_start3A_81 = arith.constant 0 : i32
    %dma_start3A_82 = tpu.memref_slice %arg9[%dma_start3A_73, %dma_start3A_81] : memref<2x128xi32, #tpu.memory_space<vmem>> -> memref<1x128xi32, #tpu.memory_space<vmem>>
    %dma_start3A_83 = tpu.memref_squeeze %dma_start3A_82 : memref<1x128xi32, #tpu.memory_space<vmem>> -> memref<128xi32, #tpu.memory_space<vmem>>
    %dma_start3A_84 = tpu.memref_slice %arg4[%add3A_72] : memref<163840xi32, #tpu.memory_space<hbm>> -> memref<128xi32, #tpu.memory_space<hbm>>
    tpu.enqueue_dma source(%dma_start3A_84 : memref<128xi32, #tpu.memory_space<hbm>>) target(%dma_start3A_83 : memref<128xi32, #tpu.memory_space<vmem>>) target_semaphore(%dma_start3A_80 : memref<!tpu.dma_semaphore, #tpu.memory_space<semaphore_mem>>)
    %while3A = arith.constant 0 : i32
    %while3A_85 = arith.constant 0 : i32
    %while3A_86 = arith.subi %select_n3A, %while3A_85 : i32
    %while3A_87 = arith.addi %while3A_85, %while3A_86 : i32
    %while3A_88 = arith.constant 1 : i32
    %while3A_89 = arith.divsi %while3A_86, %while3A_88 : i32
    %while3A_90 = arith.muli %while3A_89, %while3A_88 : i32
    %while3A_91 = arith.addi %while3A_85, %while3A_90 : i32
    %while3A_92 = arith.constant 1 : i32
    scf.for %while3A_131 = %while3A_85 to %while3A_91 step %while3A_92  : i32 {
      %rem3A_132 = arith.constant 2 : i32
      %rem3A_133 = arith.remsi %while3A_131, %rem3A_132 : i32
      %sub3A_134 = arith.constant 1 : i32
      %sub3A_135 = arith.subi %sub3A_134, %rem3A_133 : i32
      %rem3A_136 = arith.constant 3 : i32
      %rem3A_137 = arith.remsi %while3A_131, %rem3A_136 : i32
      %add3A_138 = arith.constant 1 : i32
      %add3A_139 = arith.addi %while3A_131, %add3A_138 : i32
      %rem3A_140 = arith.constant 3 : i32
      %rem3A_141 = arith.remsi %add3A_139, %rem3A_140 : i32
      %dma_wait3A_142 = arith.constant 0 : i32
      %dma_wait3A_143 = arith.constant 0 : i32
      %dma_wait3A_144 = tpu.memref_slice %arg7[%rem3A_133, %dma_wait3A_142, %dma_wait3A_143] : memref<2x128x272xf32, #tpu.memory_space<vmem>> -> memref<1x128x272xf32, #tpu.memory_space<vmem>>
      %dma_wait3A_145 = tpu.memref_squeeze %dma_wait3A_144 : memref<1x128x272xf32, #tpu.memory_space<vmem>> -> memref<128x272xf32, #tpu.memory_space<vmem>>
      %dma_wait3A_146 = arith.constant 0 : i32
      %dma_wait3A_147 = tpu.memref_slice %arg9[%rem3A_133, %dma_wait3A_146] : memref<2x128xi32, #tpu.memory_space<vmem>> -> memref<1x128xi32, #tpu.memory_space<vmem>>
      %dma_wait3A_148 = tpu.memref_squeeze %dma_wait3A_147 : memref<1x128xi32, #tpu.memory_space<vmem>> -> memref<128xi32, #tpu.memory_space<vmem>>
      %dma_wait3A_149 = arith.constant 0 : i32
      %dma_wait3A_150 = arith.constant 0 : i32
      %dma_wait3A_151 = tpu.memref_slice %arg2[%dma_wait3A_149, %dma_wait3A_150] : memref<10112x272xf32, #tpu.memory_space<hbm>> -> memref<10112x272xf32, #tpu.memory_space<hbm>>
      %dma_wait3A_152 = tpu.memref_slice %arg14[%rem3A_133] : memref<2x!tpu.dma_semaphore, #tpu.memory_space<semaphore_mem>> -> memref<1x!tpu.dma_semaphore, #tpu.memory_space<semaphore_mem>>
      %dma_wait3A_153 = tpu.memref_squeeze %dma_wait3A_152 : memref<1x!tpu.dma_semaphore, #tpu.memory_space<semaphore_mem>> -> memref<!tpu.dma_semaphore, #tpu.memory_space<semaphore_mem>>
      tpu.wait_indirect_dma semaphore(%dma_wait3A_153 : memref<!tpu.dma_semaphore, #tpu.memory_space<semaphore_mem>>) src(%dma_wait3A_151 : memref<10112x272xf32, #tpu.memory_space<hbm>>) dst(%dma_wait3A_145 : memref<128x272xf32, #tpu.memory_space<vmem>>)
      %ge3A = arith.constant 2 : i32
      %ge3A_154 = arith.cmpi sge, %while3A_131, %ge3A : i32
      %convert_element_type3A_155 = arith.extui %ge3A_154 : i1 to i32
      %cond3A = arith.constant 0 : i32
      %cond3A_156 = arith.cmpi ne, %convert_element_type3A_155, %cond3A : i32
      scf.if %cond3A_156 {
        %dma_wait3A_211 = arith.constant 0 : i32
        %dma_wait3A_212 = arith.constant 0 : i32
        %dma_wait3A_213 = arith.constant 0 : i32
        %dma_wait3A_214 = tpu.memref_slice %arg11[%rem3A_133, %dma_wait3A_212, %dma_wait3A_213] : memref<2x128x32xf32, #tpu.memory_space<vmem>> -> memref<1x128x32xf32, #tpu.memory_space<vmem>>
        %dma_wait3A_215 = tpu.memref_squeeze %dma_wait3A_214 : memref<1x128x32xf32, #tpu.memory_space<vmem>> -> memref<128x32xf32, #tpu.memory_space<vmem>>
        %dma_wait3A_216 = arith.constant 0 : i32
        %dma_wait3A_217 = tpu.memref_slice %arg10[%dma_wait3A_211, %dma_wait3A_216] : memref<3x128xi32, #tpu.memory_space<vmem>> -> memref<1x128xi32, #tpu.memory_space<vmem>>
        %dma_wait3A_218 = tpu.memref_squeeze %dma_wait3A_217 : memref<1x128xi32, #tpu.memory_space<vmem>> -> memref<128xi32, #tpu.memory_space<vmem>>
        %dma_wait3A_219 = arith.constant 0 : i32
        %dma_wait3A_220 = arith.constant 0 : i32
        %dma_wait3A_221 = tpu.memref_slice %arg13[%dma_wait3A_219, %dma_wait3A_220] : memref<10112x32xf32, #tpu.memory_space<vmem_shared>> -> memref<10112x32xf32, #tpu.memory_space<vmem_shared>>
        %dma_wait3A_222 = tpu.memref_slice %arg17[%rem3A_133] : memref<2x!tpu.dma_semaphore, #tpu.memory_space<semaphore_mem>> -> memref<1x!tpu.dma_semaphore, #tpu.memory_space<semaphore_mem>>
        %dma_wait3A_223 = tpu.memref_squeeze %dma_wait3A_222 : memref<1x!tpu.dma_semaphore, #tpu.memory_space<semaphore_mem>> -> memref<!tpu.dma_semaphore, #tpu.memory_space<semaphore_mem>>
        tpu.wait_indirect_dma semaphore(%dma_wait3A_223 : memref<!tpu.dma_semaphore, #tpu.memory_space<semaphore_mem>>) src(%dma_wait3A_215 : memref<128x32xf32, #tpu.memory_space<vmem>>) dst(%dma_wait3A_221 : memref<10112x32xf32, #tpu.memory_space<vmem_shared>>)
      } else {
      }
      %add3A_157 = arith.constant 2 : i32
      %add3A_158 = arith.addi %while3A_131, %add3A_157 : i32
      %lt3A = arith.cmpi slt, %add3A_158, %select_n3A : i32
      %convert_element_type3A_159 = arith.extui %lt3A : i1 to i32
      %cond3A_160 = arith.constant 0 : i32
      %cond3A_161 = arith.cmpi ne, %convert_element_type3A_159, %cond3A_160 : i32
      scf.if %cond3A_161 {
        %add3A_211 = arith.constant 2 : i32
        %add3A_212 = arith.addi %while3A_131, %add3A_211 : i32
        %mul3A_213 = arith.constant 128 : i32
        %mul3A_214 = arith.muli %add3A_212, %mul3A_213 : i32
        %add3A_215 = arith.addi %mul3A_10, %mul3A_214 : i32
        %dma_start3A_216 = arith.constant 0 : i32
        %dma_start3A_217 = tpu.memref_slice %arg9[%rem3A_133, %dma_start3A_216] : memref<2x128xi32, #tpu.memory_space<vmem>> -> memref<1x128xi32, #tpu.memory_space<vmem>>
        %dma_start3A_218 = tpu.memref_squeeze %dma_start3A_217 : memref<1x128xi32, #tpu.memory_space<vmem>> -> memref<128xi32, #tpu.memory_space<vmem>>
        %dma_start3A_219 = tpu.memref_slice %arg4[%add3A_215] : memref<163840xi32, #tpu.memory_space<hbm>> -> memref<128xi32, #tpu.memory_space<hbm>>
        %dma_start3A_220 = tpu.memref_slice %arg15[%rem3A_133] : memref<2x!tpu.dma_semaphore, #tpu.memory_space<semaphore_mem>> -> memref<1x!tpu.dma_semaphore, #tpu.memory_space<semaphore_mem>>
        %dma_start3A_221 = tpu.memref_squeeze %dma_start3A_220 : memref<1x!tpu.dma_semaphore, #tpu.memory_space<semaphore_mem>> -> memref<!tpu.dma_semaphore, #tpu.memory_space<semaphore_mem>>
        %dma_start3A_222 = arith.constant 0 : i32
        %dma_start3A_223 = tpu.memref_slice %arg9[%rem3A_133, %dma_start3A_222] : memref<2x128xi32, #tpu.memory_space<vmem>> -> memref<1x128xi32, #tpu.memory_space<vmem>>
        %dma_start3A_224 = tpu.memref_squeeze %dma_start3A_223 : memref<1x128xi32, #tpu.memory_space<vmem>> -> memref<128xi32, #tpu.memory_space<vmem>>
        %dma_start3A_225 = tpu.memref_slice %arg4[%add3A_215] : memref<163840xi32, #tpu.memory_space<hbm>> -> memref<128xi32, #tpu.memory_space<hbm>>
        tpu.enqueue_dma source(%dma_start3A_225 : memref<128xi32, #tpu.memory_space<hbm>>) target(%dma_start3A_224 : memref<128xi32, #tpu.memory_space<vmem>>) target_semaphore(%dma_start3A_221 : memref<!tpu.dma_semaphore, #tpu.memory_space<semaphore_mem>>)
      } else {
      }
      %add3A_162 = arith.constant 1 : i32
      %add3A_163 = arith.addi %while3A_131, %add3A_162 : i32
      %lt3A_164 = arith.cmpi slt, %add3A_163, %select_n3A : i32
      %convert_element_type3A_165 = arith.extui %lt3A_164 : i1 to i32
      %cond3A_166 = arith.constant 0 : i32
      %cond3A_167 = arith.cmpi ne, %convert_element_type3A_165, %cond3A_166 : i32
      scf.if %cond3A_167 {
        %dma_wait3A_211 = arith.constant 0 : i32
        %dma_wait3A_212 = tpu.memref_slice %arg9[%sub3A_135, %dma_wait3A_211] : memref<2x128xi32, #tpu.memory_space<vmem>> -> memref<1x128xi32, #tpu.memory_space<vmem>>
        %dma_wait3A_213 = tpu.memref_squeeze %dma_wait3A_212 : memref<1x128xi32, #tpu.memory_space<vmem>> -> memref<128xi32, #tpu.memory_space<vmem>>
        %dma_wait3A_214 = arith.constant 0 : i32
        %dma_wait3A_215 = tpu.memref_slice %arg4[%dma_wait3A_214] : memref<163840xi32, #tpu.memory_space<hbm>> -> memref<128xi32, #tpu.memory_space<hbm>>
        %dma_wait3A_216 = tpu.memref_slice %arg15[%sub3A_135] : memref<2x!tpu.dma_semaphore, #tpu.memory_space<semaphore_mem>> -> memref<1x!tpu.dma_semaphore, #tpu.memory_space<semaphore_mem>>
        %dma_wait3A_217 = tpu.memref_squeeze %dma_wait3A_216 : memref<1x!tpu.dma_semaphore, #tpu.memory_space<semaphore_mem>> -> memref<!tpu.dma_semaphore, #tpu.memory_space<semaphore_mem>>
        %dma_wait3A_218 = arith.constant 0 : i32
        %dma_wait3A_219 = tpu.memref_slice %arg9[%sub3A_135, %dma_wait3A_218] : memref<2x128xi32, #tpu.memory_space<vmem>> -> memref<1x128xi32, #tpu.memory_space<vmem>>
        %dma_wait3A_220 = tpu.memref_squeeze %dma_wait3A_219 : memref<1x128xi32, #tpu.memory_space<vmem>> -> memref<128xi32, #tpu.memory_space<vmem>>
        %dma_wait3A_221 = arith.constant 0 : i32
        %dma_wait3A_222 = tpu.memref_slice %arg4[%dma_wait3A_221] : memref<163840xi32, #tpu.memory_space<hbm>> -> memref<128xi32, #tpu.memory_space<hbm>>
        tpu.wait_dma2 semaphore(%dma_wait3A_217 : memref<!tpu.dma_semaphore, #tpu.memory_space<semaphore_mem>>) src(%dma_wait3A_222 : memref<128xi32, #tpu.memory_space<hbm>>) dst(%dma_wait3A_220 : memref<128xi32, #tpu.memory_space<vmem>>)
        %dma_start3A_223 = arith.constant 0 : i32
        %dma_start3A_224 = arith.constant 0 : i32
        %dma_start3A_225 = tpu.memref_slice %arg7[%sub3A_135, %dma_start3A_223, %dma_start3A_224] : memref<2x128x272xf32, #tpu.memory_space<vmem>> -> memref<1x128x272xf32, #tpu.memory_space<vmem>>
        %dma_start3A_226 = tpu.memref_squeeze %dma_start3A_225 : memref<1x128x272xf32, #tpu.memory_space<vmem>> -> memref<128x272xf32, #tpu.memory_space<vmem>>
        %dma_start3A_227 = arith.constant 0 : i32
        %dma_start3A_228 = tpu.memref_slice %arg9[%sub3A_135, %dma_start3A_227] : memref<2x128xi32, #tpu.memory_space<vmem>> -> memref<1x128xi32, #tpu.memory_space<vmem>>
        %dma_start3A_229 = tpu.memref_squeeze %dma_start3A_228 : memref<1x128xi32, #tpu.memory_space<vmem>> -> memref<128xi32, #tpu.memory_space<vmem>>
        %dma_start3A_230 = arith.constant 0 : i32
        %dma_start3A_231 = arith.constant 0 : i32
        %dma_start3A_232 = tpu.memref_slice %arg2[%dma_start3A_230, %dma_start3A_231] : memref<10112x272xf32, #tpu.memory_space<hbm>> -> memref<10112x272xf32, #tpu.memory_space<hbm>>
        %dma_start3A_233 = tpu.memref_slice %arg14[%sub3A_135] : memref<2x!tpu.dma_semaphore, #tpu.memory_space<semaphore_mem>> -> memref<1x!tpu.dma_semaphore, #tpu.memory_space<semaphore_mem>>
        %dma_start3A_234 = tpu.memref_squeeze %dma_start3A_233 : memref<1x!tpu.dma_semaphore, #tpu.memory_space<semaphore_mem>> -> memref<!tpu.dma_semaphore, #tpu.memory_space<semaphore_mem>>
        tpu.enqueue_indirect_dma source(%dma_start3A_232 : memref<10112x272xf32, #tpu.memory_space<hbm>>) target(%dma_start3A_226 : memref<128x272xf32, #tpu.memory_space<vmem>>) offsets(%dma_start3A_229 : memref<128xi32, #tpu.memory_space<vmem>>) semaphore(%dma_start3A_234 : memref<!tpu.dma_semaphore, #tpu.memory_space<semaphore_mem>>)
        %add3A_235 = arith.constant 1 : i32
        %add3A_236 = arith.addi %while3A_131, %add3A_235 : i32
        %mul3A_237 = arith.constant 16 : i32
        %mul3A_238 = arith.muli %add3A_236, %mul3A_237 : i32
        %add3A_239 = arith.addi %mul3A_12, %mul3A_238 : i32
        %dma_start3A_240 = arith.constant 0 : i32
        %dma_start3A_241 = arith.constant 0 : i32
        %dma_start3A_242 = tpu.memref_slice %arg8[%sub3A_135, %dma_start3A_240, %dma_start3A_241] : memref<2x16x128xf32, #tpu.memory_space<vmem>> -> memref<1x16x128xf32, #tpu.memory_space<vmem>>
        %dma_start3A_243 = tpu.memref_squeeze %dma_start3A_242 : memref<1x16x128xf32, #tpu.memory_space<vmem>> -> memref<16x128xf32, #tpu.memory_space<vmem>>
        %dma_start3A_244 = arith.constant 0 : i32
        %dma_start3A_245 = tpu.memref_slice %arg3[%add3A_239, %dma_start3A_244] : memref<20480x128xf32, #tpu.memory_space<hbm>> -> memref<16x128xf32, #tpu.memory_space<hbm>>
        %dma_start3A_246 = tpu.memref_slice %arg16[%sub3A_135] : memref<2x!tpu.dma_semaphore, #tpu.memory_space<semaphore_mem>> -> memref<1x!tpu.dma_semaphore, #tpu.memory_space<semaphore_mem>>
        %dma_start3A_247 = tpu.memref_squeeze %dma_start3A_246 : memref<1x!tpu.dma_semaphore, #tpu.memory_space<semaphore_mem>> -> memref<!tpu.dma_semaphore, #tpu.memory_space<semaphore_mem>>
        %dma_start3A_248 = arith.constant 0 : i32
        %dma_start3A_249 = arith.constant 0 : i32
        %dma_start3A_250 = tpu.memref_slice %arg8[%sub3A_135, %dma_start3A_248, %dma_start3A_249] : memref<2x16x128xf32, #tpu.memory_space<vmem>> -> memref<1x16x128xf32, #tpu.memory_space<vmem>>
        %dma_start3A_251 = tpu.memref_squeeze %dma_start3A_250 : memref<1x16x128xf32, #tpu.memory_space<vmem>> -> memref<16x128xf32, #tpu.memory_space<vmem>>
        %dma_start3A_252 = arith.constant 0 : i32
        %dma_start3A_253 = tpu.memref_slice %arg3[%add3A_239, %dma_start3A_252] : memref<20480x128xf32, #tpu.memory_space<hbm>> -> memref<16x128xf32, #tpu.memory_space<hbm>>
        tpu.enqueue_dma source(%dma_start3A_253 : memref<16x128xf32, #tpu.memory_space<hbm>>) target(%dma_start3A_251 : memref<16x128xf32, #tpu.memory_space<vmem>>) target_semaphore(%dma_start3A_247 : memref<!tpu.dma_semaphore, #tpu.memory_space<semaphore_mem>>)
        %mul3A_254 = arith.constant 128 : i32
        %mul3A_255 = arith.muli %add3A_236, %mul3A_254 : i32
        %add3A_256 = arith.addi %mul3A_10, %mul3A_255 : i32
        %dma_start3A_257 = arith.constant 0 : i32
        %dma_start3A_258 = tpu.memref_slice %arg10[%rem3A_141, %dma_start3A_257] : memref<3x128xi32, #tpu.memory_space<vmem>> -> memref<1x128xi32, #tpu.memory_space<vmem>>
        %dma_start3A_259 = tpu.memref_squeeze %dma_start3A_258 : memref<1x128xi32, #tpu.memory_space<vmem>> -> memref<128xi32, #tpu.memory_space<vmem>>
        %dma_start3A_260 = tpu.memref_slice %arg5[%add3A_256] : memref<163840xi32, #tpu.memory_space<hbm>> -> memref<128xi32, #tpu.memory_space<hbm>>
        %dma_start3A_261 = tpu.memref_slice %arg16[%sub3A_135] : memref<2x!tpu.dma_semaphore, #tpu.memory_space<semaphore_mem>> -> memref<1x!tpu.dma_semaphore, #tpu.memory_space<semaphore_mem>>
        %dma_start3A_262 = tpu.memref_squeeze %dma_start3A_261 : memref<1x!tpu.dma_semaphore, #tpu.memory_space<semaphore_mem>> -> memref<!tpu.dma_semaphore, #tpu.memory_space<semaphore_mem>>
        %dma_start3A_263 = arith.constant 0 : i32
        %dma_start3A_264 = tpu.memref_slice %arg10[%rem3A_141, %dma_start3A_263] : memref<3x128xi32, #tpu.memory_space<vmem>> -> memref<1x128xi32, #tpu.memory_space<vmem>>
        %dma_start3A_265 = tpu.memref_squeeze %dma_start3A_264 : memref<1x128xi32, #tpu.memory_space<vmem>> -> memref<128xi32, #tpu.memory_space<vmem>>
        %dma_start3A_266 = tpu.memref_slice %arg5[%add3A_256] : memref<163840xi32, #tpu.memory_space<hbm>> -> memref<128xi32, #tpu.memory_space<hbm>>
        tpu.enqueue_dma source(%dma_start3A_266 : memref<128xi32, #tpu.memory_space<hbm>>) target(%dma_start3A_265 : memref<128xi32, #tpu.memory_space<vmem>>) target_semaphore(%dma_start3A_262 : memref<!tpu.dma_semaphore, #tpu.memory_space<semaphore_mem>>)
      } else {
      }
      %dma_wait3A_168 = arith.constant 0 : i32
      %dma_wait3A_169 = arith.constant 0 : i32
      %dma_wait3A_170 = tpu.memref_slice %arg8[%rem3A_133, %dma_wait3A_168, %dma_wait3A_169] : memref<2x16x128xf32, #tpu.memory_space<vmem>> -> memref<1x16x128xf32, #tpu.memory_space<vmem>>
      %dma_wait3A_171 = tpu.memref_squeeze %dma_wait3A_170 : memref<1x16x128xf32, #tpu.memory_space<vmem>> -> memref<16x128xf32, #tpu.memory_space<vmem>>
      %dma_wait3A_172 = arith.constant 0 : i32
      %dma_wait3A_173 = arith.constant 0 : i32
      %dma_wait3A_174 = tpu.memref_slice %arg3[%dma_wait3A_172, %dma_wait3A_173] : memref<20480x128xf32, #tpu.memory_space<hbm>> -> memref<16x128xf32, #tpu.memory_space<hbm>>
      %dma_wait3A_175 = tpu.memref_slice %arg16[%rem3A_133] : memref<2x!tpu.dma_semaphore, #tpu.memory_space<semaphore_mem>> -> memref<1x!tpu.dma_semaphore, #tpu.memory_space<semaphore_mem>>
      %dma_wait3A_176 = tpu.memref_squeeze %dma_wait3A_175 : memref<1x!tpu.dma_semaphore, #tpu.memory_space<semaphore_mem>> -> memref<!tpu.dma_semaphore, #tpu.memory_space<semaphore_mem>>
      %dma_wait3A_177 = arith.constant 0 : i32
      %dma_wait3A_178 = arith.constant 0 : i32
      %dma_wait3A_179 = tpu.memref_slice %arg8[%rem3A_133, %dma_wait3A_177, %dma_wait3A_178] : memref<2x16x128xf32, #tpu.memory_space<vmem>> -> memref<1x16x128xf32, #tpu.memory_space<vmem>>
      %dma_wait3A_180 = tpu.memref_squeeze %dma_wait3A_179 : memref<1x16x128xf32, #tpu.memory_space<vmem>> -> memref<16x128xf32, #tpu.memory_space<vmem>>
      %dma_wait3A_181 = arith.constant 0 : i32
      %dma_wait3A_182 = arith.constant 0 : i32
      %dma_wait3A_183 = tpu.memref_slice %arg3[%dma_wait3A_181, %dma_wait3A_182] : memref<20480x128xf32, #tpu.memory_space<hbm>> -> memref<16x128xf32, #tpu.memory_space<hbm>>
      tpu.wait_dma2 semaphore(%dma_wait3A_176 : memref<!tpu.dma_semaphore, #tpu.memory_space<semaphore_mem>>) src(%dma_wait3A_183 : memref<16x128xf32, #tpu.memory_space<hbm>>) dst(%dma_wait3A_180 : memref<16x128xf32, #tpu.memory_space<vmem>>)
      %dma_wait3A_184 = arith.constant 0 : i32
      %dma_wait3A_185 = arith.constant 0 : i32
      %dma_wait3A_186 = tpu.memref_slice %arg10[%dma_wait3A_184, %dma_wait3A_185] : memref<3x128xi32, #tpu.memory_space<vmem>> -> memref<1x128xi32, #tpu.memory_space<vmem>>
      %dma_wait3A_187 = tpu.memref_squeeze %dma_wait3A_186 : memref<1x128xi32, #tpu.memory_space<vmem>> -> memref<128xi32, #tpu.memory_space<vmem>>
      %dma_wait3A_188 = arith.constant 0 : i32
      %dma_wait3A_189 = tpu.memref_slice %arg5[%dma_wait3A_188] : memref<163840xi32, #tpu.memory_space<hbm>> -> memref<128xi32, #tpu.memory_space<hbm>>
      %dma_wait3A_190 = tpu.memref_slice %arg16[%rem3A_133] : memref<2x!tpu.dma_semaphore, #tpu.memory_space<semaphore_mem>> -> memref<1x!tpu.dma_semaphore, #tpu.memory_space<semaphore_mem>>
      %dma_wait3A_191 = tpu.memref_squeeze %dma_wait3A_190 : memref<1x!tpu.dma_semaphore, #tpu.memory_space<semaphore_mem>> -> memref<!tpu.dma_semaphore, #tpu.memory_space<semaphore_mem>>
      %dma_wait3A_192 = arith.constant 0 : i32
      %dma_wait3A_193 = tpu.memref_slice %arg10[%dma_wait3A_184, %dma_wait3A_192] : memref<3x128xi32, #tpu.memory_space<vmem>> -> memref<1x128xi32, #tpu.memory_space<vmem>>
      %dma_wait3A_194 = tpu.memref_squeeze %dma_wait3A_193 : memref<1x128xi32, #tpu.memory_space<vmem>> -> memref<128xi32, #tpu.memory_space<vmem>>
      %dma_wait3A_195 = arith.constant 0 : i32
      %dma_wait3A_196 = tpu.memref_slice %arg5[%dma_wait3A_195] : memref<163840xi32, #tpu.memory_space<hbm>> -> memref<128xi32, #tpu.memory_space<hbm>>
      tpu.wait_dma2 semaphore(%dma_wait3A_191 : memref<!tpu.dma_semaphore, #tpu.memory_space<semaphore_mem>>) src(%dma_wait3A_196 : memref<128xi32, #tpu.memory_space<hbm>>) dst(%dma_wait3A_194 : memref<128xi32, #tpu.memory_space<vmem>>)
      %parallel_loop3A = arith.constant 0 : i32
      %parallel_loop3A_197 = arith.constant 128 : i32
      %parallel_loop3A_198 = arith.constant 1 : i32
      scf.for %parallel_loop3A_211 = %parallel_loop3A to %parallel_loop3A_197 step %parallel_loop3A_198  : i32 {
        %parallel_loop3A_212 = arith.constant 8 : i32
        %parallel_loop3A_213 = arith.divsi %parallel_loop3A_211, %parallel_loop3A_212 : i32
        %parallel_loop3A_214 = arith.constant 0 : i32
        %parallel_loop3A_215 = arith.cmpi sgt, %parallel_loop3A_211, %parallel_loop3A_214 : i32
        %parallel_loop3A_216 = arith.extui %parallel_loop3A_215 : i1 to i32
        %parallel_loop3A_217 = arith.constant 0 : i32
        %parallel_loop3A_218 = arith.cmpi slt, %parallel_loop3A_211, %parallel_loop3A_217 : i32
        %parallel_loop3A_219 = arith.extui %parallel_loop3A_218 : i1 to i32
        %parallel_loop3A_220 = arith.subi %parallel_loop3A_216, %parallel_loop3A_219 : i32
        %parallel_loop3A_221 = arith.constant 0 : i32
        %parallel_loop3A_222 = arith.cmpi sgt, %parallel_loop3A_212, %parallel_loop3A_221 : i32
        %parallel_loop3A_223 = arith.extui %parallel_loop3A_222 : i1 to i32
        %parallel_loop3A_224 = arith.constant 0 : i32
        %parallel_loop3A_225 = arith.cmpi slt, %parallel_loop3A_212, %parallel_loop3A_224 : i32
        %parallel_loop3A_226 = arith.extui %parallel_loop3A_225 : i1 to i32
        %parallel_loop3A_227 = arith.subi %parallel_loop3A_223, %parallel_loop3A_226 : i32
        %parallel_loop3A_228 = arith.cmpi ne, %parallel_loop3A_220, %parallel_loop3A_227 : i32
        %parallel_loop3A_229 = arith.remsi %parallel_loop3A_211, %parallel_loop3A_212 : i32
        %parallel_loop3A_230 = arith.constant 0 : i32
        %parallel_loop3A_231 = arith.cmpi ne, %parallel_loop3A_229, %parallel_loop3A_230 : i32
        %parallel_loop3A_232 = arith.andi %parallel_loop3A_228, %parallel_loop3A_231 : i1
        %parallel_loop3A_233 = arith.constant 1 : i32
        %parallel_loop3A_234 = arith.subi %parallel_loop3A_213, %parallel_loop3A_233 : i32
        %parallel_loop3A_235 = arith.select %parallel_loop3A_232, %parallel_loop3A_234, %parallel_loop3A_213 : i32
        %parallel_loop3A_236 = arith.constant 8 : i32
        %parallel_loop3A_237 = arith.constant 0 : i32
        %parallel_loop3A_238 = arith.cmpi eq, %parallel_loop3A_236, %parallel_loop3A_237 : i32
        %parallel_loop3A_239 = arith.constant 1 : i32
        %parallel_loop3A_240 = arith.select %parallel_loop3A_238, %parallel_loop3A_239, %parallel_loop3A_236 : i32
        %parallel_loop3A_241 = arith.remsi %parallel_loop3A_211, %parallel_loop3A_240 : i32
        %parallel_loop3A_242 = arith.constant 0 : i32
        %parallel_loop3A_243 = arith.cmpi ne, %parallel_loop3A_241, %parallel_loop3A_242 : i32
        %parallel_loop3A_244 = arith.constant 0 : i32
        %parallel_loop3A_245 = arith.cmpi slt, %parallel_loop3A_241, %parallel_loop3A_244 : i32
        %parallel_loop3A_246 = arith.constant 0 : i32
        %parallel_loop3A_247 = arith.cmpi slt, %parallel_loop3A_240, %parallel_loop3A_246 : i32
        %parallel_loop3A_248 = arith.xori %parallel_loop3A_245, %parallel_loop3A_247 : i1
        %parallel_loop3A_249 = arith.andi %parallel_loop3A_248, %parallel_loop3A_243 : i1
        %parallel_loop3A_250 = arith.addi %parallel_loop3A_241, %parallel_loop3A_240 : i32
        %parallel_loop3A_251 = arith.select %parallel_loop3A_249, %parallel_loop3A_250, %parallel_loop3A_241 : i32
        %parallel_loop3A_252 = arith.constant 16 : i32
        %parallel_loop3A_253 = arith.muli %parallel_loop3A_251, %parallel_loop3A_252 : i32
        %parallel_loop3A_254 = arith.index_cast %rem3A_133 : i32 to index
        %parallel_loop3A_255 = arith.index_cast %parallel_loop3A_235 : i32 to index
        %parallel_loop3A_256 = arith.index_cast %parallel_loop3A_253 : i32 to index
        %parallel_loop3A_257 = tpu.vector_load %arg8[%parallel_loop3A_254, %parallel_loop3A_255, %parallel_loop3A_256] {strides = array<i32>} : memref<2x16x128xf32, #tpu.memory_space<vmem>>, vector<1x1x16xf32>,
        %parallel_loop3A_258 = vector.shape_cast %parallel_loop3A_257 : vector<1x1x16xf32> to vector<16xf32>
        %parallel_loop3A_259 = arith.index_cast %rem3A_133 : i32 to index
        %parallel_loop3A_260 = arith.index_cast %parallel_loop3A_211 : i32 to index
        %parallel_loop3A_261 = arith.constant 256 : index
        %parallel_loop3A_262 = tpu.vector_load %arg7[%parallel_loop3A_259, %parallel_loop3A_260, %parallel_loop3A_261] {strides = array<i32>} : memref<2x128x272xf32, #tpu.memory_space<vmem>>, vector<1x1x16xf32>,
        %parallel_loop3A_263 = vector.shape_cast %parallel_loop3A_262 : vector<1x1x16xf32> to vector<16xf32>
        %parallel_loop3A_264 = vector.extract_strided_slice %parallel_loop3A_258 {offsets = [1], sizes = [1], strides = [1]} : vector<16xf32> to vector<1xf32>
        %parallel_loop3A_265 = vector.extract %parallel_loop3A_264[0] : f32 from vector<1xf32>
        %parallel_loop3A_266 = arith.index_cast %rem3A_133 : i32 to index
        %parallel_loop3A_267 = arith.index_cast %parallel_loop3A_211 : i32 to index
        %parallel_loop3A_268 = arith.constant 16 : index
        %parallel_loop3A_269 = tpu.vector_load %arg7[%parallel_loop3A_266, %parallel_loop3A_267, %parallel_loop3A_268] {strides = array<i32>} : memref<2x128x272xf32, #tpu.memory_space<vmem>>, vector<1x1x16xf32>,
        %parallel_loop3A_270 = vector.shape_cast %parallel_loop3A_269 : vector<1x1x16xf32> to vector<16xf32>
        %parallel_loop3A_271 = vector.broadcast %parallel_loop3A_265 : f32 to vector<16xf32>
        %parallel_loop3A_272 = arith.mulf %parallel_loop3A_271, %parallel_loop3A_270 : vector<16xf32>
        %parallel_loop3A_273 = vector.extract_strided_slice %parallel_loop3A_258 {offsets = [2], sizes = [1], strides = [1]} : vector<16xf32> to vector<1xf32>
        %parallel_loop3A_274 = vector.extract %parallel_loop3A_273[0] : f32 from vector<1xf32>
        %parallel_loop3A_275 = arith.index_cast %rem3A_133 : i32 to index
        %parallel_loop3A_276 = arith.index_cast %parallel_loop3A_211 : i32 to index
        %parallel_loop3A_277 = arith.constant 32 : index
        %parallel_loop3A_278 = tpu.vector_load %arg7[%parallel_loop3A_275, %parallel_loop3A_276, %parallel_loop3A_277] {strides = array<i32>} : memref<2x128x272xf32, #tpu.memory_space<vmem>>, vector<1x1x16xf32>,
        %parallel_loop3A_279 = vector.shape_cast %parallel_loop3A_278 : vector<1x1x16xf32> to vector<16xf32>
        %parallel_loop3A_280 = vector.broadcast %parallel_loop3A_274 : f32 to vector<16xf32>
        %parallel_loop3A_281 = arith.mulf %parallel_loop3A_280, %parallel_loop3A_279 : vector<16xf32>
        %parallel_loop3A_282 = vector.extract_strided_slice %parallel_loop3A_258 {offsets = [3], sizes = [1], strides = [1]} : vector<16xf32> to vector<1xf32>
        %parallel_loop3A_283 = vector.extract %parallel_loop3A_282[0] : f32 from vector<1xf32>
        %parallel_loop3A_284 = arith.index_cast %rem3A_133 : i32 to index
        %parallel_loop3A_285 = arith.index_cast %parallel_loop3A_211 : i32 to index
        %parallel_loop3A_286 = arith.constant 48 : index
        %parallel_loop3A_287 = tpu.vector_load %arg7[%parallel_loop3A_284, %parallel_loop3A_285, %parallel_loop3A_286] {strides = array<i32>} : memref<2x128x272xf32, #tpu.memory_space<vmem>>, vector<1x1x16xf32>,
        %parallel_loop3A_288 = vector.shape_cast %parallel_loop3A_287 : vector<1x1x16xf32> to vector<16xf32>
        %parallel_loop3A_289 = vector.broadcast %parallel_loop3A_283 : f32 to vector<16xf32>
        %parallel_loop3A_290 = arith.mulf %parallel_loop3A_289, %parallel_loop3A_288 : vector<16xf32>
        %parallel_loop3A_291 = vector.extract_strided_slice %parallel_loop3A_258 {offsets = [0], sizes = [1], strides = [1]} : vector<16xf32> to vector<1xf32>
        %parallel_loop3A_292 = vector.extract %parallel_loop3A_291[0] : f32 from vector<1xf32>
        %parallel_loop3A_293 = arith.index_cast %rem3A_133 : i32 to index
        %parallel_loop3A_294 = arith.index_cast %parallel_loop3A_211 : i32 to index
        %parallel_loop3A_295 = arith.constant 0 : index
        %parallel_loop3A_296 = tpu.vector_load %arg7[%parallel_loop3A_293, %parallel_loop3A_294, %parallel_loop3A_295] {strides = array<i32>} : memref<2x128x272xf32, #tpu.memory_space<vmem>>, vector<1x1x16xf32>,
        %parallel_loop3A_297 = vector.shape_cast %parallel_loop3A_296 : vector<1x1x16xf32> to vector<16xf32>
        %parallel_loop3A_298 = vector.broadcast %parallel_loop3A_292 : f32 to vector<16xf32>
        %parallel_loop3A_299 = arith.mulf %parallel_loop3A_298, %parallel_loop3A_297 : vector<16xf32>
        %parallel_loop3A_300 = arith.addf %parallel_loop3A_263, %parallel_loop3A_299 : vector<16xf32>
        %parallel_loop3A_301 = vector.extract_strided_slice %parallel_loop3A_258 {offsets = [4], sizes = [1], strides = [1]} : vector<16xf32> to vector<1xf32>
        %parallel_loop3A_302 = vector.extract %parallel_loop3A_301[0] : f32 from vector<1xf32>
        %parallel_loop3A_303 = arith.index_cast %rem3A_133 : i32 to index
        %parallel_loop3A_304 = arith.index_cast %parallel_loop3A_211 : i32 to index
        %parallel_loop3A_305 = arith.constant 64 : index
        %parallel_loop3A_306 = tpu.vector_load %arg7[%parallel_loop3A_303, %parallel_loop3A_304, %parallel_loop3A_305] {strides = array<i32>} : memref<2x128x272xf32, #tpu.memory_space<vmem>>, vector<1x1x16xf32>,
        %parallel_loop3A_307 = vector.shape_cast %parallel_loop3A_306 : vector<1x1x16xf32> to vector<16xf32>
        %parallel_loop3A_308 = vector.broadcast %parallel_loop3A_302 : f32 to vector<16xf32>
        %parallel_loop3A_309 = arith.mulf %parallel_loop3A_308, %parallel_loop3A_307 : vector<16xf32>
        %parallel_loop3A_310 = arith.addf %parallel_loop3A_300, %parallel_loop3A_309 : vector<16xf32>
        %parallel_loop3A_311 = vector.extract_strided_slice %parallel_loop3A_258 {offsets = [5], sizes = [1], strides = [1]} : vector<16xf32> to vector<1xf32>
        %parallel_loop3A_312 = vector.extract %parallel_loop3A_311[0] : f32 from vector<1xf32>
        %parallel_loop3A_313 = arith.index_cast %rem3A_133 : i32 to index
        %parallel_loop3A_314 = arith.index_cast %parallel_loop3A_211 : i32 to index
        %parallel_loop3A_315 = arith.constant 80 : index
        %parallel_loop3A_316 = tpu.vector_load %arg7[%parallel_loop3A_313, %parallel_loop3A_314, %parallel_loop3A_315] {strides = array<i32>} : memref<2x128x272xf32, #tpu.memory_space<vmem>>, vector<1x1x16xf32>,
        %parallel_loop3A_317 = vector.shape_cast %parallel_loop3A_316 : vector<1x1x16xf32> to vector<16xf32>
        %parallel_loop3A_318 = vector.broadcast %parallel_loop3A_312 : f32 to vector<16xf32>
        %parallel_loop3A_319 = arith.mulf %parallel_loop3A_318, %parallel_loop3A_317 : vector<16xf32>
        %parallel_loop3A_320 = arith.addf %parallel_loop3A_272, %parallel_loop3A_319 : vector<16xf32>
        %parallel_loop3A_321 = vector.extract_strided_slice %parallel_loop3A_258 {offsets = [6], sizes = [1], strides = [1]} : vector<16xf32> to vector<1xf32>
        %parallel_loop3A_322 = vector.extract %parallel_loop3A_321[0] : f32 from vector<1xf32>
        %parallel_loop3A_323 = arith.index_cast %rem3A_133 : i32 to index
        %parallel_loop3A_324 = arith.index_cast %parallel_loop3A_211 : i32 to index
        %parallel_loop3A_325 = arith.constant 96 : index
        %parallel_loop3A_326 = tpu.vector_load %arg7[%parallel_loop3A_323, %parallel_loop3A_324, %parallel_loop3A_325] {strides = array<i32>} : memref<2x128x272xf32, #tpu.memory_space<vmem>>, vector<1x1x16xf32>,
        %parallel_loop3A_327 = vector.shape_cast %parallel_loop3A_326 : vector<1x1x16xf32> to vector<16xf32>
        %parallel_loop3A_328 = vector.broadcast %parallel_loop3A_322 : f32 to vector<16xf32>
        %parallel_loop3A_329 = arith.mulf %parallel_loop3A_328, %parallel_loop3A_327 : vector<16xf32>
        %parallel_loop3A_330 = arith.addf %parallel_loop3A_281, %parallel_loop3A_329 : vector<16xf32>
        %parallel_loop3A_331 = vector.extract_strided_slice %parallel_loop3A_258 {offsets = [7], sizes = [1], strides = [1]} : vector<16xf32> to vector<1xf32>
        %parallel_loop3A_332 = vector.extract %parallel_loop3A_331[0] : f32 from vector<1xf32>
        %parallel_loop3A_333 = arith.index_cast %rem3A_133 : i32 to index
        %parallel_loop3A_334 = arith.index_cast %parallel_loop3A_211 : i32 to index
        %parallel_loop3A_335 = arith.constant 112 : index
        %parallel_loop3A_336 = tpu.vector_load %arg7[%parallel_loop3A_333, %parallel_loop3A_334, %parallel_loop3A_335] {strides = array<i32>} : memref<2x128x272xf32, #tpu.memory_space<vmem>>, vector<1x1x16xf32>,
        %parallel_loop3A_337 = vector.shape_cast %parallel_loop3A_336 : vector<1x1x16xf32> to vector<16xf32>
        %parallel_loop3A_338 = vector.broadcast %parallel_loop3A_332 : f32 to vector<16xf32>
        %parallel_loop3A_339 = arith.mulf %parallel_loop3A_338, %parallel_loop3A_337 : vector<16xf32>
        %parallel_loop3A_340 = arith.addf %parallel_loop3A_290, %parallel_loop3A_339 : vector<16xf32>
        %parallel_loop3A_341 = vector.extract_strided_slice %parallel_loop3A_258 {offsets = [8], sizes = [1], strides = [1]} : vector<16xf32> to vector<1xf32>
        %parallel_loop3A_342 = vector.extract %parallel_loop3A_341[0] : f32 from vector<1xf32>
        %parallel_loop3A_343 = arith.index_cast %rem3A_133 : i32 to index
        %parallel_loop3A_344 = arith.index_cast %parallel_loop3A_211 : i32 to index
        %parallel_loop3A_345 = arith.constant 128 : index
        %parallel_loop3A_346 = tpu.vector_load %arg7[%parallel_loop3A_343, %parallel_loop3A_344, %parallel_loop3A_345] {strides = array<i32>} : memref<2x128x272xf32, #tpu.memory_space<vmem>>, vector<1x1x16xf32>,
        %parallel_loop3A_347 = vector.shape_cast %parallel_loop3A_346 : vector<1x1x16xf32> to vector<16xf32>
        %parallel_loop3A_348 = vector.broadcast %parallel_loop3A_342 : f32 to vector<16xf32>
        %parallel_loop3A_349 = arith.mulf %parallel_loop3A_348, %parallel_loop3A_347 : vector<16xf32>
        %parallel_loop3A_350 = arith.addf %parallel_loop3A_310, %parallel_loop3A_349 : vector<16xf32>
        %parallel_loop3A_351 = vector.extract_strided_slice %parallel_loop3A_258 {offsets = [9], sizes = [1], strides = [1]} : vector<16xf32> to vector<1xf32>
        %parallel_loop3A_352 = vector.extract %parallel_loop3A_351[0] : f32 from vector<1xf32>
        %parallel_loop3A_353 = arith.index_cast %rem3A_133 : i32 to index
        %parallel_loop3A_354 = arith.index_cast %parallel_loop3A_211 : i32 to index
        %parallel_loop3A_355 = arith.constant 144 : index
        %parallel_loop3A_356 = tpu.vector_load %arg7[%parallel_loop3A_353, %parallel_loop3A_354, %parallel_loop3A_355] {strides = array<i32>} : memref<2x128x272xf32, #tpu.memory_space<vmem>>, vector<1x1x16xf32>,
        %parallel_loop3A_357 = vector.shape_cast %parallel_loop3A_356 : vector<1x1x16xf32> to vector<16xf32>
        %parallel_loop3A_358 = vector.broadcast %parallel_loop3A_352 : f32 to vector<16xf32>
        %parallel_loop3A_359 = arith.mulf %parallel_loop3A_358, %parallel_loop3A_357 : vector<16xf32>
        %parallel_loop3A_360 = arith.addf %parallel_loop3A_320, %parallel_loop3A_359 : vector<16xf32>
        %parallel_loop3A_361 = vector.extract_strided_slice %parallel_loop3A_258 {offsets = [10], sizes = [1], strides = [1]} : vector<16xf32> to vector<1xf32>
        %parallel_loop3A_362 = vector.extract %parallel_loop3A_361[0] : f32 from vector<1xf32>
        %parallel_loop3A_363 = arith.index_cast %rem3A_133 : i32 to index
        %parallel_loop3A_364 = arith.index_cast %parallel_loop3A_211 : i32 to index
        %parallel_loop3A_365 = arith.constant 160 : index
        %parallel_loop3A_366 = tpu.vector_load %arg7[%parallel_loop3A_363, %parallel_loop3A_364, %parallel_loop3A_365] {strides = array<i32>} : memref<2x128x272xf32, #tpu.memory_space<vmem>>, vector<1x1x16xf32>,
        %parallel_loop3A_367 = vector.shape_cast %parallel_loop3A_366 : vector<1x1x16xf32> to vector<16xf32>
        %parallel_loop3A_368 = vector.broadcast %parallel_loop3A_362 : f32 to vector<16xf32>
        %parallel_loop3A_369 = arith.mulf %parallel_loop3A_368, %parallel_loop3A_367 : vector<16xf32>
        %parallel_loop3A_370 = arith.addf %parallel_loop3A_330, %parallel_loop3A_369 : vector<16xf32>
        %parallel_loop3A_371 = vector.extract_strided_slice %parallel_loop3A_258 {offsets = [11], sizes = [1], strides = [1]} : vector<16xf32> to vector<1xf32>
        %parallel_loop3A_372 = vector.extract %parallel_loop3A_371[0] : f32 from vector<1xf32>
        %parallel_loop3A_373 = arith.index_cast %rem3A_133 : i32 to index
        %parallel_loop3A_374 = arith.index_cast %parallel_loop3A_211 : i32 to index
        %parallel_loop3A_375 = arith.constant 176 : index
        %parallel_loop3A_376 = tpu.vector_load %arg7[%parallel_loop3A_373, %parallel_loop3A_374, %parallel_loop3A_375] {strides = array<i32>} : memref<2x128x272xf32, #tpu.memory_space<vmem>>, vector<1x1x16xf32>,
        %parallel_loop3A_377 = vector.shape_cast %parallel_loop3A_376 : vector<1x1x16xf32> to vector<16xf32>
        %parallel_loop3A_378 = vector.broadcast %parallel_loop3A_372 : f32 to vector<16xf32>
        %parallel_loop3A_379 = arith.mulf %parallel_loop3A_378, %parallel_loop3A_377 : vector<16xf32>
        %parallel_loop3A_380 = arith.addf %parallel_loop3A_340, %parallel_loop3A_379 : vector<16xf32>
        %parallel_loop3A_381 = vector.extract_strided_slice %parallel_loop3A_258 {offsets = [12], sizes = [1], strides = [1]} : vector<16xf32> to vector<1xf32>
        %parallel_loop3A_382 = vector.extract %parallel_loop3A_381[0] : f32 from vector<1xf32>
        %parallel_loop3A_383 = arith.index_cast %rem3A_133 : i32 to index
        %parallel_loop3A_384 = arith.index_cast %parallel_loop3A_211 : i32 to index
        %parallel_loop3A_385 = arith.constant 192 : index
        %parallel_loop3A_386 = tpu.vector_load %arg7[%parallel_loop3A_383, %parallel_loop3A_384, %parallel_loop3A_385] {strides = array<i32>} : memref<2x128x272xf32, #tpu.memory_space<vmem>>, vector<1x1x16xf32>,
        %parallel_loop3A_387 = vector.shape_cast %parallel_loop3A_386 : vector<1x1x16xf32> to vector<16xf32>
        %parallel_loop3A_388 = vector.broadcast %parallel_loop3A_382 : f32 to vector<16xf32>
        %parallel_loop3A_389 = arith.mulf %parallel_loop3A_388, %parallel_loop3A_387 : vector<16xf32>
        %parallel_loop3A_390 = arith.addf %parallel_loop3A_350, %parallel_loop3A_389 : vector<16xf32>
        %parallel_loop3A_391 = vector.extract_strided_slice %parallel_loop3A_258 {offsets = [13], sizes = [1], strides = [1]} : vector<16xf32> to vector<1xf32>
        %parallel_loop3A_392 = vector.extract %parallel_loop3A_391[0] : f32 from vector<1xf32>
        %parallel_loop3A_393 = arith.index_cast %rem3A_133 : i32 to index
        %parallel_loop3A_394 = arith.index_cast %parallel_loop3A_211 : i32 to index
        %parallel_loop3A_395 = arith.constant 208 : index
        %parallel_loop3A_396 = tpu.vector_load %arg7[%parallel_loop3A_393, %parallel_loop3A_394, %parallel_loop3A_395] {strides = array<i32>} : memref<2x128x272xf32, #tpu.memory_space<vmem>>, vector<1x1x16xf32>,
        %parallel_loop3A_397 = vector.shape_cast %parallel_loop3A_396 : vector<1x1x16xf32> to vector<16xf32>
        %parallel_loop3A_398 = vector.broadcast %parallel_loop3A_392 : f32 to vector<16xf32>
        %parallel_loop3A_399 = arith.mulf %parallel_loop3A_398, %parallel_loop3A_397 : vector<16xf32>
        %parallel_loop3A_400 = arith.addf %parallel_loop3A_360, %parallel_loop3A_399 : vector<16xf32>
        %parallel_loop3A_401 = vector.extract_strided_slice %parallel_loop3A_258 {offsets = [14], sizes = [1], strides = [1]} : vector<16xf32> to vector<1xf32>
        %parallel_loop3A_402 = vector.extract %parallel_loop3A_401[0] : f32 from vector<1xf32>
        %parallel_loop3A_403 = arith.index_cast %rem3A_133 : i32 to index
        %parallel_loop3A_404 = arith.index_cast %parallel_loop3A_211 : i32 to index
        %parallel_loop3A_405 = arith.constant 224 : index
        %parallel_loop3A_406 = tpu.vector_load %arg7[%parallel_loop3A_403, %parallel_loop3A_404, %parallel_loop3A_405] {strides = array<i32>} : memref<2x128x272xf32, #tpu.memory_space<vmem>>, vector<1x1x16xf32>,
        %parallel_loop3A_407 = vector.shape_cast %parallel_loop3A_406 : vector<1x1x16xf32> to vector<16xf32>
        %parallel_loop3A_408 = vector.broadcast %parallel_loop3A_402 : f32 to vector<16xf32>
        %parallel_loop3A_409 = arith.mulf %parallel_loop3A_408, %parallel_loop3A_407 : vector<16xf32>
        %parallel_loop3A_410 = arith.addf %parallel_loop3A_370, %parallel_loop3A_409 : vector<16xf32>
        %parallel_loop3A_411 = vector.extract_strided_slice %parallel_loop3A_258 {offsets = [15], sizes = [1], strides = [1]} : vector<16xf32> to vector<1xf32>
        %parallel_loop3A_412 = vector.extract %parallel_loop3A_411[0] : f32 from vector<1xf32>
        %parallel_loop3A_413 = arith.index_cast %rem3A_133 : i32 to index
        %parallel_loop3A_414 = arith.index_cast %parallel_loop3A_211 : i32 to index
        %parallel_loop3A_415 = arith.constant 240 : index
        %parallel_loop3A_416 = tpu.vector_load %arg7[%parallel_loop3A_413, %parallel_loop3A_414, %parallel_loop3A_415] {strides = array<i32>} : memref<2x128x272xf32, #tpu.memory_space<vmem>>, vector<1x1x16xf32>,
        %parallel_loop3A_417 = vector.shape_cast %parallel_loop3A_416 : vector<1x1x16xf32> to vector<16xf32>
        %parallel_loop3A_418 = vector.broadcast %parallel_loop3A_412 : f32 to vector<16xf32>
        %parallel_loop3A_419 = arith.mulf %parallel_loop3A_418, %parallel_loop3A_417 : vector<16xf32>
        %parallel_loop3A_420 = arith.addf %parallel_loop3A_380, %parallel_loop3A_419 : vector<16xf32>
        %parallel_loop3A_421 = arith.addf %parallel_loop3A_390, %parallel_loop3A_400 : vector<16xf32>
        %parallel_loop3A_422 = arith.addf %parallel_loop3A_410, %parallel_loop3A_420 : vector<16xf32>
        %parallel_loop3A_423 = arith.addf %parallel_loop3A_421, %parallel_loop3A_422 : vector<16xf32>
        %parallel_loop3A_424 = arith.index_cast %rem3A_133 : i32 to index
        %parallel_loop3A_425 = arith.index_cast %parallel_loop3A_211 : i32 to index
        %parallel_loop3A_426 = arith.constant 0 : index
        %parallel_loop3A_427 = tpu.vector_load %arg11[%parallel_loop3A_424, %parallel_loop3A_425, %parallel_loop3A_426] {strides = array<i32>} : memref<2x128x32xf32, #tpu.memory_space<vmem>>, vector<1x1x16xf32>,
        %parallel_loop3A_428 = vector.shape_cast %parallel_loop3A_427 : vector<1x1x16xf32> to vector<16xf32>
        %parallel_loop3A_429 = vector.shape_cast %parallel_loop3A_423 : vector<16xf32> to vector<1x1x16xf32>
        tpu.vector_store %arg11[%parallel_loop3A_424, %parallel_loop3A_425, %parallel_loop3A_426], %parallel_loop3A_429 {strides = array<i32>} : memref<2x128x32xf32, #tpu.memory_space<vmem>>, vector<1x1x16xf32>,
        %parallel_loop3A_430 = arith.index_cast %rem3A_133 : i32 to index
        %parallel_loop3A_431 = arith.index_cast %parallel_loop3A_211 : i32 to index
        %parallel_loop3A_432 = arith.constant 16 : index
        %parallel_loop3A_433 = tpu.vector_load %arg11[%parallel_loop3A_430, %parallel_loop3A_431, %parallel_loop3A_432] {strides = array<i32>} : memref<2x128x32xf32, #tpu.memory_space<vmem>>, vector<1x1x16xf32>,
        %parallel_loop3A_434 = vector.shape_cast %parallel_loop3A_433 : vector<1x1x16xf32> to vector<16xf32>
        %parallel_loop3A_435 = vector.shape_cast %max3A_24 : vector<16xf32> to vector<1x1x16xf32>
        tpu.vector_store %arg11[%parallel_loop3A_430, %parallel_loop3A_431, %parallel_loop3A_432], %parallel_loop3A_435 {strides = array<i32>} : memref<2x128x32xf32, #tpu.memory_space<vmem>>, vector<1x1x16xf32>,
      } {sc.loop_unroll_factor = 4 : i64, sc.parallel_access}
      %dma_start3A_199 = arith.constant 0 : i32
      %dma_start3A_200 = arith.constant 0 : i32
      %dma_start3A_201 = tpu.memref_slice %arg11[%rem3A_133, %dma_start3A_199, %dma_start3A_200] : memref<2x128x32xf32, #tpu.memory_space<vmem>> -> memref<1x128x32xf32, #tpu.memory_space<vmem>>
      %dma_start3A_202 = tpu.memref_squeeze %dma_start3A_201 : memref<1x128x32xf32, #tpu.memory_space<vmem>> -> memref<128x32xf32, #tpu.memory_space<vmem>>
      %dma_start3A_203 = arith.constant 0 : i32
      %dma_start3A_204 = tpu.memref_slice %arg10[%rem3A_137, %dma_start3A_203] : memref<3x128xi32, #tpu.memory_space<vmem>> -> memref<1x128xi32, #tpu.memory_space<vmem>>
      %dma_start3A_205 = tpu.memref_squeeze %dma_start3A_204 : memref<1x128xi32, #tpu.memory_space<vmem>> -> memref<128xi32, #tpu.memory_space<vmem>>
      %dma_start3A_206 = arith.constant 0 : i32
      %dma_start3A_207 = arith.constant 0 : i32
      %dma_start3A_208 = tpu.memref_slice %arg13[%dma_start3A_206, %dma_start3A_207] : memref<10112x32xf32, #tpu.memory_space<vmem_shared>> -> memref<10112x32xf32, #tpu.memory_space<vmem_shared>>
      %dma_start3A_209 = tpu.memref_slice %arg17[%rem3A_133] : memref<2x!tpu.dma_semaphore, #tpu.memory_space<semaphore_mem>> -> memref<1x!tpu.dma_semaphore, #tpu.memory_space<semaphore_mem>>
      %dma_start3A_210 = tpu.memref_squeeze %dma_start3A_209 : memref<1x!tpu.dma_semaphore, #tpu.memory_space<semaphore_mem>> -> memref<!tpu.dma_semaphore, #tpu.memory_space<semaphore_mem>>
      tpu.enqueue_indirect_dma source(%dma_start3A_202 : memref<128x32xf32, #tpu.memory_space<vmem>>) target(%dma_start3A_208 : memref<10112x32xf32, #tpu.memory_space<vmem_shared>>) offsets(%dma_start3A_205 : memref<128xi32, #tpu.memory_space<vmem>>) semaphore(%dma_start3A_210 : memref<!tpu.dma_semaphore, #tpu.memory_space<semaphore_mem>>) {add = true}
    }
    %while3A_93 = arith.constant 1 : i32
    scf.for %while3A_131 = %while3A_91 to %while3A_87 step %while3A_93  : i32 {
      %rem3A_132 = arith.constant 2 : i32
      %rem3A_133 = arith.remsi %while3A_131, %rem3A_132 : i32
      %sub3A_134 = arith.constant 1 : i32
      %sub3A_135 = arith.subi %sub3A_134, %rem3A_133 : i32
      %rem3A_136 = arith.constant 3 : i32
      %rem3A_137 = arith.remsi %while3A_131, %rem3A_136 : i32
      %add3A_138 = arith.constant 1 : i32
      %add3A_139 = arith.addi %while3A_131, %add3A_138 : i32
      %rem3A_140 = arith.constant 3 : i32
      %rem3A_141 = arith.remsi %add3A_139, %rem3A_140 : i32
      %dma_wait3A_142 = arith.constant 0 : i32
      %dma_wait3A_143 = arith.constant 0 : i32
      %dma_wait3A_144 = tpu.memref_slice %arg7[%rem3A_133, %dma_wait3A_142, %dma_wait3A_143] : memref<2x128x272xf32, #tpu.memory_space<vmem>> -> memref<1x128x272xf32, #tpu.memory_space<vmem>>
      %dma_wait3A_145 = tpu.memref_squeeze %dma_wait3A_144 : memref<1x128x272xf32, #tpu.memory_space<vmem>> -> memref<128x272xf32, #tpu.memory_space<vmem>>
      %dma_wait3A_146 = arith.constant 0 : i32
      %dma_wait3A_147 = tpu.memref_slice %arg9[%rem3A_133, %dma_wait3A_146] : memref<2x128xi32, #tpu.memory_space<vmem>> -> memref<1x128xi32, #tpu.memory_space<vmem>>
      %dma_wait3A_148 = tpu.memref_squeeze %dma_wait3A_147 : memref<1x128xi32, #tpu.memory_space<vmem>> -> memref<128xi32, #tpu.memory_space<vmem>>
      %dma_wait3A_149 = arith.constant 0 : i32
      %dma_wait3A_150 = arith.constant 0 : i32
      %dma_wait3A_151 = tpu.memref_slice %arg2[%dma_wait3A_149, %dma_wait3A_150] : memref<10112x272xf32, #tpu.memory_space<hbm>> -> memref<10112x272xf32, #tpu.memory_space<hbm>>
      %dma_wait3A_152 = tpu.memref_slice %arg14[%rem3A_133] : memref<2x!tpu.dma_semaphore, #tpu.memory_space<semaphore_mem>> -> memref<1x!tpu.dma_semaphore, #tpu.memory_space<semaphore_mem>>
      %dma_wait3A_153 = tpu.memref_squeeze %dma_wait3A_152 : memref<1x!tpu.dma_semaphore, #tpu.memory_space<semaphore_mem>> -> memref<!tpu.dma_semaphore, #tpu.memory_space<semaphore_mem>>
      tpu.wait_indirect_dma semaphore(%dma_wait3A_153 : memref<!tpu.dma_semaphore, #tpu.memory_space<semaphore_mem>>) src(%dma_wait3A_151 : memref<10112x272xf32, #tpu.memory_space<hbm>>) dst(%dma_wait3A_145 : memref<128x272xf32, #tpu.memory_space<vmem>>)
      %ge3A = arith.constant 2 : i32
      %ge3A_154 = arith.cmpi sge, %while3A_131, %ge3A : i32
      %convert_element_type3A_155 = arith.extui %ge3A_154 : i1 to i32
      %cond3A = arith.constant 0 : i32
      %cond3A_156 = arith.cmpi ne, %convert_element_type3A_155, %cond3A : i32
      scf.if %cond3A_156 {
        %dma_wait3A_211 = arith.constant 0 : i32
        %dma_wait3A_212 = arith.constant 0 : i32
        %dma_wait3A_213 = arith.constant 0 : i32
        %dma_wait3A_214 = tpu.memref_slice %arg11[%rem3A_133, %dma_wait3A_212, %dma_wait3A_213] : memref<2x128x32xf32, #tpu.memory_space<vmem>> -> memref<1x128x32xf32, #tpu.memory_space<vmem>>
        %dma_wait3A_215 = tpu.memref_squeeze %dma_wait3A_214 : memref<1x128x32xf32, #tpu.memory_space<vmem>> -> memref<128x32xf32, #tpu.memory_space<vmem>>
        %dma_wait3A_216 = arith.constant 0 : i32
        %dma_wait3A_217 = tpu.memref_slice %arg10[%dma_wait3A_211, %dma_wait3A_216] : memref<3x128xi32, #tpu.memory_space<vmem>> -> memref<1x128xi32, #tpu.memory_space<vmem>>
        %dma_wait3A_218 = tpu.memref_squeeze %dma_wait3A_217 : memref<1x128xi32, #tpu.memory_space<vmem>> -> memref<128xi32, #tpu.memory_space<vmem>>
        %dma_wait3A_219 = arith.constant 0 : i32
        %dma_wait3A_220 = arith.constant 0 : i32
        %dma_wait3A_221 = tpu.memref_slice %arg13[%dma_wait3A_219, %dma_wait3A_220] : memref<10112x32xf32, #tpu.memory_space<vmem_shared>> -> memref<10112x32xf32, #tpu.memory_space<vmem_shared>>
        %dma_wait3A_222 = tpu.memref_slice %arg17[%rem3A_133] : memref<2x!tpu.dma_semaphore, #tpu.memory_space<semaphore_mem>> -> memref<1x!tpu.dma_semaphore, #tpu.memory_space<semaphore_mem>>
        %dma_wait3A_223 = tpu.memref_squeeze %dma_wait3A_222 : memref<1x!tpu.dma_semaphore, #tpu.memory_space<semaphore_mem>> -> memref<!tpu.dma_semaphore, #tpu.memory_space<semaphore_mem>>
        tpu.wait_indirect_dma semaphore(%dma_wait3A_223 : memref<!tpu.dma_semaphore, #tpu.memory_space<semaphore_mem>>) src(%dma_wait3A_215 : memref<128x32xf32, #tpu.memory_space<vmem>>) dst(%dma_wait3A_221 : memref<10112x32xf32, #tpu.memory_space<vmem_shared>>)
      } else {
      }
      %add3A_157 = arith.constant 2 : i32
      %add3A_158 = arith.addi %while3A_131, %add3A_157 : i32
      %lt3A = arith.cmpi slt, %add3A_158, %select_n3A : i32
      %convert_element_type3A_159 = arith.extui %lt3A : i1 to i32
      %cond3A_160 = arith.constant 0 : i32
      %cond3A_161 = arith.cmpi ne, %convert_element_type3A_159, %cond3A_160 : i32
      scf.if %cond3A_161 {
        %add3A_211 = arith.constant 2 : i32
        %add3A_212 = arith.addi %while3A_131, %add3A_211 : i32
        %mul3A_213 = arith.constant 128 : i32
        %mul3A_214 = arith.muli %add3A_212, %mul3A_213 : i32
        %add3A_215 = arith.addi %mul3A_10, %mul3A_214 : i32
        %dma_start3A_216 = arith.constant 0 : i32
        %dma_start3A_217 = tpu.memref_slice %arg9[%rem3A_133, %dma_start3A_216] : memref<2x128xi32, #tpu.memory_space<vmem>> -> memref<1x128xi32, #tpu.memory_space<vmem>>
        %dma_start3A_218 = tpu.memref_squeeze %dma_start3A_217 : memref<1x128xi32, #tpu.memory_space<vmem>> -> memref<128xi32, #tpu.memory_space<vmem>>
        %dma_start3A_219 = tpu.memref_slice %arg4[%add3A_215] : memref<163840xi32, #tpu.memory_space<hbm>> -> memref<128xi32, #tpu.memory_space<hbm>>
        %dma_start3A_220 = tpu.memref_slice %arg15[%rem3A_133] : memref<2x!tpu.dma_semaphore, #tpu.memory_space<semaphore_mem>> -> memref<1x!tpu.dma_semaphore, #tpu.memory_space<semaphore_mem>>
        %dma_start3A_221 = tpu.memref_squeeze %dma_start3A_220 : memref<1x!tpu.dma_semaphore, #tpu.memory_space<semaphore_mem>> -> memref<!tpu.dma_semaphore, #tpu.memory_space<semaphore_mem>>
        %dma_start3A_222 = arith.constant 0 : i32
        %dma_start3A_223 = tpu.memref_slice %arg9[%rem3A_133, %dma_start3A_222] : memref<2x128xi32, #tpu.memory_space<vmem>> -> memref<1x128xi32, #tpu.memory_space<vmem>>
        %dma_start3A_224 = tpu.memref_squeeze %dma_start3A_223 : memref<1x128xi32, #tpu.memory_space<vmem>> -> memref<128xi32, #tpu.memory_space<vmem>>
        %dma_start3A_225 = tpu.memref_slice %arg4[%add3A_215] : memref<163840xi32, #tpu.memory_space<hbm>> -> memref<128xi32, #tpu.memory_space<hbm>>
        tpu.enqueue_dma source(%dma_start3A_225 : memref<128xi32, #tpu.memory_space<hbm>>) target(%dma_start3A_224 : memref<128xi32, #tpu.memory_space<vmem>>) target_semaphore(%dma_start3A_221 : memref<!tpu.dma_semaphore, #tpu.memory_space<semaphore_mem>>)
      } else {
      }
      %add3A_162 = arith.constant 1 : i32
      %add3A_163 = arith.addi %while3A_131, %add3A_162 : i32
      %lt3A_164 = arith.cmpi slt, %add3A_163, %select_n3A : i32
      %convert_element_type3A_165 = arith.extui %lt3A_164 : i1 to i32
      %cond3A_166 = arith.constant 0 : i32
      %cond3A_167 = arith.cmpi ne, %convert_element_type3A_165, %cond3A_166 : i32
      scf.if %cond3A_167 {
        %dma_wait3A_211 = arith.constant 0 : i32
        %dma_wait3A_212 = tpu.memref_slice %arg9[%sub3A_135, %dma_wait3A_211] : memref<2x128xi32, #tpu.memory_space<vmem>> -> memref<1x128xi32, #tpu.memory_space<vmem>>
        %dma_wait3A_213 = tpu.memref_squeeze %dma_wait3A_212 : memref<1x128xi32, #tpu.memory_space<vmem>> -> memref<128xi32, #tpu.memory_space<vmem>>
        %dma_wait3A_214 = arith.constant 0 : i32
        %dma_wait3A_215 = tpu.memref_slice %arg4[%dma_wait3A_214] : memref<163840xi32, #tpu.memory_space<hbm>> -> memref<128xi32, #tpu.memory_space<hbm>>
        %dma_wait3A_216 = tpu.memref_slice %arg15[%sub3A_135] : memref<2x!tpu.dma_semaphore, #tpu.memory_space<semaphore_mem>> -> memref<1x!tpu.dma_semaphore, #tpu.memory_space<semaphore_mem>>
        %dma_wait3A_217 = tpu.memref_squeeze %dma_wait3A_216 : memref<1x!tpu.dma_semaphore, #tpu.memory_space<semaphore_mem>> -> memref<!tpu.dma_semaphore, #tpu.memory_space<semaphore_mem>>
        %dma_wait3A_218 = arith.constant 0 : i32
        %dma_wait3A_219 = tpu.memref_slice %arg9[%sub3A_135, %dma_wait3A_218] : memref<2x128xi32, #tpu.memory_space<vmem>> -> memref<1x128xi32, #tpu.memory_space<vmem>>
        %dma_wait3A_220 = tpu.memref_squeeze %dma_wait3A_219 : memref<1x128xi32, #tpu.memory_space<vmem>> -> memref<128xi32, #tpu.memory_space<vmem>>
        %dma_wait3A_221 = arith.constant 0 : i32
        %dma_wait3A_222 = tpu.memref_slice %arg4[%dma_wait3A_221] : memref<163840xi32, #tpu.memory_space<hbm>> -> memref<128xi32, #tpu.memory_space<hbm>>
        tpu.wait_dma2 semaphore(%dma_wait3A_217 : memref<!tpu.dma_semaphore, #tpu.memory_space<semaphore_mem>>) src(%dma_wait3A_222 : memref<128xi32, #tpu.memory_space<hbm>>) dst(%dma_wait3A_220 : memref<128xi32, #tpu.memory_space<vmem>>)
        %dma_start3A_223 = arith.constant 0 : i32
        %dma_start3A_224 = arith.constant 0 : i32
        %dma_start3A_225 = tpu.memref_slice %arg7[%sub3A_135, %dma_start3A_223, %dma_start3A_224] : memref<2x128x272xf32, #tpu.memory_space<vmem>> -> memref<1x128x272xf32, #tpu.memory_space<vmem>>
        %dma_start3A_226 = tpu.memref_squeeze %dma_start3A_225 : memref<1x128x272xf32, #tpu.memory_space<vmem>> -> memref<128x272xf32, #tpu.memory_space<vmem>>
        %dma_start3A_227 = arith.constant 0 : i32
        %dma_start3A_228 = tpu.memref_slice %arg9[%sub3A_135, %dma_start3A_227] : memref<2x128xi32, #tpu.memory_space<vmem>> -> memref<1x128xi32, #tpu.memory_space<vmem>>
        %dma_start3A_229 = tpu.memref_squeeze %dma_start3A_228 : memref<1x128xi32, #tpu.memory_space<vmem>> -> memref<128xi32, #tpu.memory_space<vmem>>
        %dma_start3A_230 = arith.constant 0 : i32
        %dma_start3A_231 = arith.constant 0 : i32
        %dma_start3A_232 = tpu.memref_slice %arg2[%dma_start3A_230, %dma_start3A_231] : memref<10112x272xf32, #tpu.memory_space<hbm>> -> memref<10112x272xf32, #tpu.memory_space<hbm>>
        %dma_start3A_233 = tpu.memref_slice %arg14[%sub3A_135] : memref<2x!tpu.dma_semaphore, #tpu.memory_space<semaphore_mem>> -> memref<1x!tpu.dma_semaphore, #tpu.memory_space<semaphore_mem>>
        %dma_start3A_234 = tpu.memref_squeeze %dma_start3A_233 : memref<1x!tpu.dma_semaphore, #tpu.memory_space<semaphore_mem>> -> memref<!tpu.dma_semaphore, #tpu.memory_space<semaphore_mem>>
        tpu.enqueue_indirect_dma source(%dma_start3A_232 : memref<10112x272xf32, #tpu.memory_space<hbm>>) target(%dma_start3A_226 : memref<128x272xf32, #tpu.memory_space<vmem>>) offsets(%dma_start3A_229 : memref<128xi32, #tpu.memory_space<vmem>>) semaphore(%dma_start3A_234 : memref<!tpu.dma_semaphore, #tpu.memory_space<semaphore_mem>>)
        %add3A_235 = arith.constant 1 : i32
        %add3A_236 = arith.addi %while3A_131, %add3A_235 : i32
        %mul3A_237 = arith.constant 16 : i32
        %mul3A_238 = arith.muli %add3A_236, %mul3A_237 : i32
        %add3A_239 = arith.addi %mul3A_12, %mul3A_238 : i32
        %dma_start3A_240 = arith.constant 0 : i32
        %dma_start3A_241 = arith.constant 0 : i32
        %dma_start3A_242 = tpu.memref_slice %arg8[%sub3A_135, %dma_start3A_240, %dma_start3A_241] : memref<2x16x128xf32, #tpu.memory_space<vmem>> -> memref<1x16x128xf32, #tpu.memory_space<vmem>>
        %dma_start3A_243 = tpu.memref_squeeze %dma_start3A_242 : memref<1x16x128xf32, #tpu.memory_space<vmem>> -> memref<16x128xf32, #tpu.memory_space<vmem>>
        %dma_start3A_244 = arith.constant 0 : i32
        %dma_start3A_245 = tpu.memref_slice %arg3[%add3A_239, %dma_start3A_244] : memref<20480x128xf32, #tpu.memory_space<hbm>> -> memref<16x128xf32, #tpu.memory_space<hbm>>
        %dma_start3A_246 = tpu.memref_slice %arg16[%sub3A_135] : memref<2x!tpu.dma_semaphore, #tpu.memory_space<semaphore_mem>> -> memref<1x!tpu.dma_semaphore, #tpu.memory_space<semaphore_mem>>
        %dma_start3A_247 = tpu.memref_squeeze %dma_start3A_246 : memref<1x!tpu.dma_semaphore, #tpu.memory_space<semaphore_mem>> -> memref<!tpu.dma_semaphore, #tpu.memory_space<semaphore_mem>>
        %dma_start3A_248 = arith.constant 0 : i32
        %dma_start3A_249 = arith.constant 0 : i32
        %dma_start3A_250 = tpu.memref_slice %arg8[%sub3A_135, %dma_start3A_248, %dma_start3A_249] : memref<2x16x128xf32, #tpu.memory_space<vmem>> -> memref<1x16x128xf32, #tpu.memory_space<vmem>>
        %dma_start3A_251 = tpu.memref_squeeze %dma_start3A_250 : memref<1x16x128xf32, #tpu.memory_space<vmem>> -> memref<16x128xf32, #tpu.memory_space<vmem>>
        %dma_start3A_252 = arith.constant 0 : i32
        %dma_start3A_253 = tpu.memref_slice %arg3[%add3A_239, %dma_start3A_252] : memref<20480x128xf32, #tpu.memory_space<hbm>> -> memref<16x128xf32, #tpu.memory_space<hbm>>
        tpu.enqueue_dma source(%dma_start3A_253 : memref<16x128xf32, #tpu.memory_space<hbm>>) target(%dma_start3A_251 : memref<16x128xf32, #tpu.memory_space<vmem>>) target_semaphore(%dma_start3A_247 : memref<!tpu.dma_semaphore, #tpu.memory_space<semaphore_mem>>)
        %mul3A_254 = arith.constant 128 : i32
        %mul3A_255 = arith.muli %add3A_236, %mul3A_254 : i32
        %add3A_256 = arith.addi %mul3A_10, %mul3A_255 : i32
        %dma_start3A_257 = arith.constant 0 : i32
        %dma_start3A_258 = tpu.memref_slice %arg10[%rem3A_141, %dma_start3A_257] : memref<3x128xi32, #tpu.memory_space<vmem>> -> memref<1x128xi32, #tpu.memory_space<vmem>>
        %dma_start3A_259 = tpu.memref_squeeze %dma_start3A_258 : memref<1x128xi32, #tpu.memory_space<vmem>> -> memref<128xi32, #tpu.memory_space<vmem>>
        %dma_start3A_260 = tpu.memref_slice %arg5[%add3A_256] : memref<163840xi32, #tpu.memory_space<hbm>> -> memref<128xi32, #tpu.memory_space<hbm>>
        %dma_start3A_261 = tpu.memref_slice %arg16[%sub3A_135] : memref<2x!tpu.dma_semaphore, #tpu.memory_space<semaphore_mem>> -> memref<1x!tpu.dma_semaphore, #tpu.memory_space<semaphore_mem>>
        %dma_start3A_262 = tpu.memref_squeeze %dma_start3A_261 : memref<1x!tpu.dma_semaphore, #tpu.memory_space<semaphore_mem>> -> memref<!tpu.dma_semaphore, #tpu.memory_space<semaphore_mem>>
        %dma_start3A_263 = arith.constant 0 : i32
        %dma_start3A_264 = tpu.memref_slice %arg10[%rem3A_141, %dma_start3A_263] : memref<3x128xi32, #tpu.memory_space<vmem>> -> memref<1x128xi32, #tpu.memory_space<vmem>>
        %dma_start3A_265 = tpu.memref_squeeze %dma_start3A_264 : memref<1x128xi32, #tpu.memory_space<vmem>> -> memref<128xi32, #tpu.memory_space<vmem>>
        %dma_start3A_266 = tpu.memref_slice %arg5[%add3A_256] : memref<163840xi32, #tpu.memory_space<hbm>> -> memref<128xi32, #tpu.memory_space<hbm>>
        tpu.enqueue_dma source(%dma_start3A_266 : memref<128xi32, #tpu.memory_space<hbm>>) target(%dma_start3A_265 : memref<128xi32, #tpu.memory_space<vmem>>) target_semaphore(%dma_start3A_262 : memref<!tpu.dma_semaphore, #tpu.memory_space<semaphore_mem>>)
      } else {
      }
      %dma_wait3A_168 = arith.constant 0 : i32
      %dma_wait3A_169 = arith.constant 0 : i32
      %dma_wait3A_170 = tpu.memref_slice %arg8[%rem3A_133, %dma_wait3A_168, %dma_wait3A_169] : memref<2x16x128xf32, #tpu.memory_space<vmem>> -> memref<1x16x128xf32, #tpu.memory_space<vmem>>
      %dma_wait3A_171 = tpu.memref_squeeze %dma_wait3A_170 : memref<1x16x128xf32, #tpu.memory_space<vmem>> -> memref<16x128xf32, #tpu.memory_space<vmem>>
      %dma_wait3A_172 = arith.constant 0 : i32
      %dma_wait3A_173 = arith.constant 0 : i32
      %dma_wait3A_174 = tpu.memref_slice %arg3[%dma_wait3A_172, %dma_wait3A_173] : memref<20480x128xf32, #tpu.memory_space<hbm>> -> memref<16x128xf32, #tpu.memory_space<hbm>>
      %dma_wait3A_175 = tpu.memref_slice %arg16[%rem3A_133] : memref<2x!tpu.dma_semaphore, #tpu.memory_space<semaphore_mem>> -> memref<1x!tpu.dma_semaphore, #tpu.memory_space<semaphore_mem>>
      %dma_wait3A_176 = tpu.memref_squeeze %dma_wait3A_175 : memref<1x!tpu.dma_semaphore, #tpu.memory_space<semaphore_mem>> -> memref<!tpu.dma_semaphore, #tpu.memory_space<semaphore_mem>>
      %dma_wait3A_177 = arith.constant 0 : i32
      %dma_wait3A_178 = arith.constant 0 : i32
      %dma_wait3A_179 = tpu.memref_slice %arg8[%rem3A_133, %dma_wait3A_177, %dma_wait3A_178] : memref<2x16x128xf32, #tpu.memory_space<vmem>> -> memref<1x16x128xf32, #tpu.memory_space<vmem>>
      %dma_wait3A_180 = tpu.memref_squeeze %dma_wait3A_179 : memref<1x16x128xf32, #tpu.memory_space<vmem>> -> memref<16x128xf32, #tpu.memory_space<vmem>>
      %dma_wait3A_181 = arith.constant 0 : i32
      %dma_wait3A_182 = arith.constant 0 : i32
      %dma_wait3A_183 = tpu.memref_slice %arg3[%dma_wait3A_181, %dma_wait3A_182] : memref<20480x128xf32, #tpu.memory_space<hbm>> -> memref<16x128xf32, #tpu.memory_space<hbm>>
      tpu.wait_dma2 semaphore(%dma_wait3A_176 : memref<!tpu.dma_semaphore, #tpu.memory_space<semaphore_mem>>) src(%dma_wait3A_183 : memref<16x128xf32, #tpu.memory_space<hbm>>) dst(%dma_wait3A_180 : memref<16x128xf32, #tpu.memory_space<vmem>>)
      %dma_wait3A_184 = arith.constant 0 : i32
      %dma_wait3A_185 = arith.constant 0 : i32
      %dma_wait3A_186 = tpu.memref_slice %arg10[%dma_wait3A_184, %dma_wait3A_185] : memref<3x128xi32, #tpu.memory_space<vmem>> -> memref<1x128xi32, #tpu.memory_space<vmem>>
      %dma_wait3A_187 = tpu.memref_squeeze %dma_wait3A_186 : memref<1x128xi32, #tpu.memory_space<vmem>> -> memref<128xi32, #tpu.memory_space<vmem>>
      %dma_wait3A_188 = arith.constant 0 : i32
      %dma_wait3A_189 = tpu.memref_slice %arg5[%dma_wait3A_188] : memref<163840xi32, #tpu.memory_space<hbm>> -> memref<128xi32, #tpu.memory_space<hbm>>
      %dma_wait3A_190 = tpu.memref_slice %arg16[%rem3A_133] : memref<2x!tpu.dma_semaphore, #tpu.memory_space<semaphore_mem>> -> memref<1x!tpu.dma_semaphore, #tpu.memory_space<semaphore_mem>>
      %dma_wait3A_191 = tpu.memref_squeeze %dma_wait3A_190 : memref<1x!tpu.dma_semaphore, #tpu.memory_space<semaphore_mem>> -> memref<!tpu.dma_semaphore, #tpu.memory_space<semaphore_mem>>
      %dma_wait3A_192 = arith.constant 0 : i32
      %dma_wait3A_193 = tpu.memref_slice %arg10[%dma_wait3A_184, %dma_wait3A_192] : memref<3x128xi32, #tpu.memory_space<vmem>> -> memref<1x128xi32, #tpu.memory_space<vmem>>
      %dma_wait3A_194 = tpu.memref_squeeze %dma_wait3A_193 : memref<1x128xi32, #tpu.memory_space<vmem>> -> memref<128xi32, #tpu.memory_space<vmem>>
      %dma_wait3A_195 = arith.constant 0 : i32
      %dma_wait3A_196 = tpu.memref_slice %arg5[%dma_wait3A_195] : memref<163840xi32, #tpu.memory_space<hbm>> -> memref<128xi32, #tpu.memory_space<hbm>>
      tpu.wait_dma2 semaphore(%dma_wait3A_191 : memref<!tpu.dma_semaphore, #tpu.memory_space<semaphore_mem>>) src(%dma_wait3A_196 : memref<128xi32, #tpu.memory_space<hbm>>) dst(%dma_wait3A_194 : memref<128xi32, #tpu.memory_space<vmem>>)
      %parallel_loop3A = arith.constant 0 : i32
      %parallel_loop3A_197 = arith.constant 128 : i32
      %parallel_loop3A_198 = arith.constant 1 : i32
      scf.for %parallel_loop3A_211 = %parallel_loop3A to %parallel_loop3A_197 step %parallel_loop3A_198  : i32 {
        %parallel_loop3A_212 = arith.constant 8 : i32
        %parallel_loop3A_213 = arith.divsi %parallel_loop3A_211, %parallel_loop3A_212 : i32
        %parallel_loop3A_214 = arith.constant 0 : i32
        %parallel_loop3A_215 = arith.cmpi sgt, %parallel_loop3A_211, %parallel_loop3A_214 : i32
        %parallel_loop3A_216 = arith.extui %parallel_loop3A_215 : i1 to i32
        %parallel_loop3A_217 = arith.constant 0 : i32
        %parallel_loop3A_218 = arith.cmpi slt, %parallel_loop3A_211, %parallel_loop3A_217 : i32
        %parallel_loop3A_219 = arith.extui %parallel_loop3A_218 : i1 to i32
        %parallel_loop3A_220 = arith.subi %parallel_loop3A_216, %parallel_loop3A_219 : i32
        %parallel_loop3A_221 = arith.constant 0 : i32
        %parallel_loop3A_222 = arith.cmpi sgt, %parallel_loop3A_212, %parallel_loop3A_221 : i32
        %parallel_loop3A_223 = arith.extui %parallel_loop3A_222 : i1 to i32
        %parallel_loop3A_224 = arith.constant 0 : i32
        %parallel_loop3A_225 = arith.cmpi slt, %parallel_loop3A_212, %parallel_loop3A_224 : i32
        %parallel_loop3A_226 = arith.extui %parallel_loop3A_225 : i1 to i32
        %parallel_loop3A_227 = arith.subi %parallel_loop3A_223, %parallel_loop3A_226 : i32
        %parallel_loop3A_228 = arith.cmpi ne, %parallel_loop3A_220, %parallel_loop3A_227 : i32
        %parallel_loop3A_229 = arith.remsi %parallel_loop3A_211, %parallel_loop3A_212 : i32
        %parallel_loop3A_230 = arith.constant 0 : i32
        %parallel_loop3A_231 = arith.cmpi ne, %parallel_loop3A_229, %parallel_loop3A_230 : i32
        %parallel_loop3A_232 = arith.andi %parallel_loop3A_228, %parallel_loop3A_231 : i1
        %parallel_loop3A_233 = arith.constant 1 : i32
        %parallel_loop3A_234 = arith.subi %parallel_loop3A_213, %parallel_loop3A_233 : i32
        %parallel_loop3A_235 = arith.select %parallel_loop3A_232, %parallel_loop3A_234, %parallel_loop3A_213 : i32
        %parallel_loop3A_236 = arith.constant 8 : i32
        %parallel_loop3A_237 = arith.constant 0 : i32
        %parallel_loop3A_238 = arith.cmpi eq, %parallel_loop3A_236, %parallel_loop3A_237 : i32
        %parallel_loop3A_239 = arith.constant 1 : i32
        %parallel_loop3A_240 = arith.select %parallel_loop3A_238, %parallel_loop3A_239, %parallel_loop3A_236 : i32
        %parallel_loop3A_241 = arith.remsi %parallel_loop3A_211, %parallel_loop3A_240 : i32
        %parallel_loop3A_242 = arith.constant 0 : i32
        %parallel_loop3A_243 = arith.cmpi ne, %parallel_loop3A_241, %parallel_loop3A_242 : i32
        %parallel_loop3A_244 = arith.constant 0 : i32
        %parallel_loop3A_245 = arith.cmpi slt, %parallel_loop3A_241, %parallel_loop3A_244 : i32
        %parallel_loop3A_246 = arith.constant 0 : i32
        %parallel_loop3A_247 = arith.cmpi slt, %parallel_loop3A_240, %parallel_loop3A_246 : i32
        %parallel_loop3A_248 = arith.xori %parallel_loop3A_245, %parallel_loop3A_247 : i1
        %parallel_loop3A_249 = arith.andi %parallel_loop3A_248, %parallel_loop3A_243 : i1
        %parallel_loop3A_250 = arith.addi %parallel_loop3A_241, %parallel_loop3A_240 : i32
        %parallel_loop3A_251 = arith.select %parallel_loop3A_249, %parallel_loop3A_250, %parallel_loop3A_241 : i32
        %parallel_loop3A_252 = arith.constant 16 : i32
        %parallel_loop3A_253 = arith.muli %parallel_loop3A_251, %parallel_loop3A_252 : i32
        %parallel_loop3A_254 = arith.index_cast %rem3A_133 : i32 to index
        %parallel_loop3A_255 = arith.index_cast %parallel_loop3A_235 : i32 to index
        %parallel_loop3A_256 = arith.index_cast %parallel_loop3A_253 : i32 to index
        %parallel_loop3A_257 = tpu.vector_load %arg8[%parallel_loop3A_254, %parallel_loop3A_255, %parallel_loop3A_256] {strides = array<i32>} : memref<2x16x128xf32, #tpu.memory_space<vmem>>, vector<1x1x16xf32>,
        %parallel_loop3A_258 = vector.shape_cast %parallel_loop3A_257 : vector<1x1x16xf32> to vector<16xf32>
        %parallel_loop3A_259 = arith.index_cast %rem3A_133 : i32 to index
        %parallel_loop3A_260 = arith.index_cast %parallel_loop3A_211 : i32 to index
        %parallel_loop3A_261 = arith.constant 256 : index
        %parallel_loop3A_262 = tpu.vector_load %arg7[%parallel_loop3A_259, %parallel_loop3A_260, %parallel_loop3A_261] {strides = array<i32>} : memref<2x128x272xf32, #tpu.memory_space<vmem>>, vector<1x1x16xf32>,
        %parallel_loop3A_263 = vector.shape_cast %parallel_loop3A_262 : vector<1x1x16xf32> to vector<16xf32>
        %parallel_loop3A_264 = vector.extract_strided_slice %parallel_loop3A_258 {offsets = [1], sizes = [1], strides = [1]} : vector<16xf32> to vector<1xf32>
        %parallel_loop3A_265 = vector.extract %parallel_loop3A_264[0] : f32 from vector<1xf32>
        %parallel_loop3A_266 = arith.index_cast %rem3A_133 : i32 to index
        %parallel_loop3A_267 = arith.index_cast %parallel_loop3A_211 : i32 to index
        %parallel_loop3A_268 = arith.constant 16 : index
        %parallel_loop3A_269 = tpu.vector_load %arg7[%parallel_loop3A_266, %parallel_loop3A_267, %parallel_loop3A_268] {strides = array<i32>} : memref<2x128x272xf32, #tpu.memory_space<vmem>>, vector<1x1x16xf32>,
        %parallel_loop3A_270 = vector.shape_cast %parallel_loop3A_269 : vector<1x1x16xf32> to vector<16xf32>
        %parallel_loop3A_271 = vector.broadcast %parallel_loop3A_265 : f32 to vector<16xf32>
        %parallel_loop3A_272 = arith.mulf %parallel_loop3A_271, %parallel_loop3A_270 : vector<16xf32>
        %parallel_loop3A_273 = vector.extract_strided_slice %parallel_loop3A_258 {offsets = [2], sizes = [1], strides = [1]} : vector<16xf32> to vector<1xf32>
        %parallel_loop3A_274 = vector.extract %parallel_loop3A_273[0] : f32 from vector<1xf32>
        %parallel_loop3A_275 = arith.index_cast %rem3A_133 : i32 to index
        %parallel_loop3A_276 = arith.index_cast %parallel_loop3A_211 : i32 to index
        %parallel_loop3A_277 = arith.constant 32 : index
        %parallel_loop3A_278 = tpu.vector_load %arg7[%parallel_loop3A_275, %parallel_loop3A_276, %parallel_loop3A_277] {strides = array<i32>} : memref<2x128x272xf32, #tpu.memory_space<vmem>>, vector<1x1x16xf32>,
        %parallel_loop3A_279 = vector.shape_cast %parallel_loop3A_278 : vector<1x1x16xf32> to vector<16xf32>
        %parallel_loop3A_280 = vector.broadcast %parallel_loop3A_274 : f32 to vector<16xf32>
        %parallel_loop3A_281 = arith.mulf %parallel_loop3A_280, %parallel_loop3A_279 : vector<16xf32>
        %parallel_loop3A_282 = vector.extract_strided_slice %parallel_loop3A_258 {offsets = [3], sizes = [1], strides = [1]} : vector<16xf32> to vector<1xf32>
        %parallel_loop3A_283 = vector.extract %parallel_loop3A_282[0] : f32 from vector<1xf32>
        %parallel_loop3A_284 = arith.index_cast %rem3A_133 : i32 to index
        %parallel_loop3A_285 = arith.index_cast %parallel_loop3A_211 : i32 to index
        %parallel_loop3A_286 = arith.constant 48 : index
        %parallel_loop3A_287 = tpu.vector_load %arg7[%parallel_loop3A_284, %parallel_loop3A_285, %parallel_loop3A_286] {strides = array<i32>} : memref<2x128x272xf32, #tpu.memory_space<vmem>>, vector<1x1x16xf32>,
        %parallel_loop3A_288 = vector.shape_cast %parallel_loop3A_287 : vector<1x1x16xf32> to vector<16xf32>
        %parallel_loop3A_289 = vector.broadcast %parallel_loop3A_283 : f32 to vector<16xf32>
        %parallel_loop3A_290 = arith.mulf %parallel_loop3A_289, %parallel_loop3A_288 : vector<16xf32>
        %parallel_loop3A_291 = vector.extract_strided_slice %parallel_loop3A_258 {offsets = [0], sizes = [1], strides = [1]} : vector<16xf32> to vector<1xf32>
        %parallel_loop3A_292 = vector.extract %parallel_loop3A_291[0] : f32 from vector<1xf32>
        %parallel_loop3A_293 = arith.index_cast %rem3A_133 : i32 to index
        %parallel_loop3A_294 = arith.index_cast %parallel_loop3A_211 : i32 to index
        %parallel_loop3A_295 = arith.constant 0 : index
        %parallel_loop3A_296 = tpu.vector_load %arg7[%parallel_loop3A_293, %parallel_loop3A_294, %parallel_loop3A_295] {strides = array<i32>} : memref<2x128x272xf32, #tpu.memory_space<vmem>>, vector<1x1x16xf32>,
        %parallel_loop3A_297 = vector.shape_cast %parallel_loop3A_296 : vector<1x1x16xf32> to vector<16xf32>
        %parallel_loop3A_298 = vector.broadcast %parallel_loop3A_292 : f32 to vector<16xf32>
        %parallel_loop3A_299 = arith.mulf %parallel_loop3A_298, %parallel_loop3A_297 : vector<16xf32>
        %parallel_loop3A_300 = arith.addf %parallel_loop3A_263, %parallel_loop3A_299 : vector<16xf32>
        %parallel_loop3A_301 = vector.extract_strided_slice %parallel_loop3A_258 {offsets = [4], sizes = [1], strides = [1]} : vector<16xf32> to vector<1xf32>
        %parallel_loop3A_302 = vector.extract %parallel_loop3A_301[0] : f32 from vector<1xf32>
        %parallel_loop3A_303 = arith.index_cast %rem3A_133 : i32 to index
        %parallel_loop3A_304 = arith.index_cast %parallel_loop3A_211 : i32 to index
        %parallel_loop3A_305 = arith.constant 64 : index
        %parallel_loop3A_306 = tpu.vector_load %arg7[%parallel_loop3A_303, %parallel_loop3A_304, %parallel_loop3A_305] {strides = array<i32>} : memref<2x128x272xf32, #tpu.memory_space<vmem>>, vector<1x1x16xf32>,
        %parallel_loop3A_307 = vector.shape_cast %parallel_loop3A_306 : vector<1x1x16xf32> to vector<16xf32>
        %parallel_loop3A_308 = vector.broadcast %parallel_loop3A_302 : f32 to vector<16xf32>
        %parallel_loop3A_309 = arith.mulf %parallel_loop3A_308, %parallel_loop3A_307 : vector<16xf32>
        %parallel_loop3A_310 = arith.addf %parallel_loop3A_300, %parallel_loop3A_309 : vector<16xf32>
        %parallel_loop3A_311 = vector.extract_strided_slice %parallel_loop3A_258 {offsets = [5], sizes = [1], strides = [1]} : vector<16xf32> to vector<1xf32>
        %parallel_loop3A_312 = vector.extract %parallel_loop3A_311[0] : f32 from vector<1xf32>
        %parallel_loop3A_313 = arith.index_cast %rem3A_133 : i32 to index
        %parallel_loop3A_314 = arith.index_cast %parallel_loop3A_211 : i32 to index
        %parallel_loop3A_315 = arith.constant 80 : index
        %parallel_loop3A_316 = tpu.vector_load %arg7[%parallel_loop3A_313, %parallel_loop3A_314, %parallel_loop3A_315] {strides = array<i32>} : memref<2x128x272xf32, #tpu.memory_space<vmem>>, vector<1x1x16xf32>,
        %parallel_loop3A_317 = vector.shape_cast %parallel_loop3A_316 : vector<1x1x16xf32> to vector<16xf32>
        %parallel_loop3A_318 = vector.broadcast %parallel_loop3A_312 : f32 to vector<16xf32>
        %parallel_loop3A_319 = arith.mulf %parallel_loop3A_318, %parallel_loop3A_317 : vector<16xf32>
        %parallel_loop3A_320 = arith.addf %parallel_loop3A_272, %parallel_loop3A_319 : vector<16xf32>
        %parallel_loop3A_321 = vector.extract_strided_slice %parallel_loop3A_258 {offsets = [6], sizes = [1], strides = [1]} : vector<16xf32> to vector<1xf32>
        %parallel_loop3A_322 = vector.extract %parallel_loop3A_321[0] : f32 from vector<1xf32>
        %parallel_loop3A_323 = arith.index_cast %rem3A_133 : i32 to index
        %parallel_loop3A_324 = arith.index_cast %parallel_loop3A_211 : i32 to index
        %parallel_loop3A_325 = arith.constant 96 : index
        %parallel_loop3A_326 = tpu.vector_load %arg7[%parallel_loop3A_323, %parallel_loop3A_324, %parallel_loop3A_325] {strides = array<i32>} : memref<2x128x272xf32, #tpu.memory_space<vmem>>, vector<1x1x16xf32>,
        %parallel_loop3A_327 = vector.shape_cast %parallel_loop3A_326 : vector<1x1x16xf32> to vector<16xf32>
        %parallel_loop3A_328 = vector.broadcast %parallel_loop3A_322 : f32 to vector<16xf32>
        %parallel_loop3A_329 = arith.mulf %parallel_loop3A_328, %parallel_loop3A_327 : vector<16xf32>
        %parallel_loop3A_330 = arith.addf %parallel_loop3A_281, %parallel_loop3A_329 : vector<16xf32>
        %parallel_loop3A_331 = vector.extract_strided_slice %parallel_loop3A_258 {offsets = [7], sizes = [1], strides = [1]} : vector<16xf32> to vector<1xf32>
        %parallel_loop3A_332 = vector.extract %parallel_loop3A_331[0] : f32 from vector<1xf32>
        %parallel_loop3A_333 = arith.index_cast %rem3A_133 : i32 to index
        %parallel_loop3A_334 = arith.index_cast %parallel_loop3A_211 : i32 to index
        %parallel_loop3A_335 = arith.constant 112 : index
        %parallel_loop3A_336 = tpu.vector_load %arg7[%parallel_loop3A_333, %parallel_loop3A_334, %parallel_loop3A_335] {strides = array<i32>} : memref<2x128x272xf32, #tpu.memory_space<vmem>>, vector<1x1x16xf32>,
        %parallel_loop3A_337 = vector.shape_cast %parallel_loop3A_336 : vector<1x1x16xf32> to vector<16xf32>
        %parallel_loop3A_338 = vector.broadcast %parallel_loop3A_332 : f32 to vector<16xf32>
        %parallel_loop3A_339 = arith.mulf %parallel_loop3A_338, %parallel_loop3A_337 : vector<16xf32>
        %parallel_loop3A_340 = arith.addf %parallel_loop3A_290, %parallel_loop3A_339 : vector<16xf32>
        %parallel_loop3A_341 = vector.extract_strided_slice %parallel_loop3A_258 {offsets = [8], sizes = [1], strides = [1]} : vector<16xf32> to vector<1xf32>
        %parallel_loop3A_342 = vector.extract %parallel_loop3A_341[0] : f32 from vector<1xf32>
        %parallel_loop3A_343 = arith.index_cast %rem3A_133 : i32 to index
        %parallel_loop3A_344 = arith.index_cast %parallel_loop3A_211 : i32 to index
        %parallel_loop3A_345 = arith.constant 128 : index
        %parallel_loop3A_346 = tpu.vector_load %arg7[%parallel_loop3A_343, %parallel_loop3A_344, %parallel_loop3A_345] {strides = array<i32>} : memref<2x128x272xf32, #tpu.memory_space<vmem>>, vector<1x1x16xf32>,
        %parallel_loop3A_347 = vector.shape_cast %parallel_loop3A_346 : vector<1x1x16xf32> to vector<16xf32>
        %parallel_loop3A_348 = vector.broadcast %parallel_loop3A_342 : f32 to vector<16xf32>
        %parallel_loop3A_349 = arith.mulf %parallel_loop3A_348, %parallel_loop3A_347 : vector<16xf32>
        %parallel_loop3A_350 = arith.addf %parallel_loop3A_310, %parallel_loop3A_349 : vector<16xf32>
        %parallel_loop3A_351 = vector.extract_strided_slice %parallel_loop3A_258 {offsets = [9], sizes = [1], strides = [1]} : vector<16xf32> to vector<1xf32>
        %parallel_loop3A_352 = vector.extract %parallel_loop3A_351[0] : f32 from vector<1xf32>
        %parallel_loop3A_353 = arith.index_cast %rem3A_133 : i32 to index
        %parallel_loop3A_354 = arith.index_cast %parallel_loop3A_211 : i32 to index
        %parallel_loop3A_355 = arith.constant 144 : index
        %parallel_loop3A_356 = tpu.vector_load %arg7[%parallel_loop3A_353, %parallel_loop3A_354, %parallel_loop3A_355] {strides = array<i32>} : memref<2x128x272xf32, #tpu.memory_space<vmem>>, vector<1x1x16xf32>,
        %parallel_loop3A_357 = vector.shape_cast %parallel_loop3A_356 : vector<1x1x16xf32> to vector<16xf32>
        %parallel_loop3A_358 = vector.broadcast %parallel_loop3A_352 : f32 to vector<16xf32>
        %parallel_loop3A_359 = arith.mulf %parallel_loop3A_358, %parallel_loop3A_357 : vector<16xf32>
        %parallel_loop3A_360 = arith.addf %parallel_loop3A_320, %parallel_loop3A_359 : vector<16xf32>
        %parallel_loop3A_361 = vector.extract_strided_slice %parallel_loop3A_258 {offsets = [10], sizes = [1], strides = [1]} : vector<16xf32> to vector<1xf32>
        %parallel_loop3A_362 = vector.extract %parallel_loop3A_361[0] : f32 from vector<1xf32>
        %parallel_loop3A_363 = arith.index_cast %rem3A_133 : i32 to index
        %parallel_loop3A_364 = arith.index_cast %parallel_loop3A_211 : i32 to index
        %parallel_loop3A_365 = arith.constant 160 : index
        %parallel_loop3A_366 = tpu.vector_load %arg7[%parallel_loop3A_363, %parallel_loop3A_364, %parallel_loop3A_365] {strides = array<i32>} : memref<2x128x272xf32, #tpu.memory_space<vmem>>, vector<1x1x16xf32>,
        %parallel_loop3A_367 = vector.shape_cast %parallel_loop3A_366 : vector<1x1x16xf32> to vector<16xf32>
        %parallel_loop3A_368 = vector.broadcast %parallel_loop3A_362 : f32 to vector<16xf32>
        %parallel_loop3A_369 = arith.mulf %parallel_loop3A_368, %parallel_loop3A_367 : vector<16xf32>
        %parallel_loop3A_370 = arith.addf %parallel_loop3A_330, %parallel_loop3A_369 : vector<16xf32>
        %parallel_loop3A_371 = vector.extract_strided_slice %parallel_loop3A_258 {offsets = [11], sizes = [1], strides = [1]} : vector<16xf32> to vector<1xf32>
        %parallel_loop3A_372 = vector.extract %parallel_loop3A_371[0] : f32 from vector<1xf32>
        %parallel_loop3A_373 = arith.index_cast %rem3A_133 : i32 to index
        %parallel_loop3A_374 = arith.index_cast %parallel_loop3A_211 : i32 to index
        %parallel_loop3A_375 = arith.constant 176 : index
        %parallel_loop3A_376 = tpu.vector_load %arg7[%parallel_loop3A_373, %parallel_loop3A_374, %parallel_loop3A_375] {strides = array<i32>} : memref<2x128x272xf32, #tpu.memory_space<vmem>>, vector<1x1x16xf32>,
        %parallel_loop3A_377 = vector.shape_cast %parallel_loop3A_376 : vector<1x1x16xf32> to vector<16xf32>
        %parallel_loop3A_378 = vector.broadcast %parallel_loop3A_372 : f32 to vector<16xf32>
        %parallel_loop3A_379 = arith.mulf %parallel_loop3A_378, %parallel_loop3A_377 : vector<16xf32>
        %parallel_loop3A_380 = arith.addf %parallel_loop3A_340, %parallel_loop3A_379 : vector<16xf32>
        %parallel_loop3A_381 = vector.extract_strided_slice %parallel_loop3A_258 {offsets = [12], sizes = [1], strides = [1]} : vector<16xf32> to vector<1xf32>
        %parallel_loop3A_382 = vector.extract %parallel_loop3A_381[0] : f32 from vector<1xf32>
        %parallel_loop3A_383 = arith.index_cast %rem3A_133 : i32 to index
        %parallel_loop3A_384 = arith.index_cast %parallel_loop3A_211 : i32 to index
        %parallel_loop3A_385 = arith.constant 192 : index
        %parallel_loop3A_386 = tpu.vector_load %arg7[%parallel_loop3A_383, %parallel_loop3A_384, %parallel_loop3A_385] {strides = array<i32>} : memref<2x128x272xf32, #tpu.memory_space<vmem>>, vector<1x1x16xf32>,
        %parallel_loop3A_387 = vector.shape_cast %parallel_loop3A_386 : vector<1x1x16xf32> to vector<16xf32>
        %parallel_loop3A_388 = vector.broadcast %parallel_loop3A_382 : f32 to vector<16xf32>
        %parallel_loop3A_389 = arith.mulf %parallel_loop3A_388, %parallel_loop3A_387 : vector<16xf32>
        %parallel_loop3A_390 = arith.addf %parallel_loop3A_350, %parallel_loop3A_389 : vector<16xf32>
        %parallel_loop3A_391 = vector.extract_strided_slice %parallel_loop3A_258 {offsets = [13], sizes = [1], strides = [1]} : vector<16xf32> to vector<1xf32>
        %parallel_loop3A_392 = vector.extract %parallel_loop3A_391[0] : f32 from vector<1xf32>
        %parallel_loop3A_393 = arith.index_cast %rem3A_133 : i32 to index
        %parallel_loop3A_394 = arith.index_cast %parallel_loop3A_211 : i32 to index
        %parallel_loop3A_395 = arith.constant 208 : index
        %parallel_loop3A_396 = tpu.vector_load %arg7[%parallel_loop3A_393, %parallel_loop3A_394, %parallel_loop3A_395] {strides = array<i32>} : memref<2x128x272xf32, #tpu.memory_space<vmem>>, vector<1x1x16xf32>,
        %parallel_loop3A_397 = vector.shape_cast %parallel_loop3A_396 : vector<1x1x16xf32> to vector<16xf32>
        %parallel_loop3A_398 = vector.broadcast %parallel_loop3A_392 : f32 to vector<16xf32>
        %parallel_loop3A_399 = arith.mulf %parallel_loop3A_398, %parallel_loop3A_397 : vector<16xf32>
        %parallel_loop3A_400 = arith.addf %parallel_loop3A_360, %parallel_loop3A_399 : vector<16xf32>
        %parallel_loop3A_401 = vector.extract_strided_slice %parallel_loop3A_258 {offsets = [14], sizes = [1], strides = [1]} : vector<16xf32> to vector<1xf32>
        %parallel_loop3A_402 = vector.extract %parallel_loop3A_401[0] : f32 from vector<1xf32>
        %parallel_loop3A_403 = arith.index_cast %rem3A_133 : i32 to index
        %parallel_loop3A_404 = arith.index_cast %parallel_loop3A_211 : i32 to index
        %parallel_loop3A_405 = arith.constant 224 : index
        %parallel_loop3A_406 = tpu.vector_load %arg7[%parallel_loop3A_403, %parallel_loop3A_404, %parallel_loop3A_405] {strides = array<i32>} : memref<2x128x272xf32, #tpu.memory_space<vmem>>, vector<1x1x16xf32>,
        %parallel_loop3A_407 = vector.shape_cast %parallel_loop3A_406 : vector<1x1x16xf32> to vector<16xf32>
        %parallel_loop3A_408 = vector.broadcast %parallel_loop3A_402 : f32 to vector<16xf32>
        %parallel_loop3A_409 = arith.mulf %parallel_loop3A_408, %parallel_loop3A_407 : vector<16xf32>
        %parallel_loop3A_410 = arith.addf %parallel_loop3A_370, %parallel_loop3A_409 : vector<16xf32>
        %parallel_loop3A_411 = vector.extract_strided_slice %parallel_loop3A_258 {offsets = [15], sizes = [1], strides = [1]} : vector<16xf32> to vector<1xf32>
        %parallel_loop3A_412 = vector.extract %parallel_loop3A_411[0] : f32 from vector<1xf32>
        %parallel_loop3A_413 = arith.index_cast %rem3A_133 : i32 to index
        %parallel_loop3A_414 = arith.index_cast %parallel_loop3A_211 : i32 to index
        %parallel_loop3A_415 = arith.constant 240 : index
        %parallel_loop3A_416 = tpu.vector_load %arg7[%parallel_loop3A_413, %parallel_loop3A_414, %parallel_loop3A_415] {strides = array<i32>} : memref<2x128x272xf32, #tpu.memory_space<vmem>>, vector<1x1x16xf32>,
        %parallel_loop3A_417 = vector.shape_cast %parallel_loop3A_416 : vector<1x1x16xf32> to vector<16xf32>
        %parallel_loop3A_418 = vector.broadcast %parallel_loop3A_412 : f32 to vector<16xf32>
        %parallel_loop3A_419 = arith.mulf %parallel_loop3A_418, %parallel_loop3A_417 : vector<16xf32>
        %parallel_loop3A_420 = arith.addf %parallel_loop3A_380, %parallel_loop3A_419 : vector<16xf32>
        %parallel_loop3A_421 = arith.addf %parallel_loop3A_390, %parallel_loop3A_400 : vector<16xf32>
        %parallel_loop3A_422 = arith.addf %parallel_loop3A_410, %parallel_loop3A_420 : vector<16xf32>
        %parallel_loop3A_423 = arith.addf %parallel_loop3A_421, %parallel_loop3A_422 : vector<16xf32>
        %parallel_loop3A_424 = arith.index_cast %rem3A_133 : i32 to index
        %parallel_loop3A_425 = arith.index_cast %parallel_loop3A_211 : i32 to index
        %parallel_loop3A_426 = arith.constant 0 : index
        %parallel_loop3A_427 = tpu.vector_load %arg11[%parallel_loop3A_424, %parallel_loop3A_425, %parallel_loop3A_426] {strides = array<i32>} : memref<2x128x32xf32, #tpu.memory_space<vmem>>, vector<1x1x16xf32>,
        %parallel_loop3A_428 = vector.shape_cast %parallel_loop3A_427 : vector<1x1x16xf32> to vector<16xf32>
        %parallel_loop3A_429 = vector.shape_cast %parallel_loop3A_423 : vector<16xf32> to vector<1x1x16xf32>
        tpu.vector_store %arg11[%parallel_loop3A_424, %parallel_loop3A_425, %parallel_loop3A_426], %parallel_loop3A_429 {strides = array<i32>} : memref<2x128x32xf32, #tpu.memory_space<vmem>>, vector<1x1x16xf32>,
        %parallel_loop3A_430 = arith.index_cast %rem3A_133 : i32 to index
        %parallel_loop3A_431 = arith.index_cast %parallel_loop3A_211 : i32 to index
        %parallel_loop3A_432 = arith.constant 16 : index
        %parallel_loop3A_433 = tpu.vector_load %arg11[%parallel_loop3A_430, %parallel_loop3A_431, %parallel_loop3A_432] {strides = array<i32>} : memref<2x128x32xf32, #tpu.memory_space<vmem>>, vector<1x1x16xf32>,
        %parallel_loop3A_434 = vector.shape_cast %parallel_loop3A_433 : vector<1x1x16xf32> to vector<16xf32>
        %parallel_loop3A_435 = vector.shape_cast %max3A_24 : vector<16xf32> to vector<1x1x16xf32>
        tpu.vector_store %arg11[%parallel_loop3A_430, %parallel_loop3A_431, %parallel_loop3A_432], %parallel_loop3A_435 {strides = array<i32>} : memref<2x128x32xf32, #tpu.memory_space<vmem>>, vector<1x1x16xf32>,
      } {sc.loop_unroll_factor = 4 : i64, sc.parallel_access}
      %dma_start3A_199 = arith.constant 0 : i32
      %dma_start3A_200 = arith.constant 0 : i32
      %dma_start3A_201 = tpu.memref_slice %arg11[%rem3A_133, %dma_start3A_199, %dma_start3A_200] : memref<2x128x32xf32, #tpu.memory_space<vmem>> -> memref<1x128x32xf32, #tpu.memory_space<vmem>>
      %dma_start3A_202 = tpu.memref_squeeze %dma_start3A_201 : memref<1x128x32xf32, #tpu.memory_space<vmem>> -> memref<128x32xf32, #tpu.memory_space<vmem>>
      %dma_start3A_203 = arith.constant 0 : i32
      %dma_start3A_204 = tpu.memref_slice %arg10[%rem3A_137, %dma_start3A_203] : memref<3x128xi32, #tpu.memory_space<vmem>> -> memref<1x128xi32, #tpu.memory_space<vmem>>
      %dma_start3A_205 = tpu.memref_squeeze %dma_start3A_204 : memref<1x128xi32, #tpu.memory_space<vmem>> -> memref<128xi32, #tpu.memory_space<vmem>>
      %dma_start3A_206 = arith.constant 0 : i32
      %dma_start3A_207 = arith.constant 0 : i32
      %dma_start3A_208 = tpu.memref_slice %arg13[%dma_start3A_206, %dma_start3A_207] : memref<10112x32xf32, #tpu.memory_space<vmem_shared>> -> memref<10112x32xf32, #tpu.memory_space<vmem_shared>>
      %dma_start3A_209 = tpu.memref_slice %arg17[%rem3A_133] : memref<2x!tpu.dma_semaphore, #tpu.memory_space<semaphore_mem>> -> memref<1x!tpu.dma_semaphore, #tpu.memory_space<semaphore_mem>>
      %dma_start3A_210 = tpu.memref_squeeze %dma_start3A_209 : memref<1x!tpu.dma_semaphore, #tpu.memory_space<semaphore_mem>> -> memref<!tpu.dma_semaphore, #tpu.memory_space<semaphore_mem>>
      tpu.enqueue_indirect_dma source(%dma_start3A_202 : memref<128x32xf32, #tpu.memory_space<vmem>>) target(%dma_start3A_208 : memref<10112x32xf32, #tpu.memory_space<vmem_shared>>) offsets(%dma_start3A_205 : memref<128xi32, #tpu.memory_space<vmem>>) semaphore(%dma_start3A_210 : memref<!tpu.dma_semaphore, #tpu.memory_space<semaphore_mem>>) {add = true}
    }
    %sub3A_94 = arith.constant 1 : i32
    %sub3A_95 = arith.subi %select_n3A, %sub3A_94 : i32
    %rem3A = arith.constant 2 : i32
    %rem3A_96 = arith.remsi %sub3A_95, %rem3A : i32
    %dma_wait3A = arith.constant 0 : i32
    %dma_wait3A_97 = arith.constant 0 : i32
    %dma_wait3A_98 = arith.constant 0 : i32
    %dma_wait3A_99 = tpu.memref_slice %arg11[%rem3A_96, %dma_wait3A_97, %dma_wait3A_98] : memref<2x128x32xf32, #tpu.memory_space<vmem>> -> memref<1x128x32xf32, #tpu.memory_space<vmem>>
    %dma_wait3A_100 = tpu.memref_squeeze %dma_wait3A_99 : memref<1x128x32xf32, #tpu.memory_space<vmem>> -> memref<128x32xf32, #tpu.memory_space<vmem>>
    %dma_wait3A_101 = arith.constant 0 : i32
    %dma_wait3A_102 = tpu.memref_slice %arg10[%dma_wait3A, %dma_wait3A_101] : memref<3x128xi32, #tpu.memory_space<vmem>> -> memref<1x128xi32, #tpu.memory_space<vmem>>
    %dma_wait3A_103 = tpu.memref_squeeze %dma_wait3A_102 : memref<1x128xi32, #tpu.memory_space<vmem>> -> memref<128xi32, #tpu.memory_space<vmem>>
    %dma_wait3A_104 = arith.constant 0 : i32
    %dma_wait3A_105 = arith.constant 0 : i32
    %dma_wait3A_106 = tpu.memref_slice %arg13[%dma_wait3A_104, %dma_wait3A_105] : memref<10112x32xf32, #tpu.memory_space<vmem_shared>> -> memref<10112x32xf32, #tpu.memory_space<vmem_shared>>
    %dma_wait3A_107 = tpu.memref_slice %arg17[%rem3A_96] : memref<2x!tpu.dma_semaphore, #tpu.memory_space<semaphore_mem>> -> memref<1x!tpu.dma_semaphore, #tpu.memory_space<semaphore_mem>>
    %dma_wait3A_108 = tpu.memref_squeeze %dma_wait3A_107 : memref<1x!tpu.dma_semaphore, #tpu.memory_space<semaphore_mem>> -> memref<!tpu.dma_semaphore, #tpu.memory_space<semaphore_mem>>
    tpu.wait_indirect_dma semaphore(%dma_wait3A_108 : memref<!tpu.dma_semaphore, #tpu.memory_space<semaphore_mem>>) src(%dma_wait3A_100 : memref<128x32xf32, #tpu.memory_space<vmem>>) dst(%dma_wait3A_106 : memref<10112x32xf32, #tpu.memory_space<vmem_shared>>)
    %sub3A_109 = arith.constant 2 : i32
    %sub3A_110 = arith.subi %select_n3A, %sub3A_109 : i32
    %rem3A_111 = arith.constant 2 : i32
    %rem3A_112 = arith.remsi %sub3A_110, %rem3A_111 : i32
    %dma_wait3A_113 = arith.constant 0 : i32
    %dma_wait3A_114 = arith.constant 0 : i32
    %dma_wait3A_115 = arith.constant 0 : i32
    %dma_wait3A_116 = tpu.memref_slice %arg11[%rem3A_112, %dma_wait3A_114, %dma_wait3A_115] : memref<2x128x32xf32, #tpu.memory_space<vmem>> -> memref<1x128x32xf32, #tpu.memory_space<vmem>>
    %dma_wait3A_117 = tpu.memref_squeeze %dma_wait3A_116 : memref<1x128x32xf32, #tpu.memory_space<vmem>> -> memref<128x32xf32, #tpu.memory_space<vmem>>
    %dma_wait3A_118 = arith.constant 0 : i32
    %dma_wait3A_119 = tpu.memref_slice %arg10[%dma_wait3A_113, %dma_wait3A_118] : memref<3x128xi32, #tpu.memory_space<vmem>> -> memref<1x128xi32, #tpu.memory_space<vmem>>
    %dma_wait3A_120 = tpu.memref_squeeze %dma_wait3A_119 : memref<1x128xi32, #tpu.memory_space<vmem>> -> memref<128xi32, #tpu.memory_space<vmem>>
    %dma_wait3A_121 = arith.constant 0 : i32
    %dma_wait3A_122 = arith.constant 0 : i32
    %dma_wait3A_123 = tpu.memref_slice %arg13[%dma_wait3A_121, %dma_wait3A_122] : memref<10112x32xf32, #tpu.memory_space<vmem_shared>> -> memref<10112x32xf32, #tpu.memory_space<vmem_shared>>
    %dma_wait3A_124 = tpu.memref_slice %arg17[%rem3A_112] : memref<2x!tpu.dma_semaphore, #tpu.memory_space<semaphore_mem>> -> memref<1x!tpu.dma_semaphore, #tpu.memory_space<semaphore_mem>>
    %dma_wait3A_125 = tpu.memref_squeeze %dma_wait3A_124 : memref<1x!tpu.dma_semaphore, #tpu.memory_space<semaphore_mem>> -> memref<!tpu.dma_semaphore, #tpu.memory_space<semaphore_mem>>
    tpu.wait_indirect_dma semaphore(%dma_wait3A_125 : memref<!tpu.dma_semaphore, #tpu.memory_space<semaphore_mem>>) src(%dma_wait3A_117 : memref<128x32xf32, #tpu.memory_space<vmem>>) dst(%dma_wait3A_123 : memref<10112x32xf32, #tpu.memory_space<vmem_shared>>)
    %barrier3A_126 = arith.constant 0 : index
    tpu.barrier barrier_id(%barrier3A_126)
    %mul3A_127 = arith.constant 632 : i32
    %mul3A_128 = arith.muli %arg1, %mul3A_127 : i32
    %mul3A_129 = arith.constant 632 : i32
    %mul3A_130 = arith.muli %arg1, %mul3A_129 : i32
    "tpu.region"() ({
      %run_scoped3A_131 = tpu.sem_alloc : memref<!tpu.dma_semaphore, #tpu.memory_space<semaphore_mem>>
      %dma_start3A_132 = arith.constant 0 : i32
      %dma_start3A_133 = tpu.memref_slice %arg6[%arg0, %mul3A_130, %dma_start3A_132] : memref<2x10112x32xf32, #tpu.memory_space<hbm>> -> memref<1x632x32xf32, #tpu.memory_space<hbm>>
      %dma_start3A_134 = tpu.memref_squeeze %dma_start3A_133 : memref<1x632x32xf32, #tpu.memory_space<hbm>> -> memref<632x32xf32, #tpu.memory_space<hbm>>
      %dma_start3A_135 = arith.constant 0 : i32
      %dma_start3A_136 = tpu.memref_slice %arg13[%mul3A_128, %dma_start3A_135] : memref<10112x32xf32, #tpu.memory_space<vmem_shared>> -> memref<632x32xf32, #tpu.memory_space<vmem_shared>>
      tpu.enqueue_dma source(%dma_start3A_136 : memref<632x32xf32, #tpu.memory_space<vmem_shared>>) target(%dma_start3A_134 : memref<632x32xf32, #tpu.memory_space<hbm>>) target_semaphore(%run_scoped3A_131 : memref<!tpu.dma_semaphore, #tpu.memory_space<semaphore_mem>>)
      %dma_wait3A_137 = arith.constant 0 : i32
      %dma_wait3A_138 = tpu.memref_slice %arg6[%arg0, %mul3A_130, %dma_wait3A_137] : memref<2x10112x32xf32, #tpu.memory_space<hbm>> -> memref<1x632x32xf32, #tpu.memory_space<hbm>>
      %dma_wait3A_139 = tpu.memref_squeeze %dma_wait3A_138 : memref<1x632x32xf32, #tpu.memory_space<hbm>> -> memref<632x32xf32, #tpu.memory_space<hbm>>
      %dma_wait3A_140 = arith.constant 0 : i32
      %dma_wait3A_141 = tpu.memref_slice %arg13[%mul3A_128, %dma_wait3A_140] : memref<10112x32xf32, #tpu.memory_space<vmem_shared>> -> memref<632x32xf32, #tpu.memory_space<vmem_shared>>
      tpu.wait_dma2 semaphore(%run_scoped3A_131 : memref<!tpu.dma_semaphore, #tpu.memory_space<semaphore_mem>>) src(%dma_wait3A_141 : memref<632x32xf32, #tpu.memory_space<vmem_shared>>) dst(%dma_wait3A_139 : memref<632x32xf32, #tpu.memory_space<hbm>>)
      tpu.yield
    }) : () -> ()
    return
  }
}

#map = affine_map<(d0, d1) -> (0, 0)>
#map1 = affine_map<(d0, d1) -> (0)>
#map2 = affine_map<(d0, d1) -> (0, 0, 0)>
module attributes {stable_mosaic.version = 14 : i64} {
  func.func @conv_kernel(%arg0: i32, %arg1: i32, %arg2: memref<10112x272xf32, #tpu.memory_space<hbm>>, %arg3: memref<20480x128xf32, #tpu.memory_space<hbm>>, %arg4: memref<163840xi32, #tpu.memory_space<hbm>>, %arg5: memref<163840xi32, #tpu.memory_space<hbm>>, %arg6: memref<2x10112x32xf32, #tpu.memory_space<hbm>>, %arg7: memref<2x128x272xf32, #tpu.memory_space<vmem>>, %arg8: memref<2x16x128xf32, #tpu.memory_space<vmem>>, %arg9: memref<2x128xi32, #tpu.memory_space<vmem>>, %arg10: memref<3x128xi32, #tpu.memory_space<vmem>>, %arg11: memref<2x128x32xf32, #tpu.memory_space<vmem>>, %arg12: memref<632x32xf32, #tpu.memory_space<vmem>>, %arg13: memref<10112x32xf32, #tpu.memory_space<vmem_shared>>, %arg14: memref<2x!tpu.dma_semaphore, #tpu.memory_space<semaphore_mem>>, %arg15: memref<2x!tpu.dma_semaphore, #tpu.memory_space<semaphore_mem>>, %arg16: memref<2x!tpu.dma_semaphore, #tpu.memory_space<semaphore_mem>>, %arg17: memref<2x!tpu.dma_semaphore, #tpu.memory_space<semaphore_mem>>) attributes {dimension_semantics = [#tpu.dimension_semantics<core_parallel>, #tpu.dimension_semantics<subcore_parallel>], iteration_bounds = array<i64: 2, 16>, scalar_prefetch = 0 : i64, scratch_operands = 11 : i64, tpu.core_type = #tpu.core_type<sc_vector_subcore>, window_params = [{transform_indices = #map}, {transform_indices = #map}, {transform_indices = #map1}, {transform_indices = #map1}, {transform_indices = #map2}]} {
    %eq3A = arith.constant 0 : i32
    %eq3A_0 = arith.cmpi eq, %arg0, %eq3A : i32
    %jit3A = arith.constant 76 : i32
    %jit3A_1 = arith.constant 4 : i32
    %select_n3A = arith.select %eq3A_0, %jit3A, %jit3A_1 : i32
    %eq3A_2 = arith.constant 0 : i32
    %eq3A_3 = arith.cmpi eq, %arg0, %eq3A_2 : i32
    %mul3A = arith.constant 76 : i32
    %mul3A_4 = arith.muli %arg1, %mul3A : i32
    %mul3A_5 = arith.constant 4 : i32
    %mul3A_6 = arith.muli %arg1, %mul3A_5 : i32
    %add3A = arith.constant 1216 : i32
    %add3A_7 = arith.addi %add3A, %mul3A_6 : i32
    %select_n3A_8 = arith.select %eq3A_3, %mul3A_4, %add3A_7 : i32
    %mul3A_9 = arith.constant 128 : i32
    %mul3A_10 = arith.muli %select_n3A_8, %mul3A_9 : i32
    %mul3A_11 = arith.constant 16 : i32
    %mul3A_12 = arith.muli %select_n3A_8, %mul3A_11 : i32
    %broadcast_in_dim3A = arith.constant 0.000000e+00 : f32
    %broadcast_in_dim3A_13 = vector.broadcast %broadcast_in_dim3A : f32 to vector<16xf32>
    %scan3A = arith.constant 0 : i32
    %scan3A_14 = arith.constant 0 : i32
    %scan3A_15 = arith.constant 632 : i32
    %scan3A_16 = arith.addi %scan3A_14, %scan3A_15 : i32
    %scan3A_17 = arith.constant 1 : i32
    scf.for %scan3A_131 = %scan3A_14 to %scan3A_16 step %scan3A_17  : i32 {
      %swap3A = arith.index_cast %scan3A_131 : i32 to index
      %swap3A_132 = arith.constant 0 : index
      %swap3A_133 = tpu.vector_load %arg12[%swap3A, %swap3A_132] {strides = array<i32>} : memref<632x32xf32, #tpu.memory_space<vmem>>, vector<1x16xf32>,
      %swap3A_134 = vector.shape_cast %swap3A_133 : vector<1x16xf32> to vector<16xf32>
      %swap3A_135 = vector.shape_cast %broadcast_in_dim3A_13 : vector<16xf32> to vector<1x16xf32>
      tpu.vector_store %arg12[%swap3A, %swap3A_132], %swap3A_135 {strides = array<i32>} : memref<632x32xf32, #tpu.memory_space<vmem>>, vector<1x16xf32>,
      %swap3A_136 = arith.index_cast %scan3A_131 : i32 to index
      %swap3A_137 = arith.constant 16 : index
      %swap3A_138 = tpu.vector_load %arg12[%swap3A_136, %swap3A_137] {strides = array<i32>} : memref<632x32xf32, #tpu.memory_space<vmem>>, vector<1x16xf32>,
      %swap3A_139 = vector.shape_cast %swap3A_138 : vector<1x16xf32> to vector<16xf32>
      %swap3A_140 = vector.shape_cast %broadcast_in_dim3A_13 : vector<16xf32> to vector<1x16xf32>
      tpu.vector_store %arg12[%swap3A_136, %swap3A_137], %swap3A_140 {strides = array<i32>} : memref<632x32xf32, #tpu.memory_space<vmem>>, vector<1x16xf32>,
    }
    %scan3A_18 = arith.constant 632 : i32
    %mul3A_19 = arith.constant 632 : i32
    %mul3A_20 = arith.muli %arg1, %mul3A_19 : i32
    "tpu.region"() ({
      %run_scoped3A_131 = tpu.sem_alloc : memref<!tpu.dma_semaphore, #tpu.memory_space<semaphore_mem>>
      %dma_start3A_132 = arith.constant 0 : i32
      %dma_start3A_133 = tpu.memref_slice %arg13[%mul3A_20, %dma_start3A_132] : memref<10112x32xf32, #tpu.memory_space<vmem_shared>> -> memref<632x32xf32, #tpu.memory_space<vmem_shared>>
      %dma_start3A_134 = arith.constant 0 : i32
      %dma_start3A_135 = tpu.memref_slice %arg13[%mul3A_20, %dma_start3A_134] : memref<10112x32xf32, #tpu.memory_space<vmem_shared>> -> memref<632x32xf32, #tpu.memory_space<vmem_shared>>
      tpu.enqueue_dma source(%arg12 : memref<632x32xf32, #tpu.memory_space<vmem>>) target(%dma_start3A_135 : memref<632x32xf32, #tpu.memory_space<vmem_shared>>) target_semaphore(%run_scoped3A_131 : memref<!tpu.dma_semaphore, #tpu.memory_space<semaphore_mem>>)
      %dma_wait3A_136 = arith.constant 0 : i32
      %dma_wait3A_137 = tpu.memref_slice %arg13[%mul3A_20, %dma_wait3A_136] : memref<10112x32xf32, #tpu.memory_space<vmem_shared>> -> memref<632x32xf32, #tpu.memory_space<vmem_shared>>
      %dma_wait3A_138 = arith.constant 0 : i32
      %dma_wait3A_139 = tpu.memref_slice %arg13[%mul3A_20, %dma_wait3A_138] : memref<10112x32xf32, #tpu.memory_space<vmem_shared>> -> memref<632x32xf32, #tpu.memory_space<vmem_shared>>
      tpu.wait_dma2 semaphore(%run_scoped3A_131 : memref<!tpu.dma_semaphore, #tpu.memory_space<semaphore_mem>>) src(%arg12 : memref<632x32xf32, #tpu.memory_space<vmem>>) dst(%dma_wait3A_139 : memref<632x32xf32, #tpu.memory_space<vmem_shared>>)
      tpu.yield
    }) : () -> ()
    %barrier3A = arith.constant 0 : index
    tpu.barrier barrier_id(%barrier3A)
    %iota3A = tpu.iota {dimensions = array<i32: 0>} : vector<16xi32>
    %convert_element_type3A = arith.sitofp %iota3A : vector<16xi32> to vector<16xf32>
    %sub3A = arith.constant 1.000000e+00 : f32
    %sub3A_21 = vector.broadcast %sub3A : f32 to vector<16xf32>
    %sub3A_22 = arith.subf %sub3A_21, %convert_element_type3A : vector<16xf32>
    %max3A = arith.constant 0.000000e+00 : f32
    %max3A_23 = vector.broadcast %max3A : f32 to vector<16xf32>
    %max3A_24 = arith.maximumf %sub3A_22, %max3A_23 : vector<16xf32>
    %run_scoped3A = arith.constant 0 : i32
    "tpu.region"() ({
      %run_scoped3A_131 = tpu.sem_alloc : memref<!tpu.dma_semaphore, #tpu.memory_space<semaphore_mem>>
      %dma_start3A_132 = arith.constant 0 : i32
      %dma_start3A_133 = tpu.memref_slice %arg9[%run_scoped3A, %dma_start3A_132] : memref<2x128xi32, #tpu.memory_space<vmem>> -> memref<1x128xi32, #tpu.memory_space<vmem>>
      %dma_start3A_134 = tpu.memref_squeeze %dma_start3A_133 : memref<1x128xi32, #tpu.memory_space<vmem>> -> memref<128xi32, #tpu.memory_space<vmem>>
      %dma_start3A_135 = tpu.memref_slice %arg4[%mul3A_10] : memref<163840xi32, #tpu.memory_space<hbm>> -> memref<128xi32, #tpu.memory_space<hbm>>
      %dma_start3A_136 = arith.constant 0 : i32
      %dma_start3A_137 = tpu.memref_slice %arg9[%run_scoped3A, %dma_start3A_136] : memref<2x128xi32, #tpu.memory_space<vmem>> -> memref<1x128xi32, #tpu.memory_space<vmem>>
      %dma_start3A_138 = tpu.memref_squeeze %dma_start3A_137 : memref<1x128xi32, #tpu.memory_space<vmem>> -> memref<128xi32, #tpu.memory_space<vmem>>
      %dma_start3A_139 = tpu.memref_slice %arg4[%mul3A_10] : memref<163840xi32, #tpu.memory_space<hbm>> -> memref<128xi32, #tpu.memory_space<hbm>>
      tpu.enqueue_dma source(%dma_start3A_139 : memref<128xi32, #tpu.memory_space<hbm>>) target(%dma_start3A_138 : memref<128xi32, #tpu.memory_space<vmem>>) target_semaphore(%run_scoped3A_131 : memref<!tpu.dma_semaphore, #tpu.memory_space<semaphore_mem>>)
      %dma_wait3A_140 = arith.constant 0 : i32
      %dma_wait3A_141 = tpu.memref_slice %arg9[%run_scoped3A, %dma_wait3A_140] : memref<2x128xi32, #tpu.memory_space<vmem>> -> memref<1x128xi32, #tpu.memory_space<vmem>>
      %dma_wait3A_142 = tpu.memref_squeeze %dma_wait3A_141 : memref<1x128xi32, #tpu.memory_space<vmem>> -> memref<128xi32, #tpu.memory_space<vmem>>
      %dma_wait3A_143 = tpu.memref_slice %arg4[%mul3A_10] : memref<163840xi32, #tpu.memory_space<hbm>> -> memref<128xi32, #tpu.memory_space<hbm>>
      %dma_wait3A_144 = arith.constant 0 : i32
      %dma_wait3A_145 = tpu.memref_slice %arg9[%run_scoped3A, %dma_wait3A_144] : memref<2x128xi32, #tpu.memory_space<vmem>> -> memref<1x128xi32, #tpu.memory_space<vmem>>
      %dma_wait3A_146 = tpu.memref_squeeze %dma_wait3A_145 : memref<1x128xi32, #tpu.memory_space<vmem>> -> memref<128xi32, #tpu.memory_space<vmem>>
      %dma_wait3A_147 = tpu.memref_slice %arg4[%mul3A_10] : memref<163840xi32, #tpu.memory_space<hbm>> -> memref<128xi32, #tpu.memory_space<hbm>>
      tpu.wait_dma2 semaphore(%run_scoped3A_131 : memref<!tpu.dma_semaphore, #tpu.memory_space<semaphore_mem>>) src(%dma_wait3A_147 : memref<128xi32, #tpu.memory_space<hbm>>) dst(%dma_wait3A_146 : memref<128xi32, #tpu.memory_space<vmem>>)
      tpu.yield
    }) : () -> ()
    %dma_start3A = arith.constant 0 : i32
    %dma_start3A_25 = arith.constant 0 : i32
    %dma_start3A_26 = arith.constant 0 : i32
    %dma_start3A_27 = arith.constant 0 : i32
    %dma_start3A_28 = arith.constant 0 : i32
    %dma_start3A_29 = tpu.memref_slice %arg7[%dma_start3A_25, %dma_start3A_27, %dma_start3A_28] : memref<2x128x272xf32, #tpu.memory_space<vmem>> -> memref<1x128x272xf32, #tpu.memory_space<vmem>>
    %dma_start3A_30 = tpu.memref_squeeze %dma_start3A_29 : memref<1x128x272xf32, #tpu.memory_space<vmem>> -> memref<128x272xf32, #tpu.memory_space<vmem>>
    %dma_start3A_31 = arith.constant 0 : i32
    %dma_start3A_32 = tpu.memref_slice %arg9[%dma_start3A, %dma_start3A_31] : memref<2x128xi32, #tpu.memory_space<vmem>> -> memref<1x128xi32, #tpu.memory_space<vmem>>
    %dma_start3A_33 = tpu.memref_squeeze %dma_start3A_32 : memref<1x128xi32, #tpu.memory_space<vmem>> -> memref<128xi32, #tpu.memory_space<vmem>>
    %dma_start3A_34 = arith.constant 0 : i32
    %dma_start3A_35 = arith.constant 0 : i32
    %dma_start3A_36 = tpu.memref_slice %arg2[%dma_start3A_34, %dma_start3A_35] : memref<10112x272xf32, #tpu.memory_space<hbm>> -> memref<10112x272xf32, #tpu.memory_space<hbm>>
    %dma_start3A_37 = tpu.memref_slice %arg14[%dma_start3A_26] : memref<2x!tpu.dma_semaphore, #tpu.memory_space<semaphore_mem>> -> memref<1x!tpu.dma_semaphore, #tpu.memory_space<semaphore_mem>>
    %dma_start3A_38 = tpu.memref_squeeze %dma_start3A_37 : memref<1x!tpu.dma_semaphore, #tpu.memory_space<semaphore_mem>> -> memref<!tpu.dma_semaphore, #tpu.memory_space<semaphore_mem>>
    tpu.enqueue_indirect_dma source(%dma_start3A_36 : memref<10112x272xf32, #tpu.memory_space<hbm>>) target(%dma_start3A_30 : memref<128x272xf32, #tpu.memory_space<vmem>>) offsets(%dma_start3A_33 : memref<128xi32, #tpu.memory_space<vmem>>) semaphore(%dma_start3A_38 : memref<!tpu.dma_semaphore, #tpu.memory_space<semaphore_mem>>)
    %add3A_39 = arith.constant 0 : i32
    %add3A_40 = arith.addi %mul3A_12, %add3A_39 : i32
    %dma_start3A_41 = arith.constant 0 : i32
    %dma_start3A_42 = arith.constant 0 : i32
    %dma_start3A_43 = arith.constant 0 : i32
    %dma_start3A_44 = arith.constant 0 : i32
    %dma_start3A_45 = tpu.memref_slice %arg8[%dma_start3A_41, %dma_start3A_43, %dma_start3A_44] : memref<2x16x128xf32, #tpu.memory_space<vmem>> -> memref<1x16x128xf32, #tpu.memory_space<vmem>>
    %dma_start3A_46 = tpu.memref_squeeze %dma_start3A_45 : memref<1x16x128xf32, #tpu.memory_space<vmem>> -> memref<16x128xf32, #tpu.memory_space<vmem>>
    %dma_start3A_47 = arith.constant 0 : i32
    %dma_start3A_48 = tpu.memref_slice %arg3[%add3A_40, %dma_start3A_47] : memref<20480x128xf32, #tpu.memory_space<hbm>> -> memref<16x128xf32, #tpu.memory_space<hbm>>
    %dma_start3A_49 = tpu.memref_slice %arg16[%dma_start3A_42] : memref<2x!tpu.dma_semaphore, #tpu.memory_space<semaphore_mem>> -> memref<1x!tpu.dma_semaphore, #tpu.memory_space<semaphore_mem>>
    %dma_start3A_50 = tpu.memref_squeeze %dma_start3A_49 : memref<1x!tpu.dma_semaphore, #tpu.memory_space<semaphore_mem>> -> memref<!tpu.dma_semaphore, #tpu.memory_space<semaphore_mem>>
    %dma_start3A_51 = arith.constant 0 : i32
    %dma_start3A_52 = arith.constant 0 : i32
    %dma_start3A_53 = tpu.memref_slice %arg8[%dma_start3A_41, %dma_start3A_51, %dma_start3A_52] : memref<2x16x128xf32, #tpu.memory_space<vmem>> -> memref<1x16x128xf32, #tpu.memory_space<vmem>>
    %dma_start3A_54 = tpu.memref_squeeze %dma_start3A_53 : memref<1x16x128xf32, #tpu.memory_space<vmem>> -> memref<16x128xf32, #tpu.memory_space<vmem>>
    %dma_start3A_55 = arith.constant 0 : i32
    %dma_start3A_56 = tpu.memref_slice %arg3[%add3A_40, %dma_start3A_55] : memref<20480x128xf32, #tpu.memory_space<hbm>> -> memref<16x128xf32, #tpu.memory_space<hbm>>
    tpu.enqueue_dma source(%dma_start3A_56 : memref<16x128xf32, #tpu.memory_space<hbm>>) target(%dma_start3A_54 : memref<16x128xf32, #tpu.memory_space<vmem>>) target_semaphore(%dma_start3A_50 : memref<!tpu.dma_semaphore, #tpu.memory_space<semaphore_mem>>)
    %add3A_57 = arith.constant 0 : i32
    %add3A_58 = arith.addi %mul3A_10, %add3A_57 : i32
    %dma_start3A_59 = arith.constant 0 : i32
    %dma_start3A_60 = arith.constant 0 : i32
    %dma_start3A_61 = arith.constant 0 : i32
    %dma_start3A_62 = tpu.memref_slice %arg10[%dma_start3A_59, %dma_start3A_61] : memref<3x128xi32, #tpu.memory_space<vmem>> -> memref<1x128xi32, #tpu.memory_space<vmem>>
    %dma_start3A_63 = tpu.memref_squeeze %dma_start3A_62 : memref<1x128xi32, #tpu.memory_space<vmem>> -> memref<128xi32, #tpu.memory_space<vmem>>
    %dma_start3A_64 = tpu.memref_slice %arg5[%add3A_58] : memref<163840xi32, #tpu.memory_space<hbm>> -> memref<128xi32, #tpu.memory_space<hbm>>
    %dma_start3A_65 = tpu.memref_slice %arg16[%dma_start3A_60] : memref<2x!tpu.dma_semaphore, #tpu.memory_space<semaphore_mem>> -> memref<1x!tpu.dma_semaphore, #tpu.memory_space<semaphore_mem>>
    %dma_start3A_66 = tpu.memref_squeeze %dma_start3A_65 : memref<1x!tpu.dma_semaphore, #tpu.memory_space<semaphore_mem>> -> memref<!tpu.dma_semaphore, #tpu.memory_space<semaphore_mem>>
    %dma_start3A_67 = arith.constant 0 : i32
    %dma_start3A_68 = tpu.memref_slice %arg10[%dma_start3A_59, %dma_start3A_67] : memref<3x128xi32, #tpu.memory_space<vmem>> -> memref<1x128xi32, #tpu.memory_space<vmem>>
    %dma_start3A_69 = tpu.memref_squeeze %dma_start3A_68 : memref<1x128xi32, #tpu.memory_space<vmem>> -> memref<128xi32, #tpu.memory_space<vmem>>
    %dma_start3A_70 = tpu.memref_slice %arg5[%add3A_58] : memref<163840xi32, #tpu.memory_space<hbm>> -> memref<128xi32, #tpu.memory_space<hbm>>
    tpu.enqueue_dma source(%dma_start3A_70 : memref<128xi32, #tpu.memory_space<hbm>>) target(%dma_start3A_69 : memref<128xi32, #tpu.memory_space<vmem>>) target_semaphore(%dma_start3A_66 : memref<!tpu.dma_semaphore, #tpu.memory_space<semaphore_mem>>)
    %add3A_71 = arith.constant 128 : i32
    %add3A_72 = arith.addi %mul3A_10, %add3A_71 : i32
    %dma_start3A_73 = arith.constant 1 : i32
    %dma_start3A_74 = arith.constant 1 : i32
    %dma_start3A_75 = arith.constant 0 : i32
    %dma_start3A_76 = tpu.memref_slice %arg9[%dma_start3A_73, %dma_start3A_75] : memref<2x128xi32, #tpu.memory_space<vmem>> -> memref<1x128xi32, #tpu.memory_space<vmem>>
    %dma_start3A_77 = tpu.memref_squeeze %dma_start3A_76 : memref<1x128xi32, #tpu.memory_space<vmem>> -> memref<128xi32, #tpu.memory_space<vmem>>
    %dma_start3A_78 = tpu.memref_slice %arg4[%add3A_72] : memref<163840xi32, #tpu.memory_space<hbm>> -> memref<128xi32, #tpu.memory_space<hbm>>
    %dma_start3A_79 = tpu.memref_slice %arg15[%dma_start3A_74] : memref<2x!tpu.dma_semaphore, #tpu.memory_space<semaphore_mem>> -> memref<1x!tpu.dma_semaphore, #tpu.memory_space<semaphore_mem>>
    %dma_start3A_80 = tpu.memref_squeeze %dma_start3A_79 : memref<1x!tpu.dma_semaphore, #tpu.memory_space<semaphore_mem>> -> memref<!tpu.dma_semaphore, #tpu.memory_space<semaphore_mem>>
    %dma_start3A_81 = arith.constant 0 : i32
    %dma_start3A_82 = tpu.memref_slice %arg9[%dma_start3A_73, %dma_start3A_81] : memref<2x128xi32, #tpu.memory_space<vmem>> -> memref<1x128xi32, #tpu.memory_space<vmem>>
    %dma_start3A_83 = tpu.memref_squeeze %dma_start3A_82 : memref<1x128xi32, #tpu.memory_space<vmem>> -> memref<128xi32, #tpu.memory_space<vmem>>
    %dma_start3A_84 = tpu.memref_slice %arg4[%add3A_72] : memref<163840xi32, #tpu.memory_space<hbm>> -> memref<128xi32, #tpu.memory_space<hbm>>
    tpu.enqueue_dma source(%dma_start3A_84 : memref<128xi32, #tpu.memory_space<hbm>>) target(%dma_start3A_83 : memref<128xi32, #tpu.memory_space<vmem>>) target_semaphore(%dma_start3A_80 : memref<!tpu.dma_semaphore, #tpu.memory_space<semaphore_mem>>)
    %while3A = arith.constant 0 : i32
    %while3A_85 = arith.constant 0 : i32
    %while3A_86 = arith.subi %select_n3A, %while3A_85 : i32
    %while3A_87 = arith.addi %while3A_85, %while3A_86 : i32
    %while3A_88 = arith.constant 1 : i32
    %while3A_89 = arith.divsi %while3A_86, %while3A_88 : i32
    %while3A_90 = arith.muli %while3A_89, %while3A_88 : i32
    %while3A_91 = arith.addi %while3A_85, %while3A_90 : i32
    %while3A_92 = arith.constant 1 : i32
    scf.for %while3A_131 = %while3A_85 to %while3A_91 step %while3A_92  : i32 {
      %rem3A_132 = arith.constant 2 : i32
      %rem3A_133 = arith.remsi %while3A_131, %rem3A_132 : i32
      %sub3A_134 = arith.constant 1 : i32
      %sub3A_135 = arith.subi %sub3A_134, %rem3A_133 : i32
      %rem3A_136 = arith.constant 3 : i32
      %rem3A_137 = arith.remsi %while3A_131, %rem3A_136 : i32
      %add3A_138 = arith.constant 1 : i32
      %add3A_139 = arith.addi %while3A_131, %add3A_138 : i32
      %rem3A_140 = arith.constant 3 : i32
      %rem3A_141 = arith.remsi %add3A_139, %rem3A_140 : i32
      %dma_wait3A_142 = arith.constant 0 : i32
      %dma_wait3A_143 = arith.constant 0 : i32
      %dma_wait3A_144 = tpu.memref_slice %arg7[%rem3A_133, %dma_wait3A_142, %dma_wait3A_143] : memref<2x128x272xf32, #tpu.memory_space<vmem>> -> memref<1x128x272xf32, #tpu.memory_space<vmem>>
      %dma_wait3A_145 = tpu.memref_squeeze %dma_wait3A_144 : memref<1x128x272xf32, #tpu.memory_space<vmem>> -> memref<128x272xf32, #tpu.memory_space<vmem>>
      %dma_wait3A_146 = arith.constant 0 : i32
      %dma_wait3A_147 = tpu.memref_slice %arg9[%rem3A_133, %dma_wait3A_146] : memref<2x128xi32, #tpu.memory_space<vmem>> -> memref<1x128xi32, #tpu.memory_space<vmem>>
      %dma_wait3A_148 = tpu.memref_squeeze %dma_wait3A_147 : memref<1x128xi32, #tpu.memory_space<vmem>> -> memref<128xi32, #tpu.memory_space<vmem>>
      %dma_wait3A_149 = arith.constant 0 : i32
      %dma_wait3A_150 = arith.constant 0 : i32
      %dma_wait3A_151 = tpu.memref_slice %arg2[%dma_wait3A_149, %dma_wait3A_150] : memref<10112x272xf32, #tpu.memory_space<hbm>> -> memref<10112x272xf32, #tpu.memory_space<hbm>>
      %dma_wait3A_152 = tpu.memref_slice %arg14[%rem3A_133] : memref<2x!tpu.dma_semaphore, #tpu.memory_space<semaphore_mem>> -> memref<1x!tpu.dma_semaphore, #tpu.memory_space<semaphore_mem>>
      %dma_wait3A_153 = tpu.memref_squeeze %dma_wait3A_152 : memref<1x!tpu.dma_semaphore, #tpu.memory_space<semaphore_mem>> -> memref<!tpu.dma_semaphore, #tpu.memory_space<semaphore_mem>>
      tpu.wait_indirect_dma semaphore(%dma_wait3A_153 : memref<!tpu.dma_semaphore, #tpu.memory_space<semaphore_mem>>) src(%dma_wait3A_151 : memref<10112x272xf32, #tpu.memory_space<hbm>>) dst(%dma_wait3A_145 : memref<128x272xf32, #tpu.memory_space<vmem>>)
      %ge3A = arith.constant 2 : i32
      %ge3A_154 = arith.cmpi sge, %while3A_131, %ge3A : i32
      %convert_element_type3A_155 = arith.extui %ge3A_154 : i1 to i32
      %cond3A = arith.constant 0 : i32
      %cond3A_156 = arith.cmpi ne, %convert_element_type3A_155, %cond3A : i32
      scf.if %cond3A_156 {
        %dma_wait3A_211 = arith.constant 0 : i32
        %dma_wait3A_212 = arith.constant 0 : i32
        %dma_wait3A_213 = arith.constant 0 : i32
        %dma_wait3A_214 = tpu.memref_slice %arg11[%rem3A_133, %dma_wait3A_212, %dma_wait3A_213] : memref<2x128x32xf32, #tpu.memory_space<vmem>> -> memref<1x128x32xf32, #tpu.memory_space<vmem>>
        %dma_wait3A_215 = tpu.memref_squeeze %dma_wait3A_214 : memref<1x128x32xf32, #tpu.memory_space<vmem>> -> memref<128x32xf32, #tpu.memory_space<vmem>>
        %dma_wait3A_216 = arith.constant 0 : i32
        %dma_wait3A_217 = tpu.memref_slice %arg10[%dma_wait3A_211, %dma_wait3A_216] : memref<3x128xi32, #tpu.memory_space<vmem>> -> memref<1x128xi32, #tpu.memory_space<vmem>>
        %dma_wait3A_218 = tpu.memref_squeeze %dma_wait3A_217 : memref<1x128xi32, #tpu.memory_space<vmem>> -> memref<128xi32, #tpu.memory_space<vmem>>
        %dma_wait3A_219 = arith.constant 0 : i32
        %dma_wait3A_220 = arith.constant 0 : i32
        %dma_wait3A_221 = tpu.memref_slice %arg13[%dma_wait3A_219, %dma_wait3A_220] : memref<10112x32xf32, #tpu.memory_space<vmem_shared>> -> memref<10112x32xf32, #tpu.memory_space<vmem_shared>>
        %dma_wait3A_222 = tpu.memref_slice %arg17[%rem3A_133] : memref<2x!tpu.dma_semaphore, #tpu.memory_space<semaphore_mem>> -> memref<1x!tpu.dma_semaphore, #tpu.memory_space<semaphore_mem>>
        %dma_wait3A_223 = tpu.memref_squeeze %dma_wait3A_222 : memref<1x!tpu.dma_semaphore, #tpu.memory_space<semaphore_mem>> -> memref<!tpu.dma_semaphore, #tpu.memory_space<semaphore_mem>>
        tpu.wait_indirect_dma semaphore(%dma_wait3A_223 : memref<!tpu.dma_semaphore, #tpu.memory_space<semaphore_mem>>) src(%dma_wait3A_215 : memref<128x32xf32, #tpu.memory_space<vmem>>) dst(%dma_wait3A_221 : memref<10112x32xf32, #tpu.memory_space<vmem_shared>>)
      } else {
      }
      %add3A_157 = arith.constant 2 : i32
      %add3A_158 = arith.addi %while3A_131, %add3A_157 : i32
      %lt3A = arith.cmpi slt, %add3A_158, %select_n3A : i32
      %convert_element_type3A_159 = arith.extui %lt3A : i1 to i32
      %cond3A_160 = arith.constant 0 : i32
      %cond3A_161 = arith.cmpi ne, %convert_element_type3A_159, %cond3A_160 : i32
      scf.if %cond3A_161 {
        %add3A_211 = arith.constant 2 : i32
        %add3A_212 = arith.addi %while3A_131, %add3A_211 : i32
        %mul3A_213 = arith.constant 128 : i32
        %mul3A_214 = arith.muli %add3A_212, %mul3A_213 : i32
        %add3A_215 = arith.addi %mul3A_10, %mul3A_214 : i32
        %dma_start3A_216 = arith.constant 0 : i32
        %dma_start3A_217 = tpu.memref_slice %arg9[%rem3A_133, %dma_start3A_216] : memref<2x128xi32, #tpu.memory_space<vmem>> -> memref<1x128xi32, #tpu.memory_space<vmem>>
        %dma_start3A_218 = tpu.memref_squeeze %dma_start3A_217 : memref<1x128xi32, #tpu.memory_space<vmem>> -> memref<128xi32, #tpu.memory_space<vmem>>
        %dma_start3A_219 = tpu.memref_slice %arg4[%add3A_215] : memref<163840xi32, #tpu.memory_space<hbm>> -> memref<128xi32, #tpu.memory_space<hbm>>
        %dma_start3A_220 = tpu.memref_slice %arg15[%rem3A_133] : memref<2x!tpu.dma_semaphore, #tpu.memory_space<semaphore_mem>> -> memref<1x!tpu.dma_semaphore, #tpu.memory_space<semaphore_mem>>
        %dma_start3A_221 = tpu.memref_squeeze %dma_start3A_220 : memref<1x!tpu.dma_semaphore, #tpu.memory_space<semaphore_mem>> -> memref<!tpu.dma_semaphore, #tpu.memory_space<semaphore_mem>>
        %dma_start3A_222 = arith.constant 0 : i32
        %dma_start3A_223 = tpu.memref_slice %arg9[%rem3A_133, %dma_start3A_222] : memref<2x128xi32, #tpu.memory_space<vmem>> -> memref<1x128xi32, #tpu.memory_space<vmem>>
        %dma_start3A_224 = tpu.memref_squeeze %dma_start3A_223 : memref<1x128xi32, #tpu.memory_space<vmem>> -> memref<128xi32, #tpu.memory_space<vmem>>
        %dma_start3A_225 = tpu.memref_slice %arg4[%add3A_215] : memref<163840xi32, #tpu.memory_space<hbm>> -> memref<128xi32, #tpu.memory_space<hbm>>
        tpu.enqueue_dma source(%dma_start3A_225 : memref<128xi32, #tpu.memory_space<hbm>>) target(%dma_start3A_224 : memref<128xi32, #tpu.memory_space<vmem>>) target_semaphore(%dma_start3A_221 : memref<!tpu.dma_semaphore, #tpu.memory_space<semaphore_mem>>)
      } else {
      }
      %add3A_162 = arith.constant 1 : i32
      %add3A_163 = arith.addi %while3A_131, %add3A_162 : i32
      %lt3A_164 = arith.cmpi slt, %add3A_163, %select_n3A : i32
      %convert_element_type3A_165 = arith.extui %lt3A_164 : i1 to i32
      %cond3A_166 = arith.constant 0 : i32
      %cond3A_167 = arith.cmpi ne, %convert_element_type3A_165, %cond3A_166 : i32
      scf.if %cond3A_167 {
        %dma_wait3A_211 = arith.constant 0 : i32
        %dma_wait3A_212 = tpu.memref_slice %arg9[%sub3A_135, %dma_wait3A_211] : memref<2x128xi32, #tpu.memory_space<vmem>> -> memref<1x128xi32, #tpu.memory_space<vmem>>
        %dma_wait3A_213 = tpu.memref_squeeze %dma_wait3A_212 : memref<1x128xi32, #tpu.memory_space<vmem>> -> memref<128xi32, #tpu.memory_space<vmem>>
        %dma_wait3A_214 = arith.constant 0 : i32
        %dma_wait3A_215 = tpu.memref_slice %arg4[%dma_wait3A_214] : memref<163840xi32, #tpu.memory_space<hbm>> -> memref<128xi32, #tpu.memory_space<hbm>>
        %dma_wait3A_216 = tpu.memref_slice %arg15[%sub3A_135] : memref<2x!tpu.dma_semaphore, #tpu.memory_space<semaphore_mem>> -> memref<1x!tpu.dma_semaphore, #tpu.memory_space<semaphore_mem>>
        %dma_wait3A_217 = tpu.memref_squeeze %dma_wait3A_216 : memref<1x!tpu.dma_semaphore, #tpu.memory_space<semaphore_mem>> -> memref<!tpu.dma_semaphore, #tpu.memory_space<semaphore_mem>>
        %dma_wait3A_218 = arith.constant 0 : i32
        %dma_wait3A_219 = tpu.memref_slice %arg9[%sub3A_135, %dma_wait3A_218] : memref<2x128xi32, #tpu.memory_space<vmem>> -> memref<1x128xi32, #tpu.memory_space<vmem>>
        %dma_wait3A_220 = tpu.memref_squeeze %dma_wait3A_219 : memref<1x128xi32, #tpu.memory_space<vmem>> -> memref<128xi32, #tpu.memory_space<vmem>>
        %dma_wait3A_221 = arith.constant 0 : i32
        %dma_wait3A_222 = tpu.memref_slice %arg4[%dma_wait3A_221] : memref<163840xi32, #tpu.memory_space<hbm>> -> memref<128xi32, #tpu.memory_space<hbm>>
        tpu.wait_dma2 semaphore(%dma_wait3A_217 : memref<!tpu.dma_semaphore, #tpu.memory_space<semaphore_mem>>) src(%dma_wait3A_222 : memref<128xi32, #tpu.memory_space<hbm>>) dst(%dma_wait3A_220 : memref<128xi32, #tpu.memory_space<vmem>>)
        %dma_start3A_223 = arith.constant 0 : i32
        %dma_start3A_224 = arith.constant 0 : i32
        %dma_start3A_225 = tpu.memref_slice %arg7[%sub3A_135, %dma_start3A_223, %dma_start3A_224] : memref<2x128x272xf32, #tpu.memory_space<vmem>> -> memref<1x128x272xf32, #tpu.memory_space<vmem>>
        %dma_start3A_226 = tpu.memref_squeeze %dma_start3A_225 : memref<1x128x272xf32, #tpu.memory_space<vmem>> -> memref<128x272xf32, #tpu.memory_space<vmem>>
        %dma_start3A_227 = arith.constant 0 : i32
        %dma_start3A_228 = tpu.memref_slice %arg9[%sub3A_135, %dma_start3A_227] : memref<2x128xi32, #tpu.memory_space<vmem>> -> memref<1x128xi32, #tpu.memory_space<vmem>>
        %dma_start3A_229 = tpu.memref_squeeze %dma_start3A_228 : memref<1x128xi32, #tpu.memory_space<vmem>> -> memref<128xi32, #tpu.memory_space<vmem>>
        %dma_start3A_230 = arith.constant 0 : i32
        %dma_start3A_231 = arith.constant 0 : i32
        %dma_start3A_232 = tpu.memref_slice %arg2[%dma_start3A_230, %dma_start3A_231] : memref<10112x272xf32, #tpu.memory_space<hbm>> -> memref<10112x272xf32, #tpu.memory_space<hbm>>
        %dma_start3A_233 = tpu.memref_slice %arg14[%sub3A_135] : memref<2x!tpu.dma_semaphore, #tpu.memory_space<semaphore_mem>> -> memref<1x!tpu.dma_semaphore, #tpu.memory_space<semaphore_mem>>
        %dma_start3A_234 = tpu.memref_squeeze %dma_start3A_233 : memref<1x!tpu.dma_semaphore, #tpu.memory_space<semaphore_mem>> -> memref<!tpu.dma_semaphore, #tpu.memory_space<semaphore_mem>>
        tpu.enqueue_indirect_dma source(%dma_start3A_232 : memref<10112x272xf32, #tpu.memory_space<hbm>>) target(%dma_start3A_226 : memref<128x272xf32, #tpu.memory_space<vmem>>) offsets(%dma_start3A_229 : memref<128xi32, #tpu.memory_space<vmem>>) semaphore(%dma_start3A_234 : memref<!tpu.dma_semaphore, #tpu.memory_space<semaphore_mem>>)
        %add3A_235 = arith.constant 1 : i32
        %add3A_236 = arith.addi %while3A_131, %add3A_235 : i32
        %mul3A_237 = arith.constant 16 : i32
        %mul3A_238 = arith.muli %add3A_236, %mul3A_237 : i32
        %add3A_239 = arith.addi %mul3A_12, %mul3A_238 : i32
        %dma_start3A_240 = arith.constant 0 : i32
        %dma_start3A_241 = arith.constant 0 : i32
        %dma_start3A_242 = tpu.memref_slice %arg8[%sub3A_135, %dma_start3A_240, %dma_start3A_241] : memref<2x16x128xf32, #tpu.memory_space<vmem>> -> memref<1x16x128xf32, #tpu.memory_space<vmem>>
        %dma_start3A_243 = tpu.memref_squeeze %dma_start3A_242 : memref<1x16x128xf32, #tpu.memory_space<vmem>> -> memref<16x128xf32, #tpu.memory_space<vmem>>
        %dma_start3A_244 = arith.constant 0 : i32
        %dma_start3A_245 = tpu.memref_slice %arg3[%add3A_239, %dma_start3A_244] : memref<20480x128xf32, #tpu.memory_space<hbm>> -> memref<16x128xf32, #tpu.memory_space<hbm>>
        %dma_start3A_246 = tpu.memref_slice %arg16[%sub3A_135] : memref<2x!tpu.dma_semaphore, #tpu.memory_space<semaphore_mem>> -> memref<1x!tpu.dma_semaphore, #tpu.memory_space<semaphore_mem>>
        %dma_start3A_247 = tpu.memref_squeeze %dma_start3A_246 : memref<1x!tpu.dma_semaphore, #tpu.memory_space<semaphore_mem>> -> memref<!tpu.dma_semaphore, #tpu.memory_space<semaphore_mem>>
        %dma_start3A_248 = arith.constant 0 : i32
        %dma_start3A_249 = arith.constant 0 : i32
        %dma_start3A_250 = tpu.memref_slice %arg8[%sub3A_135, %dma_start3A_248, %dma_start3A_249] : memref<2x16x128xf32, #tpu.memory_space<vmem>> -> memref<1x16x128xf32, #tpu.memory_space<vmem>>
        %dma_start3A_251 = tpu.memref_squeeze %dma_start3A_250 : memref<1x16x128xf32, #tpu.memory_space<vmem>> -> memref<16x128xf32, #tpu.memory_space<vmem>>
        %dma_start3A_252 = arith.constant 0 : i32
        %dma_start3A_253 = tpu.memref_slice %arg3[%add3A_239, %dma_start3A_252] : memref<20480x128xf32, #tpu.memory_space<hbm>> -> memref<16x128xf32, #tpu.memory_space<hbm>>
        tpu.enqueue_dma source(%dma_start3A_253 : memref<16x128xf32, #tpu.memory_space<hbm>>) target(%dma_start3A_251 : memref<16x128xf32, #tpu.memory_space<vmem>>) target_semaphore(%dma_start3A_247 : memref<!tpu.dma_semaphore, #tpu.memory_space<semaphore_mem>>)
        %mul3A_254 = arith.constant 128 : i32
        %mul3A_255 = arith.muli %add3A_236, %mul3A_254 : i32
        %add3A_256 = arith.addi %mul3A_10, %mul3A_255 : i32
        %dma_start3A_257 = arith.constant 0 : i32
        %dma_start3A_258 = tpu.memref_slice %arg10[%rem3A_141, %dma_start3A_257] : memref<3x128xi32, #tpu.memory_space<vmem>> -> memref<1x128xi32, #tpu.memory_space<vmem>>
        %dma_start3A_259 = tpu.memref_squeeze %dma_start3A_258 : memref<1x128xi32, #tpu.memory_space<vmem>> -> memref<128xi32, #tpu.memory_space<vmem>>
        %dma_start3A_260 = tpu.memref_slice %arg5[%add3A_256] : memref<163840xi32, #tpu.memory_space<hbm>> -> memref<128xi32, #tpu.memory_space<hbm>>
        %dma_start3A_261 = tpu.memref_slice %arg16[%sub3A_135] : memref<2x!tpu.dma_semaphore, #tpu.memory_space<semaphore_mem>> -> memref<1x!tpu.dma_semaphore, #tpu.memory_space<semaphore_mem>>
        %dma_start3A_262 = tpu.memref_squeeze %dma_start3A_261 : memref<1x!tpu.dma_semaphore, #tpu.memory_space<semaphore_mem>> -> memref<!tpu.dma_semaphore, #tpu.memory_space<semaphore_mem>>
        %dma_start3A_263 = arith.constant 0 : i32
        %dma_start3A_264 = tpu.memref_slice %arg10[%rem3A_141, %dma_start3A_263] : memref<3x128xi32, #tpu.memory_space<vmem>> -> memref<1x128xi32, #tpu.memory_space<vmem>>
        %dma_start3A_265 = tpu.memref_squeeze %dma_start3A_264 : memref<1x128xi32, #tpu.memory_space<vmem>> -> memref<128xi32, #tpu.memory_space<vmem>>
        %dma_start3A_266 = tpu.memref_slice %arg5[%add3A_256] : memref<163840xi32, #tpu.memory_space<hbm>> -> memref<128xi32, #tpu.memory_space<hbm>>
        tpu.enqueue_dma source(%dma_start3A_266 : memref<128xi32, #tpu.memory_space<hbm>>) target(%dma_start3A_265 : memref<128xi32, #tpu.memory_space<vmem>>) target_semaphore(%dma_start3A_262 : memref<!tpu.dma_semaphore, #tpu.memory_space<semaphore_mem>>)
      } else {
      }
      %dma_wait3A_168 = arith.constant 0 : i32
      %dma_wait3A_169 = arith.constant 0 : i32
      %dma_wait3A_170 = tpu.memref_slice %arg8[%rem3A_133, %dma_wait3A_168, %dma_wait3A_169] : memref<2x16x128xf32, #tpu.memory_space<vmem>> -> memref<1x16x128xf32, #tpu.memory_space<vmem>>
      %dma_wait3A_171 = tpu.memref_squeeze %dma_wait3A_170 : memref<1x16x128xf32, #tpu.memory_space<vmem>> -> memref<16x128xf32, #tpu.memory_space<vmem>>
      %dma_wait3A_172 = arith.constant 0 : i32
      %dma_wait3A_173 = arith.constant 0 : i32
      %dma_wait3A_174 = tpu.memref_slice %arg3[%dma_wait3A_172, %dma_wait3A_173] : memref<20480x128xf32, #tpu.memory_space<hbm>> -> memref<16x128xf32, #tpu.memory_space<hbm>>
      %dma_wait3A_175 = tpu.memref_slice %arg16[%rem3A_133] : memref<2x!tpu.dma_semaphore, #tpu.memory_space<semaphore_mem>> -> memref<1x!tpu.dma_semaphore, #tpu.memory_space<semaphore_mem>>
      %dma_wait3A_176 = tpu.memref_squeeze %dma_wait3A_175 : memref<1x!tpu.dma_semaphore, #tpu.memory_space<semaphore_mem>> -> memref<!tpu.dma_semaphore, #tpu.memory_space<semaphore_mem>>
      %dma_wait3A_177 = arith.constant 0 : i32
      %dma_wait3A_178 = arith.constant 0 : i32
      %dma_wait3A_179 = tpu.memref_slice %arg8[%rem3A_133, %dma_wait3A_177, %dma_wait3A_178] : memref<2x16x128xf32, #tpu.memory_space<vmem>> -> memref<1x16x128xf32, #tpu.memory_space<vmem>>
      %dma_wait3A_180 = tpu.memref_squeeze %dma_wait3A_179 : memref<1x16x128xf32, #tpu.memory_space<vmem>> -> memref<16x128xf32, #tpu.memory_space<vmem>>
      %dma_wait3A_181 = arith.constant 0 : i32
      %dma_wait3A_182 = arith.constant 0 : i32
      %dma_wait3A_183 = tpu.memref_slice %arg3[%dma_wait3A_181, %dma_wait3A_182] : memref<20480x128xf32, #tpu.memory_space<hbm>> -> memref<16x128xf32, #tpu.memory_space<hbm>>
      tpu.wait_dma2 semaphore(%dma_wait3A_176 : memref<!tpu.dma_semaphore, #tpu.memory_space<semaphore_mem>>) src(%dma_wait3A_183 : memref<16x128xf32, #tpu.memory_space<hbm>>) dst(%dma_wait3A_180 : memref<16x128xf32, #tpu.memory_space<vmem>>)
      %dma_wait3A_184 = arith.constant 0 : i32
      %dma_wait3A_185 = arith.constant 0 : i32
      %dma_wait3A_186 = tpu.memref_slice %arg10[%dma_wait3A_184, %dma_wait3A_185] : memref<3x128xi32, #tpu.memory_space<vmem>> -> memref<1x128xi32, #tpu.memory_space<vmem>>
      %dma_wait3A_187 = tpu.memref_squeeze %dma_wait3A_186 : memref<1x128xi32, #tpu.memory_space<vmem>> -> memref<128xi32, #tpu.memory_space<vmem>>
      %dma_wait3A_188 = arith.constant 0 : i32
      %dma_wait3A_189 = tpu.memref_slice %arg5[%dma_wait3A_188] : memref<163840xi32, #tpu.memory_space<hbm>> -> memref<128xi32, #tpu.memory_space<hbm>>
      %dma_wait3A_190 = tpu.memref_slice %arg16[%rem3A_133] : memref<2x!tpu.dma_semaphore, #tpu.memory_space<semaphore_mem>> -> memref<1x!tpu.dma_semaphore, #tpu.memory_space<semaphore_mem>>
      %dma_wait3A_191 = tpu.memref_squeeze %dma_wait3A_190 : memref<1x!tpu.dma_semaphore, #tpu.memory_space<semaphore_mem>> -> memref<!tpu.dma_semaphore, #tpu.memory_space<semaphore_mem>>
      %dma_wait3A_192 = arith.constant 0 : i32
      %dma_wait3A_193 = tpu.memref_slice %arg10[%dma_wait3A_184, %dma_wait3A_192] : memref<3x128xi32, #tpu.memory_space<vmem>> -> memref<1x128xi32, #tpu.memory_space<vmem>>
      %dma_wait3A_194 = tpu.memref_squeeze %dma_wait3A_193 : memref<1x128xi32, #tpu.memory_space<vmem>> -> memref<128xi32, #tpu.memory_space<vmem>>
      %dma_wait3A_195 = arith.constant 0 : i32
      %dma_wait3A_196 = tpu.memref_slice %arg5[%dma_wait3A_195] : memref<163840xi32, #tpu.memory_space<hbm>> -> memref<128xi32, #tpu.memory_space<hbm>>
      tpu.wait_dma2 semaphore(%dma_wait3A_191 : memref<!tpu.dma_semaphore, #tpu.memory_space<semaphore_mem>>) src(%dma_wait3A_196 : memref<128xi32, #tpu.memory_space<hbm>>) dst(%dma_wait3A_194 : memref<128xi32, #tpu.memory_space<vmem>>)
      %parallel_loop3A = arith.constant 0 : i32
      %parallel_loop3A_197 = arith.constant 128 : i32
      %parallel_loop3A_198 = arith.constant 1 : i32
      scf.for %parallel_loop3A_211 = %parallel_loop3A to %parallel_loop3A_197 step %parallel_loop3A_198  : i32 {
        %parallel_loop3A_212 = arith.constant 8 : i32
        %parallel_loop3A_213 = arith.divsi %parallel_loop3A_211, %parallel_loop3A_212 : i32
        %parallel_loop3A_214 = arith.constant 0 : i32
        %parallel_loop3A_215 = arith.cmpi sgt, %parallel_loop3A_211, %parallel_loop3A_214 : i32
        %parallel_loop3A_216 = arith.extui %parallel_loop3A_215 : i1 to i32
        %parallel_loop3A_217 = arith.constant 0 : i32
        %parallel_loop3A_218 = arith.cmpi slt, %parallel_loop3A_211, %parallel_loop3A_217 : i32
        %parallel_loop3A_219 = arith.extui %parallel_loop3A_218 : i1 to i32
        %parallel_loop3A_220 = arith.subi %parallel_loop3A_216, %parallel_loop3A_219 : i32
        %parallel_loop3A_221 = arith.constant 0 : i32
        %parallel_loop3A_222 = arith.cmpi sgt, %parallel_loop3A_212, %parallel_loop3A_221 : i32
        %parallel_loop3A_223 = arith.extui %parallel_loop3A_222 : i1 to i32
        %parallel_loop3A_224 = arith.constant 0 : i32
        %parallel_loop3A_225 = arith.cmpi slt, %parallel_loop3A_212, %parallel_loop3A_224 : i32
        %parallel_loop3A_226 = arith.extui %parallel_loop3A_225 : i1 to i32
        %parallel_loop3A_227 = arith.subi %parallel_loop3A_223, %parallel_loop3A_226 : i32
        %parallel_loop3A_228 = arith.cmpi ne, %parallel_loop3A_220, %parallel_loop3A_227 : i32
        %parallel_loop3A_229 = arith.remsi %parallel_loop3A_211, %parallel_loop3A_212 : i32
        %parallel_loop3A_230 = arith.constant 0 : i32
        %parallel_loop3A_231 = arith.cmpi ne, %parallel_loop3A_229, %parallel_loop3A_230 : i32
        %parallel_loop3A_232 = arith.andi %parallel_loop3A_228, %parallel_loop3A_231 : i1
        %parallel_loop3A_233 = arith.constant 1 : i32
        %parallel_loop3A_234 = arith.subi %parallel_loop3A_213, %parallel_loop3A_233 : i32
        %parallel_loop3A_235 = arith.select %parallel_loop3A_232, %parallel_loop3A_234, %parallel_loop3A_213 : i32
        %parallel_loop3A_236 = arith.constant 8 : i32
        %parallel_loop3A_237 = arith.constant 0 : i32
        %parallel_loop3A_238 = arith.cmpi eq, %parallel_loop3A_236, %parallel_loop3A_237 : i32
        %parallel_loop3A_239 = arith.constant 1 : i32
        %parallel_loop3A_240 = arith.select %parallel_loop3A_238, %parallel_loop3A_239, %parallel_loop3A_236 : i32
        %parallel_loop3A_241 = arith.remsi %parallel_loop3A_211, %parallel_loop3A_240 : i32
        %parallel_loop3A_242 = arith.constant 0 : i32
        %parallel_loop3A_243 = arith.cmpi ne, %parallel_loop3A_241, %parallel_loop3A_242 : i32
        %parallel_loop3A_244 = arith.constant 0 : i32
        %parallel_loop3A_245 = arith.cmpi slt, %parallel_loop3A_241, %parallel_loop3A_244 : i32
        %parallel_loop3A_246 = arith.constant 0 : i32
        %parallel_loop3A_247 = arith.cmpi slt, %parallel_loop3A_240, %parallel_loop3A_246 : i32
        %parallel_loop3A_248 = arith.xori %parallel_loop3A_245, %parallel_loop3A_247 : i1
        %parallel_loop3A_249 = arith.andi %parallel_loop3A_248, %parallel_loop3A_243 : i1
        %parallel_loop3A_250 = arith.addi %parallel_loop3A_241, %parallel_loop3A_240 : i32
        %parallel_loop3A_251 = arith.select %parallel_loop3A_249, %parallel_loop3A_250, %parallel_loop3A_241 : i32
        %parallel_loop3A_252 = arith.constant 16 : i32
        %parallel_loop3A_253 = arith.muli %parallel_loop3A_251, %parallel_loop3A_252 : i32
        %parallel_loop3A_254 = arith.index_cast %rem3A_133 : i32 to index
        %parallel_loop3A_255 = arith.index_cast %parallel_loop3A_235 : i32 to index
        %parallel_loop3A_256 = arith.index_cast %parallel_loop3A_253 : i32 to index
        %parallel_loop3A_257 = tpu.vector_load %arg8[%parallel_loop3A_254, %parallel_loop3A_255, %parallel_loop3A_256] {strides = array<i32>} : memref<2x16x128xf32, #tpu.memory_space<vmem>>, vector<1x1x16xf32>,
        %parallel_loop3A_258 = vector.shape_cast %parallel_loop3A_257 : vector<1x1x16xf32> to vector<16xf32>
        %parallel_loop3A_259 = arith.index_cast %rem3A_133 : i32 to index
        %parallel_loop3A_260 = arith.index_cast %parallel_loop3A_211 : i32 to index
        %parallel_loop3A_261 = arith.constant 256 : index
        %parallel_loop3A_262 = tpu.vector_load %arg7[%parallel_loop3A_259, %parallel_loop3A_260, %parallel_loop3A_261] {strides = array<i32>} : memref<2x128x272xf32, #tpu.memory_space<vmem>>, vector<1x1x16xf32>,
        %parallel_loop3A_263 = vector.shape_cast %parallel_loop3A_262 : vector<1x1x16xf32> to vector<16xf32>
        %parallel_loop3A_264 = vector.extract_strided_slice %parallel_loop3A_258 {offsets = [1], sizes = [1], strides = [1]} : vector<16xf32> to vector<1xf32>
        %parallel_loop3A_265 = vector.extract %parallel_loop3A_264[0] : f32 from vector<1xf32>
        %parallel_loop3A_266 = arith.index_cast %rem3A_133 : i32 to index
        %parallel_loop3A_267 = arith.index_cast %parallel_loop3A_211 : i32 to index
        %parallel_loop3A_268 = arith.constant 16 : index
        %parallel_loop3A_269 = tpu.vector_load %arg7[%parallel_loop3A_266, %parallel_loop3A_267, %parallel_loop3A_268] {strides = array<i32>} : memref<2x128x272xf32, #tpu.memory_space<vmem>>, vector<1x1x16xf32>,
        %parallel_loop3A_270 = vector.shape_cast %parallel_loop3A_269 : vector<1x1x16xf32> to vector<16xf32>
        %parallel_loop3A_271 = vector.broadcast %parallel_loop3A_265 : f32 to vector<16xf32>
        %parallel_loop3A_272 = arith.mulf %parallel_loop3A_271, %parallel_loop3A_270 : vector<16xf32>
        %parallel_loop3A_273 = vector.extract_strided_slice %parallel_loop3A_258 {offsets = [2], sizes = [1], strides = [1]} : vector<16xf32> to vector<1xf32>
        %parallel_loop3A_274 = vector.extract %parallel_loop3A_273[0] : f32 from vector<1xf32>
        %parallel_loop3A_275 = arith.index_cast %rem3A_133 : i32 to index
        %parallel_loop3A_276 = arith.index_cast %parallel_loop3A_211 : i32 to index
        %parallel_loop3A_277 = arith.constant 32 : index
        %parallel_loop3A_278 = tpu.vector_load %arg7[%parallel_loop3A_275, %parallel_loop3A_276, %parallel_loop3A_277] {strides = array<i32>} : memref<2x128x272xf32, #tpu.memory_space<vmem>>, vector<1x1x16xf32>,
        %parallel_loop3A_279 = vector.shape_cast %parallel_loop3A_278 : vector<1x1x16xf32> to vector<16xf32>
        %parallel_loop3A_280 = vector.broadcast %parallel_loop3A_274 : f32 to vector<16xf32>
        %parallel_loop3A_281 = arith.mulf %parallel_loop3A_280, %parallel_loop3A_279 : vector<16xf32>
        %parallel_loop3A_282 = vector.extract_strided_slice %parallel_loop3A_258 {offsets = [3], sizes = [1], strides = [1]} : vector<16xf32> to vector<1xf32>
        %parallel_loop3A_283 = vector.extract %parallel_loop3A_282[0] : f32 from vector<1xf32>
        %parallel_loop3A_284 = arith.index_cast %rem3A_133 : i32 to index
        %parallel_loop3A_285 = arith.index_cast %parallel_loop3A_211 : i32 to index
        %parallel_loop3A_286 = arith.constant 48 : index
        %parallel_loop3A_287 = tpu.vector_load %arg7[%parallel_loop3A_284, %parallel_loop3A_285, %parallel_loop3A_286] {strides = array<i32>} : memref<2x128x272xf32, #tpu.memory_space<vmem>>, vector<1x1x16xf32>,
        %parallel_loop3A_288 = vector.shape_cast %parallel_loop3A_287 : vector<1x1x16xf32> to vector<16xf32>
        %parallel_loop3A_289 = vector.broadcast %parallel_loop3A_283 : f32 to vector<16xf32>
        %parallel_loop3A_290 = arith.mulf %parallel_loop3A_289, %parallel_loop3A_288 : vector<16xf32>
        %parallel_loop3A_291 = vector.extract_strided_slice %parallel_loop3A_258 {offsets = [0], sizes = [1], strides = [1]} : vector<16xf32> to vector<1xf32>
        %parallel_loop3A_292 = vector.extract %parallel_loop3A_291[0] : f32 from vector<1xf32>
        %parallel_loop3A_293 = arith.index_cast %rem3A_133 : i32 to index
        %parallel_loop3A_294 = arith.index_cast %parallel_loop3A_211 : i32 to index
        %parallel_loop3A_295 = arith.constant 0 : index
        %parallel_loop3A_296 = tpu.vector_load %arg7[%parallel_loop3A_293, %parallel_loop3A_294, %parallel_loop3A_295] {strides = array<i32>} : memref<2x128x272xf32, #tpu.memory_space<vmem>>, vector<1x1x16xf32>,
        %parallel_loop3A_297 = vector.shape_cast %parallel_loop3A_296 : vector<1x1x16xf32> to vector<16xf32>
        %parallel_loop3A_298 = vector.broadcast %parallel_loop3A_292 : f32 to vector<16xf32>
        %parallel_loop3A_299 = arith.mulf %parallel_loop3A_298, %parallel_loop3A_297 : vector<16xf32>
        %parallel_loop3A_300 = arith.addf %parallel_loop3A_263, %parallel_loop3A_299 : vector<16xf32>
        %parallel_loop3A_301 = vector.extract_strided_slice %parallel_loop3A_258 {offsets = [4], sizes = [1], strides = [1]} : vector<16xf32> to vector<1xf32>
        %parallel_loop3A_302 = vector.extract %parallel_loop3A_301[0] : f32 from vector<1xf32>
        %parallel_loop3A_303 = arith.index_cast %rem3A_133 : i32 to index
        %parallel_loop3A_304 = arith.index_cast %parallel_loop3A_211 : i32 to index
        %parallel_loop3A_305 = arith.constant 64 : index
        %parallel_loop3A_306 = tpu.vector_load %arg7[%parallel_loop3A_303, %parallel_loop3A_304, %parallel_loop3A_305] {strides = array<i32>} : memref<2x128x272xf32, #tpu.memory_space<vmem>>, vector<1x1x16xf32>,
        %parallel_loop3A_307 = vector.shape_cast %parallel_loop3A_306 : vector<1x1x16xf32> to vector<16xf32>
        %parallel_loop3A_308 = vector.broadcast %parallel_loop3A_302 : f32 to vector<16xf32>
        %parallel_loop3A_309 = arith.mulf %parallel_loop3A_308, %parallel_loop3A_307 : vector<16xf32>
        %parallel_loop3A_310 = arith.addf %parallel_loop3A_300, %parallel_loop3A_309 : vector<16xf32>
        %parallel_loop3A_311 = vector.extract_strided_slice %parallel_loop3A_258 {offsets = [5], sizes = [1], strides = [1]} : vector<16xf32> to vector<1xf32>
        %parallel_loop3A_312 = vector.extract %parallel_loop3A_311[0] : f32 from vector<1xf32>
        %parallel_loop3A_313 = arith.index_cast %rem3A_133 : i32 to index
        %parallel_loop3A_314 = arith.index_cast %parallel_loop3A_211 : i32 to index
        %parallel_loop3A_315 = arith.constant 80 : index
        %parallel_loop3A_316 = tpu.vector_load %arg7[%parallel_loop3A_313, %parallel_loop3A_314, %parallel_loop3A_315] {strides = array<i32>} : memref<2x128x272xf32, #tpu.memory_space<vmem>>, vector<1x1x16xf32>,
        %parallel_loop3A_317 = vector.shape_cast %parallel_loop3A_316 : vector<1x1x16xf32> to vector<16xf32>
        %parallel_loop3A_318 = vector.broadcast %parallel_loop3A_312 : f32 to vector<16xf32>
        %parallel_loop3A_319 = arith.mulf %parallel_loop3A_318, %parallel_loop3A_317 : vector<16xf32>
        %parallel_loop3A_320 = arith.addf %parallel_loop3A_272, %parallel_loop3A_319 : vector<16xf32>
        %parallel_loop3A_321 = vector.extract_strided_slice %parallel_loop3A_258 {offsets = [6], sizes = [1], strides = [1]} : vector<16xf32> to vector<1xf32>
        %parallel_loop3A_322 = vector.extract %parallel_loop3A_321[0] : f32 from vector<1xf32>
        %parallel_loop3A_323 = arith.index_cast %rem3A_133 : i32 to index
        %parallel_loop3A_324 = arith.index_cast %parallel_loop3A_211 : i32 to index
        %parallel_loop3A_325 = arith.constant 96 : index
        %parallel_loop3A_326 = tpu.vector_load %arg7[%parallel_loop3A_323, %parallel_loop3A_324, %parallel_loop3A_325] {strides = array<i32>} : memref<2x128x272xf32, #tpu.memory_space<vmem>>, vector<1x1x16xf32>,
        %parallel_loop3A_327 = vector.shape_cast %parallel_loop3A_326 : vector<1x1x16xf32> to vector<16xf32>
        %parallel_loop3A_328 = vector.broadcast %parallel_loop3A_322 : f32 to vector<16xf32>
        %parallel_loop3A_329 = arith.mulf %parallel_loop3A_328, %parallel_loop3A_327 : vector<16xf32>
        %parallel_loop3A_330 = arith.addf %parallel_loop3A_281, %parallel_loop3A_329 : vector<16xf32>
        %parallel_loop3A_331 = vector.extract_strided_slice %parallel_loop3A_258 {offsets = [7], sizes = [1], strides = [1]} : vector<16xf32> to vector<1xf32>
        %parallel_loop3A_332 = vector.extract %parallel_loop3A_331[0] : f32 from vector<1xf32>
        %parallel_loop3A_333 = arith.index_cast %rem3A_133 : i32 to index
        %parallel_loop3A_334 = arith.index_cast %parallel_loop3A_211 : i32 to index
        %parallel_loop3A_335 = arith.constant 112 : index
        %parallel_loop3A_336 = tpu.vector_load %arg7[%parallel_loop3A_333, %parallel_loop3A_334, %parallel_loop3A_335] {strides = array<i32>} : memref<2x128x272xf32, #tpu.memory_space<vmem>>, vector<1x1x16xf32>,
        %parallel_loop3A_337 = vector.shape_cast %parallel_loop3A_336 : vector<1x1x16xf32> to vector<16xf32>
        %parallel_loop3A_338 = vector.broadcast %parallel_loop3A_332 : f32 to vector<16xf32>
        %parallel_loop3A_339 = arith.mulf %parallel_loop3A_338, %parallel_loop3A_337 : vector<16xf32>
        %parallel_loop3A_340 = arith.addf %parallel_loop3A_290, %parallel_loop3A_339 : vector<16xf32>
        %parallel_loop3A_341 = vector.extract_strided_slice %parallel_loop3A_258 {offsets = [8], sizes = [1], strides = [1]} : vector<16xf32> to vector<1xf32>
        %parallel_loop3A_342 = vector.extract %parallel_loop3A_341[0] : f32 from vector<1xf32>
        %parallel_loop3A_343 = arith.index_cast %rem3A_133 : i32 to index
        %parallel_loop3A_344 = arith.index_cast %parallel_loop3A_211 : i32 to index
        %parallel_loop3A_345 = arith.constant 128 : index
        %parallel_loop3A_346 = tpu.vector_load %arg7[%parallel_loop3A_343, %parallel_loop3A_344, %parallel_loop3A_345] {strides = array<i32>} : memref<2x128x272xf32, #tpu.memory_space<vmem>>, vector<1x1x16xf32>,
        %parallel_loop3A_347 = vector.shape_cast %parallel_loop3A_346 : vector<1x1x16xf32> to vector<16xf32>
        %parallel_loop3A_348 = vector.broadcast %parallel_loop3A_342 : f32 to vector<16xf32>
        %parallel_loop3A_349 = arith.mulf %parallel_loop3A_348, %parallel_loop3A_347 : vector<16xf32>
        %parallel_loop3A_350 = arith.addf %parallel_loop3A_310, %parallel_loop3A_349 : vector<16xf32>
        %parallel_loop3A_351 = vector.extract_strided_slice %parallel_loop3A_258 {offsets = [9], sizes = [1], strides = [1]} : vector<16xf32> to vector<1xf32>
        %parallel_loop3A_352 = vector.extract %parallel_loop3A_351[0] : f32 from vector<1xf32>
        %parallel_loop3A_353 = arith.index_cast %rem3A_133 : i32 to index
        %parallel_loop3A_354 = arith.index_cast %parallel_loop3A_211 : i32 to index
        %parallel_loop3A_355 = arith.constant 144 : index
        %parallel_loop3A_356 = tpu.vector_load %arg7[%parallel_loop3A_353, %parallel_loop3A_354, %parallel_loop3A_355] {strides = array<i32>} : memref<2x128x272xf32, #tpu.memory_space<vmem>>, vector<1x1x16xf32>,
        %parallel_loop3A_357 = vector.shape_cast %parallel_loop3A_356 : vector<1x1x16xf32> to vector<16xf32>
        %parallel_loop3A_358 = vector.broadcast %parallel_loop3A_352 : f32 to vector<16xf32>
        %parallel_loop3A_359 = arith.mulf %parallel_loop3A_358, %parallel_loop3A_357 : vector<16xf32>
        %parallel_loop3A_360 = arith.addf %parallel_loop3A_320, %parallel_loop3A_359 : vector<16xf32>
        %parallel_loop3A_361 = vector.extract_strided_slice %parallel_loop3A_258 {offsets = [10], sizes = [1], strides = [1]} : vector<16xf32> to vector<1xf32>
        %parallel_loop3A_362 = vector.extract %parallel_loop3A_361[0] : f32 from vector<1xf32>
        %parallel_loop3A_363 = arith.index_cast %rem3A_133 : i32 to index
        %parallel_loop3A_364 = arith.index_cast %parallel_loop3A_211 : i32 to index
        %parallel_loop3A_365 = arith.constant 160 : index
        %parallel_loop3A_366 = tpu.vector_load %arg7[%parallel_loop3A_363, %parallel_loop3A_364, %parallel_loop3A_365] {strides = array<i32>} : memref<2x128x272xf32, #tpu.memory_space<vmem>>, vector<1x1x16xf32>,
        %parallel_loop3A_367 = vector.shape_cast %parallel_loop3A_366 : vector<1x1x16xf32> to vector<16xf32>
        %parallel_loop3A_368 = vector.broadcast %parallel_loop3A_362 : f32 to vector<16xf32>
        %parallel_loop3A_369 = arith.mulf %parallel_loop3A_368, %parallel_loop3A_367 : vector<16xf32>
        %parallel_loop3A_370 = arith.addf %parallel_loop3A_330, %parallel_loop3A_369 : vector<16xf32>
        %parallel_loop3A_371 = vector.extract_strided_slice %parallel_loop3A_258 {offsets = [11], sizes = [1], strides = [1]} : vector<16xf32> to vector<1xf32>
        %parallel_loop3A_372 = vector.extract %parallel_loop3A_371[0] : f32 from vector<1xf32>
        %parallel_loop3A_373 = arith.index_cast %rem3A_133 : i32 to index
        %parallel_loop3A_374 = arith.index_cast %parallel_loop3A_211 : i32 to index
        %parallel_loop3A_375 = arith.constant 176 : index
        %parallel_loop3A_376 = tpu.vector_load %arg7[%parallel_loop3A_373, %parallel_loop3A_374, %parallel_loop3A_375] {strides = array<i32>} : memref<2x128x272xf32, #tpu.memory_space<vmem>>, vector<1x1x16xf32>,
        %parallel_loop3A_377 = vector.shape_cast %parallel_loop3A_376 : vector<1x1x16xf32> to vector<16xf32>
        %parallel_loop3A_378 = vector.broadcast %parallel_loop3A_372 : f32 to vector<16xf32>
        %parallel_loop3A_379 = arith.mulf %parallel_loop3A_378, %parallel_loop3A_377 : vector<16xf32>
        %parallel_loop3A_380 = arith.addf %parallel_loop3A_340, %parallel_loop3A_379 : vector<16xf32>
        %parallel_loop3A_381 = vector.extract_strided_slice %parallel_loop3A_258 {offsets = [12], sizes = [1], strides = [1]} : vector<16xf32> to vector<1xf32>
        %parallel_loop3A_382 = vector.extract %parallel_loop3A_381[0] : f32 from vector<1xf32>
        %parallel_loop3A_383 = arith.index_cast %rem3A_133 : i32 to index
        %parallel_loop3A_384 = arith.index_cast %parallel_loop3A_211 : i32 to index
        %parallel_loop3A_385 = arith.constant 192 : index
        %parallel_loop3A_386 = tpu.vector_load %arg7[%parallel_loop3A_383, %parallel_loop3A_384, %parallel_loop3A_385] {strides = array<i32>} : memref<2x128x272xf32, #tpu.memory_space<vmem>>, vector<1x1x16xf32>,
        %parallel_loop3A_387 = vector.shape_cast %parallel_loop3A_386 : vector<1x1x16xf32> to vector<16xf32>
        %parallel_loop3A_388 = vector.broadcast %parallel_loop3A_382 : f32 to vector<16xf32>
        %parallel_loop3A_389 = arith.mulf %parallel_loop3A_388, %parallel_loop3A_387 : vector<16xf32>
        %parallel_loop3A_390 = arith.addf %parallel_loop3A_350, %parallel_loop3A_389 : vector<16xf32>
        %parallel_loop3A_391 = vector.extract_strided_slice %parallel_loop3A_258 {offsets = [13], sizes = [1], strides = [1]} : vector<16xf32> to vector<1xf32>
        %parallel_loop3A_392 = vector.extract %parallel_loop3A_391[0] : f32 from vector<1xf32>
        %parallel_loop3A_393 = arith.index_cast %rem3A_133 : i32 to index
        %parallel_loop3A_394 = arith.index_cast %parallel_loop3A_211 : i32 to index
        %parallel_loop3A_395 = arith.constant 208 : index
        %parallel_loop3A_396 = tpu.vector_load %arg7[%parallel_loop3A_393, %parallel_loop3A_394, %parallel_loop3A_395] {strides = array<i32>} : memref<2x128x272xf32, #tpu.memory_space<vmem>>, vector<1x1x16xf32>,
        %parallel_loop3A_397 = vector.shape_cast %parallel_loop3A_396 : vector<1x1x16xf32> to vector<16xf32>
        %parallel_loop3A_398 = vector.broadcast %parallel_loop3A_392 : f32 to vector<16xf32>
        %parallel_loop3A_399 = arith.mulf %parallel_loop3A_398, %parallel_loop3A_397 : vector<16xf32>
        %parallel_loop3A_400 = arith.addf %parallel_loop3A_360, %parallel_loop3A_399 : vector<16xf32>
        %parallel_loop3A_401 = vector.extract_strided_slice %parallel_loop3A_258 {offsets = [14], sizes = [1], strides = [1]} : vector<16xf32> to vector<1xf32>
        %parallel_loop3A_402 = vector.extract %parallel_loop3A_401[0] : f32 from vector<1xf32>
        %parallel_loop3A_403 = arith.index_cast %rem3A_133 : i32 to index
        %parallel_loop3A_404 = arith.index_cast %parallel_loop3A_211 : i32 to index
        %parallel_loop3A_405 = arith.constant 224 : index
        %parallel_loop3A_406 = tpu.vector_load %arg7[%parallel_loop3A_403, %parallel_loop3A_404, %parallel_loop3A_405] {strides = array<i32>} : memref<2x128x272xf32, #tpu.memory_space<vmem>>, vector<1x1x16xf32>,
        %parallel_loop3A_407 = vector.shape_cast %parallel_loop3A_406 : vector<1x1x16xf32> to vector<16xf32>
        %parallel_loop3A_408 = vector.broadcast %parallel_loop3A_402 : f32 to vector<16xf32>
        %parallel_loop3A_409 = arith.mulf %parallel_loop3A_408, %parallel_loop3A_407 : vector<16xf32>
        %parallel_loop3A_410 = arith.addf %parallel_loop3A_370, %parallel_loop3A_409 : vector<16xf32>
        %parallel_loop3A_411 = vector.extract_strided_slice %parallel_loop3A_258 {offsets = [15], sizes = [1], strides = [1]} : vector<16xf32> to vector<1xf32>
        %parallel_loop3A_412 = vector.extract %parallel_loop3A_411[0] : f32 from vector<1xf32>
        %parallel_loop3A_413 = arith.index_cast %rem3A_133 : i32 to index
        %parallel_loop3A_414 = arith.index_cast %parallel_loop3A_211 : i32 to index
        %parallel_loop3A_415 = arith.constant 240 : index
        %parallel_loop3A_416 = tpu.vector_load %arg7[%parallel_loop3A_413, %parallel_loop3A_414, %parallel_loop3A_415] {strides = array<i32>} : memref<2x128x272xf32, #tpu.memory_space<vmem>>, vector<1x1x16xf32>,
        %parallel_loop3A_417 = vector.shape_cast %parallel_loop3A_416 : vector<1x1x16xf32> to vector<16xf32>
        %parallel_loop3A_418 = vector.broadcast %parallel_loop3A_412 : f32 to vector<16xf32>
        %parallel_loop3A_419 = arith.mulf %parallel_loop3A_418, %parallel_loop3A_417 : vector<16xf32>
        %parallel_loop3A_420 = arith.addf %parallel_loop3A_380, %parallel_loop3A_419 : vector<16xf32>
        %parallel_loop3A_421 = arith.addf %parallel_loop3A_390, %parallel_loop3A_400 : vector<16xf32>
        %parallel_loop3A_422 = arith.addf %parallel_loop3A_410, %parallel_loop3A_420 : vector<16xf32>
        %parallel_loop3A_423 = arith.addf %parallel_loop3A_421, %parallel_loop3A_422 : vector<16xf32>
        %parallel_loop3A_424 = arith.index_cast %rem3A_133 : i32 to index
        %parallel_loop3A_425 = arith.index_cast %parallel_loop3A_211 : i32 to index
        %parallel_loop3A_426 = arith.constant 0 : index
        %parallel_loop3A_427 = tpu.vector_load %arg11[%parallel_loop3A_424, %parallel_loop3A_425, %parallel_loop3A_426] {strides = array<i32>} : memref<2x128x32xf32, #tpu.memory_space<vmem>>, vector<1x1x16xf32>,
        %parallel_loop3A_428 = vector.shape_cast %parallel_loop3A_427 : vector<1x1x16xf32> to vector<16xf32>
        %parallel_loop3A_429 = vector.shape_cast %parallel_loop3A_423 : vector<16xf32> to vector<1x1x16xf32>
        tpu.vector_store %arg11[%parallel_loop3A_424, %parallel_loop3A_425, %parallel_loop3A_426], %parallel_loop3A_429 {strides = array<i32>} : memref<2x128x32xf32, #tpu.memory_space<vmem>>, vector<1x1x16xf32>,
        %parallel_loop3A_430 = arith.index_cast %rem3A_133 : i32 to index
        %parallel_loop3A_431 = arith.index_cast %parallel_loop3A_211 : i32 to index
        %parallel_loop3A_432 = arith.constant 16 : index
        %parallel_loop3A_433 = tpu.vector_load %arg11[%parallel_loop3A_430, %parallel_loop3A_431, %parallel_loop3A_432] {strides = array<i32>} : memref<2x128x32xf32, #tpu.memory_space<vmem>>, vector<1x1x16xf32>,
        %parallel_loop3A_434 = vector.shape_cast %parallel_loop3A_433 : vector<1x1x16xf32> to vector<16xf32>
        %parallel_loop3A_435 = vector.shape_cast %max3A_24 : vector<16xf32> to vector<1x1x16xf32>
        tpu.vector_store %arg11[%parallel_loop3A_430, %parallel_loop3A_431, %parallel_loop3A_432], %parallel_loop3A_435 {strides = array<i32>} : memref<2x128x32xf32, #tpu.memory_space<vmem>>, vector<1x1x16xf32>,
      } {sc.loop_unroll_factor = 4 : i64, sc.parallel_access}
      %dma_start3A_199 = arith.constant 0 : i32
      %dma_start3A_200 = arith.constant 0 : i32
      %dma_start3A_201 = tpu.memref_slice %arg11[%rem3A_133, %dma_start3A_199, %dma_start3A_200] : memref<2x128x32xf32, #tpu.memory_space<vmem>> -> memref<1x128x32xf32, #tpu.memory_space<vmem>>
      %dma_start3A_202 = tpu.memref_squeeze %dma_start3A_201 : memref<1x128x32xf32, #tpu.memory_space<vmem>> -> memref<128x32xf32, #tpu.memory_space<vmem>>
      %dma_start3A_203 = arith.constant 0 : i32
      %dma_start3A_204 = tpu.memref_slice %arg10[%rem3A_137, %dma_start3A_203] : memref<3x128xi32, #tpu.memory_space<vmem>> -> memref<1x128xi32, #tpu.memory_space<vmem>>
      %dma_start3A_205 = tpu.memref_squeeze %dma_start3A_204 : memref<1x128xi32, #tpu.memory_space<vmem>> -> memref<128xi32, #tpu.memory_space<vmem>>
      %dma_start3A_206 = arith.constant 0 : i32
      %dma_start3A_207 = arith.constant 0 : i32
      %dma_start3A_208 = tpu.memref_slice %arg13[%dma_start3A_206, %dma_start3A_207] : memref<10112x32xf32, #tpu.memory_space<vmem_shared>> -> memref<10112x32xf32, #tpu.memory_space<vmem_shared>>
      %dma_start3A_209 = tpu.memref_slice %arg17[%rem3A_133] : memref<2x!tpu.dma_semaphore, #tpu.memory_space<semaphore_mem>> -> memref<1x!tpu.dma_semaphore, #tpu.memory_space<semaphore_mem>>
      %dma_start3A_210 = tpu.memref_squeeze %dma_start3A_209 : memref<1x!tpu.dma_semaphore, #tpu.memory_space<semaphore_mem>> -> memref<!tpu.dma_semaphore, #tpu.memory_space<semaphore_mem>>
      tpu.enqueue_indirect_dma source(%dma_start3A_202 : memref<128x32xf32, #tpu.memory_space<vmem>>) target(%dma_start3A_208 : memref<10112x32xf32, #tpu.memory_space<vmem_shared>>) offsets(%dma_start3A_205 : memref<128xi32, #tpu.memory_space<vmem>>) semaphore(%dma_start3A_210 : memref<!tpu.dma_semaphore, #tpu.memory_space<semaphore_mem>>) {add = true}
    }
    %while3A_93 = arith.constant 1 : i32
    scf.for %while3A_131 = %while3A_91 to %while3A_87 step %while3A_93  : i32 {
      %rem3A_132 = arith.constant 2 : i32
      %rem3A_133 = arith.remsi %while3A_131, %rem3A_132 : i32
      %sub3A_134 = arith.constant 1 : i32
      %sub3A_135 = arith.subi %sub3A_134, %rem3A_133 : i32
      %rem3A_136 = arith.constant 3 : i32
      %rem3A_137 = arith.remsi %while3A_131, %rem3A_136 : i32
      %add3A_138 = arith.constant 1 : i32
      %add3A_139 = arith.addi %while3A_131, %add3A_138 : i32
      %rem3A_140 = arith.constant 3 : i32
      %rem3A_141 = arith.remsi %add3A_139, %rem3A_140 : i32
      %dma_wait3A_142 = arith.constant 0 : i32
      %dma_wait3A_143 = arith.constant 0 : i32
      %dma_wait3A_144 = tpu.memref_slice %arg7[%rem3A_133, %dma_wait3A_142, %dma_wait3A_143] : memref<2x128x272xf32, #tpu.memory_space<vmem>> -> memref<1x128x272xf32, #tpu.memory_space<vmem>>
      %dma_wait3A_145 = tpu.memref_squeeze %dma_wait3A_144 : memref<1x128x272xf32, #tpu.memory_space<vmem>> -> memref<128x272xf32, #tpu.memory_space<vmem>>
      %dma_wait3A_146 = arith.constant 0 : i32
      %dma_wait3A_147 = tpu.memref_slice %arg9[%rem3A_133, %dma_wait3A_146] : memref<2x128xi32, #tpu.memory_space<vmem>> -> memref<1x128xi32, #tpu.memory_space<vmem>>
      %dma_wait3A_148 = tpu.memref_squeeze %dma_wait3A_147 : memref<1x128xi32, #tpu.memory_space<vmem>> -> memref<128xi32, #tpu.memory_space<vmem>>
      %dma_wait3A_149 = arith.constant 0 : i32
      %dma_wait3A_150 = arith.constant 0 : i32
      %dma_wait3A_151 = tpu.memref_slice %arg2[%dma_wait3A_149, %dma_wait3A_150] : memref<10112x272xf32, #tpu.memory_space<hbm>> -> memref<10112x272xf32, #tpu.memory_space<hbm>>
      %dma_wait3A_152 = tpu.memref_slice %arg14[%rem3A_133] : memref<2x!tpu.dma_semaphore, #tpu.memory_space<semaphore_mem>> -> memref<1x!tpu.dma_semaphore, #tpu.memory_space<semaphore_mem>>
      %dma_wait3A_153 = tpu.memref_squeeze %dma_wait3A_152 : memref<1x!tpu.dma_semaphore, #tpu.memory_space<semaphore_mem>> -> memref<!tpu.dma_semaphore, #tpu.memory_space<semaphore_mem>>
      tpu.wait_indirect_dma semaphore(%dma_wait3A_153 : memref<!tpu.dma_semaphore, #tpu.memory_space<semaphore_mem>>) src(%dma_wait3A_151 : memref<10112x272xf32, #tpu.memory_space<hbm>>) dst(%dma_wait3A_145 : memref<128x272xf32, #tpu.memory_space<vmem>>)
      %ge3A = arith.constant 2 : i32
      %ge3A_154 = arith.cmpi sge, %while3A_131, %ge3A : i32
      %convert_element_type3A_155 = arith.extui %ge3A_154 : i1 to i32
      %cond3A = arith.constant 0 : i32
      %cond3A_156 = arith.cmpi ne, %convert_element_type3A_155, %cond3A : i32
      scf.if %cond3A_156 {
        %dma_wait3A_211 = arith.constant 0 : i32
        %dma_wait3A_212 = arith.constant 0 : i32
        %dma_wait3A_213 = arith.constant 0 : i32
        %dma_wait3A_214 = tpu.memref_slice %arg11[%rem3A_133, %dma_wait3A_212, %dma_wait3A_213] : memref<2x128x32xf32, #tpu.memory_space<vmem>> -> memref<1x128x32xf32, #tpu.memory_space<vmem>>
        %dma_wait3A_215 = tpu.memref_squeeze %dma_wait3A_214 : memref<1x128x32xf32, #tpu.memory_space<vmem>> -> memref<128x32xf32, #tpu.memory_space<vmem>>
        %dma_wait3A_216 = arith.constant 0 : i32
        %dma_wait3A_217 = tpu.memref_slice %arg10[%dma_wait3A_211, %dma_wait3A_216] : memref<3x128xi32, #tpu.memory_space<vmem>> -> memref<1x128xi32, #tpu.memory_space<vmem>>
        %dma_wait3A_218 = tpu.memref_squeeze %dma_wait3A_217 : memref<1x128xi32, #tpu.memory_space<vmem>> -> memref<128xi32, #tpu.memory_space<vmem>>
        %dma_wait3A_219 = arith.constant 0 : i32
        %dma_wait3A_220 = arith.constant 0 : i32
        %dma_wait3A_221 = tpu.memref_slice %arg13[%dma_wait3A_219, %dma_wait3A_220] : memref<10112x32xf32, #tpu.memory_space<vmem_shared>> -> memref<10112x32xf32, #tpu.memory_space<vmem_shared>>
        %dma_wait3A_222 = tpu.memref_slice %arg17[%rem3A_133] : memref<2x!tpu.dma_semaphore, #tpu.memory_space<semaphore_mem>> -> memref<1x!tpu.dma_semaphore, #tpu.memory_space<semaphore_mem>>
        %dma_wait3A_223 = tpu.memref_squeeze %dma_wait3A_222 : memref<1x!tpu.dma_semaphore, #tpu.memory_space<semaphore_mem>> -> memref<!tpu.dma_semaphore, #tpu.memory_space<semaphore_mem>>
        tpu.wait_indirect_dma semaphore(%dma_wait3A_223 : memref<!tpu.dma_semaphore, #tpu.memory_space<semaphore_mem>>) src(%dma_wait3A_215 : memref<128x32xf32, #tpu.memory_space<vmem>>) dst(%dma_wait3A_221 : memref<10112x32xf32, #tpu.memory_space<vmem_shared>>)
      } else {
      }
      %add3A_157 = arith.constant 2 : i32
      %add3A_158 = arith.addi %while3A_131, %add3A_157 : i32
      %lt3A = arith.cmpi slt, %add3A_158, %select_n3A : i32
      %convert_element_type3A_159 = arith.extui %lt3A : i1 to i32
      %cond3A_160 = arith.constant 0 : i32
      %cond3A_161 = arith.cmpi ne, %convert_element_type3A_159, %cond3A_160 : i32
      scf.if %cond3A_161 {
        %add3A_211 = arith.constant 2 : i32
        %add3A_212 = arith.addi %while3A_131, %add3A_211 : i32
        %mul3A_213 = arith.constant 128 : i32
        %mul3A_214 = arith.muli %add3A_212, %mul3A_213 : i32
        %add3A_215 = arith.addi %mul3A_10, %mul3A_214 : i32
        %dma_start3A_216 = arith.constant 0 : i32
        %dma_start3A_217 = tpu.memref_slice %arg9[%rem3A_133, %dma_start3A_216] : memref<2x128xi32, #tpu.memory_space<vmem>> -> memref<1x128xi32, #tpu.memory_space<vmem>>
        %dma_start3A_218 = tpu.memref_squeeze %dma_start3A_217 : memref<1x128xi32, #tpu.memory_space<vmem>> -> memref<128xi32, #tpu.memory_space<vmem>>
        %dma_start3A_219 = tpu.memref_slice %arg4[%add3A_215] : memref<163840xi32, #tpu.memory_space<hbm>> -> memref<128xi32, #tpu.memory_space<hbm>>
        %dma_start3A_220 = tpu.memref_slice %arg15[%rem3A_133] : memref<2x!tpu.dma_semaphore, #tpu.memory_space<semaphore_mem>> -> memref<1x!tpu.dma_semaphore, #tpu.memory_space<semaphore_mem>>
        %dma_start3A_221 = tpu.memref_squeeze %dma_start3A_220 : memref<1x!tpu.dma_semaphore, #tpu.memory_space<semaphore_mem>> -> memref<!tpu.dma_semaphore, #tpu.memory_space<semaphore_mem>>
        %dma_start3A_222 = arith.constant 0 : i32
        %dma_start3A_223 = tpu.memref_slice %arg9[%rem3A_133, %dma_start3A_222] : memref<2x128xi32, #tpu.memory_space<vmem>> -> memref<1x128xi32, #tpu.memory_space<vmem>>
        %dma_start3A_224 = tpu.memref_squeeze %dma_start3A_223 : memref<1x128xi32, #tpu.memory_space<vmem>> -> memref<128xi32, #tpu.memory_space<vmem>>
        %dma_start3A_225 = tpu.memref_slice %arg4[%add3A_215] : memref<163840xi32, #tpu.memory_space<hbm>> -> memref<128xi32, #tpu.memory_space<hbm>>
        tpu.enqueue_dma source(%dma_start3A_225 : memref<128xi32, #tpu.memory_space<hbm>>) target(%dma_start3A_224 : memref<128xi32, #tpu.memory_space<vmem>>) target_semaphore(%dma_start3A_221 : memref<!tpu.dma_semaphore, #tpu.memory_space<semaphore_mem>>)
      } else {
      }
      %add3A_162 = arith.constant 1 : i32
      %add3A_163 = arith.addi %while3A_131, %add3A_162 : i32
      %lt3A_164 = arith.cmpi slt, %add3A_163, %select_n3A : i32
      %convert_element_type3A_165 = arith.extui %lt3A_164 : i1 to i32
      %cond3A_166 = arith.constant 0 : i32
      %cond3A_167 = arith.cmpi ne, %convert_element_type3A_165, %cond3A_166 : i32
      scf.if %cond3A_167 {
        %dma_wait3A_211 = arith.constant 0 : i32
        %dma_wait3A_212 = tpu.memref_slice %arg9[%sub3A_135, %dma_wait3A_211] : memref<2x128xi32, #tpu.memory_space<vmem>> -> memref<1x128xi32, #tpu.memory_space<vmem>>
        %dma_wait3A_213 = tpu.memref_squeeze %dma_wait3A_212 : memref<1x128xi32, #tpu.memory_space<vmem>> -> memref<128xi32, #tpu.memory_space<vmem>>
        %dma_wait3A_214 = arith.constant 0 : i32
        %dma_wait3A_215 = tpu.memref_slice %arg4[%dma_wait3A_214] : memref<163840xi32, #tpu.memory_space<hbm>> -> memref<128xi32, #tpu.memory_space<hbm>>
        %dma_wait3A_216 = tpu.memref_slice %arg15[%sub3A_135] : memref<2x!tpu.dma_semaphore, #tpu.memory_space<semaphore_mem>> -> memref<1x!tpu.dma_semaphore, #tpu.memory_space<semaphore_mem>>
        %dma_wait3A_217 = tpu.memref_squeeze %dma_wait3A_216 : memref<1x!tpu.dma_semaphore, #tpu.memory_space<semaphore_mem>> -> memref<!tpu.dma_semaphore, #tpu.memory_space<semaphore_mem>>
        %dma_wait3A_218 = arith.constant 0 : i32
        %dma_wait3A_219 = tpu.memref_slice %arg9[%sub3A_135, %dma_wait3A_218] : memref<2x128xi32, #tpu.memory_space<vmem>> -> memref<1x128xi32, #tpu.memory_space<vmem>>
        %dma_wait3A_220 = tpu.memref_squeeze %dma_wait3A_219 : memref<1x128xi32, #tpu.memory_space<vmem>> -> memref<128xi32, #tpu.memory_space<vmem>>
        %dma_wait3A_221 = arith.constant 0 : i32
        %dma_wait3A_222 = tpu.memref_slice %arg4[%dma_wait3A_221] : memref<163840xi32, #tpu.memory_space<hbm>> -> memref<128xi32, #tpu.memory_space<hbm>>
        tpu.wait_dma2 semaphore(%dma_wait3A_217 : memref<!tpu.dma_semaphore, #tpu.memory_space<semaphore_mem>>) src(%dma_wait3A_222 : memref<128xi32, #tpu.memory_space<hbm>>) dst(%dma_wait3A_220 : memref<128xi32, #tpu.memory_space<vmem>>)
        %dma_start3A_223 = arith.constant 0 : i32
        %dma_start3A_224 = arith.constant 0 : i32
        %dma_start3A_225 = tpu.memref_slice %arg7[%sub3A_135, %dma_start3A_223, %dma_start3A_224] : memref<2x128x272xf32, #tpu.memory_space<vmem>> -> memref<1x128x272xf32, #tpu.memory_space<vmem>>
        %dma_start3A_226 = tpu.memref_squeeze %dma_start3A_225 : memref<1x128x272xf32, #tpu.memory_space<vmem>> -> memref<128x272xf32, #tpu.memory_space<vmem>>
        %dma_start3A_227 = arith.constant 0 : i32
        %dma_start3A_228 = tpu.memref_slice %arg9[%sub3A_135, %dma_start3A_227] : memref<2x128xi32, #tpu.memory_space<vmem>> -> memref<1x128xi32, #tpu.memory_space<vmem>>
        %dma_start3A_229 = tpu.memref_squeeze %dma_start3A_228 : memref<1x128xi32, #tpu.memory_space<vmem>> -> memref<128xi32, #tpu.memory_space<vmem>>
        %dma_start3A_230 = arith.constant 0 : i32
        %dma_start3A_231 = arith.constant 0 : i32
        %dma_start3A_232 = tpu.memref_slice %arg2[%dma_start3A_230, %dma_start3A_231] : memref<10112x272xf32, #tpu.memory_space<hbm>> -> memref<10112x272xf32, #tpu.memory_space<hbm>>
        %dma_start3A_233 = tpu.memref_slice %arg14[%sub3A_135] : memref<2x!tpu.dma_semaphore, #tpu.memory_space<semaphore_mem>> -> memref<1x!tpu.dma_semaphore, #tpu.memory_space<semaphore_mem>>
        %dma_start3A_234 = tpu.memref_squeeze %dma_start3A_233 : memref<1x!tpu.dma_semaphore, #tpu.memory_space<semaphore_mem>> -> memref<!tpu.dma_semaphore, #tpu.memory_space<semaphore_mem>>
        tpu.enqueue_indirect_dma source(%dma_start3A_232 : memref<10112x272xf32, #tpu.memory_space<hbm>>) target(%dma_start3A_226 : memref<128x272xf32, #tpu.memory_space<vmem>>) offsets(%dma_start3A_229 : memref<128xi32, #tpu.memory_space<vmem>>) semaphore(%dma_start3A_234 : memref<!tpu.dma_semaphore, #tpu.memory_space<semaphore_mem>>)
        %add3A_235 = arith.constant 1 : i32
        %add3A_236 = arith.addi %while3A_131, %add3A_235 : i32
        %mul3A_237 = arith.constant 16 : i32
        %mul3A_238 = arith.muli %add3A_236, %mul3A_237 : i32
        %add3A_239 = arith.addi %mul3A_12, %mul3A_238 : i32
        %dma_start3A_240 = arith.constant 0 : i32
        %dma_start3A_241 = arith.constant 0 : i32
        %dma_start3A_242 = tpu.memref_slice %arg8[%sub3A_135, %dma_start3A_240, %dma_start3A_241] : memref<2x16x128xf32, #tpu.memory_space<vmem>> -> memref<1x16x128xf32, #tpu.memory_space<vmem>>
        %dma_start3A_243 = tpu.memref_squeeze %dma_start3A_242 : memref<1x16x128xf32, #tpu.memory_space<vmem>> -> memref<16x128xf32, #tpu.memory_space<vmem>>
        %dma_start3A_244 = arith.constant 0 : i32
        %dma_start3A_245 = tpu.memref_slice %arg3[%add3A_239, %dma_start3A_244] : memref<20480x128xf32, #tpu.memory_space<hbm>> -> memref<16x128xf32, #tpu.memory_space<hbm>>
        %dma_start3A_246 = tpu.memref_slice %arg16[%sub3A_135] : memref<2x!tpu.dma_semaphore, #tpu.memory_space<semaphore_mem>> -> memref<1x!tpu.dma_semaphore, #tpu.memory_space<semaphore_mem>>
        %dma_start3A_247 = tpu.memref_squeeze %dma_start3A_246 : memref<1x!tpu.dma_semaphore, #tpu.memory_space<semaphore_mem>> -> memref<!tpu.dma_semaphore, #tpu.memory_space<semaphore_mem>>
        %dma_start3A_248 = arith.constant 0 : i32
        %dma_start3A_249 = arith.constant 0 : i32
        %dma_start3A_250 = tpu.memref_slice %arg8[%sub3A_135, %dma_start3A_248, %dma_start3A_249] : memref<2x16x128xf32, #tpu.memory_space<vmem>> -> memref<1x16x128xf32, #tpu.memory_space<vmem>>
        %dma_start3A_251 = tpu.memref_squeeze %dma_start3A_250 : memref<1x16x128xf32, #tpu.memory_space<vmem>> -> memref<16x128xf32, #tpu.memory_space<vmem>>
        %dma_start3A_252 = arith.constant 0 : i32
        %dma_start3A_253 = tpu.memref_slice %arg3[%add3A_239, %dma_start3A_252] : memref<20480x128xf32, #tpu.memory_space<hbm>> -> memref<16x128xf32, #tpu.memory_space<hbm>>
        tpu.enqueue_dma source(%dma_start3A_253 : memref<16x128xf32, #tpu.memory_space<hbm>>) target(%dma_start3A_251 : memref<16x128xf32, #tpu.memory_space<vmem>>) target_semaphore(%dma_start3A_247 : memref<!tpu.dma_semaphore, #tpu.memory_space<semaphore_mem>>)
        %mul3A_254 = arith.constant 128 : i32
        %mul3A_255 = arith.muli %add3A_236, %mul3A_254 : i32
        %add3A_256 = arith.addi %mul3A_10, %mul3A_255 : i32
        %dma_start3A_257 = arith.constant 0 : i32
        %dma_start3A_258 = tpu.memref_slice %arg10[%rem3A_141, %dma_start3A_257] : memref<3x128xi32, #tpu.memory_space<vmem>> -> memref<1x128xi32, #tpu.memory_space<vmem>>
        %dma_start3A_259 = tpu.memref_squeeze %dma_start3A_258 : memref<1x128xi32, #tpu.memory_space<vmem>> -> memref<128xi32, #tpu.memory_space<vmem>>
        %dma_start3A_260 = tpu.memref_slice %arg5[%add3A_256] : memref<163840xi32, #tpu.memory_space<hbm>> -> memref<128xi32, #tpu.memory_space<hbm>>
        %dma_start3A_261 = tpu.memref_slice %arg16[%sub3A_135] : memref<2x!tpu.dma_semaphore, #tpu.memory_space<semaphore_mem>> -> memref<1x!tpu.dma_semaphore, #tpu.memory_space<semaphore_mem>>
        %dma_start3A_262 = tpu.memref_squeeze %dma_start3A_261 : memref<1x!tpu.dma_semaphore, #tpu.memory_space<semaphore_mem>> -> memref<!tpu.dma_semaphore, #tpu.memory_space<semaphore_mem>>
        %dma_start3A_263 = arith.constant 0 : i32
        %dma_start3A_264 = tpu.memref_slice %arg10[%rem3A_141, %dma_start3A_263] : memref<3x128xi32, #tpu.memory_space<vmem>> -> memref<1x128xi32, #tpu.memory_space<vmem>>
        %dma_start3A_265 = tpu.memref_squeeze %dma_start3A_264 : memref<1x128xi32, #tpu.memory_space<vmem>> -> memref<128xi32, #tpu.memory_space<vmem>>
        %dma_start3A_266 = tpu.memref_slice %arg5[%add3A_256] : memref<163840xi32, #tpu.memory_space<hbm>> -> memref<128xi32, #tpu.memory_space<hbm>>
        tpu.enqueue_dma source(%dma_start3A_266 : memref<128xi32, #tpu.memory_space<hbm>>) target(%dma_start3A_265 : memref<128xi32, #tpu.memory_space<vmem>>) target_semaphore(%dma_start3A_262 : memref<!tpu.dma_semaphore, #tpu.memory_space<semaphore_mem>>)
      } else {
      }
      %dma_wait3A_168 = arith.constant 0 : i32
      %dma_wait3A_169 = arith.constant 0 : i32
      %dma_wait3A_170 = tpu.memref_slice %arg8[%rem3A_133, %dma_wait3A_168, %dma_wait3A_169] : memref<2x16x128xf32, #tpu.memory_space<vmem>> -> memref<1x16x128xf32, #tpu.memory_space<vmem>>
      %dma_wait3A_171 = tpu.memref_squeeze %dma_wait3A_170 : memref<1x16x128xf32, #tpu.memory_space<vmem>> -> memref<16x128xf32, #tpu.memory_space<vmem>>
      %dma_wait3A_172 = arith.constant 0 : i32
      %dma_wait3A_173 = arith.constant 0 : i32
      %dma_wait3A_174 = tpu.memref_slice %arg3[%dma_wait3A_172, %dma_wait3A_173] : memref<20480x128xf32, #tpu.memory_space<hbm>> -> memref<16x128xf32, #tpu.memory_space<hbm>>
      %dma_wait3A_175 = tpu.memref_slice %arg16[%rem3A_133] : memref<2x!tpu.dma_semaphore, #tpu.memory_space<semaphore_mem>> -> memref<1x!tpu.dma_semaphore, #tpu.memory_space<semaphore_mem>>
      %dma_wait3A_176 = tpu.memref_squeeze %dma_wait3A_175 : memref<1x!tpu.dma_semaphore, #tpu.memory_space<semaphore_mem>> -> memref<!tpu.dma_semaphore, #tpu.memory_space<semaphore_mem>>
      %dma_wait3A_177 = arith.constant 0 : i32
      %dma_wait3A_178 = arith.constant 0 : i32
      %dma_wait3A_179 = tpu.memref_slice %arg8[%rem3A_133, %dma_wait3A_177, %dma_wait3A_178] : memref<2x16x128xf32, #tpu.memory_space<vmem>> -> memref<1x16x128xf32, #tpu.memory_space<vmem>>
      %dma_wait3A_180 = tpu.memref_squeeze %dma_wait3A_179 : memref<1x16x128xf32, #tpu.memory_space<vmem>> -> memref<16x128xf32, #tpu.memory_space<vmem>>
      %dma_wait3A_181 = arith.constant 0 : i32
      %dma_wait3A_182 = arith.constant 0 : i32
      %dma_wait3A_183 = tpu.memref_slice %arg3[%dma_wait3A_181, %dma_wait3A_182] : memref<20480x128xf32, #tpu.memory_space<hbm>> -> memref<16x128xf32, #tpu.memory_space<hbm>>
      tpu.wait_dma2 semaphore(%dma_wait3A_176 : memref<!tpu.dma_semaphore, #tpu.memory_space<semaphore_mem>>) src(%dma_wait3A_183 : memref<16x128xf32, #tpu.memory_space<hbm>>) dst(%dma_wait3A_180 : memref<16x128xf32, #tpu.memory_space<vmem>>)
      %dma_wait3A_184 = arith.constant 0 : i32
      %dma_wait3A_185 = arith.constant 0 : i32
      %dma_wait3A_186 = tpu.memref_slice %arg10[%dma_wait3A_184, %dma_wait3A_185] : memref<3x128xi32, #tpu.memory_space<vmem>> -> memref<1x128xi32, #tpu.memory_space<vmem>>
      %dma_wait3A_187 = tpu.memref_squeeze %dma_wait3A_186 : memref<1x128xi32, #tpu.memory_space<vmem>> -> memref<128xi32, #tpu.memory_space<vmem>>
      %dma_wait3A_188 = arith.constant 0 : i32
      %dma_wait3A_189 = tpu.memref_slice %arg5[%dma_wait3A_188] : memref<163840xi32, #tpu.memory_space<hbm>> -> memref<128xi32, #tpu.memory_space<hbm>>
      %dma_wait3A_190 = tpu.memref_slice %arg16[%rem3A_133] : memref<2x!tpu.dma_semaphore, #tpu.memory_space<semaphore_mem>> -> memref<1x!tpu.dma_semaphore, #tpu.memory_space<semaphore_mem>>
      %dma_wait3A_191 = tpu.memref_squeeze %dma_wait3A_190 : memref<1x!tpu.dma_semaphore, #tpu.memory_space<semaphore_mem>> -> memref<!tpu.dma_semaphore, #tpu.memory_space<semaphore_mem>>
      %dma_wait3A_192 = arith.constant 0 : i32
      %dma_wait3A_193 = tpu.memref_slice %arg10[%dma_wait3A_184, %dma_wait3A_192] : memref<3x128xi32, #tpu.memory_space<vmem>> -> memref<1x128xi32, #tpu.memory_space<vmem>>
      %dma_wait3A_194 = tpu.memref_squeeze %dma_wait3A_193 : memref<1x128xi32, #tpu.memory_space<vmem>> -> memref<128xi32, #tpu.memory_space<vmem>>
      %dma_wait3A_195 = arith.constant 0 : i32
      %dma_wait3A_196 = tpu.memref_slice %arg5[%dma_wait3A_195] : memref<163840xi32, #tpu.memory_space<hbm>> -> memref<128xi32, #tpu.memory_space<hbm>>
      tpu.wait_dma2 semaphore(%dma_wait3A_191 : memref<!tpu.dma_semaphore, #tpu.memory_space<semaphore_mem>>) src(%dma_wait3A_196 : memref<128xi32, #tpu.memory_space<hbm>>) dst(%dma_wait3A_194 : memref<128xi32, #tpu.memory_space<vmem>>)
      %parallel_loop3A = arith.constant 0 : i32
      %parallel_loop3A_197 = arith.constant 128 : i32
      %parallel_loop3A_198 = arith.constant 1 : i32
      scf.for %parallel_loop3A_211 = %parallel_loop3A to %parallel_loop3A_197 step %parallel_loop3A_198  : i32 {
        %parallel_loop3A_212 = arith.constant 8 : i32
        %parallel_loop3A_213 = arith.divsi %parallel_loop3A_211, %parallel_loop3A_212 : i32
        %parallel_loop3A_214 = arith.constant 0 : i32
        %parallel_loop3A_215 = arith.cmpi sgt, %parallel_loop3A_211, %parallel_loop3A_214 : i32
        %parallel_loop3A_216 = arith.extui %parallel_loop3A_215 : i1 to i32
        %parallel_loop3A_217 = arith.constant 0 : i32
        %parallel_loop3A_218 = arith.cmpi slt, %parallel_loop3A_211, %parallel_loop3A_217 : i32
        %parallel_loop3A_219 = arith.extui %parallel_loop3A_218 : i1 to i32
        %parallel_loop3A_220 = arith.subi %parallel_loop3A_216, %parallel_loop3A_219 : i32
        %parallel_loop3A_221 = arith.constant 0 : i32
        %parallel_loop3A_222 = arith.cmpi sgt, %parallel_loop3A_212, %parallel_loop3A_221 : i32
        %parallel_loop3A_223 = arith.extui %parallel_loop3A_222 : i1 to i32
        %parallel_loop3A_224 = arith.constant 0 : i32
        %parallel_loop3A_225 = arith.cmpi slt, %parallel_loop3A_212, %parallel_loop3A_224 : i32
        %parallel_loop3A_226 = arith.extui %parallel_loop3A_225 : i1 to i32
        %parallel_loop3A_227 = arith.subi %parallel_loop3A_223, %parallel_loop3A_226 : i32
        %parallel_loop3A_228 = arith.cmpi ne, %parallel_loop3A_220, %parallel_loop3A_227 : i32
        %parallel_loop3A_229 = arith.remsi %parallel_loop3A_211, %parallel_loop3A_212 : i32
        %parallel_loop3A_230 = arith.constant 0 : i32
        %parallel_loop3A_231 = arith.cmpi ne, %parallel_loop3A_229, %parallel_loop3A_230 : i32
        %parallel_loop3A_232 = arith.andi %parallel_loop3A_228, %parallel_loop3A_231 : i1
        %parallel_loop3A_233 = arith.constant 1 : i32
        %parallel_loop3A_234 = arith.subi %parallel_loop3A_213, %parallel_loop3A_233 : i32
        %parallel_loop3A_235 = arith.select %parallel_loop3A_232, %parallel_loop3A_234, %parallel_loop3A_213 : i32
        %parallel_loop3A_236 = arith.constant 8 : i32
        %parallel_loop3A_237 = arith.constant 0 : i32
        %parallel_loop3A_238 = arith.cmpi eq, %parallel_loop3A_236, %parallel_loop3A_237 : i32
        %parallel_loop3A_239 = arith.constant 1 : i32
        %parallel_loop3A_240 = arith.select %parallel_loop3A_238, %parallel_loop3A_239, %parallel_loop3A_236 : i32
        %parallel_loop3A_241 = arith.remsi %parallel_loop3A_211, %parallel_loop3A_240 : i32
        %parallel_loop3A_242 = arith.constant 0 : i32
        %parallel_loop3A_243 = arith.cmpi ne, %parallel_loop3A_241, %parallel_loop3A_242 : i32
        %parallel_loop3A_244 = arith.constant 0 : i32
        %parallel_loop3A_245 = arith.cmpi slt, %parallel_loop3A_241, %parallel_loop3A_244 : i32
        %parallel_loop3A_246 = arith.constant 0 : i32
        %parallel_loop3A_247 = arith.cmpi slt, %parallel_loop3A_240, %parallel_loop3A_246 : i32
        %parallel_loop3A_248 = arith.xori %parallel_loop3A_245, %parallel_loop3A_247 : i1
        %parallel_loop3A_249 = arith.andi %parallel_loop3A_248, %parallel_loop3A_243 : i1
        %parallel_loop3A_250 = arith.addi %parallel_loop3A_241, %parallel_loop3A_240 : i32
        %parallel_loop3A_251 = arith.select %parallel_loop3A_249, %parallel_loop3A_250, %parallel_loop3A_241 : i32
        %parallel_loop3A_252 = arith.constant 16 : i32
        %parallel_loop3A_253 = arith.muli %parallel_loop3A_251, %parallel_loop3A_252 : i32
        %parallel_loop3A_254 = arith.index_cast %rem3A_133 : i32 to index
        %parallel_loop3A_255 = arith.index_cast %parallel_loop3A_235 : i32 to index
        %parallel_loop3A_256 = arith.index_cast %parallel_loop3A_253 : i32 to index
        %parallel_loop3A_257 = tpu.vector_load %arg8[%parallel_loop3A_254, %parallel_loop3A_255, %parallel_loop3A_256] {strides = array<i32>} : memref<2x16x128xf32, #tpu.memory_space<vmem>>, vector<1x1x16xf32>,
        %parallel_loop3A_258 = vector.shape_cast %parallel_loop3A_257 : vector<1x1x16xf32> to vector<16xf32>
        %parallel_loop3A_259 = arith.index_cast %rem3A_133 : i32 to index
        %parallel_loop3A_260 = arith.index_cast %parallel_loop3A_211 : i32 to index
        %parallel_loop3A_261 = arith.constant 256 : index
        %parallel_loop3A_262 = tpu.vector_load %arg7[%parallel_loop3A_259, %parallel_loop3A_260, %parallel_loop3A_261] {strides = array<i32>} : memref<2x128x272xf32, #tpu.memory_space<vmem>>, vector<1x1x16xf32>,
        %parallel_loop3A_263 = vector.shape_cast %parallel_loop3A_262 : vector<1x1x16xf32> to vector<16xf32>
        %parallel_loop3A_264 = vector.extract_strided_slice %parallel_loop3A_258 {offsets = [1], sizes = [1], strides = [1]} : vector<16xf32> to vector<1xf32>
        %parallel_loop3A_265 = vector.extract %parallel_loop3A_264[0] : f32 from vector<1xf32>
        %parallel_loop3A_266 = arith.index_cast %rem3A_133 : i32 to index
        %parallel_loop3A_267 = arith.index_cast %parallel_loop3A_211 : i32 to index
        %parallel_loop3A_268 = arith.constant 16 : index
        %parallel_loop3A_269 = tpu.vector_load %arg7[%parallel_loop3A_266, %parallel_loop3A_267, %parallel_loop3A_268] {strides = array<i32>} : memref<2x128x272xf32, #tpu.memory_space<vmem>>, vector<1x1x16xf32>,
        %parallel_loop3A_270 = vector.shape_cast %parallel_loop3A_269 : vector<1x1x16xf32> to vector<16xf32>
        %parallel_loop3A_271 = vector.broadcast %parallel_loop3A_265 : f32 to vector<16xf32>
        %parallel_loop3A_272 = arith.mulf %parallel_loop3A_271, %parallel_loop3A_270 : vector<16xf32>
        %parallel_loop3A_273 = vector.extract_strided_slice %parallel_loop3A_258 {offsets = [2], sizes = [1], strides = [1]} : vector<16xf32> to vector<1xf32>
        %parallel_loop3A_274 = vector.extract %parallel_loop3A_273[0] : f32 from vector<1xf32>
        %parallel_loop3A_275 = arith.index_cast %rem3A_133 : i32 to index
        %parallel_loop3A_276 = arith.index_cast %parallel_loop3A_211 : i32 to index
        %parallel_loop3A_277 = arith.constant 32 : index
        %parallel_loop3A_278 = tpu.vector_load %arg7[%parallel_loop3A_275, %parallel_loop3A_276, %parallel_loop3A_277] {strides = array<i32>} : memref<2x128x272xf32, #tpu.memory_space<vmem>>, vector<1x1x16xf32>,
        %parallel_loop3A_279 = vector.shape_cast %parallel_loop3A_278 : vector<1x1x16xf32> to vector<16xf32>
        %parallel_loop3A_280 = vector.broadcast %parallel_loop3A_274 : f32 to vector<16xf32>
        %parallel_loop3A_281 = arith.mulf %parallel_loop3A_280, %parallel_loop3A_279 : vector<16xf32>
        %parallel_loop3A_282 = vector.extract_strided_slice %parallel_loop3A_258 {offsets = [3], sizes = [1], strides = [1]} : vector<16xf32> to vector<1xf32>
        %parallel_loop3A_283 = vector.extract %parallel_loop3A_282[0] : f32 from vector<1xf32>
        %parallel_loop3A_284 = arith.index_cast %rem3A_133 : i32 to index
        %parallel_loop3A_285 = arith.index_cast %parallel_loop3A_211 : i32 to index
        %parallel_loop3A_286 = arith.constant 48 : index
        %parallel_loop3A_287 = tpu.vector_load %arg7[%parallel_loop3A_284, %parallel_loop3A_285, %parallel_loop3A_286] {strides = array<i32>} : memref<2x128x272xf32, #tpu.memory_space<vmem>>, vector<1x1x16xf32>,
        %parallel_loop3A_288 = vector.shape_cast %parallel_loop3A_287 : vector<1x1x16xf32> to vector<16xf32>
        %parallel_loop3A_289 = vector.broadcast %parallel_loop3A_283 : f32 to vector<16xf32>
        %parallel_loop3A_290 = arith.mulf %parallel_loop3A_289, %parallel_loop3A_288 : vector<16xf32>
        %parallel_loop3A_291 = vector.extract_strided_slice %parallel_loop3A_258 {offsets = [0], sizes = [1], strides = [1]} : vector<16xf32> to vector<1xf32>
        %parallel_loop3A_292 = vector.extract %parallel_loop3A_291[0] : f32 from vector<1xf32>
        %parallel_loop3A_293 = arith.index_cast %rem3A_133 : i32 to index
        %parallel_loop3A_294 = arith.index_cast %parallel_loop3A_211 : i32 to index
        %parallel_loop3A_295 = arith.constant 0 : index
        %parallel_loop3A_296 = tpu.vector_load %arg7[%parallel_loop3A_293, %parallel_loop3A_294, %parallel_loop3A_295] {strides = array<i32>} : memref<2x128x272xf32, #tpu.memory_space<vmem>>, vector<1x1x16xf32>,
        %parallel_loop3A_297 = vector.shape_cast %parallel_loop3A_296 : vector<1x1x16xf32> to vector<16xf32>
        %parallel_loop3A_298 = vector.broadcast %parallel_loop3A_292 : f32 to vector<16xf32>
        %parallel_loop3A_299 = arith.mulf %parallel_loop3A_298, %parallel_loop3A_297 : vector<16xf32>
        %parallel_loop3A_300 = arith.addf %parallel_loop3A_263, %parallel_loop3A_299 : vector<16xf32>
        %parallel_loop3A_301 = vector.extract_strided_slice %parallel_loop3A_258 {offsets = [4], sizes = [1], strides = [1]} : vector<16xf32> to vector<1xf32>
        %parallel_loop3A_302 = vector.extract %parallel_loop3A_301[0] : f32 from vector<1xf32>
        %parallel_loop3A_303 = arith.index_cast %rem3A_133 : i32 to index
        %parallel_loop3A_304 = arith.index_cast %parallel_loop3A_211 : i32 to index
        %parallel_loop3A_305 = arith.constant 64 : index
        %parallel_loop3A_306 = tpu.vector_load %arg7[%parallel_loop3A_303, %parallel_loop3A_304, %parallel_loop3A_305] {strides = array<i32>} : memref<2x128x272xf32, #tpu.memory_space<vmem>>, vector<1x1x16xf32>,
        %parallel_loop3A_307 = vector.shape_cast %parallel_loop3A_306 : vector<1x1x16xf32> to vector<16xf32>
        %parallel_loop3A_308 = vector.broadcast %parallel_loop3A_302 : f32 to vector<16xf32>
        %parallel_loop3A_309 = arith.mulf %parallel_loop3A_308, %parallel_loop3A_307 : vector<16xf32>
        %parallel_loop3A_310 = arith.addf %parallel_loop3A_300, %parallel_loop3A_309 : vector<16xf32>
        %parallel_loop3A_311 = vector.extract_strided_slice %parallel_loop3A_258 {offsets = [5], sizes = [1], strides = [1]} : vector<16xf32> to vector<1xf32>
        %parallel_loop3A_312 = vector.extract %parallel_loop3A_311[0] : f32 from vector<1xf32>
        %parallel_loop3A_313 = arith.index_cast %rem3A_133 : i32 to index
        %parallel_loop3A_314 = arith.index_cast %parallel_loop3A_211 : i32 to index
        %parallel_loop3A_315 = arith.constant 80 : index
        %parallel_loop3A_316 = tpu.vector_load %arg7[%parallel_loop3A_313, %parallel_loop3A_314, %parallel_loop3A_315] {strides = array<i32>} : memref<2x128x272xf32, #tpu.memory_space<vmem>>, vector<1x1x16xf32>,
        %parallel_loop3A_317 = vector.shape_cast %parallel_loop3A_316 : vector<1x1x16xf32> to vector<16xf32>
        %parallel_loop3A_318 = vector.broadcast %parallel_loop3A_312 : f32 to vector<16xf32>
        %parallel_loop3A_319 = arith.mulf %parallel_loop3A_318, %parallel_loop3A_317 : vector<16xf32>
        %parallel_loop3A_320 = arith.addf %parallel_loop3A_272, %parallel_loop3A_319 : vector<16xf32>
        %parallel_loop3A_321 = vector.extract_strided_slice %parallel_loop3A_258 {offsets = [6], sizes = [1], strides = [1]} : vector<16xf32> to vector<1xf32>
        %parallel_loop3A_322 = vector.extract %parallel_loop3A_321[0] : f32 from vector<1xf32>
        %parallel_loop3A_323 = arith.index_cast %rem3A_133 : i32 to index
        %parallel_loop3A_324 = arith.index_cast %parallel_loop3A_211 : i32 to index
        %parallel_loop3A_325 = arith.constant 96 : index
        %parallel_loop3A_326 = tpu.vector_load %arg7[%parallel_loop3A_323, %parallel_loop3A_324, %parallel_loop3A_325] {strides = array<i32>} : memref<2x128x272xf32, #tpu.memory_space<vmem>>, vector<1x1x16xf32>,
        %parallel_loop3A_327 = vector.shape_cast %parallel_loop3A_326 : vector<1x1x16xf32> to vector<16xf32>
        %parallel_loop3A_328 = vector.broadcast %parallel_loop3A_322 : f32 to vector<16xf32>
        %parallel_loop3A_329 = arith.mulf %parallel_loop3A_328, %parallel_loop3A_327 : vector<16xf32>
        %parallel_loop3A_330 = arith.addf %parallel_loop3A_281, %parallel_loop3A_329 : vector<16xf32>
        %parallel_loop3A_331 = vector.extract_strided_slice %parallel_loop3A_258 {offsets = [7], sizes = [1], strides = [1]} : vector<16xf32> to vector<1xf32>
        %parallel_loop3A_332 = vector.extract %parallel_loop3A_331[0] : f32 from vector<1xf32>
        %parallel_loop3A_333 = arith.index_cast %rem3A_133 : i32 to index
        %parallel_loop3A_334 = arith.index_cast %parallel_loop3A_211 : i32 to index
        %parallel_loop3A_335 = arith.constant 112 : index
        %parallel_loop3A_336 = tpu.vector_load %arg7[%parallel_loop3A_333, %parallel_loop3A_334, %parallel_loop3A_335] {strides = array<i32>} : memref<2x128x272xf32, #tpu.memory_space<vmem>>, vector<1x1x16xf32>,
        %parallel_loop3A_337 = vector.shape_cast %parallel_loop3A_336 : vector<1x1x16xf32> to vector<16xf32>
        %parallel_loop3A_338 = vector.broadcast %parallel_loop3A_332 : f32 to vector<16xf32>
        %parallel_loop3A_339 = arith.mulf %parallel_loop3A_338, %parallel_loop3A_337 : vector<16xf32>
        %parallel_loop3A_340 = arith.addf %parallel_loop3A_290, %parallel_loop3A_339 : vector<16xf32>
        %parallel_loop3A_341 = vector.extract_strided_slice %parallel_loop3A_258 {offsets = [8], sizes = [1], strides = [1]} : vector<16xf32> to vector<1xf32>
        %parallel_loop3A_342 = vector.extract %parallel_loop3A_341[0] : f32 from vector<1xf32>
        %parallel_loop3A_343 = arith.index_cast %rem3A_133 : i32 to index
        %parallel_loop3A_344 = arith.index_cast %parallel_loop3A_211 : i32 to index
        %parallel_loop3A_345 = arith.constant 128 : index
        %parallel_loop3A_346 = tpu.vector_load %arg7[%parallel_loop3A_343, %parallel_loop3A_344, %parallel_loop3A_345] {strides = array<i32>} : memref<2x128x272xf32, #tpu.memory_space<vmem>>, vector<1x1x16xf32>,
        %parallel_loop3A_347 = vector.shape_cast %parallel_loop3A_346 : vector<1x1x16xf32> to vector<16xf32>
        %parallel_loop3A_348 = vector.broadcast %parallel_loop3A_342 : f32 to vector<16xf32>
        %parallel_loop3A_349 = arith.mulf %parallel_loop3A_348, %parallel_loop3A_347 : vector<16xf32>
        %parallel_loop3A_350 = arith.addf %parallel_loop3A_310, %parallel_loop3A_349 : vector<16xf32>
        %parallel_loop3A_351 = vector.extract_strided_slice %parallel_loop3A_258 {offsets = [9], sizes = [1], strides = [1]} : vector<16xf32> to vector<1xf32>
        %parallel_loop3A_352 = vector.extract %parallel_loop3A_351[0] : f32 from vector<1xf32>
        %parallel_loop3A_353 = arith.index_cast %rem3A_133 : i32 to index
        %parallel_loop3A_354 = arith.index_cast %parallel_loop3A_211 : i32 to index
        %parallel_loop3A_355 = arith.constant 144 : index
        %parallel_loop3A_356 = tpu.vector_load %arg7[%parallel_loop3A_353, %parallel_loop3A_354, %parallel_loop3A_355] {strides = array<i32>} : memref<2x128x272xf32, #tpu.memory_space<vmem>>, vector<1x1x16xf32>,
        %parallel_loop3A_357 = vector.shape_cast %parallel_loop3A_356 : vector<1x1x16xf32> to vector<16xf32>
        %parallel_loop3A_358 = vector.broadcast %parallel_loop3A_352 : f32 to vector<16xf32>
        %parallel_loop3A_359 = arith.mulf %parallel_loop3A_358, %parallel_loop3A_357 : vector<16xf32>
        %parallel_loop3A_360 = arith.addf %parallel_loop3A_320, %parallel_loop3A_359 : vector<16xf32>
        %parallel_loop3A_361 = vector.extract_strided_slice %parallel_loop3A_258 {offsets = [10], sizes = [1], strides = [1]} : vector<16xf32> to vector<1xf32>
        %parallel_loop3A_362 = vector.extract %parallel_loop3A_361[0] : f32 from vector<1xf32>
        %parallel_loop3A_363 = arith.index_cast %rem3A_133 : i32 to index
        %parallel_loop3A_364 = arith.index_cast %parallel_loop3A_211 : i32 to index
        %parallel_loop3A_365 = arith.constant 160 : index
        %parallel_loop3A_366 = tpu.vector_load %arg7[%parallel_loop3A_363, %parallel_loop3A_364, %parallel_loop3A_365] {strides = array<i32>} : memref<2x128x272xf32, #tpu.memory_space<vmem>>, vector<1x1x16xf32>,
        %parallel_loop3A_367 = vector.shape_cast %parallel_loop3A_366 : vector<1x1x16xf32> to vector<16xf32>
        %parallel_loop3A_368 = vector.broadcast %parallel_loop3A_362 : f32 to vector<16xf32>
        %parallel_loop3A_369 = arith.mulf %parallel_loop3A_368, %parallel_loop3A_367 : vector<16xf32>
        %parallel_loop3A_370 = arith.addf %parallel_loop3A_330, %parallel_loop3A_369 : vector<16xf32>
        %parallel_loop3A_371 = vector.extract_strided_slice %parallel_loop3A_258 {offsets = [11], sizes = [1], strides = [1]} : vector<16xf32> to vector<1xf32>
        %parallel_loop3A_372 = vector.extract %parallel_loop3A_371[0] : f32 from vector<1xf32>
        %parallel_loop3A_373 = arith.index_cast %rem3A_133 : i32 to index
        %parallel_loop3A_374 = arith.index_cast %parallel_loop3A_211 : i32 to index
        %parallel_loop3A_375 = arith.constant 176 : index
        %parallel_loop3A_376 = tpu.vector_load %arg7[%parallel_loop3A_373, %parallel_loop3A_374, %parallel_loop3A_375] {strides = array<i32>} : memref<2x128x272xf32, #tpu.memory_space<vmem>>, vector<1x1x16xf32>,
        %parallel_loop3A_377 = vector.shape_cast %parallel_loop3A_376 : vector<1x1x16xf32> to vector<16xf32>
        %parallel_loop3A_378 = vector.broadcast %parallel_loop3A_372 : f32 to vector<16xf32>
        %parallel_loop3A_379 = arith.mulf %parallel_loop3A_378, %parallel_loop3A_377 : vector<16xf32>
        %parallel_loop3A_380 = arith.addf %parallel_loop3A_340, %parallel_loop3A_379 : vector<16xf32>
        %parallel_loop3A_381 = vector.extract_strided_slice %parallel_loop3A_258 {offsets = [12], sizes = [1], strides = [1]} : vector<16xf32> to vector<1xf32>
        %parallel_loop3A_382 = vector.extract %parallel_loop3A_381[0] : f32 from vector<1xf32>
        %parallel_loop3A_383 = arith.index_cast %rem3A_133 : i32 to index
        %parallel_loop3A_384 = arith.index_cast %parallel_loop3A_211 : i32 to index
        %parallel_loop3A_385 = arith.constant 192 : index
        %parallel_loop3A_386 = tpu.vector_load %arg7[%parallel_loop3A_383, %parallel_loop3A_384, %parallel_loop3A_385] {strides = array<i32>} : memref<2x128x272xf32, #tpu.memory_space<vmem>>, vector<1x1x16xf32>,
        %parallel_loop3A_387 = vector.shape_cast %parallel_loop3A_386 : vector<1x1x16xf32> to vector<16xf32>
        %parallel_loop3A_388 = vector.broadcast %parallel_loop3A_382 : f32 to vector<16xf32>
        %parallel_loop3A_389 = arith.mulf %parallel_loop3A_388, %parallel_loop3A_387 : vector<16xf32>
        %parallel_loop3A_390 = arith.addf %parallel_loop3A_350, %parallel_loop3A_389 : vector<16xf32>
        %parallel_loop3A_391 = vector.extract_strided_slice %parallel_loop3A_258 {offsets = [13], sizes = [1], strides = [1]} : vector<16xf32> to vector<1xf32>
        %parallel_loop3A_392 = vector.extract %parallel_loop3A_391[0] : f32 from vector<1xf32>
        %parallel_loop3A_393 = arith.index_cast %rem3A_133 : i32 to index
        %parallel_loop3A_394 = arith.index_cast %parallel_loop3A_211 : i32 to index
        %parallel_loop3A_395 = arith.constant 208 : index
        %parallel_loop3A_396 = tpu.vector_load %arg7[%parallel_loop3A_393, %parallel_loop3A_394, %parallel_loop3A_395] {strides = array<i32>} : memref<2x128x272xf32, #tpu.memory_space<vmem>>, vector<1x1x16xf32>,
        %parallel_loop3A_397 = vector.shape_cast %parallel_loop3A_396 : vector<1x1x16xf32> to vector<16xf32>
        %parallel_loop3A_398 = vector.broadcast %parallel_loop3A_392 : f32 to vector<16xf32>
        %parallel_loop3A_399 = arith.mulf %parallel_loop3A_398, %parallel_loop3A_397 : vector<16xf32>
        %parallel_loop3A_400 = arith.addf %parallel_loop3A_360, %parallel_loop3A_399 : vector<16xf32>
        %parallel_loop3A_401 = vector.extract_strided_slice %parallel_loop3A_258 {offsets = [14], sizes = [1], strides = [1]} : vector<16xf32> to vector<1xf32>
        %parallel_loop3A_402 = vector.extract %parallel_loop3A_401[0] : f32 from vector<1xf32>
        %parallel_loop3A_403 = arith.index_cast %rem3A_133 : i32 to index
        %parallel_loop3A_404 = arith.index_cast %parallel_loop3A_211 : i32 to index
        %parallel_loop3A_405 = arith.constant 224 : index
        %parallel_loop3A_406 = tpu.vector_load %arg7[%parallel_loop3A_403, %parallel_loop3A_404, %parallel_loop3A_405] {strides = array<i32>} : memref<2x128x272xf32, #tpu.memory_space<vmem>>, vector<1x1x16xf32>,
        %parallel_loop3A_407 = vector.shape_cast %parallel_loop3A_406 : vector<1x1x16xf32> to vector<16xf32>
        %parallel_loop3A_408 = vector.broadcast %parallel_loop3A_402 : f32 to vector<16xf32>
        %parallel_loop3A_409 = arith.mulf %parallel_loop3A_408, %parallel_loop3A_407 : vector<16xf32>
        %parallel_loop3A_410 = arith.addf %parallel_loop3A_370, %parallel_loop3A_409 : vector<16xf32>
        %parallel_loop3A_411 = vector.extract_strided_slice %parallel_loop3A_258 {offsets = [15], sizes = [1], strides = [1]} : vector<16xf32> to vector<1xf32>
        %parallel_loop3A_412 = vector.extract %parallel_loop3A_411[0] : f32 from vector<1xf32>
        %parallel_loop3A_413 = arith.index_cast %rem3A_133 : i32 to index
        %parallel_loop3A_414 = arith.index_cast %parallel_loop3A_211 : i32 to index
        %parallel_loop3A_415 = arith.constant 240 : index
        %parallel_loop3A_416 = tpu.vector_load %arg7[%parallel_loop3A_413, %parallel_loop3A_414, %parallel_loop3A_415] {strides = array<i32>} : memref<2x128x272xf32, #tpu.memory_space<vmem>>, vector<1x1x16xf32>,
        %parallel_loop3A_417 = vector.shape_cast %parallel_loop3A_416 : vector<1x1x16xf32> to vector<16xf32>
        %parallel_loop3A_418 = vector.broadcast %parallel_loop3A_412 : f32 to vector<16xf32>
        %parallel_loop3A_419 = arith.mulf %parallel_loop3A_418, %parallel_loop3A_417 : vector<16xf32>
        %parallel_loop3A_420 = arith.addf %parallel_loop3A_380, %parallel_loop3A_419 : vector<16xf32>
        %parallel_loop3A_421 = arith.addf %parallel_loop3A_390, %parallel_loop3A_400 : vector<16xf32>
        %parallel_loop3A_422 = arith.addf %parallel_loop3A_410, %parallel_loop3A_420 : vector<16xf32>
        %parallel_loop3A_423 = arith.addf %parallel_loop3A_421, %parallel_loop3A_422 : vector<16xf32>
        %parallel_loop3A_424 = arith.index_cast %rem3A_133 : i32 to index
        %parallel_loop3A_425 = arith.index_cast %parallel_loop3A_211 : i32 to index
        %parallel_loop3A_426 = arith.constant 0 : index
        %parallel_loop3A_427 = tpu.vector_load %arg11[%parallel_loop3A_424, %parallel_loop3A_425, %parallel_loop3A_426] {strides = array<i32>} : memref<2x128x32xf32, #tpu.memory_space<vmem>>, vector<1x1x16xf32>,
        %parallel_loop3A_428 = vector.shape_cast %parallel_loop3A_427 : vector<1x1x16xf32> to vector<16xf32>
        %parallel_loop3A_429 = vector.shape_cast %parallel_loop3A_423 : vector<16xf32> to vector<1x1x16xf32>
        tpu.vector_store %arg11[%parallel_loop3A_424, %parallel_loop3A_425, %parallel_loop3A_426], %parallel_loop3A_429 {strides = array<i32>} : memref<2x128x32xf32, #tpu.memory_space<vmem>>, vector<1x1x16xf32>,
        %parallel_loop3A_430 = arith.index_cast %rem3A_133 : i32 to index
        %parallel_loop3A_431 = arith.index_cast %parallel_loop3A_211 : i32 to index
        %parallel_loop3A_432 = arith.constant 16 : index
        %parallel_loop3A_433 = tpu.vector_load %arg11[%parallel_loop3A_430, %parallel_loop3A_431, %parallel_loop3A_432] {strides = array<i32>} : memref<2x128x32xf32, #tpu.memory_space<vmem>>, vector<1x1x16xf32>,
        %parallel_loop3A_434 = vector.shape_cast %parallel_loop3A_433 : vector<1x1x16xf32> to vector<16xf32>
        %parallel_loop3A_435 = vector.shape_cast %max3A_24 : vector<16xf32> to vector<1x1x16xf32>
        tpu.vector_store %arg11[%parallel_loop3A_430, %parallel_loop3A_431, %parallel_loop3A_432], %parallel_loop3A_435 {strides = array<i32>} : memref<2x128x32xf32, #tpu.memory_space<vmem>>, vector<1x1x16xf32>,
      } {sc.loop_unroll_factor = 4 : i64, sc.parallel_access}
      %dma_start3A_199 = arith.constant 0 : i32
      %dma_start3A_200 = arith.constant 0 : i32
      %dma_start3A_201 = tpu.memref_slice %arg11[%rem3A_133, %dma_start3A_199, %dma_start3A_200] : memref<2x128x32xf32, #tpu.memory_space<vmem>> -> memref<1x128x32xf32, #tpu.memory_space<vmem>>
      %dma_start3A_202 = tpu.memref_squeeze %dma_start3A_201 : memref<1x128x32xf32, #tpu.memory_space<vmem>> -> memref<128x32xf32, #tpu.memory_space<vmem>>
      %dma_start3A_203 = arith.constant 0 : i32
      %dma_start3A_204 = tpu.memref_slice %arg10[%rem3A_137, %dma_start3A_203] : memref<3x128xi32, #tpu.memory_space<vmem>> -> memref<1x128xi32, #tpu.memory_space<vmem>>
      %dma_start3A_205 = tpu.memref_squeeze %dma_start3A_204 : memref<1x128xi32, #tpu.memory_space<vmem>> -> memref<128xi32, #tpu.memory_space<vmem>>
      %dma_start3A_206 = arith.constant 0 : i32
      %dma_start3A_207 = arith.constant 0 : i32
      %dma_start3A_208 = tpu.memref_slice %arg13[%dma_start3A_206, %dma_start3A_207] : memref<10112x32xf32, #tpu.memory_space<vmem_shared>> -> memref<10112x32xf32, #tpu.memory_space<vmem_shared>>
      %dma_start3A_209 = tpu.memref_slice %arg17[%rem3A_133] : memref<2x!tpu.dma_semaphore, #tpu.memory_space<semaphore_mem>> -> memref<1x!tpu.dma_semaphore, #tpu.memory_space<semaphore_mem>>
      %dma_start3A_210 = tpu.memref_squeeze %dma_start3A_209 : memref<1x!tpu.dma_semaphore, #tpu.memory_space<semaphore_mem>> -> memref<!tpu.dma_semaphore, #tpu.memory_space<semaphore_mem>>
      tpu.enqueue_indirect_dma source(%dma_start3A_202 : memref<128x32xf32, #tpu.memory_space<vmem>>) target(%dma_start3A_208 : memref<10112x32xf32, #tpu.memory_space<vmem_shared>>) offsets(%dma_start3A_205 : memref<128xi32, #tpu.memory_space<vmem>>) semaphore(%dma_start3A_210 : memref<!tpu.dma_semaphore, #tpu.memory_space<semaphore_mem>>) {add = true}
    }
    %sub3A_94 = arith.constant 1 : i32
    %sub3A_95 = arith.subi %select_n3A, %sub3A_94 : i32
    %rem3A = arith.constant 2 : i32
    %rem3A_96 = arith.remsi %sub3A_95, %rem3A : i32
    %dma_wait3A = arith.constant 0 : i32
    %dma_wait3A_97 = arith.constant 0 : i32
    %dma_wait3A_98 = arith.constant 0 : i32
    %dma_wait3A_99 = tpu.memref_slice %arg11[%rem3A_96, %dma_wait3A_97, %dma_wait3A_98] : memref<2x128x32xf32, #tpu.memory_space<vmem>> -> memref<1x128x32xf32, #tpu.memory_space<vmem>>
    %dma_wait3A_100 = tpu.memref_squeeze %dma_wait3A_99 : memref<1x128x32xf32, #tpu.memory_space<vmem>> -> memref<128x32xf32, #tpu.memory_space<vmem>>
    %dma_wait3A_101 = arith.constant 0 : i32
    %dma_wait3A_102 = tpu.memref_slice %arg10[%dma_wait3A, %dma_wait3A_101] : memref<3x128xi32, #tpu.memory_space<vmem>> -> memref<1x128xi32, #tpu.memory_space<vmem>>
    %dma_wait3A_103 = tpu.memref_squeeze %dma_wait3A_102 : memref<1x128xi32, #tpu.memory_space<vmem>> -> memref<128xi32, #tpu.memory_space<vmem>>
    %dma_wait3A_104 = arith.constant 0 : i32
    %dma_wait3A_105 = arith.constant 0 : i32
    %dma_wait3A_106 = tpu.memref_slice %arg13[%dma_wait3A_104, %dma_wait3A_105] : memref<10112x32xf32, #tpu.memory_space<vmem_shared>> -> memref<10112x32xf32, #tpu.memory_space<vmem_shared>>
    %dma_wait3A_107 = tpu.memref_slice %arg17[%rem3A_96] : memref<2x!tpu.dma_semaphore, #tpu.memory_space<semaphore_mem>> -> memref<1x!tpu.dma_semaphore, #tpu.memory_space<semaphore_mem>>
    %dma_wait3A_108 = tpu.memref_squeeze %dma_wait3A_107 : memref<1x!tpu.dma_semaphore, #tpu.memory_space<semaphore_mem>> -> memref<!tpu.dma_semaphore, #tpu.memory_space<semaphore_mem>>
    tpu.wait_indirect_dma semaphore(%dma_wait3A_108 : memref<!tpu.dma_semaphore, #tpu.memory_space<semaphore_mem>>) src(%dma_wait3A_100 : memref<128x32xf32, #tpu.memory_space<vmem>>) dst(%dma_wait3A_106 : memref<10112x32xf32, #tpu.memory_space<vmem_shared>>)
    %sub3A_109 = arith.constant 2 : i32
    %sub3A_110 = arith.subi %select_n3A, %sub3A_109 : i32
    %rem3A_111 = arith.constant 2 : i32
    %rem3A_112 = arith.remsi %sub3A_110, %rem3A_111 : i32
    %dma_wait3A_113 = arith.constant 0 : i32
    %dma_wait3A_114 = arith.constant 0 : i32
    %dma_wait3A_115 = arith.constant 0 : i32
    %dma_wait3A_116 = tpu.memref_slice %arg11[%rem3A_112, %dma_wait3A_114, %dma_wait3A_115] : memref<2x128x32xf32, #tpu.memory_space<vmem>> -> memref<1x128x32xf32, #tpu.memory_space<vmem>>
    %dma_wait3A_117 = tpu.memref_squeeze %dma_wait3A_116 : memref<1x128x32xf32, #tpu.memory_space<vmem>> -> memref<128x32xf32, #tpu.memory_space<vmem>>
    %dma_wait3A_118 = arith.constant 0 : i32
    %dma_wait3A_119 = tpu.memref_slice %arg10[%dma_wait3A_113, %dma_wait3A_118] : memref<3x128xi32, #tpu.memory_space<vmem>> -> memref<1x128xi32, #tpu.memory_space<vmem>>
    %dma_wait3A_120 = tpu.memref_squeeze %dma_wait3A_119 : memref<1x128xi32, #tpu.memory_space<vmem>> -> memref<128xi32, #tpu.memory_space<vmem>>
    %dma_wait3A_121 = arith.constant 0 : i32
    %dma_wait3A_122 = arith.constant 0 : i32
    %dma_wait3A_123 = tpu.memref_slice %arg13[%dma_wait3A_121, %dma_wait3A_122] : memref<10112x32xf32, #tpu.memory_space<vmem_shared>> -> memref<10112x32xf32, #tpu.memory_space<vmem_shared>>
    %dma_wait3A_124 = tpu.memref_slice %arg17[%rem3A_112] : memref<2x!tpu.dma_semaphore, #tpu.memory_space<semaphore_mem>> -> memref<1x!tpu.dma_semaphore, #tpu.memory_space<semaphore_mem>>
    %dma_wait3A_125 = tpu.memref_squeeze %dma_wait3A_124 : memref<1x!tpu.dma_semaphore, #tpu.memory_space<semaphore_mem>> -> memref<!tpu.dma_semaphore, #tpu.memory_space<semaphore_mem>>
    tpu.wait_indirect_dma semaphore(%dma_wait3A_125 : memref<!tpu.dma_semaphore, #tpu.memory_space<semaphore_mem>>) src(%dma_wait3A_117 : memref<128x32xf32, #tpu.memory_space<vmem>>) dst(%dma_wait3A_123 : memref<10112x32xf32, #tpu.memory_space<vmem_shared>>)
    %barrier3A_126 = arith.constant 0 : index
    tpu.barrier barrier_id(%barrier3A_126)
    %mul3A_127 = arith.constant 632 : i32
    %mul3A_128 = arith.muli %arg1, %mul3A_127 : i32
    %mul3A_129 = arith.constant 632 : i32
    %mul3A_130 = arith.muli %arg1, %mul3A_129 : i32
    "tpu.region"() ({
      %run_scoped3A_131 = tpu.sem_alloc : memref<!tpu.dma_semaphore, #tpu.memory_space<semaphore_mem>>
      %dma_start3A_132 = arith.constant 0 : i32
      %dma_start3A_133 = tpu.memref_slice %arg6[%arg0, %mul3A_130, %dma_start3A_132] : memref<2x10112x32xf32, #tpu.memory_space<hbm>> -> memref<1x632x32xf32, #tpu.memory_space<hbm>>
      %dma_start3A_134 = tpu.memref_squeeze %dma_start3A_133 : memref<1x632x32xf32, #tpu.memory_space<hbm>> -> memref<632x32xf32, #tpu.memory_space<hbm>>
      %dma_start3A_135 = arith.constant 0 : i32
      %dma_start3A_136 = tpu.memref_slice %arg13[%mul3A_128, %dma_start3A_135] : memref<10112x32xf32, #tpu.memory_space<vmem_shared>> -> memref<632x32xf32, #tpu.memory_space<vmem_shared>>
      tpu.enqueue_dma source(%dma_start3A_136 : memref<632x32xf32, #tpu.memory_space<vmem_shared>>) target(%dma_start3A_134 : memref<632x32xf32, #tpu.memory_space<hbm>>) target_semaphore(%run_scoped3A_131 : memref<!tpu.dma_semaphore, #tpu.memory_space<semaphore_mem>>)
      %dma_wait3A_137 = arith.constant 0 : i32
      %dma_wait3A_138 = tpu.memref_slice %arg6[%arg0, %mul3A_130, %dma_wait3A_137] : memref<2x10112x32xf32, #tpu.memory_space<hbm>> -> memref<1x632x32xf32, #tpu.memory_space<hbm>>
      %dma_wait3A_139 = tpu.memref_squeeze %dma_wait3A_138 : memref<1x632x32xf32, #tpu.memory_space<hbm>> -> memref<632x32xf32, #tpu.memory_space<hbm>>
      %dma_wait3A_140 = arith.constant 0 : i32
      %dma_wait3A_141 = tpu.memref_slice %arg13[%mul3A_128, %dma_wait3A_140] : memref<10112x32xf32, #tpu.memory_space<vmem_shared>> -> memref<632x32xf32, #tpu.memory_space<vmem_shared>>
      tpu.wait_dma2 semaphore(%run_scoped3A_131 : memref<!tpu.dma_semaphore, #tpu.memory_space<semaphore_mem>>) src(%dma_wait3A_141 : memref<632x32xf32, #tpu.memory_space<vmem_shared>>) dst(%dma_wait3A_139 : memref<632x32xf32, #tpu.memory_space<hbm>>)
      tpu.yield
    }) : () -> ()
    return
  }
}

module attributes {stable_mosaic.version = 14 : i64} {
  func.func @_mm_body(%arg0: memref<10112x128xf32, #tpu.memory_space<vmem>>, %arg1: memref<128x272xf32, #tpu.memory_space<vmem>>, %arg2: memref<10112x272xf32, #tpu.memory_space<vmem>>) attributes {dimension_semantics = [], scalar_prefetch = 0 : i64, scratch_operands = 0 : i64, tpu.core_type = #tpu.core_type<tc>} {
    %get3A = arith.constant 0 : index
    %get3A_0 = arith.constant 0 : index
    %get3A_1 = vector.load %arg0[%get3A, %get3A_0] : memref<10112x128xf32, #tpu.memory_space<vmem>>, vector<10112x128xf32>
    %get3A_2 = arith.constant 0 : index
    %get3A_3 = arith.constant 0 : index
    %get3A_4 = vector.load %arg1[%get3A_2, %get3A_3] : memref<128x272xf32, #tpu.memory_space<vmem>>, vector<128x272xf32>
    %dot_general3A = arith.constant dense<0.000000e+00> : vector<10112x272xf32>
    %dot_general3A_5 = tpu.matmul %get3A_1, %get3A_4, %dot_general3A {dimension_numbers = #tpu.dot_dimension_numbers<[1], [0], [0], [1], [0, 0, 1, 1], [], []>, transpose_lhs_hint = false} : vector<10112x128xf32>, vector<128x272xf32>, vector<10112x272xf32> -> vector<10112x272xf32>
    %swap3A = arith.constant 0 : index
    %swap3A_6 = arith.constant 0 : index
    %swap3A_7 = vector.load %arg2[%swap3A, %swap3A_6] : memref<10112x272xf32, #tpu.memory_space<vmem>>, vector<10112x272xf32>
    tpu.vector_store %arg2[%swap3A, %swap3A_6], %dot_general3A_5 {strides = array<i32>} : memref<10112x272xf32, #tpu.memory_space<vmem>>, vector<10112x272xf32>,
    return
  }
}

module attributes {stable_mosaic.version = 14 : i64} {
  func.func @_fin1_body(%arg0: memref<2x10112x32xf32, #tpu.memory_space<vmem>>, %arg1: memref<16x272xf32, #tpu.memory_space<vmem>>, %arg2: memref<16xf32, #tpu.memory_space<vmem>>, %arg3: memref<10112x272xf32, #tpu.memory_space<vmem>>) attributes {dimension_semantics = [], scalar_prefetch = 0 : i64, scratch_operands = 0 : i64, tpu.core_type = #tpu.core_type<tc>} {
    %get3A = arith.constant 0 : index
    %get3A_0 = arith.constant 0 : index
    %get3A_1 = arith.constant 0 : index
    %get3A_2 = vector.load %arg0[%get3A, %get3A_0, %get3A_1] : memref<2x10112x32xf32, #tpu.memory_space<vmem>>, vector<1x10112x32xf32>
    %get3A_3 = vector.shape_cast %get3A_2 : vector<1x10112x32xf32> to vector<10112x32xf32>
    %get3A_4 = arith.constant 1 : index
    %get3A_5 = arith.constant 0 : index
    %get3A_6 = arith.constant 0 : index
    %get3A_7 = vector.load %arg0[%get3A_4, %get3A_5, %get3A_6] : memref<2x10112x32xf32, #tpu.memory_space<vmem>>, vector<1x10112x32xf32>
    %get3A_8 = vector.shape_cast %get3A_7 : vector<1x10112x32xf32> to vector<10112x32xf32>
    %add3A = arith.addf %get3A_3, %get3A_8 : vector<10112x32xf32>
    %slice3A = vector.extract_strided_slice %add3A {offsets = [0, 0], sizes = [10112, 16], strides = [1, 1]} : vector<10112x32xf32> to vector<10112x16xf32>
    %slice3A_9 = vector.extract_strided_slice %add3A {offsets = [0, 16], sizes = [10112, 1], strides = [1, 1]} : vector<10112x32xf32> to vector<10112x1xf32>
    %max3A = arith.constant 1.000000e+00 : f32
    %max3A_10 = vector.broadcast %max3A : f32 to vector<10112x1xf32>
    %max3A_11 = arith.maximumf %slice3A_9, %max3A_10 : vector<10112x1xf32>
    %div3A = vector.broadcast %max3A_11 : vector<10112x1xf32> to vector<10112x16xf32>
    %div3A_12 = arith.divf %slice3A, %div3A : vector<10112x16xf32>
    %get3A_13 = arith.constant 0 : index
    %get3A_14 = vector.load %arg2[%get3A_13] : memref<16xf32, #tpu.memory_space<vmem>>, vector<16xf32>
    %broadcast_in_dim3A = vector.shape_cast %get3A_14 : vector<16xf32> to vector<1x16xf32>
    %add3A_15 = vector.broadcast %broadcast_in_dim3A : vector<1x16xf32> to vector<10112x16xf32>
    %add3A_16 = arith.addf %div3A_12, %add3A_15 : vector<10112x16xf32>
    %max3A_17 = arith.constant 0.000000e+00 : f32
    %max3A_18 = vector.broadcast %max3A_17 : f32 to vector<10112x16xf32>
    %max3A_19 = arith.maximumf %add3A_16, %max3A_18 : vector<10112x16xf32>
    %get3A_20 = arith.constant 0 : index
    %get3A_21 = arith.constant 0 : index
    %get3A_22 = vector.load %arg1[%get3A_20, %get3A_21] : memref<16x272xf32, #tpu.memory_space<vmem>>, vector<16x272xf32>
    %dot_general3A = arith.constant dense<0.000000e+00> : vector<10112x272xf32>
    %dot_general3A_23 = tpu.matmul %max3A_19, %get3A_22, %dot_general3A {dimension_numbers = #tpu.dot_dimension_numbers<[1], [0], [0], [1], [0, 0, 1, 1], [], []>, transpose_lhs_hint = false} : vector<10112x16xf32>, vector<16x272xf32>, vector<10112x272xf32> -> vector<10112x272xf32>
    %swap3A = arith.constant 0 : index
    %swap3A_24 = arith.constant 0 : index
    %swap3A_25 = vector.load %arg3[%swap3A, %swap3A_24] : memref<10112x272xf32, #tpu.memory_space<vmem>>, vector<10112x272xf32>
    tpu.vector_store %arg3[%swap3A, %swap3A_24], %dot_general3A_23 {strides = array<i32>} : memref<10112x272xf32, #tpu.memory_space<vmem>>, vector<10112x272xf32>,
    return
  }
}

module attributes {stable_mosaic.version = 14 : i64} {
  func.func @_fin2_body(%arg0: memref<2x10112x32xf32, #tpu.memory_space<vmem>>, %arg1: memref<16xf32, #tpu.memory_space<vmem>>, %arg2: memref<16x1xf32, #tpu.memory_space<vmem>>, %arg3: memref<1xf32, #tpu.memory_space<vmem>>, %arg4: memref<10112x1xf32, #tpu.memory_space<vmem>>) attributes {dimension_semantics = [], scalar_prefetch = 0 : i64, scratch_operands = 0 : i64, tpu.core_type = #tpu.core_type<tc>} {
    %get3A = arith.constant 0 : index
    %get3A_0 = arith.constant 0 : index
    %get3A_1 = arith.constant 0 : index
    %get3A_2 = vector.load %arg0[%get3A, %get3A_0, %get3A_1] : memref<2x10112x32xf32, #tpu.memory_space<vmem>>, vector<1x10112x32xf32>
    %get3A_3 = vector.shape_cast %get3A_2 : vector<1x10112x32xf32> to vector<10112x32xf32>
    %get3A_4 = arith.constant 1 : index
    %get3A_5 = arith.constant 0 : index
    %get3A_6 = arith.constant 0 : index
    %get3A_7 = vector.load %arg0[%get3A_4, %get3A_5, %get3A_6] : memref<2x10112x32xf32, #tpu.memory_space<vmem>>, vector<1x10112x32xf32>
    %get3A_8 = vector.shape_cast %get3A_7 : vector<1x10112x32xf32> to vector<10112x32xf32>
    %add3A = arith.addf %get3A_3, %get3A_8 : vector<10112x32xf32>
    %slice3A = vector.extract_strided_slice %add3A {offsets = [0, 0], sizes = [10112, 16], strides = [1, 1]} : vector<10112x32xf32> to vector<10112x16xf32>
    %slice3A_9 = vector.extract_strided_slice %add3A {offsets = [0, 16], sizes = [10112, 1], strides = [1, 1]} : vector<10112x32xf32> to vector<10112x1xf32>
    %max3A = arith.constant 1.000000e+00 : f32
    %max3A_10 = vector.broadcast %max3A : f32 to vector<10112x1xf32>
    %max3A_11 = arith.maximumf %slice3A_9, %max3A_10 : vector<10112x1xf32>
    %div3A = vector.broadcast %max3A_11 : vector<10112x1xf32> to vector<10112x16xf32>
    %div3A_12 = arith.divf %slice3A, %div3A : vector<10112x16xf32>
    %get3A_13 = arith.constant 0 : index
    %get3A_14 = vector.load %arg1[%get3A_13] : memref<16xf32, #tpu.memory_space<vmem>>, vector<16xf32>
    %broadcast_in_dim3A = vector.shape_cast %get3A_14 : vector<16xf32> to vector<1x16xf32>
    %add3A_15 = vector.broadcast %broadcast_in_dim3A : vector<1x16xf32> to vector<10112x16xf32>
    %add3A_16 = arith.addf %div3A_12, %add3A_15 : vector<10112x16xf32>
    %max3A_17 = arith.constant 0.000000e+00 : f32
    %max3A_18 = vector.broadcast %max3A_17 : f32 to vector<10112x16xf32>
    %max3A_19 = arith.maximumf %add3A_16, %max3A_18 : vector<10112x16xf32>
    %get3A_20 = arith.constant 0 : index
    %get3A_21 = arith.constant 0 : index
    %get3A_22 = vector.load %arg2[%get3A_20, %get3A_21] : memref<16x1xf32, #tpu.memory_space<vmem>>, vector<16x1xf32>
    %dot_general3A = arith.constant dense<0.000000e+00> : vector<10112x1xf32>
    %dot_general3A_23 = tpu.matmul %max3A_19, %get3A_22, %dot_general3A {dimension_numbers = #tpu.dot_dimension_numbers<[1], [0], [0], [1], [0, 0, 1, 1], [], []>, transpose_lhs_hint = false} : vector<10112x16xf32>, vector<16x1xf32>, vector<10112x1xf32> -> vector<10112x1xf32>
    %get3A_24 = arith.constant 0 : index
    %get3A_25 = vector.load %arg3[%get3A_24] : memref<1xf32, #tpu.memory_space<vmem>>, vector<1xf32>
    %broadcast_in_dim3A_26 = vector.shape_cast %get3A_25 : vector<1xf32> to vector<1x1xf32>
    %add3A_27 = vector.broadcast %broadcast_in_dim3A_26 : vector<1x1xf32> to vector<10112x1xf32>
    %add3A_28 = arith.addf %dot_general3A_23, %add3A_27 : vector<10112x1xf32>
    %swap3A = arith.constant 0 : index
    %swap3A_29 = arith.constant 0 : index
    %swap3A_30 = vector.load %arg4[%swap3A, %swap3A_29] : memref<10112x1xf32, #tpu.memory_space<vmem>>, vector<10112x1xf32>
    tpu.vector_store %arg4[%swap3A, %swap3A_29], %add3A_28 {strides = array<i32>} : memref<10112x1xf32, #tpu.memory_space<vmem>>, vector<10112x1xf32>,
    return
  }
}

</mosaic_0001>

<sc_bundles>
// kernel: kernel.10.cloned.1.call-start
scs
__scs_entry_jumppad:
0x0: {  	(pc) =	sbr.rel $0x88, $3  }
0x1: {  	(tag) =	ssettag $0x0;
	lr =	simm.s32 $0x1  }
0x2: {  	[smem:$0x3F96] =	sst lr;
	_ =	strace $0xD0000000  }
0x3: {  	_ = 	snop  }
0x4: {  	_ = 	snop  }
0x5: {  	_ = 	snop  }
0x6: {  	_ = 	snop  }
0x7: {  	_ = 	snop  }
__scs_overlays_trampoline_lowered:
0x8: {  	[smem:$0x3FA5] =	sst s0  }
0x9: {  	[smem:$0x3FA6] =	sst s1  }
0xa: {  	[smem:$0x3FA7] =	sst s2  }
0xb: {  	[smem:$0x3FA8] =	sst s3  }
0xc: {  	[smem:$0x3FA9] =	sst s4  }
0xd: {  	[smem:$0x3FAA] =	sst s5  }
0xe: {  	[smem:$0x3FAB] =	sst s6  }
0xf: {  	[smem:$0x3FAC] =	sst s7  }
0x10: {  	[smem:$0x3FAD] =	sst s8  }
0x11: {  	[smem:$0x3FAE] =	sst s9;
	s0 =	simm.s32 @!p0 $0x0  }
0x12: {  	s1 =	sld [smem:$0x3F94];
	s0 =	simm.s32 @p0 $0x1  }
0x13: {  	[smem:$0x3FAF] =	sst s0;
	s0 =	simm.s32 @!p1 $0x0  }
0x14: {  	s2 =	sld [smem:$0x3F93];
	s0 =	simm.s32 @p1 $0x1  }
0x15: {  	[smem:$0x3FB0] =	sst s0;
	s0 =	simm.s32 @!p2 $0x0  }
0x16: {  	s3 =	sld [smem:$0x3FDB];
	s0 =	simm.s32 @p2 $0x1  }
0x17: {  	s4 =	simm.s32 $0x1BF5;
	[smem:$0x3FB2] =	sst s0  }
0x18: {  	s0 =	sld [smem:$0x3F95];
	_ =	swait.ge [sflag:s4], $0x0  }
0x19: {  	s7 =	sld [smem:$0x3F96]  }
0x1a: {  	s8 =	sadd.s32 $0xFFFFE003, lr  }
0x1b: {  	s9 =	sadd.s32 $0xFFFFFEF7, lr;
	s5 =	simm.s32 $0xFFFFFFFF;
	p2 =	slt.u32 s8, $0xFFFFF086  }
0x1c: {  	p1 =	slt.u32 s9, $0xF7A;
	s5 =	simm.s32 @!p2 $0x0  }
0x1d: {  	s5 =	simm.s32 @p1 $0x1;
	p0 =	seq.s32 s7, s2  }
0x1e: {  	s7 =	smul.u32 @!p0 $0xF7A, s2;
	p2 =	seq.s32 @!p0 s5, $0x0  }
0x1f: {  	s9 =	smul.u32 $0xF7A, s1;
	s8 =	simm.s32 @!p0 $0x1BF5;
	p2 =	por !p2, p0  }
0x20: {  	[sflag:s8] =	ssyncset.s32 @!p0 $0xFFFFF086;
	s6 =	sadd.s32 @!p0 s3, s7;
	s7 =	simm.s32 @!p0 $0x108  }
0x21: {  	s3 =	sadd.s32 s3, s9;
	s6 =	sadd.s32 @!p0 $0x88, s6;
	s7 =	simm.s32 @p2 $0x1082  }
0x22: {  	[simem:s7], [sflag:s8] =	dma.local @!p0 [hbm:s6], $0xF7A  }
0x23: {  	s9 =	sor.u32 $0xD0000000, s2;
	s6 =	simm.s32 $0x108;
	_ =	swait.ge @!p0 [sflag:s8], $0x0  }
0x24: {  	s3 =	sadd.s32 $0x88, s3;
	s6 =	simm.s32 @!p1 $0x1082;
	[sflag:s4] =	ssyncset.s32 $0xFFFFF086  }
0x25: {  	[simem:s6], [sflag:s4] =	dma.local [hbm:s3], $0xF7A  }
0x26: {  	[smem:$0x3F96] =	sst s1;
	(tag) =	ssettag s2;
	_ =	strace s9  }
0x27: {  	s1 =	sld [smem:$0x3FA6]  }
0x28: {  	s2 =	sld [smem:$0x3FA7]  }
0x29: {  	s4 =	sld [smem:$0x3FA9]  }
0x2a: {  	p0 =	seq.s32 s5, $0x0;
	s5 =	sld [smem:$0x3FAA]  }
0x2b: {  	s6 =	sld [smem:$0x3FAB]  }
0x2c: {  	s7 =	sld [smem:$0x3FAC]  }
0x2d: {  	s3 =	simm.s32 $0x108;
	s8 =	sld [smem:$0x3FAD]  }
0x2e: {  	s3 =	simm.s32 @!p0 $0x1082;
	s9 =	sld [smem:$0x3FAE]  }
0x2f: {  	lr =	sadd.s32 s0, s3;
	s0 =	sld [smem:$0x3FA5]  }
0x30: {  	s3 =	sld [smem:$0x3FA8]  }
0x31: {  	[smem:$0x3FB1] =	sst s10  }
0x32: {  	s10 =	sld [smem:$0x3FAF];
	_ =	sdelay $0x3  }
0x33: {  	p0 =	seq.s32 s10, $0x1;
	s10 =	sld [smem:$0x3FB1];
	_ =	sdelay $0x3  }
0x34: {  	[smem:$0x3FB1] =	sst s10  }
0x35: {  	s10 =	sld [smem:$0x3FB0];
	_ =	sdelay $0x3  }
0x36: {  	p1 =	seq.s32 s10, $0x1;
	s10 =	sld [smem:$0x3FB1];
	_ =	sdelay $0x3  }
0x37: {  	[smem:$0x3FB1] =	sst s10  }
0x38: {  	s10 =	sld [smem:$0x3FB2]  }
0x39: {  	_ = 	snop;
	(pc) =	sbr.ind lr, $3  }
0x3a: {  	_ = 	snop  }
0x3b: {  	_ = 	snop  }
0x3c: {  	p2 =	seq.s32 s10, $0x1;
	s10 =	sld [smem:$0x3FB1]  }
0x3d: {  	_ =	shalt  }
0x3e: {  	_ =	shalt  }
0x3f: {  	_ =	shalt  }
0x40: {  	_ =	shalt  }
0x41: {  	_ =	shalt  }
0x42: {  	_ =	shalt  }
0x43: {  	_ =	shalt  }
0x44: {  	_ =	shalt  }
0x45: {  	_ =	shalt  }
0x46: {  	_ =	shalt  }
0x47: {  	_ =	shalt  }
0x48: {  	_ =	shalt  }
0x49: {  	_ =	shalt  }
0x4a: {  	_ =	shalt  }
0x4b: {  	_ =	shalt  }
0x4c: {  	_ =	shalt  }
0x4d: {  	_ =	shalt  }
0x4e: {  	_ =	shalt  }
0x4f: {  	_ =	shalt  }
0x50: {  	_ =	shalt  }
0x51: {  	_ =	shalt  }
0x52: {  	_ =	shalt  }
0x53: {  	_ =	shalt  }
0x54: {  	_ =	shalt  }
0x55: {  	_ =	shalt  }
0x56: {  	_ =	shalt  }
0x57: {  	_ =	shalt  }
0x58: {  	_ =	shalt  }
0x59: {  	_ =	shalt  }
0x5a: {  	_ =	shalt  }
0x5b: {  	_ =	shalt  }
0x5c: {  	_ =	shalt  }
0x5d: {  	_ =	shalt  }
0x5e: {  	_ =	shalt  }
0x5f: {  	_ =	shalt  }
0x60: {  	_ =	shalt  }
0x61: {  	_ =	shalt  }
0x62: {  	_ =	shalt  }
0x63: {  	_ =	shalt  }
0x64: {  	_ =	shalt  }
0x65: {  	_ =	shalt  }
0x66: {  	_ =	shalt  }
0x67: {  	_ =	shalt  }
0x68: {  	_ =	shalt  }
0x69: {  	_ =	shalt  }
0x6a: {  	_ =	shalt  }
0x6b: {  	_ =	shalt  }
0x6c: {  	_ =	shalt  }
0x6d: {  	_ =	shalt  }
0x6e: {  	_ =	shalt  }
0x6f: {  	_ =	shalt  }
0x70: {  	_ =	shalt  }
0x71: {  	_ =	shalt  }
0x72: {  	_ =	shalt  }
0x73: {  	_ =	shalt  }
0x74: {  	_ =	shalt  }
0x75: {  	_ =	shalt  }
0x76: {  	_ =	shalt  }
0x77: {  	_ =	shalt  }
0x78: {  	_ =	shalt  }
0x79: {  	_ =	shalt  }
0x7a: {  	_ =	shalt  }
0x7b: {  	_ =	shalt  }
0x7c: {  	_ =	shalt  }
0x7d: {  	_ =	shalt  }
0x7e: {  	_ =	shalt  }
0x7f: {  	_ =	shalt  }
0x80: {  	_ =	shalt  }
0x81: {  	_ =	shalt  }
0x82: {  	_ =	shalt  }
0x83: {  	_ =	shalt  }
0x84: {  	_ =	shalt  }
0x85: {  	_ =	shalt  }
0x86: {  	_ =	shalt  }
0x87: {  	_ =	shalt  }
.Lfunc_end0:
.L_simem_size_0:
called_computation.1_lowered:
.L_overlay_start_0:
0x88: {  	s2 =	sld [smem:$0x3FD9]  }
0x89: {  	s3 =	sld [smem:$0x3FFE];
	_ =	sdelay $0x1  }
0x8a: {  	s1 =	srdreg.scid  }
0x8b: {  	s0 =	sand.u32 $0x1, s1  }
0x8c: {  	s16 =	sshll.u32 s0, $0xA;
	s2 =	sadd.s32 s3, s2  }
0x8d: {  	s2 =	sadd.s32 s2, s16  }
0x8e: {  	[smem:$0x3FBD] =	sst s2  }
0x8f: {  	_ = 	snop  }
0x90: {  	(tm) =	ssettm $0x1  }
0x91: {  	s17 =	sld [smem:$0x3FFB];
	_ =	sdelay $0x3  }
0x92: {  	_ =	strace s17  }
0x93: {  	s2 =	sld [smem:$0x3FFC];
	_ =	sdelay $0x3  }
0x94: {  	_ =	strace s2  }
0x95: {  	s2 =	sld [smem:$0x3FFD];
	_ =	sdelay $0x3  }
0x96: {  	_ =	strace s2  }
0x97: {  	_ =	strace $0x8FFFFFFF  }
0x98: {  	s18 =	sld [smem:$0x3FDB];
	_ =	sdelay $0x1  }
0x99: {  	s19 =	simm.s32 $_scs_section_size  }
0x9a: {  	s4 =	simm.s32 $_size__tile_overlayer_lowered;
	s5 =	simm.s32 $_tile_overlayer_lowered  }
0x9b: {  	s22 =	simm.s32 $0x1BFF;
	s21 =	sshll.u32 s5, $0x1;
	s2 =	sadd.s32 s19, s18  }
0x9c: {  	s6 =	simm.s32 $0x0;
	s20 =	sshll.u32 s4, $0x1;
	s4 =	sadd.s32 s21, s2  }
0x9d: {  	[timem:s6], [sflag:s22] =	dma.local [hbm:s4], s20  }
0x9e: {  	_ =	swait.ge [sflag:s22], s20  }
0x9f: {  	s3 =	ssub.s32 $0x0, s20;
	[sflag:s22] =	ssyncset.done $0x0  }
0xa0: {  	[sflag:s22] =	ssyncadd.s32 s3;
	_ =	sdelay $0x1  }
0xa1: {  	s23 =	simm.s32 $0x1B8B  }
0xa2: {  	_ =	swait.ge [sflag:s23], $0x1  }
0xa3: {  	[sflag:s23] =	ssyncset.done $0x0  }
0xa4: {  	s25 =	simm.s32 $0x1B8E;
	s24 =	sld [smem:$0x3FFE];
	[sflag:s23] =	ssyncadd.s32 $0xFFFFFFFF  }
0xa5: {  	s26 =	simm.s32 $execute0_lowered;
	[smem:$0x3FD2] =	sst s25  }
0xa6: {  	s4 =	sshll.u32 s26, $0x1;
	_ =	strace $0x80000049;
	[dreg:$0x1] =	wrdreg $0xFFFFFFFF  }
0xa7: {  	s28 =	simm.s32 $_size_execute0_lowered;
	s2 =	sadd.s32 s2, s4;
	[dreg:$0x0] =	wrdreg $0x0  }
0xa8: {  	s4 =	sshll.u32 s28, $0x1;
	[dreg:$0x2] =	wrdreg s2  }
0xa9: {  	[dreg:$0x3] =	wrdreg s4  }
0xaa: {  	[dreg:$0x4] =	wrdreg $0xC0  }
0xab: {  	_ =	task [dreg:s6], $0x5FFFF  }
0xac: {  	[dreg:$0x1] =	wrdreg $0xFFFFFFFF  }
0xad: {  	[dreg:$0x0] =	wrdreg $0x60  }
0xae: {  	[dreg:$0x2] =	wrdreg s24  }
0xaf: {  	[dreg:$0x3] =	wrdreg $0x191800  }
0xb0: {  	[dreg:$0x4] =	wrdreg $0x9  }
0xb1: {  	_ =	task.clear_ibuf [dreg:s6], $0x5FFFF;
	_ =	strace $0x90000049  }
0xb2: {  	s29 =	simm.s32 $0x9;
	_ =	strace $0x8000004B  }
0xb3: {  	_ =	swait.ge [sflag:s29], $0x1  }
0xb4: {  	[sflag:s29] =	ssyncadd.s32 $0xFFFFFFFF  }
0xb5: {  	_ =	strace $0x9000004B  }
0xb6: {  	_ =	sfence  }
0xb7: {  	s30 =	sld [smem:$0x0];
	_ =	sdelay $0x2  }
0xb8: {  	s31 =	sshll.u32 s1, $0xD;
	s1 =	sshrl.u32 s1, $0x2  }
0xb9: {  	s3 =	sand.u32 $0x4000, s31;
	s1 =	sadd.s32 s1, s30  }
0xba: {  	s0 =	sor.u32 s3, s0;
	s1 =	sshll.u32 s1, $0x11  }
0xbb: {  	s0 =	sor.u32 s1, s0  }
0xbc: {  	s0 =	sadd.s32 $0x8F2B, s0  }
0xbd: {  	[sflag:s0] =	ssyncadd.remote.s32 $0x1  }
0xbe: {  	_ =	sfence.sel $0xFFFF  }
0xbf: {  	[dreg:$0x0] =	wrdreg $0xFFFFFFFF;
	(pc) =	sbr.abs _section_cstart, $3  }
0xc0: {  	[dreg:$0x1] =	wrdreg $0xFFFFFFFF  }
0xc1: {  	_ =	task.clear_ibuf [dreg:s6], $0x2FFFF;
	_ =	strace $0x9FFFFFFF  }
0xc2: {  	(tm) =	ssettm $0x7FFFFFFF  }
0xc3: {  	_ =	shalt  }
tec
execute0_lowered:
.L_overlay_start_1:
0x0: {  	(tag) =	ssettag $0x1  }
0x1: {  	s0 =	rddreg [dreg:$0x0];
	s1 =	srdreg.scid  }
0x2: {  	s9 =	stileid.u32;
	s2 =	rddreg [dreg:$0x1]  }
0x3: {  	s3 =	simm.s32 $0x0;
	s18 =	simm.s32 $0x9;
	s20 =	simm.s32 $0x80  }
0x4: {  	s24 =	simm.s32 $0x8;
	s25 =	simm.s32 $0x7;
	s26 =	simm.s32 $0x0  }
0x5: {  	s1 =	sand.u32 $0x1, s1;
	s10 =	smul.u32 $0x4F00, s9;
	[smem:$0x7FF] =	sst s3  }
0x6: {  	s4 =	sadd.s32 $0x51600, s0;
	s6 =	sadd.s32 $0xAA600, s0;
	s13 =	smul.u32 $0x4C, s9  }
0x7: {  	s9 =	sshll.u32 s9, $0x2;
	s5 =	smul.u32 $0x4F000, s1;
	_ =	strace $0x8000004A  }
0x8: {  	s11 =	ssub.s32 $0x2, s1;
	p0 =	seq.s32 s1, $0x0;
	s9 =	sor.u32 $0x4C0, s9  }
0x9: {  	s12 =	sshrl.u32 s11, $0x1;
	s9 =	smov.u32 @p0 s13;
	s7 =	sadd.s32 s10, s5  }
0xa: {  	s5 =	sadd.s32 $0x1600, s0;
	s28 =	ssub.s32 s11, s12;
	s13 =	sshll.u32 s9, $0x8  }
0xb: {  	s29 =	sshll.u32 s9, $0x4;
	s8 =	sshrl.u32 s7, $0x3;
	s13 =	sadd.s32 s5, s13  }
0xc: {  	s7 =	sadd.s32 $0xA5600, s0;
	s31 =	smax.u32 s28, $0x1;
	[dreg:$0x3] =	wrdreg s13  }
0xd: {  	s11 =	sadd.s32 s6, s29;
	s12 =	sadd.s32 s7, s29;
	[dreg:$0x7] =	wrdreg s31  }
0xe: {  	s0 =	sadd.s32 s8, s0;
	s30 =	sadd.s32 $0x10, s11;
	[dreg:$0x4] =	wrdreg s12  }
0xf: {  	v0 =	vimm.f32 $0.0e+00;
	vm0 =	vcmask $0x300;
	s8 =	simm.s32 $0x4C;
	[dreg:$0x5] =	wrdreg s30;
	s0 =	sadd.s32 $0xAF600, s0  }
0x10: {  	v1 =	vsel vm0, $0x3F800000, v0;
	s10 =	sadd.s32 s10, s2;
	s8 =	simm.s32 @!p0 $0x4;
	[dreg:$0x6] =	wrdreg s0  }
.LBB2_1:
0x11: {  	s0 =	simm.s32 $0x80;
	s1 =	simm.s32 $0x0  }
.LBB2_2:
0x12: {  	p0 =	sne.s32 s0, $0x13B80;
	[tilespmem:s1+$0x14280] =	vst v0;
	s12 =	smov.u32 s0;
	s0 =	sadd.s32 $0x80, s0  }
.Ltmp0:
0x13: {  	[tilespmem:s1+$0x14290] =	vst v0;
	(pc) =	sbr.rel @p0 .LBB2_2-.Ltmp0, $2  }
0x14: {  	_ =	sdelay $0x2  }
0x15: {  	s1 =	sshra.s32 s12, $0x2  }
0x16: {  	[tilespmem:s1+$0x14280] =	vst v0  }
0x17: {  	[tilespmem:s1+$0x14290] =	vst v0;
	s0 =	simm.s32 $0x14280  }
0x18: {  	[spmem:s10] =	stream.linear.scatter [tilespmem:s0], [sflag:$0x9], $0x4F00, $0x38;
	[tilespmem:$0x1E080] =	vst v63  }
0x19: {  	_ =	swait.ge [sflag:s18], $0x4F00  }
0x1a: {  	[sflag:s18] =	ssyncset.done $0x0  }
0x1b: {  	[sflag:s18] =	ssyncadd.s32 $0xFFFFB100  }
0x1c: {  	s19 =	simm.s32 $0x12000;
	[bflag:$0x0] =	sbarrier.arrive $0xFFFF  }
0x1d: {  	[tilespmem:s19], [sflag:$0x9] =	stream.linear.gather [hbm4b:s11+s26], $0x80, $0x38;
	[tilespmem:$0x1E080] =	vst v63  }
0x1e: {  	_ =	swait.ge [sflag:s18], $0x80  }
0x1f: {  	[sflag:s18] =	ssyncset.done $0x0  }
0x20: {  	[sflag:s18] =	ssyncadd.s32 $0xFFFFFF80  }
0x21: {  	[tilespmem:s26], [sflag:$0x1] =	stream.indirect.gather [hbm4b:s4+s20], $0x110, s19, s20, $0xb8;
	[tilespmem:$0x1E080] =	vst v63  }
0x22: {  	s22 =	simm.s32 $0x11000;
	s21 =	rddreg [dreg:$0x3]  }
0x23: {  	[tilespmem:s22], [sflag:$0x5] =	stream.linear.gather [hbm4b:s21+s26], $0x800, $0x38;
	[tilespmem:$0x1E080] =	vst v63  }
0x24: {  	s28 =	simm.s32 $0x12100;
	s31 =	simm.s32 $0x12080;
	s23 =	rddreg [dreg:$0x4]  }
0x25: {  	[tilespmem:s28], [sflag:$0x5] =	stream.linear.gather [hbm4b:s23+s26], $0x80, $0x38;
	[tilespmem:$0x1E080] =	vst v63  }
0x26: {  	p0 =	por $0x0, $0x0;
	s29 =	simm.s32 $0x0;
	s30 =	rddreg [dreg:$0x5]  }
0x27: {  	[tilespmem:s31], [sflag:$0x4] =	stream.linear.gather [hbm4b:s30+s26], $0x80, $0x38;
	[tilespmem:$0x1E080] =	vst v63  }
.LBB2_4:
0x28: {  	s28 =	sand.u32 $0x1, s29  }
0x29: {  	s1 =	sadd.s32 $0x1, s28  }
0x2a: {  	s0 =	smov.u32 s29;
	_ =	swait.ge [sflag:s1], $0x8800  }
0x2b: {  	p1 =	slt.u32 s29, $0x2;
	s12 =	sadd.s32 $0x2, s29;
	[sflag:s1] =	ssyncset.done $0x0  }
0x2c: {  	s29 =	sadd.s32 $0x1, s29;
	[sflag:s1] =	ssyncadd.s32 $0xFFFF7800;
	s1 =	sadd.s32 @!p1 $0x7, s28  }
0x2d: {  	p2 =	sge.u32 s12, s8;
	s22 =	smulhi.u32 $0xAAAAAAAB, s29;
	_ =	swait.ge @!p1 [sflag:s1], $0x1000  }
0x2e: {  	s12 =	sadd.s32 @!p2 s9, s12;
	s13 =	sadd.s32 @!p2 $0x3, s28;
	[sflag:s1] =	ssyncset.done @!p1 $0x0  }
0x2f: {  	s12 =	sshll.u32 @!p2 s12, $0x4;
	[sflag:s1] =	ssyncadd.s32 @!p1 $0xFFFFF000;
	s1 =	sshll.u32 @!p2 s28, $0x7  }
0x30: {  	s17 =	simm.s32 @!p2 $0x0;
	s12 =	sadd.s32 @!p2 s6, s12;
	s1 =	sor.u32 @!p2 $0x12000, s1  }
0x31: {  	[tilespmem:s1], [sflag:s13] =	stream.linear.gather @!p2 [hbm4b:s12+s17], $0x80, $0x38;
	[tilespmem:$0x1E080] =	vst v63  }
0x32: {  	p1 =	sge.u32 s29, s8;
	s1 =	sxor.u32 $0x1, s28  }
0x33: {  	s21 =	simm.s32 @!p1 $0x80;
	s12 =	sshrl.u32 s22, $0x1;
	s13 =	sadd.s32 @!p1 $0x3, s1  }
0x34: {  	s17 =	sshll.u32 @!p1 s1, $0x7;
	s19 =	smul.u32 @!p1 $0x22000, s1;
	_ =	swait.ge @!p1 [sflag:s13], $0x80  }
0x35: {  	s12 =	smul.u32 $0x3, s12;
	s17 =	sor.u32 @!p1 $0x12000, s17;
	[sflag:s13] =	ssyncset.done @!p1 $0x0  }
0x36: {  	[sflag:s13] =	ssyncadd.s32 @!p1 $0xFFFFFF80;
	s13 =	sshrl.u32 @!p1 s19, $0x2;
	s19 =	sadd.s32 @!p1 $0x1, s1  }
0x37: {  	[tilespmem:s13], [sflag:s19] =	stream.indirect.gather @!p1 [hbm4b:s4+s21], $0x110, s17, s21, $0xb8;
	[tilespmem:$0x1E080] =	vst v63  }
0x38: {  	s12 =	ssub.s32 s29, s12;
	s13 =	sadd.s32 @!p1 s9, s29  }
0x39: {  	s17 =	sadd.s32 @!p1 $0x5, s1;
	s1 =	sshll.u32 @!p1 s1, $0xB;
	s19 =	sshll.u32 @!p1 s13, $0x8  }
0x3a: {  	s21 =	simm.s32 @!p1 $0x0;
	s1 =	sor.u32 @!p1 $0x11000, s1;
	s19 =	sadd.s32 @!p1 s5, s19  }
0x3b: {  	[tilespmem:s1], [sflag:s17] =	stream.linear.gather @!p1 [hbm4b:s19+s21], $0x800, $0x38;
	[tilespmem:$0x1E080] =	vst v63  }
0x3c: {  	s1 =	sshll.u32 @!p1 s12, $0x7  }
0x3d: {  	s12 =	sshll.u32 @!p1 s13, $0x4;
	s1 =	sand.u32 @!p1 $0x3FFFFF80, s1  }
0x3e: {  	s23 =	sadd.s32 $0x5, s28;
	s12 =	sadd.s32 @!p1 s7, s12;
	s1 =	sadd.s32 @!p1 $0x12100, s1  }
0x3f: {  	[tilespmem:s1], [sflag:s17] =	stream.linear.gather @!p1 [hbm4b:s12+s21], $0x80, $0x38;
	[tilespmem:$0x1E080] =	vst v63  }
0x40: {  	s16 =	sand.u32 $0x1E00, s26;
	s15 =	sshll.u32 s28, $0xB;
	_ =	swait.ge [sflag:s23], $0x800  }
0x41: {  	s31 =	sor.u32 $0x11000, s15;
	s1 =	simm.s32 $0x1;
	[sflag:s23] =	ssyncset.done $0x0  }
0x42: {  	s22 =	simm.s32 $0x30;
	s1 =	simm.s32 @!p0 $0x0;
	[sflag:s23] =	ssyncadd.s32 $0xFFFFF800  }
0x43: {  	s21 =	sshrl.u32 s16, $0x2;
	s14 =	smul.u32 $0x22000, s1;
	_ =	swait.ge [sflag:s23], $0x80  }
0x44: {  	s19 =	sand.u32 $0x70, s22;
	s17 =	sadd.s32 s21, s31;
	[sflag:s23] =	ssyncset.done $0x0  }
0x45: {  	s13 =	sshrl.u32 s14, $0x2;
	[sflag:s23] =	ssyncadd.s32 $0xFFFFFF80;
	s23 =	sadd.s32 s19, s17  }
0x46: {  	s30 =	sor.u32 $0x220, s13;
	v2 =	vld [tilespmem:s23+$0x0]  }
0x47: {  	v3 =	vld [tilespmem:s30+$0x1D0]  }
0x48: {  	v4 =	vld [tilespmem:s30+$0x1E0]  }
0x49: {  	v5 =	vld [tilespmem:s30+$0x190]  }
0x4a: {  	v6 =	vld [tilespmem:s30+$0x1A0]  }
0x4b: {  	v8 =	vld [tilespmem:s30+$0x120]  }
0x4c: {  	v9 =	vld [tilespmem:s30+$0x130];
	v12 =	vbroadcast v2, $0xC;
	v13 =	vbroadcast v2, $0xD  }
0x4d: {  	v10 =	vld [tilespmem:s30+$0x140];
	v15 =	vbroadcast v2, $0xE;
	v16 =	vbroadcast v2, $0xF  }
0x4e: {  	v11 =	vld [tilespmem:s30+$0x150];
	v18 =	vbroadcast v2, $0x8;
	v19 =	vbroadcast v2, $0x9  }
0x4f: {  	v14 =	vld [tilespmem:s30+$0x160];
	v21 =	vbroadcast v2, $0xA;
	v22 =	vbroadcast v2, $0xB  }
0x50: {  	v17 =	vld [tilespmem:s30+$0x110];
	v24 =	vbroadcast v2, $0x1;
	v25 =	vbroadcast v2, $0x2  }
0x51: {  	v20 =	vld [tilespmem:s30+$0x170];
	v27 =	vbroadcast v2, $0x3;
	v28 =	vbroadcast v2, $0x4  }
0x52: {  	v23 =	vld [tilespmem:s30+$0x180];
	v30 =	vbroadcast v2, $0x5;
	v31 =	vbroadcast v2, $0x6  }
0x53: {  	v26 =	vld [tilespmem:s30+$0x1B0];
	v33 =	vbroadcast v2, $0x0;
	v34 =	vbroadcast v2, $0x7  }
0x54: {  	s16 =	simm.s32 $0x20;
	v29 =	vld [tilespmem:s30+$0x1C0];
	v12 =	vmul.f32 v3, v12;
	v13 =	vmul.f32 v4, v13  }
0x55: {  	s19 =	sand.u32 $0x60, s16;
	v32 =	vld [tilespmem:s30+$0x1F0];
	v5 =	vmul.f32 v5, v18;
	v6 =	vmul.f32 v6, v19  }
0x56: {  	s15 =	sand.u32 $0x40, s26;
	s14 =	simm.s32 $0x10;
	v35 =	vld [tilespmem:s30+$0x200];
	s21 =	sadd.s32 s19, s17;
	v8 =	vmul.f32 v8, v24;
	v9 =	vmul.f32 v9, v25  }
0x57: {  	s12 =	sand.u32 $0x50, s14;
	s13 =	sadd.s32 s15, s17;
	v2 =	vld [tilespmem:s21+$0x0];
	v10 =	vmul.f32 v10, v27;
	v17 =	vmul.f32 v17, v33  }
0x58: {  	s12 =	sadd.s32 s12, s17;
	v4 =	vld [tilespmem:s13+$0x0];
	v14 =	vmul.f32 v14, v30;
	v19 =	vmul.f32 v20, v31  }
0x59: {  	v3 =	vld [tilespmem:s12+$0x0];
	v11 =	vmul.f32 v11, v28;
	v23 =	vmul.f32 v23, v34  }
0x5a: {  	v24 =	vld [tilespmem:s30+$0x0];
	v21 =	vmul.f32 v26, v21;
	v22 =	vmul.f32 v29, v22  }
0x5b: {  	v7 =	vld [tilespmem:s30+$0x210];
	v15 =	vmul.f32 v32, v15;
	v16 =	vmul.f32 v35, v16  }
0x5c: {  	v45 =	vld [tilespmem:s30+$0xFFFFFFF0];
	v8 =	vadd.f32 v14, v8;
	v28 =	vbroadcast v2, $0x0;
	v40 =	vbroadcast v2, $0x2  }
0x5d: {  	v47 =	vld [tilespmem:s30+$0xFFFFFF00];
	v9 =	vadd.f32 v19, v9;
	v58 =	vbroadcast v2, $0xB;
	v14 =	vbroadcast v4, $0x0  }
0x5e: {  	v37 =	vld [tilespmem:s30+$0xFFFFFF10];
	v10 =	vadd.f32 v23, v10;
	v26 =	vbroadcast v3, $0x0;
	v19 =	vbroadcast v4, $0x1  }
0x5f: {  	v39 =	vld [tilespmem:s30+$0xFFFFFF20];
	v6 =	vadd.f32 v6, v8;
	v23 =	vbroadcast v4, $0x3;
	v8 =	vmul.f32 v24, v28  }
0x60: {  	v41 =	vld [tilespmem:s30+$0xFFFFFF30];
	v9 =	vadd.f32 v21, v9;
	v24 =	vbroadcast v4, $0x4;
	v21 =	vbroadcast v4, $0x5  }
0x61: {  	v48 =	vld [tilespmem:s30+$0x30];
	v7 =	vadd.f32 v17, v7;
	v30 =	vbroadcast v4, $0x6;
	v44 =	vbroadcast v3, $0x1  }
0x62: {  	v18 =	vld [tilespmem:s30+$0xFFFFFDE0];
	v10 =	vadd.f32 v22, v10;
	v22 =	vbroadcast v3, $0x2;
	v46 =	vbroadcast v3, $0x3  }
0x63: {  	v20 =	vld [tilespmem:s30+$0xFFFFFEF0];
	v7 =	vadd.f32 v11, v7;
	v36 =	vbroadcast v3, $0x5;
	v38 =	vbroadcast v3, $0x7  }
0x64: {  	v17 =	vld [tilespmem:s30+$0xFFFFFDF0];
	v50 =	vbroadcast v4, $0xA;
	v59 =	vbroadcast v4, $0xC  }
0x65: {  	v29 =	vld [tilespmem:s30+$0xFFFFFE10];
	v60 =	vbroadcast v4, $0xD;
	v5 =	vadd.f32 v5, v7;
	v7 =	vbroadcast v4, $0x7  }
0x66: {  	v31 =	vld [tilespmem:s30+$0xFFFFFE50];
	v6 =	vadd.f32 v13, v6;
	v13 =	vbroadcast v3, $0x4;
	v9 =	vadd.f32 v15, v9  }
0x67: {  	v49 =	vld [tilespmem:s30+$0x40];
	v15 =	vbroadcast v3, $0x6;
	v10 =	vadd.f32 v16, v10;
	v16 =	vbroadcast v2, $0x3  }
0x68: {  	v27 =	vld [tilespmem:s30+$0xFFFFFE00];
	v11 =	vmul.f32 v18, v14;
	v14 =	vbroadcast v4, $0x2  }
0x69: {  	v25 =	vld [tilespmem:s30+$0xFFFFFEE0];
	v20 =	vmul.f32 v20, v26;
	v17 =	vmul.f32 v17, v19  }
0x6a: {  	v28 =	vld [tilespmem:s30+$0xFFFFFE40];
	v22 =	vmul.f32 v37, v22;
	v5 =	vadd.f32 v12, v5;
	v12 =	vbroadcast v2, $0x1  }
0x6b: {  	v18 =	vld [tilespmem:s30+$0xFFFFFE20];
	v9 =	vadd.f32 v10, v9;
	v10 =	vmul.f32 v29, v23;
	v7 =	vmul.f32 v31, v7  }
0x6c: {  	v26 =	vld [tilespmem:s30+$0xFFFFFE30];
	v31 =	vmul.f32 v47, v44;
	v13 =	vmul.f32 v41, v13  }
0x6d: {  	v19 =	vld [tilespmem:s30+$0xFFFFFF40];
	v16 =	vmul.f32 v48, v16;
	v14 =	vmul.f32 v27, v14  }
0x6e: {  	v51 =	vld [tilespmem:s30+$0x70];
	v11 =	vadd.f32 v11, v25;
	v25 =	vbroadcast v2, $0x7;
	v5 =	vadd.f32 v6, v5  }
0x6f: {  	v27 =	vld [tilespmem:s30+$0xFFFFFF50];
	v6 =	vbroadcast v2, $0x4;
	v10 =	vadd.f32 v7, v10;
	v7 =	vbroadcast v4, $0x9  }
0x70: {  	v23 =	vld [tilespmem:s30+$0xFFFFFF60];
	v18 =	vmul.f32 v18, v24;
	v24 =	vbroadcast v2, $0x5  }
0x71: {  	v21 =	vmul.f32 v26, v21;
	v26 =	vld [tilespmem:s30+$0x100];
	v29 =	vadd.f32 v9, v5;
	v5 =	vbroadcast v2, $0x6  }
0x72: {  	v20 =	vadd.f32 v20, v45;
	v9 =	vmul.f32 v28, v30;
	v28 =	vld [tilespmem:s30+$0x10];
	v19 =	vmul.f32 v19, v36  }
0x73: {  	v30 =	vld [tilespmem:s30+$0x20];
	v6 =	vmul.f32 v49, v6;
	v11 =	vadd.f32 v18, v11;
	v18 =	vmul.f32 v39, v46  }
0x74: {  	v17 =	vadd.f32 v21, v17;
	v15 =	vmul.f32 v27, v15;
	v21 =	vld [tilespmem:s30+$0x50];
	v9 =	vadd.f32 v9, v14  }
0x75: {  	v14 =	vmul.f32 v23, v38;
	v23 =	vbroadcast v4, $0x8;
	v27 =	vld [tilespmem:s30+$0x60];
	v31 =	vadd.f32 v19, v31  }
0x76: {  	v52 =	vld [tilespmem:s30+$0xFFFFFE70];
	v19 =	vbroadcast v3, $0x9;
	v15 =	vadd.f32 v15, v22;
	v22 =	vbroadcast v3, $0xA  }
0x77: {  	v53 =	vld [tilespmem:s30+$0xFFFFFE80];
	v8 =	vadd.f32 v8, v26;
	v12 =	vmul.f32 v28, v12;
	v26 =	vbroadcast v4, $0xB  }
0x78: {  	v13 =	vadd.f32 v13, v20;
	v28 =	vld [tilespmem:s30+$0xFFFFFE60];
	v20 =	vmul.f32 v30, v40;
	v30 =	vbroadcast v3, $0x8  }
0x79: {  	v54 =	vld [tilespmem:s30+$0xFFFFFE90];
	v14 =	vadd.f32 v14, v18;
	v18 =	vmul.f32 v21, v24;
	v21 =	vbroadcast v3, $0xB  }
0x7a: {  	v24 =	vld [tilespmem:s30+$0xFFFFFF70];
	v55 =	vadd.f32 v6, v8;
	v5 =	vmul.f32 v27, v5;
	v6 =	vmul.f32 v51, v25  }
0x7b: {  	v8 =	vld [tilespmem:s30+$0xFFFFFF80];
	v25 =	vbroadcast v2, $0x9;
	v12 =	vadd.f32 v18, v12;
	v18 =	vbroadcast v2, $0x8  }
0x7c: {  	v27 =	vld [tilespmem:s30+$0xFFFFFF90];
	v57 =	vadd.f32 v6, v16;
	v6 =	vmul.f32 v52, v7;
	v16 =	vmul.f32 v53, v50  }
0x7d: {  	v63 =	vld [tilespmem:s30+$0xFFFFFEB0];
	v56 =	vadd.f32 v5, v20;
	v20 =	vbroadcast v2, $0xA;
	v5 =	vmul.f32 v28, v23  }
0x7e: {  	v23 =	vld [tilespmem:s30+$0xFFFFFFA0];
	v7 =	vadd.f32 v6, v17;
	v6 =	vadd.f32 v16, v9;
	v16 =	vbroadcast v4, $0xE  }
0x7f: {  	v28 =	vld [tilespmem:s30+$0x80];
	v5 =	vadd.f32 v5, v11;
	v11 =	vmul.f32 v54, v26;
	v17 =	vmul.f32 v24, v30  }
0x80: {  	v26 =	vld [tilespmem:s30+$0x90];
	v8 =	vmul.f32 v8, v19;
	v19 =	vbroadcast v4, $0xF  }
0x81: {  	v30 =	vld [tilespmem:s30+$0xA0];
	v9 =	vmul.f32 v27, v22;
	v22 =	vbroadcast v3, $0xC  }
0x82: {  	v61 =	vld [tilespmem:s30+$0xB0];
	v4 =	vadd.f32 v17, v13;
	v8 =	vadd.f32 v8, v31;
	v17 =	vbroadcast v3, $0xE  }
0x83: {  	v62 =	vld [tilespmem:s30+$0xFFFFFEA0];
	v9 =	vadd.f32 v9, v15;
	v15 =	vbroadcast v3, $0xF;
	v31 =	vmul.f32 v63, v60  }
0x84: {  	s22 =	smulhi.u32 $0xAAAAAAAB, s0;
	s1 =	sshll.u32 s1, $0xC;
	v24 =	vld [tilespmem:s30+$0xFFFFFEC0];
	v11 =	vadd.f32 v11, v10;
	v10 =	vmul.f32 v23, v21;
	v13 =	vmul.f32 v28, v18  }
0x85: {  	s1 =	sor.u32 $0x122C0, s1;
	v18 =	vbroadcast v3, $0xD;
	v28 =	vld [tilespmem:s30+$0xFFFFFED0];
	v23 =	vbroadcast v2, $0xC  }
0x86: {  	[tilespmem:s1+$0x30] =	vst v1;
	s12 =	sshrl.u32 s22, $0x1;
	v27 =	vld [tilespmem:s30+$0xFFFFFFB0];
	v21 =	vmul.f32 v26, v25;
	v3 =	vadd.f32 v13, v55;
	v13 =	vmul.f32 v30, v20  }
0x87: {  	s23 =	sshll.u32 s28, $0xC;
	s12 =	smul.u32 $0x3, s12;
	[tilespmem:s1+$0x20] =	vst v29;
	v14 =	vadd.f32 v10, v14;
	v30 =	vmul.f32 v61, v58;
	v25 =	vld [tilespmem:s30+$0xFFFFFFC0];
	v20 =	vbroadcast v2, $0xE  }
0x88: {  	s17 =	sor.u32 $0x12280, s23;
	s23 =	simm.s32 $0x100;
	[tilespmem:s1+$0xFFFFFFD0] =	vst v1;
	v26 =	vld [tilespmem:s30+$0xFFFFFFD0];
	v10 =	vadd.f32 v21, v12;
	v21 =	vbroadcast v2, $0xD;
	v13 =	vadd.f32 v13, v56  }
0x89: {  	s22 =	simm.s32 $0x0;
	s21 =	ssub.s32 s0, s12;
	s0 =	simm.s32 $0x0;
	v29 =	vld [tilespmem:s30+$0xFFFFFFE0];
	[tilespmem:s1+$0xFFFFFFF0] =	vst v1;
	v2 =	vbroadcast v2, $0xF;
	v12 =	vadd.f32 v30, v57;
	v30 =	vmul.f32 v62, v59  }
.LBB2_5:
0x8a: {  	s12 =	sand.u32 $0x1E00, s23;
	v16 =	vmul.f32 v24, v16;
	v19 =	vmul.f32 v28, v19;
	v24 =	vld [tilespmem:s30+$0xC0];
	s0 =	sadd.s32 $0x40, s0  }
0x8b: {  	s12 =	sshrl.u32 s12, $0x2;
	s13 =	sadd.s32 $0x10, s0;
	s19 =	sadd.s32 $0x30, s0;
	v5 =	vadd.f32 v30, v5;
	v7 =	vadd.f32 v31, v7;
	v22 =	vmul.f32 v27, v22;
	v27 =	vld [tilespmem:s30+$0xD0]  }
0x8c: {  	s14 =	sadd.s32 $0x20, s0;
	s12 =	sadd.s32 s12, s31;
	s19 =	sand.u32 $0x70, s19;
	v6 =	vadd.f32 v16, v6;
	v11 =	vadd.f32 v19, v11;
	v16 =	vmul.f32 v25, v18;
	v18 =	vld [tilespmem:s30+$0xE0]  }
0x8d: {  	s13 =	sand.u32 $0x50, s13;
	s14 =	sand.u32 $0x60, s14;
	s15 =	sadd.s32 s19, s12;
	v5 =	vadd.f32 v7, v5;
	v4 =	vadd.f32 v22, v4;
	v7 =	vmul.f32 v26, v17;
	v17 =	vld [tilespmem:s30+$0xF0];
	[tilespmem:s1+$0x10] =	vst v1  }
0x8e: {  	s16 =	sand.u32 $0x40, s0;
	s19 =	sadd.s32 s13, s12;
	s30 =	sadd.s32 $0x440, s30;
	v19 =	vld [tilespmem:s15+$0x0];
	v6 =	vadd.f32 v11, v6;
	v8 =	vadd.f32 v16, v8;
	v11 =	vmul.f32 v29, v15  }
0x8f: {  	s13 =	sadd.s32 s16, s12;
	s12 =	sadd.s32 s14, s12;
	v15 =	vld [tilespmem:s30+$0x1D0];
	v7 =	vadd.f32 v7, v9;
	v9 =	vmul.f32 v24, v23  }
0x90: {  	v16 =	vld [tilespmem:s30+$0x1E0];
	v11 =	vadd.f32 v11, v14;
	v4 =	vadd.f32 v8, v4;
	v8 =	vmul.f32 v27, v21  }
0x91: {  	v5 =	vadd.f32 v6, v5;
	v14 =	vld [tilespmem:s30+$0x190];
	v3 =	vadd.f32 v9, v3;
	v6 =	vmul.f32 v18, v20  }
0x92: {  	v9 =	vld [tilespmem:s30+$0x1A0];
	v7 =	vadd.f32 v11, v7;
	v8 =	vadd.f32 v8, v10;
	v2 =	vmul.f32 v17, v2  }
0x93: {  	s22 =	sadd.s32 $0x4, s22;
	v10 =	vld [tilespmem:s30+$0x210];
	v11 =	vbroadcast v19, $0xC;
	v17 =	vbroadcast v19, $0xD;
	[tilespmem:s1+$0xFFFFFFC0] =	vst v5;
	v5 =	vadd.f32 v6, v13  }
0x94: {  	p1 =	slt.u32 s22, $0x7C;
	v13 =	vbroadcast v19, $0xE;
	v18 =	vbroadcast v19, $0xF;
	v6 =	vld [tilespmem:s30+$0x120];
	v2 =	vadd.f32 v2, v12  }
0x95: {  	v20 =	vbroadcast v19, $0x8;
	v21 =	vbroadcast v19, $0x9;
	v3 =	vadd.f32 v8, v3;
	v12 =	vld [tilespmem:s30+$0x130]  }
0x96: {  	v22 =	vbroadcast v19, $0xA;
	v23 =	vbroadcast v19, $0xB;
	v8 =	vld [tilespmem:s30+$0x140];
	v2 =	vadd.f32 v2, v5  }
0x97: {  	v24 =	vbroadcast v19, $0x2;
	v4 =	vadd.f32 v7, v4;
	v5 =	vbroadcast v19, $0x1;
	v25 =	vld [tilespmem:s30+$0x150]  }
0x98: {  	v26 =	vbroadcast v19, $0x4;
	v7 =	vbroadcast v19, $0x3;
	v27 =	vld [tilespmem:s30+$0x160];
	v2 =	vadd.f32 v2, v3  }
0x99: {  	v28 =	vbroadcast v19, $0x5;
	v29 =	vbroadcast v19, $0x6;
	v3 =	vld [tilespmem:s30+$0x110];
	[tilespmem:s1+$0xFFFFFFE0] =	vst v4  }
0x9a: {  	v4 =	vbroadcast v19, $0x0;
	v19 =	vbroadcast v19, $0x7;
	v30 =	vld [tilespmem:s30+$0x170];
	[tilespmem:s1+$0x0] =	vst v2  }
0x9b: {  	v11 =	vmul.f32 v15, v11;
	v15 =	vmul.f32 v16, v17;
	v2 =	vld [tilespmem:s30+$0x180]  }
0x9c: {  	v14 =	vmul.f32 v14, v20;
	v9 =	vmul.f32 v9, v21;
	v16 =	vld [tilespmem:s30+$0x1B0]  }
0x9d: {  	v5 =	vmul.f32 v6, v5;
	v6 =	vmul.f32 v12, v24;
	v12 =	vld [tilespmem:s30+$0x1C0]  }
0x9e: {  	v7 =	vmul.f32 v8, v7;
	v3 =	vmul.f32 v3, v4;
	v8 =	vld [tilespmem:s30+$0x1F0]  }
0x9f: {  	v17 =	vmul.f32 v27, v28;
	v20 =	vmul.f32 v30, v29;
	v21 =	vld [tilespmem:s30+$0x200]  }
0xa0: {  	v24 =	vmul.f32 v25, v26;
	v4 =	vld [tilespmem:s13+$0x0];
	v10 =	vadd.f32 v3, v10;
	v19 =	vmul.f32 v2, v19  }
0xa1: {  	v5 =	vadd.f32 v17, v5;
	v3 =	vld [tilespmem:s19+$0x0];
	v6 =	vadd.f32 v20, v6;
	v16 =	vmul.f32 v16, v22  }
0xa2: {  	v2 =	vld [tilespmem:s12+$0x0];
	v10 =	vadd.f32 v24, v10;
	v7 =	vadd.f32 v19, v7;
	v12 =	vmul.f32 v12, v23  }
0xa3: {  	v5 =	vadd.f32 v9, v5;
	v17 =	vld [tilespmem:s30+$0xFFFFFDE0];
	v6 =	vadd.f32 v16, v6;
	v8 =	vmul.f32 v8, v13  }
0xa4: {  	v9 =	vld [tilespmem:s30+$0xFFFFFEF0];
	v10 =	vadd.f32 v14, v10;
	v7 =	vadd.f32 v12, v7;
	v12 =	vmul.f32 v21, v18  }
0xa5: {  	v5 =	vadd.f32 v15, v5;
	v13 =	vbroadcast v4, $0x0;
	v14 =	vld [tilespmem:s30+$0x0];
	v6 =	vadd.f32 v8, v6  }
0xa6: {  	v8 =	vld [tilespmem:s30+$0xFFFFFEE0];
	v15 =	vbroadcast v3, $0x0;
	v10 =	vadd.f32 v11, v10;
	v7 =	vadd.f32 v12, v7  }
0xa7: {  	v12 =	vbroadcast v4, $0x1;
	v11 =	vld [tilespmem:s30+$0xFFFFFDF0];
	v16 =	vbroadcast v2, $0x0  }
0xa8: {  	v18 =	vld [tilespmem:s30+$0xFFFFFE00];
	v13 =	vmul.f32 v17, v13;
	v5 =	vadd.f32 v5, v10;
	v6 =	vadd.f32 v7, v6  }
0xa9: {  	v7 =	vbroadcast v4, $0x2;
	v10 =	vld [tilespmem:s30+$0xFFFFFE10];
	v9 =	vmul.f32 v9, v15  }
0xaa: {  	v15 =	vbroadcast v4, $0x3;
	v17 =	vld [tilespmem:s30+$0xFFFFFE20];
	v14 =	vmul.f32 v14, v16;
	v5 =	vadd.f32 v6, v5  }
0xab: {  	s1 =	sadd.s32 $0x80, s1;
	v16 =	vbroadcast v4, $0x5;
	v6 =	vadd.f32 v13, v8;
	v8 =	vbroadcast v4, $0x4;
	v13 =	vld [tilespmem:s30+$0xFFFFFE30]  }
0xac: {  	v20 =	vbroadcast v4, $0x6;
	v21 =	vbroadcast v4, $0x7;
	v19 =	vld [tilespmem:s30+$0xFFFFFE40];
	[tilespmem:s1+$0x20] =	vst v5  }
0xad: {  	v22 =	vbroadcast v3, $0x1;
	v23 =	vbroadcast v3, $0x2;
	v5 =	vld [tilespmem:s30+$0xFFFFFE50];
	[tilespmem:s1+$0x30] =	vst v1  }
0xae: {  	v25 =	vbroadcast v3, $0x3;
	v26 =	vbroadcast v3, $0x4;
	v24 =	vld [tilespmem:s30+$0xFFFFFFF0]  }
0xaf: {  	v28 =	vbroadcast v3, $0x5;
	v29 =	vbroadcast v3, $0x6;
	v27 =	vld [tilespmem:s30+$0xFFFFFF00]  }
0xb0: {  	v31 =	vbroadcast v3, $0x7;
	v32 =	vbroadcast v2, $0x1;
	v30 =	vld [tilespmem:s30+$0xFFFFFF10]  }
0xb1: {  	v34 =	vbroadcast v2, $0x2;
	v35 =	vbroadcast v2, $0x3;
	v33 =	vld [tilespmem:s30+$0xFFFFFF20]  }
0xb2: {  	v37 =	vbroadcast v2, $0x4;
	v38 =	vbroadcast v2, $0x5;
	v36 =	vld [tilespmem:s30+$0xFFFFFF30]  }
0xb3: {  	v39 =	vbroadcast v2, $0x6;
	v40 =	vbroadcast v2, $0x7;
	v9 =	vadd.f32 v9, v24;
	v24 =	vld [tilespmem:s30+$0xFFFFFF40]  }
0xb4: {  	v11 =	vmul.f32 v11, v12;
	v7 =	vmul.f32 v18, v7;
	v12 =	vld [tilespmem:s30+$0xFFFFFF50]  }
0xb5: {  	v10 =	vmul.f32 v10, v15;
	v8 =	vmul.f32 v17, v8;
	v15 =	vld [tilespmem:s30+$0xFFFFFF60]  }
0xb6: {  	v13 =	vmul.f32 v13, v16;
	v16 =	vmul.f32 v19, v20;
	v17 =	vld [tilespmem:s30+$0x100]  }
0xb7: {  	v6 =	vadd.f32 v8, v6;
	v5 =	vmul.f32 v5, v21;
	v8 =	vmul.f32 v27, v22;
	v18 =	vld [tilespmem:s30+$0x10]  }
0xb8: {  	v11 =	vadd.f32 v13, v11;
	v13 =	vmul.f32 v30, v23;
	v19 =	vmul.f32 v33, v25;
	v20 =	vld [tilespmem:s30+$0x20]  }
0xb9: {  	v16 =	vadd.f32 v16, v7;
	v7 =	vmul.f32 v36, v26;
	v21 =	vmul.f32 v24, v28;
	v22 =	vld [tilespmem:s30+$0x30]  }
0xba: {  	v10 =	vadd.f32 v5, v10;
	v5 =	vmul.f32 v12, v29;
	v12 =	vmul.f32 v15, v31;
	v15 =	vld [tilespmem:s30+$0x40]  }
0xbb: {  	v23 =	vbroadcast v4, $0x8;
	v24 =	vbroadcast v4, $0x9;
	v14 =	vadd.f32 v14, v17;
	v17 =	vld [tilespmem:s30+$0x50]  }
0xbc: {  	v25 =	vbroadcast v4, $0xA;
	v9 =	vadd.f32 v7, v9;
	v7 =	vmul.f32 v18, v32;
	v18 =	vld [tilespmem:s30+$0x60]  }
0xbd: {  	v26 =	vbroadcast v4, $0xB;
	v8 =	vadd.f32 v21, v8;
	v20 =	vmul.f32 v20, v34;
	v21 =	vld [tilespmem:s30+$0x70]  }
0xbe: {  	v28 =	vbroadcast v3, $0x8;
	v13 =	vadd.f32 v5, v13;
	v27 =	vld [tilespmem:s30+$0xFFFFFE60];
	v5 =	vmul.f32 v22, v35  }
0xbf: {  	v12 =	vadd.f32 v12, v19;
	v19 =	vbroadcast v3, $0x9;
	v22 =	vld [tilespmem:s30+$0xFFFFFE70];
	v15 =	vmul.f32 v15, v37  }
0xc0: {  	v30 =	vbroadcast v3, $0xA;
	v29 =	vld [tilespmem:s30+$0xFFFFFE80];
	v17 =	vmul.f32 v17, v38  }
0xc1: {  	v32 =	vbroadcast v3, $0xB;
	v31 =	vld [tilespmem:s30+$0xFFFFFE90];
	v14 =	vadd.f32 v15, v14;
	v15 =	vmul.f32 v18, v39  }
0xc2: {  	v18 =	vld [tilespmem:s30+$0xFFFFFF70];
	v33 =	vadd.f32 v17, v7;
	v7 =	vmul.f32 v21, v40;
	v17 =	vbroadcast v2, $0x8  }
0xc3: {  	v21 =	vld [tilespmem:s30+$0xFFFFFF80];
	v34 =	vadd.f32 v15, v20;
	v15 =	vbroadcast v2, $0x9;
	v20 =	vbroadcast v2, $0xA  }
0xc4: {  	v36 =	vbroadcast v2, $0xB;
	v23 =	vmul.f32 v27, v23;
	v27 =	vld [tilespmem:s30+$0xFFFFFF90];
	v35 =	vadd.f32 v7, v5  }
0xc5: {  	v7 =	vmul.f32 v22, v24;
	v22 =	vmul.f32 v29, v25;
	v24 =	vld [tilespmem:s30+$0xFFFFFFA0]  }
0xc6: {  	v5 =	vadd.f32 v23, v6;
	v29 =	vbroadcast v4, $0xC;
	v23 =	vmul.f32 v31, v26;
	v25 =	vld [tilespmem:s30+$0x80]  }
0xc7: {  	v7 =	vadd.f32 v7, v11;
	v31 =	vbroadcast v4, $0xD;
	v11 =	vmul.f32 v18, v28;
	v26 =	vld [tilespmem:s30+$0x90]  }
0xc8: {  	v6 =	vadd.f32 v22, v16;
	v16 =	vbroadcast v4, $0xE;
	v18 =	vmul.f32 v21, v19;
	v21 =	vld [tilespmem:s30+$0xA0]  }
0xc9: {  	v19 =	vbroadcast v4, $0xF;
	v4 =	vadd.f32 v11, v9;
	v9 =	vmul.f32 v27, v30;
	v30 =	vld [tilespmem:s30+$0xB0]  }
0xca: {  	v22 =	vbroadcast v3, $0xC;
	v11 =	vadd.f32 v23, v10;
	v37 =	vld [tilespmem:s30+$0xFFFFFEA0];
	v10 =	vmul.f32 v24, v32  }
0xcb: {  	v8 =	vadd.f32 v18, v8;
	v18 =	vbroadcast v3, $0xD;
	v32 =	vld [tilespmem:s30+$0xFFFFFEB0];
	v23 =	vmul.f32 v25, v17  }
0xcc: {  	v9 =	vadd.f32 v9, v13;
	v17 =	vbroadcast v3, $0xE;
	v24 =	vld [tilespmem:s30+$0xFFFFFEC0];
	v13 =	vmul.f32 v26, v15  }
.Ltmp1:
0xcd: {  	v15 =	vbroadcast v3, $0xF;
	v28 =	vld [tilespmem:s30+$0xFFFFFED0];
	[tilespmem:s1+$0xFFFFFFD0] =	vst v1;
	v3 =	vadd.f32 v23, v14;
	v38 =	vmul.f32 v21, v20;
	(pc) =	sbr.rel @p1 .LBB2_5-.Ltmp1, $4  }
0xce: {  	v14 =	vadd.f32 v10, v12;
	v23 =	vbroadcast v2, $0xC;
	v27 =	vld [tilespmem:s30+$0xFFFFFFB0];
	v12 =	vmul.f32 v30, v36  }
0xcf: {  	v21 =	vbroadcast v2, $0xD;
	v20 =	vbroadcast v2, $0xE;
	v10 =	vadd.f32 v13, v33;
	v25 =	vld [tilespmem:s30+$0xFFFFFFC0]  }
0xd0: {  	v2 =	vbroadcast v2, $0xF;
	v13 =	vadd.f32 v38, v34;
	v26 =	vld [tilespmem:s30+$0xFFFFFFD0];
	v12 =	vadd.f32 v12, v35  }
0xd1: {  	s23 =	sadd.s32 $0x100, s23;
	v30 =	vmul.f32 v37, v29;
	v31 =	vmul.f32 v32, v31;
	v29 =	vld [tilespmem:s30+$0xFFFFFFE0];
	[tilespmem:s1+$0xFFFFFFF0] =	vst v1  }
0xd2: {  	v32 =	vld [tilespmem:s30+$0xC0]  }
0xd3: {  	v16 =	vmul.f32 v24, v16;
	v19 =	vmul.f32 v28, v19;
	v54 =	vld [tilespmem:s30+$0xD0]  }
0xd4: {  	v55 =	vld [tilespmem:s30+$0xE0];
	v5 =	vadd.f32 v30, v5;
	v7 =	vadd.f32 v31, v7  }
0xd5: {  	v56 =	vld [tilespmem:s30+$0xF0];
	v22 =	vmul.f32 v27, v22;
	v6 =	vadd.f32 v16, v6;
	v11 =	vadd.f32 v19, v11  }
0xd6: {  	v18 =	vmul.f32 v25, v18;
	v5 =	vadd.f32 v7, v5  }
0xd7: {  	v57 =	vmul.f32 v26, v17;
	v4 =	vadd.f32 v22, v4;
	v6 =	vadd.f32 v11, v6  }
0xd8: {  	v58 =	vmul.f32 v29, v15;
	v8 =	vadd.f32 v18, v8;
	v59 =	vmul.f32 v32, v23  }
0xd9: {  	v7 =	vadd.f32 v57, v9;
	v60 =	vmul.f32 v54, v21;
	v61 =	vmul.f32 v55, v20  }
0xda: {  	v2 =	vmul.f32 v56, v2;
	v11 =	vadd.f32 v58, v14;
	v4 =	vadd.f32 v8, v4  }
0xdb: {  	v3 =	vadd.f32 v59, v3;
	v62 =	vadd.f32 v60, v10  }
0xdc: {  	v8 =	vadd.f32 v61, v13;
	v2 =	vadd.f32 v2, v12  }
0xdd: {  	v5 =	vadd.f32 v6, v5;
	v63 =	vadd.f32 v11, v7  }
0xde: {  	p1 =	sne.s32 s29, s8;
	v3 =	vadd.f32 v62, v3;
	v2 =	vadd.f32 v2, v8  }
.Ltmp2:
0xdf: {  	[tilespmem:s1+$0x10] =	vst v1;
	v4 =	vadd.f32 v63, v4;
	(pc) =	sbr.rel @p1 .LBB2_4-.Ltmp2, $4  }
0xe0: {  	s0 =	sshll.u32 s21, $0x7;
	[tilespmem:s1+$0xFFFFFFC0] =	vst v5;
	v2 =	vadd.f32 v2, v3  }
0xe1: {  	s0 =	sand.u32 $0x3FFFFF80, s0;
	[tilespmem:s1+$0xFFFFFFE0] =	vst v4  }
0xe2: {  	s31 =	sadd.s32 $0x7, s28;
	p0 =	por !p0, !p0;
	s0 =	sadd.s32 $0x12100, s0;
	[tilespmem:s1+$0x0] =	vst v2  }
0xe3: {  	[spmem:s2] =	stream.indirect.scatter.add.f32 [tilespmem:s17], [sflag:s31], $0x20, s0, s20, $0xb8;
	[tilespmem:$0x1E080] =	vst v63  }
0xe4: {  	_ =	swait.ge [sflag:s24], $0x1000  }
0xe5: {  	[sflag:s24] =	ssyncset.done $0x0  }
0xe6: {  	[sflag:s24] =	ssyncadd.s32 $0xFFFFF000  }
0xe7: {  	_ =	swait.ge [sflag:s25], $0x1000  }
0xe8: {  	[sflag:s25] =	ssyncset.done $0x0  }
0xe9: {  	s0 =	stileid.u32;
	[sflag:s25] =	ssyncadd.s32 $0xFFFFF000  }
0xea: {  	s0 =	sshll.u32 s0, $0x6;
	[bflag:$0x0] =	sbarrier.arrive $0xFFFF  }
0xeb: {  	s1 =	sshrl.u32 s10, $0x3;
	s0 =	sor.u32 $0x1C09, s0;
	s12 =	rddreg [dreg:$0x6]  }
0xec: {  	[hbm:s12], [sflag:s0] =	dma.local [spmem:s1], $0x9E0  }
0xed: {  	_ =	swait.ge [sflag:s18], $0x9E0  }
0xee: {  	s3 =	sadd.s32 $0x1, s3;
	s31 =	rddreg [dreg:$0x7]  }
0xef: {  	p0 =	sne.s32 s3, s31  }
.Ltmp3:
0xf0: {  	_ = 	snop;
	(pc) =	sbr.rel @p0 .LBB2_1-.Ltmp3, $3  }
0xf1: {  	_ =	sdelay $0x1  }
0xf2: {  	[sflag:s18] =	ssyncset.done $0x0  }
0xf3: {  	[sflag:s18] =	ssyncadd.s32 $0xFFFFF620  }
0xf4: {  	_ =	sfence.sel $0x180000  }
0xf5: {  	[bflag:$0x0] =	sbarrier.arrive $0xFFFF  }
0xf6: {  	_ =	strace $0x9000004A  }
0xf7: {  	s0 =	stileid.u32;
	[bflag:$0x2] =	sbarrier.arrive $0xFFFF  }
0xf8: {  	p0 =	sne.s32 s0, $0x0;
	s0 =	rddreg [dreg:$0x2]  }
0xf9: {  	s0 =	sadd.s32 @!p0 $0x100000, s0  }
0xfa: {  	[sflag:s0] =	ssyncadd.tile.s32 @!p0 $0x1;
	_ =	shalt  }
.Lfunc_end2:
_tile_overlayer_lowered:
.L_overlay_start_2:
0xfb: {  	(tag) =	ssettag $0x2  }
0xfc: {  	s0 =	rddreg [dreg:$0x0];
	s2 =	stileid.u32  }
0xfd: {  	s1 =	rddreg [dreg:$0x1];
	p0 =	sne.s32 s2, $0x0  }
0xfe: {  	s3 =	rddreg [dreg:$0x2];
	[bflag:$0x3] =	sbarrier.arrive $0xFFFF;
	s2 =	simm.s32 @!p0 $0x1C09  }
0xff: {  	[timem:s3], [sflag:s2] =	dma.local @!p0 [hbm:s0], s1  }
0x100: {  	s0 =	simm.s32 @!p0 $0x9  }
0x101: {  	_ =	swait.ge @!p0 [sflag:s0], s1  }
0x102: {  	s1 =	ssub.s32 @!p0 $0x0, s1;
	[sflag:s0] =	ssyncset.done @!p0 $0x0  }
0x103: {  	[sflag:s0] =	ssyncadd.s32 @!p0 s1  }
0x104: {  	[bflag:$0x3] =	sbarrier.arrive $0xFFFF  }
0x105: {  	_ =	shalt  }

// kernel: kernel.7.cloned.1.call-start
scs
__scs_entry_jumppad:
0x0: {  	(pc) =	sbr.rel $0x88, $3  }
0x1: {  	(tag) =	ssettag $0x0;
	lr =	simm.s32 $0x1  }
0x2: {  	[smem:$0x3F96] =	sst lr;
	_ =	strace $0xD0000000  }
0x3: {  	_ = 	snop  }
0x4: {  	_ = 	snop  }
0x5: {  	_ = 	snop  }
0x6: {  	_ = 	snop  }
0x7: {  	_ = 	snop  }
__scs_overlays_trampoline_lowered:
0x8: {  	[smem:$0x3FA5] =	sst s0  }
0x9: {  	[smem:$0x3FA6] =	sst s1  }
0xa: {  	[smem:$0x3FA7] =	sst s2  }
0xb: {  	[smem:$0x3FA8] =	sst s3  }
0xc: {  	[smem:$0x3FA9] =	sst s4  }
0xd: {  	[smem:$0x3FAA] =	sst s5  }
0xe: {  	[smem:$0x3FAB] =	sst s6  }
0xf: {  	[smem:$0x3FAC] =	sst s7  }
0x10: {  	[smem:$0x3FAD] =	sst s8  }
0x11: {  	[smem:$0x3FAE] =	sst s9;
	s0 =	simm.s32 @!p0 $0x0  }
0x12: {  	s1 =	sld [smem:$0x3F94];
	s0 =	simm.s32 @p0 $0x1  }
0x13: {  	[smem:$0x3FAF] =	sst s0;
	s0 =	simm.s32 @!p1 $0x0  }
0x14: {  	s2 =	sld [smem:$0x3F93];
	s0 =	simm.s32 @p1 $0x1  }
0x15: {  	[smem:$0x3FB0] =	sst s0;
	s0 =	simm.s32 @!p2 $0x0  }
0x16: {  	s3 =	sld [smem:$0x3FDB];
	s0 =	simm.s32 @p2 $0x1  }
0x17: {  	s4 =	simm.s32 $0x1BF5;
	[smem:$0x3FB2] =	sst s0  }
0x18: {  	s0 =	sld [smem:$0x3F95];
	_ =	swait.ge [sflag:s4], $0x0  }
0x19: {  	s7 =	sld [smem:$0x3F96]  }
0x1a: {  	s8 =	sadd.s32 $0xFFFFE003, lr  }
0x1b: {  	s9 =	sadd.s32 $0xFFFFFEF7, lr;
	s5 =	simm.s32 $0xFFFFFFFF;
	p2 =	slt.u32 s8, $0xFFFFF086  }
0x1c: {  	p1 =	slt.u32 s9, $0xF7A;
	s5 =	simm.s32 @!p2 $0x0  }
0x1d: {  	s5 =	simm.s32 @p1 $0x1;
	p0 =	seq.s32 s7, s2  }
0x1e: {  	s7 =	smul.u32 @!p0 $0xF7A, s2;
	p2 =	seq.s32 @!p0 s5, $0x0  }
0x1f: {  	s9 =	smul.u32 $0xF7A, s1;
	s8 =	simm.s32 @!p0 $0x1BF5;
	p2 =	por !p2, p0  }
0x20: {  	[sflag:s8] =	ssyncset.s32 @!p0 $0xFFFFF086;
	s6 =	sadd.s32 @!p0 s3, s7;
	s7 =	simm.s32 @!p0 $0x108  }
0x21: {  	s3 =	sadd.s32 s3, s9;
	s6 =	sadd.s32 @!p0 $0x88, s6;
	s7 =	simm.s32 @p2 $0x1082  }
0x22: {  	[simem:s7], [sflag:s8] =	dma.local @!p0 [hbm:s6], $0xF7A  }
0x23: {  	s9 =	sor.u32 $0xD0000000, s2;
	s6 =	simm.s32 $0x108;
	_ =	swait.ge @!p0 [sflag:s8], $0x0  }
0x24: {  	s3 =	sadd.s32 $0x88, s3;
	s6 =	simm.s32 @!p1 $0x1082;
	[sflag:s4] =	ssyncset.s32 $0xFFFFF086  }
0x25: {  	[simem:s6], [sflag:s4] =	dma.local [hbm:s3], $0xF7A  }
0x26: {  	[smem:$0x3F96] =	sst s1;
	(tag) =	ssettag s2;
	_ =	strace s9  }
0x27: {  	s1 =	sld [smem:$0x3FA6]  }
0x28: {  	s2 =	sld [smem:$0x3FA7]  }
0x29: {  	s4 =	sld [smem:$0x3FA9]  }
0x2a: {  	p0 =	seq.s32 s5, $0x0;
	s5 =	sld [smem:$0x3FAA]  }
0x2b: {  	s6 =	sld [smem:$0x3FAB]  }
0x2c: {  	s7 =	sld [smem:$0x3FAC]  }
0x2d: {  	s3 =	simm.s32 $0x108;
	s8 =	sld [smem:$0x3FAD]  }
0x2e: {  	s3 =	simm.s32 @!p0 $0x1082;
	s9 =	sld [smem:$0x3FAE]  }
0x2f: {  	lr =	sadd.s32 s0, s3;
	s0 =	sld [smem:$0x3FA5]  }
0x30: {  	s3 =	sld [smem:$0x3FA8]  }
0x31: {  	[smem:$0x3FB1] =	sst s10  }
0x32: {  	s10 =	sld [smem:$0x3FAF];
	_ =	sdelay $0x3  }
0x33: {  	p0 =	seq.s32 s10, $0x1;
	s10 =	sld [smem:$0x3FB1];
	_ =	sdelay $0x3  }
0x34: {  	[smem:$0x3FB1] =	sst s10  }
0x35: {  	s10 =	sld [smem:$0x3FB0];
	_ =	sdelay $0x3  }
0x36: {  	p1 =	seq.s32 s10, $0x1;
	s10 =	sld [smem:$0x3FB1];
	_ =	sdelay $0x3  }
0x37: {  	[smem:$0x3FB1] =	sst s10  }
0x38: {  	s10 =	sld [smem:$0x3FB2]  }
0x39: {  	_ = 	snop;
	(pc) =	sbr.ind lr, $3  }
0x3a: {  	_ = 	snop  }
0x3b: {  	_ = 	snop  }
0x3c: {  	p2 =	seq.s32 s10, $0x1;
	s10 =	sld [smem:$0x3FB1]  }
0x3d: {  	_ =	shalt  }
0x3e: {  	_ =	shalt  }
0x3f: {  	_ =	shalt  }
0x40: {  	_ =	shalt  }
0x41: {  	_ =	shalt  }
0x42: {  	_ =	shalt  }
0x43: {  	_ =	shalt  }
0x44: {  	_ =	shalt  }
0x45: {  	_ =	shalt  }
0x46: {  	_ =	shalt  }
0x47: {  	_ =	shalt  }
0x48: {  	_ =	shalt  }
0x49: {  	_ =	shalt  }
0x4a: {  	_ =	shalt  }
0x4b: {  	_ =	shalt  }
0x4c: {  	_ =	shalt  }
0x4d: {  	_ =	shalt  }
0x4e: {  	_ =	shalt  }
0x4f: {  	_ =	shalt  }
0x50: {  	_ =	shalt  }
0x51: {  	_ =	shalt  }
0x52: {  	_ =	shalt  }
0x53: {  	_ =	shalt  }
0x54: {  	_ =	shalt  }
0x55: {  	_ =	shalt  }
0x56: {  	_ =	shalt  }
0x57: {  	_ =	shalt  }
0x58: {  	_ =	shalt  }
0x59: {  	_ =	shalt  }
0x5a: {  	_ =	shalt  }
0x5b: {  	_ =	shalt  }
0x5c: {  	_ =	shalt  }
0x5d: {  	_ =	shalt  }
0x5e: {  	_ =	shalt  }
0x5f: {  	_ =	shalt  }
0x60: {  	_ =	shalt  }
0x61: {  	_ =	shalt  }
0x62: {  	_ =	shalt  }
0x63: {  	_ =	shalt  }
0x64: {  	_ =	shalt  }
0x65: {  	_ =	shalt  }
0x66: {  	_ =	shalt  }
0x67: {  	_ =	shalt  }
0x68: {  	_ =	shalt  }
0x69: {  	_ =	shalt  }
0x6a: {  	_ =	shalt  }
0x6b: {  	_ =	shalt  }
0x6c: {  	_ =	shalt  }
0x6d: {  	_ =	shalt  }
0x6e: {  	_ =	shalt  }
0x6f: {  	_ =	shalt  }
0x70: {  	_ =	shalt  }
0x71: {  	_ =	shalt  }
0x72: {  	_ =	shalt  }
0x73: {  	_ =	shalt  }
0x74: {  	_ =	shalt  }
0x75: {  	_ =	shalt  }
0x76: {  	_ =	shalt  }
0x77: {  	_ =	shalt  }
0x78: {  	_ =	shalt  }
0x79: {  	_ =	shalt  }
0x7a: {  	_ =	shalt  }
0x7b: {  	_ =	shalt  }
0x7c: {  	_ =	shalt  }
0x7d: {  	_ =	shalt  }
0x7e: {  	_ =	shalt  }
0x7f: {  	_ =	shalt  }
0x80: {  	_ =	shalt  }
0x81: {  	_ =	shalt  }
0x82: {  	_ =	shalt  }
0x83: {  	_ =	shalt  }
0x84: {  	_ =	shalt  }
0x85: {  	_ =	shalt  }
0x86: {  	_ =	shalt  }
0x87: {  	_ =	shalt  }
.Lfunc_end0:
.L_simem_size_0:
called_computation_lowered:
.L_overlay_start_0:
0x88: {  	s2 =	sld [smem:$0x3FD9]  }
0x89: {  	s3 =	sld [smem:$0x3FFE];
	_ =	sdelay $0x1  }
0x8a: {  	s1 =	srdreg.scid  }
0x8b: {  	s0 =	sand.u32 $0x1, s1  }
0x8c: {  	s16 =	sshll.u32 s0, $0xA;
	s2 =	sadd.s32 s3, s2  }
0x8d: {  	s2 =	sadd.s32 s2, s16  }
0x8e: {  	[smem:$0x3FBD] =	sst s2  }
0x8f: {  	_ = 	snop  }
0x90: {  	(tm) =	ssettm $0x1  }
0x91: {  	s17 =	sld [smem:$0x3FFB];
	_ =	sdelay $0x3  }
0x92: {  	_ =	strace s17  }
0x93: {  	s2 =	sld [smem:$0x3FFC];
	_ =	sdelay $0x3  }
0x94: {  	_ =	strace s2  }
0x95: {  	s2 =	sld [smem:$0x3FFD];
	_ =	sdelay $0x3  }
0x96: {  	_ =	strace s2  }
0x97: {  	_ =	strace $0x8FFFFFFF  }
0x98: {  	s18 =	sld [smem:$0x3FDB];
	_ =	sdelay $0x1  }
0x99: {  	s19 =	simm.s32 $_scs_section_size  }
0x9a: {  	s4 =	simm.s32 $_size__tile_overlayer_lowered;
	s5 =	simm.s32 $_tile_overlayer_lowered  }
0x9b: {  	s22 =	simm.s32 $0x1BFF;
	s21 =	sshll.u32 s5, $0x1;
	s2 =	sadd.s32 s19, s18  }
0x9c: {  	s6 =	simm.s32 $0x0;
	s20 =	sshll.u32 s4, $0x1;
	s4 =	sadd.s32 s21, s2  }
0x9d: {  	[timem:s6], [sflag:s22] =	dma.local [hbm:s4], s20  }
0x9e: {  	_ =	swait.ge [sflag:s22], s20  }
0x9f: {  	s3 =	ssub.s32 $0x0, s20;
	[sflag:s22] =	ssyncset.done $0x0  }
0xa0: {  	[sflag:s22] =	ssyncadd.s32 s3;
	_ =	sdelay $0x1  }
0xa1: {  	s23 =	simm.s32 $0x1B8B  }
0xa2: {  	_ =	swait.ge [sflag:s23], $0x1  }
0xa3: {  	[sflag:s23] =	ssyncset.done $0x0  }
0xa4: {  	s25 =	simm.s32 $0x1B8E;
	s24 =	sld [smem:$0x3FFE];
	[sflag:s23] =	ssyncadd.s32 $0xFFFFFFFF  }
0xa5: {  	s26 =	simm.s32 $execute0_lowered;
	[smem:$0x3FD2] =	sst s25  }
0xa6: {  	s4 =	sshll.u32 s26, $0x1;
	_ =	strace $0x80000046;
	[dreg:$0x1] =	wrdreg $0xFFFFFFFF  }
0xa7: {  	s28 =	simm.s32 $_size_execute0_lowered;
	s2 =	sadd.s32 s2, s4;
	[dreg:$0x0] =	wrdreg $0x0  }
0xa8: {  	s4 =	sshll.u32 s28, $0x1;
	[dreg:$0x2] =	wrdreg s2  }
0xa9: {  	[dreg:$0x3] =	wrdreg s4  }
0xaa: {  	[dreg:$0x4] =	wrdreg $0xC0  }
0xab: {  	_ =	task [dreg:s6], $0x5FFFF  }
0xac: {  	[dreg:$0x1] =	wrdreg $0xFFFFFFFF  }
0xad: {  	[dreg:$0x0] =	wrdreg $0x60  }
0xae: {  	[dreg:$0x2] =	wrdreg s24  }
0xaf: {  	[dreg:$0x3] =	wrdreg $0x191800  }
0xb0: {  	[dreg:$0x4] =	wrdreg $0x9  }
0xb1: {  	_ =	task.clear_ibuf [dreg:s6], $0x5FFFF;
	_ =	strace $0x90000046  }
0xb2: {  	s29 =	simm.s32 $0x9;
	_ =	strace $0x80000048  }
0xb3: {  	_ =	swait.ge [sflag:s29], $0x1  }
0xb4: {  	[sflag:s29] =	ssyncadd.s32 $0xFFFFFFFF  }
0xb5: {  	_ =	strace $0x90000048  }
0xb6: {  	_ =	sfence  }
0xb7: {  	s30 =	sld [smem:$0x0];
	_ =	sdelay $0x2  }
0xb8: {  	s31 =	sshll.u32 s1, $0xD;
	s1 =	sshrl.u32 s1, $0x2  }
0xb9: {  	s3 =	sand.u32 $0x4000, s31;
	s1 =	sadd.s32 s1, s30  }
0xba: {  	s0 =	sor.u32 s3, s0;
	s1 =	sshll.u32 s1, $0x11  }
0xbb: {  	s0 =	sor.u32 s1, s0  }
0xbc: {  	s0 =	sadd.s32 $0x8F2B, s0  }
0xbd: {  	[sflag:s0] =	ssyncadd.remote.s32 $0x1  }
0xbe: {  	_ =	sfence.sel $0xFFFF  }
0xbf: {  	[dreg:$0x0] =	wrdreg $0xFFFFFFFF;
	(pc) =	sbr.abs _section_cstart, $3  }
0xc0: {  	[dreg:$0x1] =	wrdreg $0xFFFFFFFF  }
0xc1: {  	_ =	task.clear_ibuf [dreg:s6], $0x2FFFF;
	_ =	strace $0x9FFFFFFF  }
0xc2: {  	(tm) =	ssettm $0x7FFFFFFF  }
0xc3: {  	_ =	shalt  }
tec
execute0_lowered:
.L_overlay_start_1:
0x0: {  	(tag) =	ssettag $0x1  }
0x1: {  	s0 =	rddreg [dreg:$0x0];
	s1 =	srdreg.scid  }
0x2: {  	s9 =	stileid.u32;
	s2 =	rddreg [dreg:$0x1]  }
0x3: {  	s3 =	simm.s32 $0x0;
	s18 =	simm.s32 $0x9;
	s20 =	simm.s32 $0x80  }
0x4: {  	s24 =	simm.s32 $0x8;
	s25 =	simm.s32 $0x7;
	s26 =	simm.s32 $0x0  }
0x5: {  	s1 =	sand.u32 $0x1, s1;
	s10 =	smul.u32 $0x4F00, s9;
	[smem:$0x7FF] =	sst s3  }
0x6: {  	s4 =	sadd.s32 $0x51600, s0;
	s6 =	sadd.s32 $0xAA600, s0;
	s13 =	smul.u32 $0x4C, s9  }
0x7: {  	s9 =	sshll.u32 s9, $0x2;
	s5 =	smul.u32 $0x4F000, s1;
	_ =	strace $0x80000047  }
0x8: {  	s11 =	ssub.s32 $0x2, s1;
	p0 =	seq.s32 s1, $0x0;
	s9 =	sor.u32 $0x4C0, s9  }
0x9: {  	s12 =	sshrl.u32 s11, $0x1;
	s9 =	smov.u32 @p0 s13;
	s7 =	sadd.s32 s10, s5  }
0xa: {  	s5 =	sadd.s32 $0x1600, s0;
	s28 =	ssub.s32 s11, s12;
	s13 =	sshll.u32 s9, $0x8  }
0xb: {  	s29 =	sshll.u32 s9, $0x4;
	s8 =	sshrl.u32 s7, $0x3;
	s13 =	sadd.s32 s5, s13  }
0xc: {  	s7 =	sadd.s32 $0xA5600, s0;
	s31 =	smax.u32 s28, $0x1;
	[dreg:$0x3] =	wrdreg s13  }
0xd: {  	s11 =	sadd.s32 s6, s29;
	s12 =	sadd.s32 s7, s29;
	[dreg:$0x7] =	wrdreg s31  }
0xe: {  	s0 =	sadd.s32 s8, s0;
	s30 =	sadd.s32 $0x10, s11;
	[dreg:$0x4] =	wrdreg s12  }
0xf: {  	v0 =	vimm.f32 $0.0e+00;
	vm0 =	vcmask $0x300;
	s8 =	simm.s32 $0x4C;
	[dreg:$0x5] =	wrdreg s30;
	s0 =	sadd.s32 $0xAF600, s0  }
0x10: {  	v1 =	vsel vm0, $0x3F800000, v0;
	s10 =	sadd.s32 s10, s2;
	s8 =	simm.s32 @!p0 $0x4;
	[dreg:$0x6] =	wrdreg s0  }
.LBB2_1:
0x11: {  	s0 =	simm.s32 $0x80;
	s1 =	simm.s32 $0x0  }
.LBB2_2:
0x12: {  	p0 =	sne.s32 s0, $0x13B80;
	[tilespmem:s1+$0x14280] =	vst v0;
	s12 =	smov.u32 s0;
	s0 =	sadd.s32 $0x80, s0  }
.Ltmp0:
0x13: {  	[tilespmem:s1+$0x14290] =	vst v0;
	(pc) =	sbr.rel @p0 .LBB2_2-.Ltmp0, $2  }
0x14: {  	_ =	sdelay $0x2  }
0x15: {  	s1 =	sshra.s32 s12, $0x2  }
0x16: {  	[tilespmem:s1+$0x14280] =	vst v0  }
0x17: {  	[tilespmem:s1+$0x14290] =	vst v0;
	s0 =	simm.s32 $0x14280  }
0x18: {  	[spmem:s10] =	stream.linear.scatter [tilespmem:s0], [sflag:$0x9], $0x4F00, $0x38;
	[tilespmem:$0x1E080] =	vst v63  }
0x19: {  	_ =	swait.ge [sflag:s18], $0x4F00  }
0x1a: {  	[sflag:s18] =	ssyncset.done $0x0  }
0x1b: {  	[sflag:s18] =	ssyncadd.s32 $0xFFFFB100  }
0x1c: {  	s19 =	simm.s32 $0x12000;
	[bflag:$0x0] =	sbarrier.arrive $0xFFFF  }
0x1d: {  	[tilespmem:s19], [sflag:$0x9] =	stream.linear.gather [hbm4b:s11+s26], $0x80, $0x38;
	[tilespmem:$0x1E080] =	vst v63  }
0x1e: {  	_ =	swait.ge [sflag:s18], $0x80  }
0x1f: {  	[sflag:s18] =	ssyncset.done $0x0  }
0x20: {  	[sflag:s18] =	ssyncadd.s32 $0xFFFFFF80  }
0x21: {  	[tilespmem:s26], [sflag:$0x1] =	stream.indirect.gather [hbm4b:s4+s20], $0x110, s19, s20, $0xb8;
	[tilespmem:$0x1E080] =	vst v63  }
0x22: {  	s22 =	simm.s32 $0x11000;
	s21 =	rddreg [dreg:$0x3]  }
0x23: {  	[tilespmem:s22], [sflag:$0x5] =	stream.linear.gather [hbm4b:s21+s26], $0x800, $0x38;
	[tilespmem:$0x1E080] =	vst v63  }
0x24: {  	s28 =	simm.s32 $0x12100;
	s31 =	simm.s32 $0x12080;
	s23 =	rddreg [dreg:$0x4]  }
0x25: {  	[tilespmem:s28], [sflag:$0x5] =	stream.linear.gather [hbm4b:s23+s26], $0x80, $0x38;
	[tilespmem:$0x1E080] =	vst v63  }
0x26: {  	p0 =	por $0x0, $0x0;
	s29 =	simm.s32 $0x0;
	s30 =	rddreg [dreg:$0x5]  }
0x27: {  	[tilespmem:s31], [sflag:$0x4] =	stream.linear.gather [hbm4b:s30+s26], $0x80, $0x38;
	[tilespmem:$0x1E080] =	vst v63  }
.LBB2_4:
0x28: {  	s28 =	sand.u32 $0x1, s29  }
0x29: {  	s1 =	sadd.s32 $0x1, s28  }
0x2a: {  	s0 =	smov.u32 s29;
	_ =	swait.ge [sflag:s1], $0x8800  }
0x2b: {  	p1 =	slt.u32 s29, $0x2;
	s12 =	sadd.s32 $0x2, s29;
	[sflag:s1] =	ssyncset.done $0x0  }
0x2c: {  	s29 =	sadd.s32 $0x1, s29;
	[sflag:s1] =	ssyncadd.s32 $0xFFFF7800;
	s1 =	sadd.s32 @!p1 $0x7, s28  }
0x2d: {  	p2 =	sge.u32 s12, s8;
	s22 =	smulhi.u32 $0xAAAAAAAB, s29;
	_ =	swait.ge @!p1 [sflag:s1], $0x1000  }
0x2e: {  	s12 =	sadd.s32 @!p2 s9, s12;
	s13 =	sadd.s32 @!p2 $0x3, s28;
	[sflag:s1] =	ssyncset.done @!p1 $0x0  }
0x2f: {  	s12 =	sshll.u32 @!p2 s12, $0x4;
	[sflag:s1] =	ssyncadd.s32 @!p1 $0xFFFFF000;
	s1 =	sshll.u32 @!p2 s28, $0x7  }
0x30: {  	s17 =	simm.s32 @!p2 $0x0;
	s12 =	sadd.s32 @!p2 s6, s12;
	s1 =	sor.u32 @!p2 $0x12000, s1  }
0x31: {  	[tilespmem:s1], [sflag:s13] =	stream.linear.gather @!p2 [hbm4b:s12+s17], $0x80, $0x38;
	[tilespmem:$0x1E080] =	vst v63  }
0x32: {  	p1 =	sge.u32 s29, s8;
	s1 =	sxor.u32 $0x1, s28  }
0x33: {  	s21 =	simm.s32 @!p1 $0x80;
	s12 =	sshrl.u32 s22, $0x1;
	s13 =	sadd.s32 @!p1 $0x3, s1  }
0x34: {  	s17 =	sshll.u32 @!p1 s1, $0x7;
	s19 =	smul.u32 @!p1 $0x22000, s1;
	_ =	swait.ge @!p1 [sflag:s13], $0x80  }
0x35: {  	s12 =	smul.u32 $0x3, s12;
	s17 =	sor.u32 @!p1 $0x12000, s17;
	[sflag:s13] =	ssyncset.done @!p1 $0x0  }
0x36: {  	[sflag:s13] =	ssyncadd.s32 @!p1 $0xFFFFFF80;
	s13 =	sshrl.u32 @!p1 s19, $0x2;
	s19 =	sadd.s32 @!p1 $0x1, s1  }
0x37: {  	[tilespmem:s13], [sflag:s19] =	stream.indirect.gather @!p1 [hbm4b:s4+s21], $0x110, s17, s21, $0xb8;
	[tilespmem:$0x1E080] =	vst v63  }
0x38: {  	s12 =	ssub.s32 s29, s12;
	s13 =	sadd.s32 @!p1 s9, s29  }
0x39: {  	s17 =	sadd.s32 @!p1 $0x5, s1;
	s1 =	sshll.u32 @!p1 s1, $0xB;
	s19 =	sshll.u32 @!p1 s13, $0x8  }
0x3a: {  	s21 =	simm.s32 @!p1 $0x0;
	s1 =	sor.u32 @!p1 $0x11000, s1;
	s19 =	sadd.s32 @!p1 s5, s19  }
0x3b: {  	[tilespmem:s1], [sflag:s17] =	stream.linear.gather @!p1 [hbm4b:s19+s21], $0x800, $0x38;
	[tilespmem:$0x1E080] =	vst v63  }
0x3c: {  	s1 =	sshll.u32 @!p1 s12, $0x7  }
0x3d: {  	s12 =	sshll.u32 @!p1 s13, $0x4;
	s1 =	sand.u32 @!p1 $0x3FFFFF80, s1  }
0x3e: {  	s23 =	sadd.s32 $0x5, s28;
	s12 =	sadd.s32 @!p1 s7, s12;
	s1 =	sadd.s32 @!p1 $0x12100, s1  }
0x3f: {  	[tilespmem:s1], [sflag:s17] =	stream.linear.gather @!p1 [hbm4b:s12+s21], $0x80, $0x38;
	[tilespmem:$0x1E080] =	vst v63  }
0x40: {  	s16 =	sand.u32 $0x1E00, s26;
	s15 =	sshll.u32 s28, $0xB;
	_ =	swait.ge [sflag:s23], $0x800  }
0x41: {  	s31 =	sor.u32 $0x11000, s15;
	s1 =	simm.s32 $0x1;
	[sflag:s23] =	ssyncset.done $0x0  }
0x42: {  	s22 =	simm.s32 $0x30;
	s1 =	simm.s32 @!p0 $0x0;
	[sflag:s23] =	ssyncadd.s32 $0xFFFFF800  }
0x43: {  	s21 =	sshrl.u32 s16, $0x2;
	s14 =	smul.u32 $0x22000, s1;
	_ =	swait.ge [sflag:s23], $0x80  }
0x44: {  	s19 =	sand.u32 $0x70, s22;
	s17 =	sadd.s32 s21, s31;
	[sflag:s23] =	ssyncset.done $0x0  }
0x45: {  	s13 =	sshrl.u32 s14, $0x2;
	[sflag:s23] =	ssyncadd.s32 $0xFFFFFF80;
	s23 =	sadd.s32 s19, s17  }
0x46: {  	s30 =	sor.u32 $0x220, s13;
	v2 =	vld [tilespmem:s23+$0x0]  }
0x47: {  	v3 =	vld [tilespmem:s30+$0x1D0]  }
0x48: {  	v4 =	vld [tilespmem:s30+$0x1E0]  }
0x49: {  	v5 =	vld [tilespmem:s30+$0x190]  }
0x4a: {  	v6 =	vld [tilespmem:s30+$0x1A0]  }
0x4b: {  	v8 =	vld [tilespmem:s30+$0x120]  }
0x4c: {  	v9 =	vld [tilespmem:s30+$0x130];
	v12 =	vbroadcast v2, $0xC;
	v13 =	vbroadcast v2, $0xD  }
0x4d: {  	v10 =	vld [tilespmem:s30+$0x140];
	v15 =	vbroadcast v2, $0xE;
	v16 =	vbroadcast v2, $0xF  }
0x4e: {  	v11 =	vld [tilespmem:s30+$0x150];
	v18 =	vbroadcast v2, $0x8;
	v19 =	vbroadcast v2, $0x9  }
0x4f: {  	v14 =	vld [tilespmem:s30+$0x160];
	v21 =	vbroadcast v2, $0xA;
	v22 =	vbroadcast v2, $0xB  }
0x50: {  	v17 =	vld [tilespmem:s30+$0x110];
	v24 =	vbroadcast v2, $0x1;
	v25 =	vbroadcast v2, $0x2  }
0x51: {  	v20 =	vld [tilespmem:s30+$0x170];
	v27 =	vbroadcast v2, $0x3;
	v28 =	vbroadcast v2, $0x4  }
0x52: {  	v23 =	vld [tilespmem:s30+$0x180];
	v30 =	vbroadcast v2, $0x5;
	v31 =	vbroadcast v2, $0x6  }
0x53: {  	v26 =	vld [tilespmem:s30+$0x1B0];
	v33 =	vbroadcast v2, $0x0;
	v34 =	vbroadcast v2, $0x7  }
0x54: {  	s16 =	simm.s32 $0x20;
	v29 =	vld [tilespmem:s30+$0x1C0];
	v12 =	vmul.f32 v3, v12;
	v13 =	vmul.f32 v4, v13  }
0x55: {  	s19 =	sand.u32 $0x60, s16;
	v32 =	vld [tilespmem:s30+$0x1F0];
	v5 =	vmul.f32 v5, v18;
	v6 =	vmul.f32 v6, v19  }
0x56: {  	s15 =	sand.u32 $0x40, s26;
	s14 =	simm.s32 $0x10;
	v35 =	vld [tilespmem:s30+$0x200];
	s21 =	sadd.s32 s19, s17;
	v8 =	vmul.f32 v8, v24;
	v9 =	vmul.f32 v9, v25  }
0x57: {  	s12 =	sand.u32 $0x50, s14;
	s13 =	sadd.s32 s15, s17;
	v2 =	vld [tilespmem:s21+$0x0];
	v10 =	vmul.f32 v10, v27;
	v17 =	vmul.f32 v17, v33  }
0x58: {  	s12 =	sadd.s32 s12, s17;
	v4 =	vld [tilespmem:s13+$0x0];
	v14 =	vmul.f32 v14, v30;
	v19 =	vmul.f32 v20, v31  }
0x59: {  	v3 =	vld [tilespmem:s12+$0x0];
	v11 =	vmul.f32 v11, v28;
	v23 =	vmul.f32 v23, v34  }
0x5a: {  	v24 =	vld [tilespmem:s30+$0x0];
	v21 =	vmul.f32 v26, v21;
	v22 =	vmul.f32 v29, v22  }
0x5b: {  	v7 =	vld [tilespmem:s30+$0x210];
	v15 =	vmul.f32 v32, v15;
	v16 =	vmul.f32 v35, v16  }
0x5c: {  	v45 =	vld [tilespmem:s30+$0xFFFFFFF0];
	v8 =	vadd.f32 v14, v8;
	v28 =	vbroadcast v2, $0x0;
	v40 =	vbroadcast v2, $0x2  }
0x5d: {  	v47 =	vld [tilespmem:s30+$0xFFFFFF00];
	v9 =	vadd.f32 v19, v9;
	v58 =	vbroadcast v2, $0xB;
	v14 =	vbroadcast v4, $0x0  }
0x5e: {  	v37 =	vld [tilespmem:s30+$0xFFFFFF10];
	v10 =	vadd.f32 v23, v10;
	v26 =	vbroadcast v3, $0x0;
	v19 =	vbroadcast v4, $0x1  }
0x5f: {  	v39 =	vld [tilespmem:s30+$0xFFFFFF20];
	v6 =	vadd.f32 v6, v8;
	v23 =	vbroadcast v4, $0x3;
	v8 =	vmul.f32 v24, v28  }
0x60: {  	v41 =	vld [tilespmem:s30+$0xFFFFFF30];
	v9 =	vadd.f32 v21, v9;
	v24 =	vbroadcast v4, $0x4;
	v21 =	vbroadcast v4, $0x5  }
0x61: {  	v48 =	vld [tilespmem:s30+$0x30];
	v7 =	vadd.f32 v17, v7;
	v30 =	vbroadcast v4, $0x6;
	v44 =	vbroadcast v3, $0x1  }
0x62: {  	v18 =	vld [tilespmem:s30+$0xFFFFFDE0];
	v10 =	vadd.f32 v22, v10;
	v22 =	vbroadcast v3, $0x2;
	v46 =	vbroadcast v3, $0x3  }
0x63: {  	v20 =	vld [tilespmem:s30+$0xFFFFFEF0];
	v7 =	vadd.f32 v11, v7;
	v36 =	vbroadcast v3, $0x5;
	v38 =	vbroadcast v3, $0x7  }
0x64: {  	v17 =	vld [tilespmem:s30+$0xFFFFFDF0];
	v50 =	vbroadcast v4, $0xA;
	v59 =	vbroadcast v4, $0xC  }
0x65: {  	v29 =	vld [tilespmem:s30+$0xFFFFFE10];
	v60 =	vbroadcast v4, $0xD;
	v5 =	vadd.f32 v5, v7;
	v7 =	vbroadcast v4, $0x7  }
0x66: {  	v31 =	vld [tilespmem:s30+$0xFFFFFE50];
	v6 =	vadd.f32 v13, v6;
	v13 =	vbroadcast v3, $0x4;
	v9 =	vadd.f32 v15, v9  }
0x67: {  	v49 =	vld [tilespmem:s30+$0x40];
	v15 =	vbroadcast v3, $0x6;
	v10 =	vadd.f32 v16, v10;
	v16 =	vbroadcast v2, $0x3  }
0x68: {  	v27 =	vld [tilespmem:s30+$0xFFFFFE00];
	v11 =	vmul.f32 v18, v14;
	v14 =	vbroadcast v4, $0x2  }
0x69: {  	v25 =	vld [tilespmem:s30+$0xFFFFFEE0];
	v20 =	vmul.f32 v20, v26;
	v17 =	vmul.f32 v17, v19  }
0x6a: {  	v28 =	vld [tilespmem:s30+$0xFFFFFE40];
	v22 =	vmul.f32 v37, v22;
	v5 =	vadd.f32 v12, v5;
	v12 =	vbroadcast v2, $0x1  }
0x6b: {  	v18 =	vld [tilespmem:s30+$0xFFFFFE20];
	v9 =	vadd.f32 v10, v9;
	v10 =	vmul.f32 v29, v23;
	v7 =	vmul.f32 v31, v7  }
0x6c: {  	v26 =	vld [tilespmem:s30+$0xFFFFFE30];
	v31 =	vmul.f32 v47, v44;
	v13 =	vmul.f32 v41, v13  }
0x6d: {  	v19 =	vld [tilespmem:s30+$0xFFFFFF40];
	v16 =	vmul.f32 v48, v16;
	v14 =	vmul.f32 v27, v14  }
0x6e: {  	v51 =	vld [tilespmem:s30+$0x70];
	v11 =	vadd.f32 v11, v25;
	v25 =	vbroadcast v2, $0x7;
	v5 =	vadd.f32 v6, v5  }
0x6f: {  	v27 =	vld [tilespmem:s30+$0xFFFFFF50];
	v6 =	vbroadcast v2, $0x4;
	v10 =	vadd.f32 v7, v10;
	v7 =	vbroadcast v4, $0x9  }
0x70: {  	v23 =	vld [tilespmem:s30+$0xFFFFFF60];
	v18 =	vmul.f32 v18, v24;
	v24 =	vbroadcast v2, $0x5  }
0x71: {  	v21 =	vmul.f32 v26, v21;
	v26 =	vld [tilespmem:s30+$0x100];
	v29 =	vadd.f32 v9, v5;
	v5 =	vbroadcast v2, $0x6  }
0x72: {  	v20 =	vadd.f32 v20, v45;
	v9 =	vmul.f32 v28, v30;
	v28 =	vld [tilespmem:s30+$0x10];
	v19 =	vmul.f32 v19, v36  }
0x73: {  	v30 =	vld [tilespmem:s30+$0x20];
	v6 =	vmul.f32 v49, v6;
	v11 =	vadd.f32 v18, v11;
	v18 =	vmul.f32 v39, v46  }
0x74: {  	v17 =	vadd.f32 v21, v17;
	v15 =	vmul.f32 v27, v15;
	v21 =	vld [tilespmem:s30+$0x50];
	v9 =	vadd.f32 v9, v14  }
0x75: {  	v14 =	vmul.f32 v23, v38;
	v23 =	vbroadcast v4, $0x8;
	v27 =	vld [tilespmem:s30+$0x60];
	v31 =	vadd.f32 v19, v31  }
0x76: {  	v52 =	vld [tilespmem:s30+$0xFFFFFE70];
	v19 =	vbroadcast v3, $0x9;
	v15 =	vadd.f32 v15, v22;
	v22 =	vbroadcast v3, $0xA  }
0x77: {  	v53 =	vld [tilespmem:s30+$0xFFFFFE80];
	v8 =	vadd.f32 v8, v26;
	v12 =	vmul.f32 v28, v12;
	v26 =	vbroadcast v4, $0xB  }
0x78: {  	v13 =	vadd.f32 v13, v20;
	v28 =	vld [tilespmem:s30+$0xFFFFFE60];
	v20 =	vmul.f32 v30, v40;
	v30 =	vbroadcast v3, $0x8  }
0x79: {  	v54 =	vld [tilespmem:s30+$0xFFFFFE90];
	v14 =	vadd.f32 v14, v18;
	v18 =	vmul.f32 v21, v24;
	v21 =	vbroadcast v3, $0xB  }
0x7a: {  	v24 =	vld [tilespmem:s30+$0xFFFFFF70];
	v55 =	vadd.f32 v6, v8;
	v5 =	vmul.f32 v27, v5;
	v6 =	vmul.f32 v51, v25  }
0x7b: {  	v8 =	vld [tilespmem:s30+$0xFFFFFF80];
	v25 =	vbroadcast v2, $0x9;
	v12 =	vadd.f32 v18, v12;
	v18 =	vbroadcast v2, $0x8  }
0x7c: {  	v27 =	vld [tilespmem:s30+$0xFFFFFF90];
	v57 =	vadd.f32 v6, v16;
	v6 =	vmul.f32 v52, v7;
	v16 =	vmul.f32 v53, v50  }
0x7d: {  	v63 =	vld [tilespmem:s30+$0xFFFFFEB0];
	v56 =	vadd.f32 v5, v20;
	v20 =	vbroadcast v2, $0xA;
	v5 =	vmul.f32 v28, v23  }
0x7e: {  	v23 =	vld [tilespmem:s30+$0xFFFFFFA0];
	v7 =	vadd.f32 v6, v17;
	v6 =	vadd.f32 v16, v9;
	v16 =	vbroadcast v4, $0xE  }
0x7f: {  	v28 =	vld [tilespmem:s30+$0x80];
	v5 =	vadd.f32 v5, v11;
	v11 =	vmul.f32 v54, v26;
	v17 =	vmul.f32 v24, v30  }
0x80: {  	v26 =	vld [tilespmem:s30+$0x90];
	v8 =	vmul.f32 v8, v19;
	v19 =	vbroadcast v4, $0xF  }
0x81: {  	v30 =	vld [tilespmem:s30+$0xA0];
	v9 =	vmul.f32 v27, v22;
	v22 =	vbroadcast v3, $0xC  }
0x82: {  	v61 =	vld [tilespmem:s30+$0xB0];
	v4 =	vadd.f32 v17, v13;
	v8 =	vadd.f32 v8, v31;
	v17 =	vbroadcast v3, $0xE  }
0x83: {  	v62 =	vld [tilespmem:s30+$0xFFFFFEA0];
	v9 =	vadd.f32 v9, v15;
	v15 =	vbroadcast v3, $0xF;
	v31 =	vmul.f32 v63, v60  }
0x84: {  	s22 =	smulhi.u32 $0xAAAAAAAB, s0;
	s1 =	sshll.u32 s1, $0xC;
	v24 =	vld [tilespmem:s30+$0xFFFFFEC0];
	v11 =	vadd.f32 v11, v10;
	v10 =	vmul.f32 v23, v21;
	v13 =	vmul.f32 v28, v18  }
0x85: {  	s1 =	sor.u32 $0x122C0, s1;
	v18 =	vbroadcast v3, $0xD;
	v28 =	vld [tilespmem:s30+$0xFFFFFED0];
	v23 =	vbroadcast v2, $0xC  }
0x86: {  	[tilespmem:s1+$0x30] =	vst v1;
	s12 =	sshrl.u32 s22, $0x1;
	v27 =	vld [tilespmem:s30+$0xFFFFFFB0];
	v21 =	vmul.f32 v26, v25;
	v3 =	vadd.f32 v13, v55;
	v13 =	vmul.f32 v30, v20  }
0x87: {  	s23 =	sshll.u32 s28, $0xC;
	s12 =	smul.u32 $0x3, s12;
	[tilespmem:s1+$0x20] =	vst v29;
	v14 =	vadd.f32 v10, v14;
	v30 =	vmul.f32 v61, v58;
	v25 =	vld [tilespmem:s30+$0xFFFFFFC0];
	v20 =	vbroadcast v2, $0xE  }
0x88: {  	s17 =	sor.u32 $0x12280, s23;
	s23 =	simm.s32 $0x100;
	[tilespmem:s1+$0xFFFFFFD0] =	vst v1;
	v26 =	vld [tilespmem:s30+$0xFFFFFFD0];
	v10 =	vadd.f32 v21, v12;
	v21 =	vbroadcast v2, $0xD;
	v13 =	vadd.f32 v13, v56  }
0x89: {  	s22 =	simm.s32 $0x0;
	s21 =	ssub.s32 s0, s12;
	s0 =	simm.s32 $0x0;
	v29 =	vld [tilespmem:s30+$0xFFFFFFE0];
	[tilespmem:s1+$0xFFFFFFF0] =	vst v1;
	v2 =	vbroadcast v2, $0xF;
	v12 =	vadd.f32 v30, v57;
	v30 =	vmul.f32 v62, v59  }
.LBB2_5:
0x8a: {  	s12 =	sand.u32 $0x1E00, s23;
	v16 =	vmul.f32 v24, v16;
	v19 =	vmul.f32 v28, v19;
	v24 =	vld [tilespmem:s30+$0xC0];
	s0 =	sadd.s32 $0x40, s0  }
0x8b: {  	s12 =	sshrl.u32 s12, $0x2;
	s13 =	sadd.s32 $0x10, s0;
	s19 =	sadd.s32 $0x30, s0;
	v5 =	vadd.f32 v30, v5;
	v7 =	vadd.f32 v31, v7;
	v22 =	vmul.f32 v27, v22;
	v27 =	vld [tilespmem:s30+$0xD0]  }
0x8c: {  	s14 =	sadd.s32 $0x20, s0;
	s12 =	sadd.s32 s12, s31;
	s19 =	sand.u32 $0x70, s19;
	v6 =	vadd.f32 v16, v6;
	v11 =	vadd.f32 v19, v11;
	v16 =	vmul.f32 v25, v18;
	v18 =	vld [tilespmem:s30+$0xE0]  }
0x8d: {  	s13 =	sand.u32 $0x50, s13;
	s14 =	sand.u32 $0x60, s14;
	s15 =	sadd.s32 s19, s12;
	v5 =	vadd.f32 v7, v5;
	v4 =	vadd.f32 v22, v4;
	v7 =	vmul.f32 v26, v17;
	v17 =	vld [tilespmem:s30+$0xF0];
	[tilespmem:s1+$0x10] =	vst v1  }
0x8e: {  	s16 =	sand.u32 $0x40, s0;
	s19 =	sadd.s32 s13, s12;
	s30 =	sadd.s32 $0x440, s30;
	v19 =	vld [tilespmem:s15+$0x0];
	v6 =	vadd.f32 v11, v6;
	v8 =	vadd.f32 v16, v8;
	v11 =	vmul.f32 v29, v15  }
0x8f: {  	s13 =	sadd.s32 s16, s12;
	s12 =	sadd.s32 s14, s12;
	v15 =	vld [tilespmem:s30+$0x1D0];
	v7 =	vadd.f32 v7, v9;
	v9 =	vmul.f32 v24, v23  }
0x90: {  	v16 =	vld [tilespmem:s30+$0x1E0];
	v11 =	vadd.f32 v11, v14;
	v4 =	vadd.f32 v8, v4;
	v8 =	vmul.f32 v27, v21  }
0x91: {  	v5 =	vadd.f32 v6, v5;
	v14 =	vld [tilespmem:s30+$0x190];
	v3 =	vadd.f32 v9, v3;
	v6 =	vmul.f32 v18, v20  }
0x92: {  	v9 =	vld [tilespmem:s30+$0x1A0];
	v7 =	vadd.f32 v11, v7;
	v8 =	vadd.f32 v8, v10;
	v2 =	vmul.f32 v17, v2  }
0x93: {  	s22 =	sadd.s32 $0x4, s22;
	v10 =	vld [tilespmem:s30+$0x210];
	v11 =	vbroadcast v19, $0xC;
	v17 =	vbroadcast v19, $0xD;
	[tilespmem:s1+$0xFFFFFFC0] =	vst v5;
	v5 =	vadd.f32 v6, v13  }
0x94: {  	p1 =	slt.u32 s22, $0x7C;
	v13 =	vbroadcast v19, $0xE;
	v18 =	vbroadcast v19, $0xF;
	v6 =	vld [tilespmem:s30+$0x120];
	v2 =	vadd.f32 v2, v12  }
0x95: {  	v20 =	vbroadcast v19, $0x8;
	v21 =	vbroadcast v19, $0x9;
	v3 =	vadd.f32 v8, v3;
	v12 =	vld [tilespmem:s30+$0x130]  }
0x96: {  	v22 =	vbroadcast v19, $0xA;
	v23 =	vbroadcast v19, $0xB;
	v8 =	vld [tilespmem:s30+$0x140];
	v2 =	vadd.f32 v2, v5  }
0x97: {  	v24 =	vbroadcast v19, $0x2;
	v4 =	vadd.f32 v7, v4;
	v5 =	vbroadcast v19, $0x1;
	v25 =	vld [tilespmem:s30+$0x150]  }
0x98: {  	v26 =	vbroadcast v19, $0x4;
	v7 =	vbroadcast v19, $0x3;
	v27 =	vld [tilespmem:s30+$0x160];
	v2 =	vadd.f32 v2, v3  }
0x99: {  	v28 =	vbroadcast v19, $0x5;
	v29 =	vbroadcast v19, $0x6;
	v3 =	vld [tilespmem:s30+$0x110];
	[tilespmem:s1+$0xFFFFFFE0] =	vst v4  }
0x9a: {  	v4 =	vbroadcast v19, $0x0;
	v19 =	vbroadcast v19, $0x7;
	v30 =	vld [tilespmem:s30+$0x170];
	[tilespmem:s1+$0x0] =	vst v2  }
0x9b: {  	v11 =	vmul.f32 v15, v11;
	v15 =	vmul.f32 v16, v17;
	v2 =	vld [tilespmem:s30+$0x180]  }
0x9c: {  	v14 =	vmul.f32 v14, v20;
	v9 =	vmul.f32 v9, v21;
	v16 =	vld [tilespmem:s30+$0x1B0]  }
0x9d: {  	v5 =	vmul.f32 v6, v5;
	v6 =	vmul.f32 v12, v24;
	v12 =	vld [tilespmem:s30+$0x1C0]  }
0x9e: {  	v7 =	vmul.f32 v8, v7;
	v3 =	vmul.f32 v3, v4;
	v8 =	vld [tilespmem:s30+$0x1F0]  }
0x9f: {  	v17 =	vmul.f32 v27, v28;
	v20 =	vmul.f32 v30, v29;
	v21 =	vld [tilespmem:s30+$0x200]  }
0xa0: {  	v24 =	vmul.f32 v25, v26;
	v4 =	vld [tilespmem:s13+$0x0];
	v10 =	vadd.f32 v3, v10;
	v19 =	vmul.f32 v2, v19  }
0xa1: {  	v5 =	vadd.f32 v17, v5;
	v3 =	vld [tilespmem:s19+$0x0];
	v6 =	vadd.f32 v20, v6;
	v16 =	vmul.f32 v16, v22  }
0xa2: {  	v2 =	vld [tilespmem:s12+$0x0];
	v10 =	vadd.f32 v24, v10;
	v7 =	vadd.f32 v19, v7;
	v12 =	vmul.f32 v12, v23  }
0xa3: {  	v5 =	vadd.f32 v9, v5;
	v17 =	vld [tilespmem:s30+$0xFFFFFDE0];
	v6 =	vadd.f32 v16, v6;
	v8 =	vmul.f32 v8, v13  }
0xa4: {  	v9 =	vld [tilespmem:s30+$0xFFFFFEF0];
	v10 =	vadd.f32 v14, v10;
	v7 =	vadd.f32 v12, v7;
	v12 =	vmul.f32 v21, v18  }
0xa5: {  	v5 =	vadd.f32 v15, v5;
	v13 =	vbroadcast v4, $0x0;
	v14 =	vld [tilespmem:s30+$0x0];
	v6 =	vadd.f32 v8, v6  }
0xa6: {  	v8 =	vld [tilespmem:s30+$0xFFFFFEE0];
	v15 =	vbroadcast v3, $0x0;
	v10 =	vadd.f32 v11, v10;
	v7 =	vadd.f32 v12, v7  }
0xa7: {  	v12 =	vbroadcast v4, $0x1;
	v11 =	vld [tilespmem:s30+$0xFFFFFDF0];
	v16 =	vbroadcast v2, $0x0  }
0xa8: {  	v18 =	vld [tilespmem:s30+$0xFFFFFE00];
	v13 =	vmul.f32 v17, v13;
	v5 =	vadd.f32 v5, v10;
	v6 =	vadd.f32 v7, v6  }
0xa9: {  	v7 =	vbroadcast v4, $0x2;
	v10 =	vld [tilespmem:s30+$0xFFFFFE10];
	v9 =	vmul.f32 v9, v15  }
0xaa: {  	v15 =	vbroadcast v4, $0x3;
	v17 =	vld [tilespmem:s30+$0xFFFFFE20];
	v14 =	vmul.f32 v14, v16;
	v5 =	vadd.f32 v6, v5  }
0xab: {  	s1 =	sadd.s32 $0x80, s1;
	v16 =	vbroadcast v4, $0x5;
	v6 =	vadd.f32 v13, v8;
	v8 =	vbroadcast v4, $0x4;
	v13 =	vld [tilespmem:s30+$0xFFFFFE30]  }
0xac: {  	v20 =	vbroadcast v4, $0x6;
	v21 =	vbroadcast v4, $0x7;
	v19 =	vld [tilespmem:s30+$0xFFFFFE40];
	[tilespmem:s1+$0x20] =	vst v5  }
0xad: {  	v22 =	vbroadcast v3, $0x1;
	v23 =	vbroadcast v3, $0x2;
	v5 =	vld [tilespmem:s30+$0xFFFFFE50];
	[tilespmem:s1+$0x30] =	vst v1  }
0xae: {  	v25 =	vbroadcast v3, $0x3;
	v26 =	vbroadcast v3, $0x4;
	v24 =	vld [tilespmem:s30+$0xFFFFFFF0]  }
0xaf: {  	v28 =	vbroadcast v3, $0x5;
	v29 =	vbroadcast v3, $0x6;
	v27 =	vld [tilespmem:s30+$0xFFFFFF00]  }
0xb0: {  	v31 =	vbroadcast v3, $0x7;
	v32 =	vbroadcast v2, $0x1;
	v30 =	vld [tilespmem:s30+$0xFFFFFF10]  }
0xb1: {  	v34 =	vbroadcast v2, $0x2;
	v35 =	vbroadcast v2, $0x3;
	v33 =	vld [tilespmem:s30+$0xFFFFFF20]  }
0xb2: {  	v37 =	vbroadcast v2, $0x4;
	v38 =	vbroadcast v2, $0x5;
	v36 =	vld [tilespmem:s30+$0xFFFFFF30]  }
0xb3: {  	v39 =	vbroadcast v2, $0x6;
	v40 =	vbroadcast v2, $0x7;
	v9 =	vadd.f32 v9, v24;
	v24 =	vld [tilespmem:s30+$0xFFFFFF40]  }
0xb4: {  	v11 =	vmul.f32 v11, v12;
	v7 =	vmul.f32 v18, v7;
	v12 =	vld [tilespmem:s30+$0xFFFFFF50]  }
0xb5: {  	v10 =	vmul.f32 v10, v15;
	v8 =	vmul.f32 v17, v8;
	v15 =	vld [tilespmem:s30+$0xFFFFFF60]  }
0xb6: {  	v13 =	vmul.f32 v13, v16;
	v16 =	vmul.f32 v19, v20;
	v17 =	vld [tilespmem:s30+$0x100]  }
0xb7: {  	v6 =	vadd.f32 v8, v6;
	v5 =	vmul.f32 v5, v21;
	v8 =	vmul.f32 v27, v22;
	v18 =	vld [tilespmem:s30+$0x10]  }
0xb8: {  	v11 =	vadd.f32 v13, v11;
	v13 =	vmul.f32 v30, v23;
	v19 =	vmul.f32 v33, v25;
	v20 =	vld [tilespmem:s30+$0x20]  }
0xb9: {  	v16 =	vadd.f32 v16, v7;
	v7 =	vmul.f32 v36, v26;
	v21 =	vmul.f32 v24, v28;
	v22 =	vld [tilespmem:s30+$0x30]  }
0xba: {  	v10 =	vadd.f32 v5, v10;
	v5 =	vmul.f32 v12, v29;
	v12 =	vmul.f32 v15, v31;
	v15 =	vld [tilespmem:s30+$0x40]  }
0xbb: {  	v23 =	vbroadcast v4, $0x8;
	v24 =	vbroadcast v4, $0x9;
	v14 =	vadd.f32 v14, v17;
	v17 =	vld [tilespmem:s30+$0x50]  }
0xbc: {  	v25 =	vbroadcast v4, $0xA;
	v9 =	vadd.f32 v7, v9;
	v7 =	vmul.f32 v18, v32;
	v18 =	vld [tilespmem:s30+$0x60]  }
0xbd: {  	v26 =	vbroadcast v4, $0xB;
	v8 =	vadd.f32 v21, v8;
	v20 =	vmul.f32 v20, v34;
	v21 =	vld [tilespmem:s30+$0x70]  }
0xbe: {  	v28 =	vbroadcast v3, $0x8;
	v13 =	vadd.f32 v5, v13;
	v27 =	vld [tilespmem:s30+$0xFFFFFE60];
	v5 =	vmul.f32 v22, v35  }
0xbf: {  	v12 =	vadd.f32 v12, v19;
	v19 =	vbroadcast v3, $0x9;
	v22 =	vld [tilespmem:s30+$0xFFFFFE70];
	v15 =	vmul.f32 v15, v37  }
0xc0: {  	v30 =	vbroadcast v3, $0xA;
	v29 =	vld [tilespmem:s30+$0xFFFFFE80];
	v17 =	vmul.f32 v17, v38  }
0xc1: {  	v32 =	vbroadcast v3, $0xB;
	v31 =	vld [tilespmem:s30+$0xFFFFFE90];
	v14 =	vadd.f32 v15, v14;
	v15 =	vmul.f32 v18, v39  }
0xc2: {  	v18 =	vld [tilespmem:s30+$0xFFFFFF70];
	v33 =	vadd.f32 v17, v7;
	v7 =	vmul.f32 v21, v40;
	v17 =	vbroadcast v2, $0x8  }
0xc3: {  	v21 =	vld [tilespmem:s30+$0xFFFFFF80];
	v34 =	vadd.f32 v15, v20;
	v15 =	vbroadcast v2, $0x9;
	v20 =	vbroadcast v2, $0xA  }
0xc4: {  	v36 =	vbroadcast v2, $0xB;
	v23 =	vmul.f32 v27, v23;
	v27 =	vld [tilespmem:s30+$0xFFFFFF90];
	v35 =	vadd.f32 v7, v5  }
0xc5: {  	v7 =	vmul.f32 v22, v24;
	v22 =	vmul.f32 v29, v25;
	v24 =	vld [tilespmem:s30+$0xFFFFFFA0]  }
0xc6: {  	v5 =	vadd.f32 v23, v6;
	v29 =	vbroadcast v4, $0xC;
	v23 =	vmul.f32 v31, v26;
	v25 =	vld [tilespmem:s30+$0x80]  }
0xc7: {  	v7 =	vadd.f32 v7, v11;
	v31 =	vbroadcast v4, $0xD;
	v11 =	vmul.f32 v18, v28;
	v26 =	vld [tilespmem:s30+$0x90]  }
0xc8: {  	v6 =	vadd.f32 v22, v16;
	v16 =	vbroadcast v4, $0xE;
	v18 =	vmul.f32 v21, v19;
	v21 =	vld [tilespmem:s30+$0xA0]  }
0xc9: {  	v19 =	vbroadcast v4, $0xF;
	v4 =	vadd.f32 v11, v9;
	v9 =	vmul.f32 v27, v30;
	v30 =	vld [tilespmem:s30+$0xB0]  }
0xca: {  	v22 =	vbroadcast v3, $0xC;
	v11 =	vadd.f32 v23, v10;
	v37 =	vld [tilespmem:s30+$0xFFFFFEA0];
	v10 =	vmul.f32 v24, v32  }
0xcb: {  	v8 =	vadd.f32 v18, v8;
	v18 =	vbroadcast v3, $0xD;
	v32 =	vld [tilespmem:s30+$0xFFFFFEB0];
	v23 =	vmul.f32 v25, v17  }
0xcc: {  	v9 =	vadd.f32 v9, v13;
	v17 =	vbroadcast v3, $0xE;
	v24 =	vld [tilespmem:s30+$0xFFFFFEC0];
	v13 =	vmul.f32 v26, v15  }
.Ltmp1:
0xcd: {  	v15 =	vbroadcast v3, $0xF;
	v28 =	vld [tilespmem:s30+$0xFFFFFED0];
	[tilespmem:s1+$0xFFFFFFD0] =	vst v1;
	v3 =	vadd.f32 v23, v14;
	v38 =	vmul.f32 v21, v20;
	(pc) =	sbr.rel @p1 .LBB2_5-.Ltmp1, $4  }
0xce: {  	v14 =	vadd.f32 v10, v12;
	v23 =	vbroadcast v2, $0xC;
	v27 =	vld [tilespmem:s30+$0xFFFFFFB0];
	v12 =	vmul.f32 v30, v36  }
0xcf: {  	v21 =	vbroadcast v2, $0xD;
	v20 =	vbroadcast v2, $0xE;
	v10 =	vadd.f32 v13, v33;
	v25 =	vld [tilespmem:s30+$0xFFFFFFC0]  }
0xd0: {  	v2 =	vbroadcast v2, $0xF;
	v13 =	vadd.f32 v38, v34;
	v26 =	vld [tilespmem:s30+$0xFFFFFFD0];
	v12 =	vadd.f32 v12, v35  }
0xd1: {  	s23 =	sadd.s32 $0x100, s23;
	v30 =	vmul.f32 v37, v29;
	v31 =	vmul.f32 v32, v31;
	v29 =	vld [tilespmem:s30+$0xFFFFFFE0];
	[tilespmem:s1+$0xFFFFFFF0] =	vst v1  }
0xd2: {  	v32 =	vld [tilespmem:s30+$0xC0]  }
0xd3: {  	v16 =	vmul.f32 v24, v16;
	v19 =	vmul.f32 v28, v19;
	v54 =	vld [tilespmem:s30+$0xD0]  }
0xd4: {  	v55 =	vld [tilespmem:s30+$0xE0];
	v5 =	vadd.f32 v30, v5;
	v7 =	vadd.f32 v31, v7  }
0xd5: {  	v56 =	vld [tilespmem:s30+$0xF0];
	v22 =	vmul.f32 v27, v22;
	v6 =	vadd.f32 v16, v6;
	v11 =	vadd.f32 v19, v11  }
0xd6: {  	v18 =	vmul.f32 v25, v18;
	v5 =	vadd.f32 v7, v5  }
0xd7: {  	v57 =	vmul.f32 v26, v17;
	v4 =	vadd.f32 v22, v4;
	v6 =	vadd.f32 v11, v6  }
0xd8: {  	v58 =	vmul.f32 v29, v15;
	v8 =	vadd.f32 v18, v8;
	v59 =	vmul.f32 v32, v23  }
0xd9: {  	v7 =	vadd.f32 v57, v9;
	v60 =	vmul.f32 v54, v21;
	v61 =	vmul.f32 v55, v20  }
0xda: {  	v2 =	vmul.f32 v56, v2;
	v11 =	vadd.f32 v58, v14;
	v4 =	vadd.f32 v8, v4  }
0xdb: {  	v3 =	vadd.f32 v59, v3;
	v62 =	vadd.f32 v60, v10  }
0xdc: {  	v8 =	vadd.f32 v61, v13;
	v2 =	vadd.f32 v2, v12  }
0xdd: {  	v5 =	vadd.f32 v6, v5;
	v63 =	vadd.f32 v11, v7  }
0xde: {  	p1 =	sne.s32 s29, s8;
	v3 =	vadd.f32 v62, v3;
	v2 =	vadd.f32 v2, v8  }
.Ltmp2:
0xdf: {  	[tilespmem:s1+$0x10] =	vst v1;
	v4 =	vadd.f32 v63, v4;
	(pc) =	sbr.rel @p1 .LBB2_4-.Ltmp2, $4  }
0xe0: {  	s0 =	sshll.u32 s21, $0x7;
	[tilespmem:s1+$0xFFFFFFC0] =	vst v5;
	v2 =	vadd.f32 v2, v3  }
0xe1: {  	s0 =	sand.u32 $0x3FFFFF80, s0;
	[tilespmem:s1+$0xFFFFFFE0] =	vst v4  }
0xe2: {  	s31 =	sadd.s32 $0x7, s28;
	p0 =	por !p0, !p0;
	s0 =	sadd.s32 $0x12100, s0;
	[tilespmem:s1+$0x0] =	vst v2  }
0xe3: {  	[spmem:s2] =	stream.indirect.scatter.add.f32 [tilespmem:s17], [sflag:s31], $0x20, s0, s20, $0xb8;
	[tilespmem:$0x1E080] =	vst v63  }
0xe4: {  	_ =	swait.ge [sflag:s24], $0x1000  }
0xe5: {  	[sflag:s24] =	ssyncset.done $0x0  }
0xe6: {  	[sflag:s24] =	ssyncadd.s32 $0xFFFFF000  }
0xe7: {  	_ =	swait.ge [sflag:s25], $0x1000  }
0xe8: {  	[sflag:s25] =	ssyncset.done $0x0  }
0xe9: {  	s0 =	stileid.u32;
	[sflag:s25] =	ssyncadd.s32 $0xFFFFF000  }
0xea: {  	s0 =	sshll.u32 s0, $0x6;
	[bflag:$0x0] =	sbarrier.arrive $0xFFFF  }
0xeb: {  	s1 =	sshrl.u32 s10, $0x3;
	s0 =	sor.u32 $0x1C09, s0;
	s12 =	rddreg [dreg:$0x6]  }
0xec: {  	[hbm:s12], [sflag:s0] =	dma.local [spmem:s1], $0x9E0  }
0xed: {  	_ =	swait.ge [sflag:s18], $0x9E0  }
0xee: {  	s3 =	sadd.s32 $0x1, s3;
	s31 =	rddreg [dreg:$0x7]  }
0xef: {  	p0 =	sne.s32 s3, s31  }
.Ltmp3:
0xf0: {  	_ = 	snop;
	(pc) =	sbr.rel @p0 .LBB2_1-.Ltmp3, $3  }
0xf1: {  	_ =	sdelay $0x1  }
0xf2: {  	[sflag:s18] =	ssyncset.done $0x0  }
0xf3: {  	[sflag:s18] =	ssyncadd.s32 $0xFFFFF620  }
0xf4: {  	_ =	sfence.sel $0x180000  }
0xf5: {  	[bflag:$0x0] =	sbarrier.arrive $0xFFFF  }
0xf6: {  	_ =	strace $0x90000047  }
0xf7: {  	s0 =	stileid.u32;
	[bflag:$0x2] =	sbarrier.arrive $0xFFFF  }
0xf8: {  	p0 =	sne.s32 s0, $0x0;
	s0 =	rddreg [dreg:$0x2]  }
0xf9: {  	s0 =	sadd.s32 @!p0 $0x100000, s0  }
0xfa: {  	[sflag:s0] =	ssyncadd.tile.s32 @!p0 $0x1;
	_ =	shalt  }
.Lfunc_end2:
_tile_overlayer_lowered:
.L_overlay_start_2:
0xfb: {  	(tag) =	ssettag $0x2  }
0xfc: {  	s0 =	rddreg [dreg:$0x0];
	s2 =	stileid.u32  }
0xfd: {  	s1 =	rddreg [dreg:$0x1];
	p0 =	sne.s32 s2, $0x0  }
0xfe: {  	s3 =	rddreg [dreg:$0x2];
	[bflag:$0x3] =	sbarrier.arrive $0xFFFF;
	s2 =	simm.s32 @!p0 $0x1C09  }
0xff: {  	[timem:s3], [sflag:s2] =	dma.local @!p0 [hbm:s0], s1  }
0x100: {  	s0 =	simm.s32 @!p0 $0x9  }
0x101: {  	_ =	swait.ge @!p0 [sflag:s0], s1  }
0x102: {  	s1 =	ssub.s32 @!p0 $0x0, s1;
	[sflag:s0] =	ssyncset.done @!p0 $0x0  }
0x103: {  	[sflag:s0] =	ssyncadd.s32 @!p0 s1  }
0x104: {  	[bflag:$0x3] =	sbarrier.arrive $0xFFFF  }
0x105: {  	_ =	shalt  }

</sc_bundles>
